<compile_context>
chip_gen: v7x
topology: tpu7x:2x2x1
jax: 0.10.2.dev20260603
libtpu: 0.0.44.dev20260713+nightly
codegen_flags: <defaults>
</compile_context>

<pallas_src>
import functools

import jax
import jax.numpy as jnp
from jax import lax
from jax.experimental import pallas as pl
from jax.experimental.pallas import tpu as pltpu
from jax.experimental.pallas import tpu_sc as plsc

NC = 2
NS = 16
NW = NC * NS
LANES = 16


@functools.lru_cache(maxsize=None)
def _build(B: int, L: int, V: int, D: int, nbuf: int):
    assert B % (NW * LANES) == 0
    b_per_w = B // NW
    cb = LANES
    nchunks = b_per_w // cb
    chunk = cb * L
    assert chunk % 8 == 0

    mesh = plsc.VectorSubcoreMesh(
        core_axis_name="c", subcore_axis_name="s",
        num_cores=NC, num_subcores=NS,
    )

    @functools.partial(
        pl.kernel,
        out_type=jax.ShapeDtypeStruct((L, D, B), jnp.float32),
        mesh=mesh,
        scratch_types=[
            pltpu.VMEM((b_per_w * L,), jnp.int32),
            pltpu.VMEM((nbuf, chunk, D), jnp.float32),
            pltpu.VMEM((nbuf, L, D, cb), jnp.float32),
            [pltpu.SemaphoreType.DMA] * nbuf,
            [pltpu.SemaphoreType.DMA] * nbuf,
        ],
        compiler_params=pltpu.CompilerParams(
            use_tc_tiling_on_sc=False, needs_layout_passes=False),
    )
    def gather_kernel(idx_hbm, table_hbm, out_hbm, idx_v, g_v, t_v,
                      gsems, wsems):
        wid = lax.axis_index("s") * NC + lax.axis_index("c")
        base = wid * b_per_w * L
        pltpu.sync_copy(idx_hbm.at[pl.ds(base, b_per_w * L)], idx_v)

        def gather(c, b):
            return pltpu.async_copy(
                table_hbm.at[idx_v.at[pl.ds(c * chunk, chunk)]],
                g_v.at[b], gsems[b])

        def transpose(b):
            def body(l, _):
                rows = lax.iota(jnp.int32, LANES) * L + l
                for d in range(D):
                    cols = jnp.full((LANES,), d, jnp.int32)
                    t_v[b, l, d, :] = plsc.load_gather(
                        g_v.at[b], [rows, cols])
                return _
            lax.fori_loop(0, L, body, None)

        def store(c, b):
            return pltpu.async_copy(
                t_v.at[b],
                out_hbm.at[:, :, pl.ds(wid * b_per_w + c * cb, cb)],
                wsems[b])

        def wait_gather(b):
            pltpu.make_async_copy(
                table_hbm.at[idx_v.at[pl.ds(0, chunk)]],
                g_v.at[b], gsems[b]).wait()

        def wait_store(b):
            pltpu.make_async_copy(
                t_v.at[b], out_hbm.at[:, :, pl.ds(0, cb)], wsems[b]).wait()

        for b in range(nbuf):
            gather(b, b)
        for b in range(nbuf):
            wait_gather(b)
            transpose(b)
            store(b, b)
            gather(b + nbuf, b)

        ngroups = nchunks // nbuf

        def body(g, carry):
            for b in range(nbuf):
                c = g * nbuf + b
                wait_gather(b)
                wait_store(b)
                transpose(b)
                store(c, b)
                gather((c + nbuf) % nchunks, b)
            return carry
        lax.fori_loop(1, ngroups, body, 0)

        for b in range(nbuf):
            wait_gather(b)
            wait_store(b)

    return gather_kernel


@jax.jit
def kernel(word_indexes, W):
    B, L = word_indexes.shape
    V, D = W.shape
    idx_flat = word_indexes.reshape(-1).astype(jnp.int32)
    w128 = jax.lax.optimization_barrier(W.reshape(V * D // 128, 128))
    t = _build(B, L, V, D, 2)(idx_flat, w128.reshape(V, D))
    return jnp.transpose(t, (2, 0, 1))

# --- scband reference (transcript-rebuilt; emitter-appended) ---
"""Pipeline reference for scband-embedding-13400297963520 (READ-ONLY COPY).

The authoritative reference and input builder live on the scoring server;
editing this copy changes nothing except your own understanding.
"""

import jax, jax.numpy as jnp
import numpy as np

V = 1000000
D = 32
B = 16384
L = 50

def setup_inputs(seed: int = 0) -> dict:
    key = jax.random.key(seed)
    k_idx, k_w = jax.random.split(key)
    word_indexes = jax.random.randint(k_idx, (B, L), 0, V, dtype=jnp.int64 if jax.config.read('jax_enable_x64') else jnp.int32)
    W = jax.random.uniform(k_w, (V, D), minval=-1.0, maxval=1.0, dtype=jnp.float32)
    return {"word_indexes": word_indexes, "W": W}

def reference(word_indexes, W):
    # tf.nn.embedding_lookup(W, word_indexes) -> gather rows of W
    return jnp.take(W, word_indexes, axis=0)

if __name__ == "__main__":
    import jax
    _d = setup_inputs()
    print(jax.jit(kernel)(*tuple(_d.values())))

</pallas_src>

<mosaic_0001>
#map = affine_map<(d0, d1) -> (0)>
#map1 = affine_map<(d0, d1) -> (0, 0)>
#map2 = affine_map<(d0, d1) -> (0, 0, 0)>
module attributes {stable_mosaic.version = 14 : i64} {
  func.func @gather_kernel(%arg0: i32, %arg1: i32, %arg2: memref<819200xi32, #tpu.memory_space<hbm>>, %arg3: memref<1000000x32xf32, #tpu.memory_space<hbm>>, %arg4: memref<50x32x16384xf32, #tpu.memory_space<hbm>>, %arg5: memref<25600xi32, #tpu.memory_space<vmem>>, %arg6: memref<2x800x32xf32, #tpu.memory_space<vmem>>, %arg7: memref<2x50x32x16xf32, #tpu.memory_space<vmem>>, %arg8: memref<!tpu.dma_semaphore, #tpu.memory_space<semaphore_mem>>, %arg9: memref<!tpu.dma_semaphore, #tpu.memory_space<semaphore_mem>>, %arg10: memref<!tpu.dma_semaphore, #tpu.memory_space<semaphore_mem>>, %arg11: memref<!tpu.dma_semaphore, #tpu.memory_space<semaphore_mem>>) attributes {dimension_semantics = [#tpu.dimension_semantics<core_parallel>, #tpu.dimension_semantics<subcore_parallel>], iteration_bounds = array<i64: 2, 16>, scalar_prefetch = 0 : i64, scratch_operands = 7 : i64, tpu.core_type = #tpu.core_type<sc_vector_subcore>, window_params = [{transform_indices = #map}, {transform_indices = #map1}, {transform_indices = #map2}]} {
    %mul3A = arith.constant 2 : i32
    %mul3A_0 = arith.muli %arg1, %mul3A : i32
    %add3A = arith.addi %mul3A_0, %arg0 : i32
    %mul3A_1 = arith.constant 512 : i32
    %mul3A_2 = arith.muli %add3A, %mul3A_1 : i32
    %mul3A_3 = arith.constant 50 : i32
    %mul3A_4 = arith.muli %mul3A_2, %mul3A_3 : i32
    "tpu.region"() ({
      %run_scoped3A = tpu.sem_alloc : memref<!tpu.dma_semaphore, #tpu.memory_space<semaphore_mem>>
      %dma_start3A_178 = tpu.memref_slice %arg2[%mul3A_4] : memref<819200xi32, #tpu.memory_space<hbm>> -> memref<25600xi32, #tpu.memory_space<hbm>>
      %dma_start3A_179 = tpu.memref_slice %arg2[%mul3A_4] : memref<819200xi32, #tpu.memory_space<hbm>> -> memref<25600xi32, #tpu.memory_space<hbm>>
      tpu.enqueue_dma source(%dma_start3A_179 : memref<25600xi32, #tpu.memory_space<hbm>>) target(%arg5 : memref<25600xi32, #tpu.memory_space<vmem>>) target_semaphore(%run_scoped3A : memref<!tpu.dma_semaphore, #tpu.memory_space<semaphore_mem>>)
      %dma_wait3A_180 = tpu.memref_slice %arg2[%mul3A_4] : memref<819200xi32, #tpu.memory_space<hbm>> -> memref<25600xi32, #tpu.memory_space<hbm>>
      %dma_wait3A_181 = tpu.memref_slice %arg2[%mul3A_4] : memref<819200xi32, #tpu.memory_space<hbm>> -> memref<25600xi32, #tpu.memory_space<hbm>>
      tpu.wait_dma2 semaphore(%run_scoped3A : memref<!tpu.dma_semaphore, #tpu.memory_space<semaphore_mem>>) src(%dma_wait3A_181 : memref<25600xi32, #tpu.memory_space<hbm>>) dst(%arg5 : memref<25600xi32, #tpu.memory_space<vmem>>)
      tpu.yield
    }) : () -> ()
    %dma_start3A = arith.constant 0 : i32
    %dma_start3A_5 = arith.constant 0 : i32
    %dma_start3A_6 = arith.constant 0 : i32
    %dma_start3A_7 = tpu.memref_slice %arg6[%dma_start3A, %dma_start3A_5, %dma_start3A_6] : memref<2x800x32xf32, #tpu.memory_space<vmem>> -> memref<1x800x32xf32, #tpu.memory_space<vmem>>
    %dma_start3A_8 = tpu.memref_squeeze %dma_start3A_7 : memref<1x800x32xf32, #tpu.memory_space<vmem>> -> memref<800x32xf32, #tpu.memory_space<vmem>>
    %dma_start3A_9 = arith.constant 0 : i32
    %dma_start3A_10 = tpu.memref_slice %arg5[%dma_start3A_9] : memref<25600xi32, #tpu.memory_space<vmem>> -> memref<800xi32, #tpu.memory_space<vmem>>
    %dma_start3A_11 = arith.constant 0 : i32
    %dma_start3A_12 = arith.constant 0 : i32
    %dma_start3A_13 = tpu.memref_slice %arg3[%dma_start3A_11, %dma_start3A_12] : memref<1000000x32xf32, #tpu.memory_space<hbm>> -> memref<1000000x32xf32, #tpu.memory_space<hbm>>
    tpu.enqueue_indirect_dma source(%dma_start3A_13 : memref<1000000x32xf32, #tpu.memory_space<hbm>>) target(%dma_start3A_8 : memref<800x32xf32, #tpu.memory_space<vmem>>) offsets(%dma_start3A_10 : memref<800xi32, #tpu.memory_space<vmem>>) semaphore(%arg8 : memref<!tpu.dma_semaphore, #tpu.memory_space<semaphore_mem>>)
    %dma_start3A_14 = arith.constant 1 : i32
    %dma_start3A_15 = arith.constant 0 : i32
    %dma_start3A_16 = arith.constant 0 : i32
    %dma_start3A_17 = tpu.memref_slice %arg6[%dma_start3A_14, %dma_start3A_15, %dma_start3A_16] : memref<2x800x32xf32, #tpu.memory_space<vmem>> -> memref<1x800x32xf32, #tpu.memory_space<vmem>>
    %dma_start3A_18 = tpu.memref_squeeze %dma_start3A_17 : memref<1x800x32xf32, #tpu.memory_space<vmem>> -> memref<800x32xf32, #tpu.memory_space<vmem>>
    %dma_start3A_19 = arith.constant 800 : i32
    %dma_start3A_20 = tpu.memref_slice %arg5[%dma_start3A_19] : memref<25600xi32, #tpu.memory_space<vmem>> -> memref<800xi32, #tpu.memory_space<vmem>>
    %dma_start3A_21 = arith.constant 0 : i32
    %dma_start3A_22 = arith.constant 0 : i32
    %dma_start3A_23 = tpu.memref_slice %arg3[%dma_start3A_21, %dma_start3A_22] : memref<1000000x32xf32, #tpu.memory_space<hbm>> -> memref<1000000x32xf32, #tpu.memory_space<hbm>>
    tpu.enqueue_indirect_dma source(%dma_start3A_23 : memref<1000000x32xf32, #tpu.memory_space<hbm>>) target(%dma_start3A_18 : memref<800x32xf32, #tpu.memory_space<vmem>>) offsets(%dma_start3A_20 : memref<800xi32, #tpu.memory_space<vmem>>) semaphore(%arg9 : memref<!tpu.dma_semaphore, #tpu.memory_space<semaphore_mem>>)
    %dma_wait3A = arith.constant 0 : i32
    %dma_wait3A_24 = arith.constant 0 : i32
    %dma_wait3A_25 = arith.constant 0 : i32
    %dma_wait3A_26 = tpu.memref_slice %arg6[%dma_wait3A, %dma_wait3A_24, %dma_wait3A_25] : memref<2x800x32xf32, #tpu.memory_space<vmem>> -> memref<1x800x32xf32, #tpu.memory_space<vmem>>
    %dma_wait3A_27 = tpu.memref_squeeze %dma_wait3A_26 : memref<1x800x32xf32, #tpu.memory_space<vmem>> -> memref<800x32xf32, #tpu.memory_space<vmem>>
    %dma_wait3A_28 = arith.constant 0 : i32
    %dma_wait3A_29 = tpu.memref_slice %arg5[%dma_wait3A_28] : memref<25600xi32, #tpu.memory_space<vmem>> -> memref<800xi32, #tpu.memory_space<vmem>>
    %dma_wait3A_30 = arith.constant 0 : i32
    %dma_wait3A_31 = arith.constant 0 : i32
    %dma_wait3A_32 = tpu.memref_slice %arg3[%dma_wait3A_30, %dma_wait3A_31] : memref<1000000x32xf32, #tpu.memory_space<hbm>> -> memref<1000000x32xf32, #tpu.memory_space<hbm>>
    tpu.wait_indirect_dma semaphore(%arg8 : memref<!tpu.dma_semaphore, #tpu.memory_space<semaphore_mem>>) src(%dma_wait3A_32 : memref<1000000x32xf32, #tpu.memory_space<hbm>>) dst(%dma_wait3A_27 : memref<800x32xf32, #tpu.memory_space<vmem>>)
    %scan3A = arith.constant 0 : i32
    %scan3A_33 = arith.constant 50 : i32
    %scan3A_34 = arith.addi %scan3A, %scan3A_33 : i32
    %scan3A_35 = arith.constant 1 : i32
    scf.for %scan3A_178 = %scan3A to %scan3A_34 step %scan3A_35  : i32 {
      %iota3A = tpu.iota {dimensions = array<i32: 0>} : vector<16xi32>
      %mul3A_179 = arith.constant 50 : i32
      %mul3A_180 = vector.broadcast %mul3A_179 : i32 to vector<16xi32>
      %mul3A_181 = arith.muli %iota3A, %mul3A_180 : vector<16xi32>
      %add3A_182 = vector.broadcast %scan3A_178 : i32 to vector<16xi32>
      %add3A_183 = arith.addi %mul3A_181, %add3A_182 : vector<16xi32>
      %broadcast_in_dim3A = arith.constant 0 : i32
      %broadcast_in_dim3A_184 = vector.broadcast %broadcast_in_dim3A : i32 to vector<16xi32>
      %gather3A = arith.constant 0 : i32
      %gather3A_185 = arith.constant 0 : i32
      %gather3A_186 = arith.constant 0 : i32
      %gather3A_187 = tpu.memref_slice %arg6[%gather3A, %gather3A_185, %gather3A_186] : memref<2x800x32xf32, #tpu.memory_space<vmem>> -> memref<1x800x32xf32, #tpu.memory_space<vmem>>
      %gather3A_188 = tpu.memref_squeeze %gather3A_187 : memref<1x800x32xf32, #tpu.memory_space<vmem>> -> memref<800x32xf32, #tpu.memory_space<vmem>>
      %gather3A_189 = tpu.vector_load_idx %gather3A_188[%add3A_183, %broadcast_in_dim3A_184] : memref<800x32xf32, #tpu.memory_space<vmem>>[vector<16xi32>, vector<16xi32>], vector<16xf32>,
      %swap3A = arith.constant 0 : i32
      %swap3A_190 = arith.constant 0 : i32
      %swap3A_191 = arith.index_cast %swap3A : i32 to index
      %swap3A_192 = arith.index_cast %scan3A_178 : i32 to index
      %swap3A_193 = arith.index_cast %swap3A_190 : i32 to index
      %swap3A_194 = arith.constant 0 : index
      %swap3A_195 = tpu.vector_load %arg7[%swap3A_191, %swap3A_192, %swap3A_193, %swap3A_194] {strides = array<i32>} : memref<2x50x32x16xf32, #tpu.memory_space<vmem>>, vector<16xf32>,
      tpu.vector_store %arg7[%swap3A_191, %swap3A_192, %swap3A_193, %swap3A_194], %gather3A_189 {strides = array<i32>} : memref<2x50x32x16xf32, #tpu.memory_space<vmem>>, vector<16xf32>,
      %broadcast_in_dim3A_196 = arith.constant 1 : i32
      %broadcast_in_dim3A_197 = vector.broadcast %broadcast_in_dim3A_196 : i32 to vector<16xi32>
      %gather3A_198 = arith.constant 0 : i32
      %gather3A_199 = arith.constant 0 : i32
      %gather3A_200 = arith.constant 0 : i32
      %gather3A_201 = tpu.memref_slice %arg6[%gather3A_198, %gather3A_199, %gather3A_200] : memref<2x800x32xf32, #tpu.memory_space<vmem>> -> memref<1x800x32xf32, #tpu.memory_space<vmem>>
      %gather3A_202 = tpu.memref_squeeze %gather3A_201 : memref<1x800x32xf32, #tpu.memory_space<vmem>> -> memref<800x32xf32, #tpu.memory_space<vmem>>
      %gather3A_203 = tpu.vector_load_idx %gather3A_202[%add3A_183, %broadcast_in_dim3A_197] : memref<800x32xf32, #tpu.memory_space<vmem>>[vector<16xi32>, vector<16xi32>], vector<16xf32>,
      %swap3A_204 = arith.constant 0 : i32
      %swap3A_205 = arith.constant 1 : i32
      %swap3A_206 = arith.index_cast %swap3A_204 : i32 to index
      %swap3A_207 = arith.index_cast %scan3A_178 : i32 to index
      %swap3A_208 = arith.index_cast %swap3A_205 : i32 to index
      %swap3A_209 = arith.constant 0 : index
      %swap3A_210 = tpu.vector_load %arg7[%swap3A_206, %swap3A_207, %swap3A_208, %swap3A_209] {strides = array<i32>} : memref<2x50x32x16xf32, #tpu.memory_space<vmem>>, vector<16xf32>,
      tpu.vector_store %arg7[%swap3A_206, %swap3A_207, %swap3A_208, %swap3A_209], %gather3A_203 {strides = array<i32>} : memref<2x50x32x16xf32, #tpu.memory_space<vmem>>, vector<16xf32>,
      %broadcast_in_dim3A_211 = arith.constant 2 : i32
      %broadcast_in_dim3A_212 = vector.broadcast %broadcast_in_dim3A_211 : i32 to vector<16xi32>
      %gather3A_213 = arith.constant 0 : i32
      %gather3A_214 = arith.constant 0 : i32
      %gather3A_215 = arith.constant 0 : i32
      %gather3A_216 = tpu.memref_slice %arg6[%gather3A_213, %gather3A_214, %gather3A_215] : memref<2x800x32xf32, #tpu.memory_space<vmem>> -> memref<1x800x32xf32, #tpu.memory_space<vmem>>
      %gather3A_217 = tpu.memref_squeeze %gather3A_216 : memref<1x800x32xf32, #tpu.memory_space<vmem>> -> memref<800x32xf32, #tpu.memory_space<vmem>>
      %gather3A_218 = tpu.vector_load_idx %gather3A_217[%add3A_183, %broadcast_in_dim3A_212] : memref<800x32xf32, #tpu.memory_space<vmem>>[vector<16xi32>, vector<16xi32>], vector<16xf32>,
      %swap3A_219 = arith.constant 0 : i32
      %swap3A_220 = arith.constant 2 : i32
      %swap3A_221 = arith.index_cast %swap3A_219 : i32 to index
      %swap3A_222 = arith.index_cast %scan3A_178 : i32 to index
      %swap3A_223 = arith.index_cast %swap3A_220 : i32 to index
      %swap3A_224 = arith.constant 0 : index
      %swap3A_225 = tpu.vector_load %arg7[%swap3A_221, %swap3A_222, %swap3A_223, %swap3A_224] {strides = array<i32>} : memref<2x50x32x16xf32, #tpu.memory_space<vmem>>, vector<16xf32>,
      tpu.vector_store %arg7[%swap3A_221, %swap3A_222, %swap3A_223, %swap3A_224], %gather3A_218 {strides = array<i32>} : memref<2x50x32x16xf32, #tpu.memory_space<vmem>>, vector<16xf32>,
      %broadcast_in_dim3A_226 = arith.constant 3 : i32
      %broadcast_in_dim3A_227 = vector.broadcast %broadcast_in_dim3A_226 : i32 to vector<16xi32>
      %gather3A_228 = arith.constant 0 : i32
      %gather3A_229 = arith.constant 0 : i32
      %gather3A_230 = arith.constant 0 : i32
      %gather3A_231 = tpu.memref_slice %arg6[%gather3A_228, %gather3A_229, %gather3A_230] : memref<2x800x32xf32, #tpu.memory_space<vmem>> -> memref<1x800x32xf32, #tpu.memory_space<vmem>>
      %gather3A_232 = tpu.memref_squeeze %gather3A_231 : memref<1x800x32xf32, #tpu.memory_space<vmem>> -> memref<800x32xf32, #tpu.memory_space<vmem>>
      %gather3A_233 = tpu.vector_load_idx %gather3A_232[%add3A_183, %broadcast_in_dim3A_227] : memref<800x32xf32, #tpu.memory_space<vmem>>[vector<16xi32>, vector<16xi32>], vector<16xf32>,
      %swap3A_234 = arith.constant 0 : i32
      %swap3A_235 = arith.constant 3 : i32
      %swap3A_236 = arith.index_cast %swap3A_234 : i32 to index
      %swap3A_237 = arith.index_cast %scan3A_178 : i32 to index
      %swap3A_238 = arith.index_cast %swap3A_235 : i32 to index
      %swap3A_239 = arith.constant 0 : index
      %swap3A_240 = tpu.vector_load %arg7[%swap3A_236, %swap3A_237, %swap3A_238, %swap3A_239] {strides = array<i32>} : memref<2x50x32x16xf32, #tpu.memory_space<vmem>>, vector<16xf32>,
      tpu.vector_store %arg7[%swap3A_236, %swap3A_237, %swap3A_238, %swap3A_239], %gather3A_233 {strides = array<i32>} : memref<2x50x32x16xf32, #tpu.memory_space<vmem>>, vector<16xf32>,
      %broadcast_in_dim3A_241 = arith.constant 4 : i32
      %broadcast_in_dim3A_242 = vector.broadcast %broadcast_in_dim3A_241 : i32 to vector<16xi32>
      %gather3A_243 = arith.constant 0 : i32
      %gather3A_244 = arith.constant 0 : i32
      %gather3A_245 = arith.constant 0 : i32
      %gather3A_246 = tpu.memref_slice %arg6[%gather3A_243, %gather3A_244, %gather3A_245] : memref<2x800x32xf32, #tpu.memory_space<vmem>> -> memref<1x800x32xf32, #tpu.memory_space<vmem>>
      %gather3A_247 = tpu.memref_squeeze %gather3A_246 : memref<1x800x32xf32, #tpu.memory_space<vmem>> -> memref<800x32xf32, #tpu.memory_space<vmem>>
      %gather3A_248 = tpu.vector_load_idx %gather3A_247[%add3A_183, %broadcast_in_dim3A_242] : memref<800x32xf32, #tpu.memory_space<vmem>>[vector<16xi32>, vector<16xi32>], vector<16xf32>,
      %swap3A_249 = arith.constant 0 : i32
      %swap3A_250 = arith.constant 4 : i32
      %swap3A_251 = arith.index_cast %swap3A_249 : i32 to index
      %swap3A_252 = arith.index_cast %scan3A_178 : i32 to index
      %swap3A_253 = arith.index_cast %swap3A_250 : i32 to index
      %swap3A_254 = arith.constant 0 : index
      %swap3A_255 = tpu.vector_load %arg7[%swap3A_251, %swap3A_252, %swap3A_253, %swap3A_254] {strides = array<i32>} : memref<2x50x32x16xf32, #tpu.memory_space<vmem>>, vector<16xf32>,
      tpu.vector_store %arg7[%swap3A_251, %swap3A_252, %swap3A_253, %swap3A_254], %gather3A_248 {strides = array<i32>} : memref<2x50x32x16xf32, #tpu.memory_space<vmem>>, vector<16xf32>,
      %broadcast_in_dim3A_256 = arith.constant 5 : i32
      %broadcast_in_dim3A_257 = vector.broadcast %broadcast_in_dim3A_256 : i32 to vector<16xi32>
      %gather3A_258 = arith.constant 0 : i32
      %gather3A_259 = arith.constant 0 : i32
      %gather3A_260 = arith.constant 0 : i32
      %gather3A_261 = tpu.memref_slice %arg6[%gather3A_258, %gather3A_259, %gather3A_260] : memref<2x800x32xf32, #tpu.memory_space<vmem>> -> memref<1x800x32xf32, #tpu.memory_space<vmem>>
      %gather3A_262 = tpu.memref_squeeze %gather3A_261 : memref<1x800x32xf32, #tpu.memory_space<vmem>> -> memref<800x32xf32, #tpu.memory_space<vmem>>
      %gather3A_263 = tpu.vector_load_idx %gather3A_262[%add3A_183, %broadcast_in_dim3A_257] : memref<800x32xf32, #tpu.memory_space<vmem>>[vector<16xi32>, vector<16xi32>], vector<16xf32>,
      %swap3A_264 = arith.constant 0 : i32
      %swap3A_265 = arith.constant 5 : i32
      %swap3A_266 = arith.index_cast %swap3A_264 : i32 to index
      %swap3A_267 = arith.index_cast %scan3A_178 : i32 to index
      %swap3A_268 = arith.index_cast %swap3A_265 : i32 to index
      %swap3A_269 = arith.constant 0 : index
      %swap3A_270 = tpu.vector_load %arg7[%swap3A_266, %swap3A_267, %swap3A_268, %swap3A_269] {strides = array<i32>} : memref<2x50x32x16xf32, #tpu.memory_space<vmem>>, vector<16xf32>,
      tpu.vector_store %arg7[%swap3A_266, %swap3A_267, %swap3A_268, %swap3A_269], %gather3A_263 {strides = array<i32>} : memref<2x50x32x16xf32, #tpu.memory_space<vmem>>, vector<16xf32>,
      %broadcast_in_dim3A_271 = arith.constant 6 : i32
      %broadcast_in_dim3A_272 = vector.broadcast %broadcast_in_dim3A_271 : i32 to vector<16xi32>
      %gather3A_273 = arith.constant 0 : i32
      %gather3A_274 = arith.constant 0 : i32
      %gather3A_275 = arith.constant 0 : i32
      %gather3A_276 = tpu.memref_slice %arg6[%gather3A_273, %gather3A_274, %gather3A_275] : memref<2x800x32xf32, #tpu.memory_space<vmem>> -> memref<1x800x32xf32, #tpu.memory_space<vmem>>
      %gather3A_277 = tpu.memref_squeeze %gather3A_276 : memref<1x800x32xf32, #tpu.memory_space<vmem>> -> memref<800x32xf32, #tpu.memory_space<vmem>>
      %gather3A_278 = tpu.vector_load_idx %gather3A_277[%add3A_183, %broadcast_in_dim3A_272] : memref<800x32xf32, #tpu.memory_space<vmem>>[vector<16xi32>, vector<16xi32>], vector<16xf32>,
      %swap3A_279 = arith.constant 0 : i32
      %swap3A_280 = arith.constant 6 : i32
      %swap3A_281 = arith.index_cast %swap3A_279 : i32 to index
      %swap3A_282 = arith.index_cast %scan3A_178 : i32 to index
      %swap3A_283 = arith.index_cast %swap3A_280 : i32 to index
      %swap3A_284 = arith.constant 0 : index
      %swap3A_285 = tpu.vector_load %arg7[%swap3A_281, %swap3A_282, %swap3A_283, %swap3A_284] {strides = array<i32>} : memref<2x50x32x16xf32, #tpu.memory_space<vmem>>, vector<16xf32>,
      tpu.vector_store %arg7[%swap3A_281, %swap3A_282, %swap3A_283, %swap3A_284], %gather3A_278 {strides = array<i32>} : memref<2x50x32x16xf32, #tpu.memory_space<vmem>>, vector<16xf32>,
      %broadcast_in_dim3A_286 = arith.constant 7 : i32
      %broadcast_in_dim3A_287 = vector.broadcast %broadcast_in_dim3A_286 : i32 to vector<16xi32>
      %gather3A_288 = arith.constant 0 : i32
      %gather3A_289 = arith.constant 0 : i32
      %gather3A_290 = arith.constant 0 : i32
      %gather3A_291 = tpu.memref_slice %arg6[%gather3A_288, %gather3A_289, %gather3A_290] : memref<2x800x32xf32, #tpu.memory_space<vmem>> -> memref<1x800x32xf32, #tpu.memory_space<vmem>>
      %gather3A_292 = tpu.memref_squeeze %gather3A_291 : memref<1x800x32xf32, #tpu.memory_space<vmem>> -> memref<800x32xf32, #tpu.memory_space<vmem>>
      %gather3A_293 = tpu.vector_load_idx %gather3A_292[%add3A_183, %broadcast_in_dim3A_287] : memref<800x32xf32, #tpu.memory_space<vmem>>[vector<16xi32>, vector<16xi32>], vector<16xf32>,
      %swap3A_294 = arith.constant 0 : i32
      %swap3A_295 = arith.constant 7 : i32
      %swap3A_296 = arith.index_cast %swap3A_294 : i32 to index
      %swap3A_297 = arith.index_cast %scan3A_178 : i32 to index
      %swap3A_298 = arith.index_cast %swap3A_295 : i32 to index
      %swap3A_299 = arith.constant 0 : index
      %swap3A_300 = tpu.vector_load %arg7[%swap3A_296, %swap3A_297, %swap3A_298, %swap3A_299] {strides = array<i32>} : memref<2x50x32x16xf32, #tpu.memory_space<vmem>>, vector<16xf32>,
      tpu.vector_store %arg7[%swap3A_296, %swap3A_297, %swap3A_298, %swap3A_299], %gather3A_293 {strides = array<i32>} : memref<2x50x32x16xf32, #tpu.memory_space<vmem>>, vector<16xf32>,
      %broadcast_in_dim3A_301 = arith.constant 8 : i32
      %broadcast_in_dim3A_302 = vector.broadcast %broadcast_in_dim3A_301 : i32 to vector<16xi32>
      %gather3A_303 = arith.constant 0 : i32
      %gather3A_304 = arith.constant 0 : i32
      %gather3A_305 = arith.constant 0 : i32
      %gather3A_306 = tpu.memref_slice %arg6[%gather3A_303, %gather3A_304, %gather3A_305] : memref<2x800x32xf32, #tpu.memory_space<vmem>> -> memref<1x800x32xf32, #tpu.memory_space<vmem>>
      %gather3A_307 = tpu.memref_squeeze %gather3A_306 : memref<1x800x32xf32, #tpu.memory_space<vmem>> -> memref<800x32xf32, #tpu.memory_space<vmem>>
      %gather3A_308 = tpu.vector_load_idx %gather3A_307[%add3A_183, %broadcast_in_dim3A_302] : memref<800x32xf32, #tpu.memory_space<vmem>>[vector<16xi32>, vector<16xi32>], vector<16xf32>,
      %swap3A_309 = arith.constant 0 : i32
      %swap3A_310 = arith.constant 8 : i32
      %swap3A_311 = arith.index_cast %swap3A_309 : i32 to index
      %swap3A_312 = arith.index_cast %scan3A_178 : i32 to index
      %swap3A_313 = arith.index_cast %swap3A_310 : i32 to index
      %swap3A_314 = arith.constant 0 : index
      %swap3A_315 = tpu.vector_load %arg7[%swap3A_311, %swap3A_312, %swap3A_313, %swap3A_314] {strides = array<i32>} : memref<2x50x32x16xf32, #tpu.memory_space<vmem>>, vector<16xf32>,
      tpu.vector_store %arg7[%swap3A_311, %swap3A_312, %swap3A_313, %swap3A_314], %gather3A_308 {strides = array<i32>} : memref<2x50x32x16xf32, #tpu.memory_space<vmem>>, vector<16xf32>,
      %broadcast_in_dim3A_316 = arith.constant 9 : i32
      %broadcast_in_dim3A_317 = vector.broadcast %broadcast_in_dim3A_316 : i32 to vector<16xi32>
      %gather3A_318 = arith.constant 0 : i32
      %gather3A_319 = arith.constant 0 : i32
      %gather3A_320 = arith.constant 0 : i32
      %gather3A_321 = tpu.memref_slice %arg6[%gather3A_318, %gather3A_319, %gather3A_320] : memref<2x800x32xf32, #tpu.memory_space<vmem>> -> memref<1x800x32xf32, #tpu.memory_space<vmem>>
      %gather3A_322 = tpu.memref_squeeze %gather3A_321 : memref<1x800x32xf32, #tpu.memory_space<vmem>> -> memref<800x32xf32, #tpu.memory_space<vmem>>
      %gather3A_323 = tpu.vector_load_idx %gather3A_322[%add3A_183, %broadcast_in_dim3A_317] : memref<800x32xf32, #tpu.memory_space<vmem>>[vector<16xi32>, vector<16xi32>], vector<16xf32>,
      %swap3A_324 = arith.constant 0 : i32
      %swap3A_325 = arith.constant 9 : i32
      %swap3A_326 = arith.index_cast %swap3A_324 : i32 to index
      %swap3A_327 = arith.index_cast %scan3A_178 : i32 to index
      %swap3A_328 = arith.index_cast %swap3A_325 : i32 to index
      %swap3A_329 = arith.constant 0 : index
      %swap3A_330 = tpu.vector_load %arg7[%swap3A_326, %swap3A_327, %swap3A_328, %swap3A_329] {strides = array<i32>} : memref<2x50x32x16xf32, #tpu.memory_space<vmem>>, vector<16xf32>,
      tpu.vector_store %arg7[%swap3A_326, %swap3A_327, %swap3A_328, %swap3A_329], %gather3A_323 {strides = array<i32>} : memref<2x50x32x16xf32, #tpu.memory_space<vmem>>, vector<16xf32>,
      %broadcast_in_dim3A_331 = arith.constant 10 : i32
      %broadcast_in_dim3A_332 = vector.broadcast %broadcast_in_dim3A_331 : i32 to vector<16xi32>
      %gather3A_333 = arith.constant 0 : i32
      %gather3A_334 = arith.constant 0 : i32
      %gather3A_335 = arith.constant 0 : i32
      %gather3A_336 = tpu.memref_slice %arg6[%gather3A_333, %gather3A_334, %gather3A_335] : memref<2x800x32xf32, #tpu.memory_space<vmem>> -> memref<1x800x32xf32, #tpu.memory_space<vmem>>
      %gather3A_337 = tpu.memref_squeeze %gather3A_336 : memref<1x800x32xf32, #tpu.memory_space<vmem>> -> memref<800x32xf32, #tpu.memory_space<vmem>>
      %gather3A_338 = tpu.vector_load_idx %gather3A_337[%add3A_183, %broadcast_in_dim3A_332] : memref<800x32xf32, #tpu.memory_space<vmem>>[vector<16xi32>, vector<16xi32>], vector<16xf32>,
      %swap3A_339 = arith.constant 0 : i32
      %swap3A_340 = arith.constant 10 : i32
      %swap3A_341 = arith.index_cast %swap3A_339 : i32 to index
      %swap3A_342 = arith.index_cast %scan3A_178 : i32 to index
      %swap3A_343 = arith.index_cast %swap3A_340 : i32 to index
      %swap3A_344 = arith.constant 0 : index
      %swap3A_345 = tpu.vector_load %arg7[%swap3A_341, %swap3A_342, %swap3A_343, %swap3A_344] {strides = array<i32>} : memref<2x50x32x16xf32, #tpu.memory_space<vmem>>, vector<16xf32>,
      tpu.vector_store %arg7[%swap3A_341, %swap3A_342, %swap3A_343, %swap3A_344], %gather3A_338 {strides = array<i32>} : memref<2x50x32x16xf32, #tpu.memory_space<vmem>>, vector<16xf32>,
      %broadcast_in_dim3A_346 = arith.constant 11 : i32
      %broadcast_in_dim3A_347 = vector.broadcast %broadcast_in_dim3A_346 : i32 to vector<16xi32>
      %gather3A_348 = arith.constant 0 : i32
      %gather3A_349 = arith.constant 0 : i32
      %gather3A_350 = arith.constant 0 : i32
      %gather3A_351 = tpu.memref_slice %arg6[%gather3A_348, %gather3A_349, %gather3A_350] : memref<2x800x32xf32, #tpu.memory_space<vmem>> -> memref<1x800x32xf32, #tpu.memory_space<vmem>>
      %gather3A_352 = tpu.memref_squeeze %gather3A_351 : memref<1x800x32xf32, #tpu.memory_space<vmem>> -> memref<800x32xf32, #tpu.memory_space<vmem>>
      %gather3A_353 = tpu.vector_load_idx %gather3A_352[%add3A_183, %broadcast_in_dim3A_347] : memref<800x32xf32, #tpu.memory_space<vmem>>[vector<16xi32>, vector<16xi32>], vector<16xf32>,
      %swap3A_354 = arith.constant 0 : i32
      %swap3A_355 = arith.constant 11 : i32
      %swap3A_356 = arith.index_cast %swap3A_354 : i32 to index
      %swap3A_357 = arith.index_cast %scan3A_178 : i32 to index
      %swap3A_358 = arith.index_cast %swap3A_355 : i32 to index
      %swap3A_359 = arith.constant 0 : index
      %swap3A_360 = tpu.vector_load %arg7[%swap3A_356, %swap3A_357, %swap3A_358, %swap3A_359] {strides = array<i32>} : memref<2x50x32x16xf32, #tpu.memory_space<vmem>>, vector<16xf32>,
      tpu.vector_store %arg7[%swap3A_356, %swap3A_357, %swap3A_358, %swap3A_359], %gather3A_353 {strides = array<i32>} : memref<2x50x32x16xf32, #tpu.memory_space<vmem>>, vector<16xf32>,
      %broadcast_in_dim3A_361 = arith.constant 12 : i32
      %broadcast_in_dim3A_362 = vector.broadcast %broadcast_in_dim3A_361 : i32 to vector<16xi32>
      %gather3A_363 = arith.constant 0 : i32
      %gather3A_364 = arith.constant 0 : i32
      %gather3A_365 = arith.constant 0 : i32
      %gather3A_366 = tpu.memref_slice %arg6[%gather3A_363, %gather3A_364, %gather3A_365] : memref<2x800x32xf32, #tpu.memory_space<vmem>> -> memref<1x800x32xf32, #tpu.memory_space<vmem>>
      %gather3A_367 = tpu.memref_squeeze %gather3A_366 : memref<1x800x32xf32, #tpu.memory_space<vmem>> -> memref<800x32xf32, #tpu.memory_space<vmem>>
      %gather3A_368 = tpu.vector_load_idx %gather3A_367[%add3A_183, %broadcast_in_dim3A_362] : memref<800x32xf32, #tpu.memory_space<vmem>>[vector<16xi32>, vector<16xi32>], vector<16xf32>,
      %swap3A_369 = arith.constant 0 : i32
      %swap3A_370 = arith.constant 12 : i32
      %swap3A_371 = arith.index_cast %swap3A_369 : i32 to index
      %swap3A_372 = arith.index_cast %scan3A_178 : i32 to index
      %swap3A_373 = arith.index_cast %swap3A_370 : i32 to index
      %swap3A_374 = arith.constant 0 : index
      %swap3A_375 = tpu.vector_load %arg7[%swap3A_371, %swap3A_372, %swap3A_373, %swap3A_374] {strides = array<i32>} : memref<2x50x32x16xf32, #tpu.memory_space<vmem>>, vector<16xf32>,
      tpu.vector_store %arg7[%swap3A_371, %swap3A_372, %swap3A_373, %swap3A_374], %gather3A_368 {strides = array<i32>} : memref<2x50x32x16xf32, #tpu.memory_space<vmem>>, vector<16xf32>,
      %broadcast_in_dim3A_376 = arith.constant 13 : i32
      %broadcast_in_dim3A_377 = vector.broadcast %broadcast_in_dim3A_376 : i32 to vector<16xi32>
      %gather3A_378 = arith.constant 0 : i32
      %gather3A_379 = arith.constant 0 : i32
      %gather3A_380 = arith.constant 0 : i32
      %gather3A_381 = tpu.memref_slice %arg6[%gather3A_378, %gather3A_379, %gather3A_380] : memref<2x800x32xf32, #tpu.memory_space<vmem>> -> memref<1x800x32xf32, #tpu.memory_space<vmem>>
      %gather3A_382 = tpu.memref_squeeze %gather3A_381 : memref<1x800x32xf32, #tpu.memory_space<vmem>> -> memref<800x32xf32, #tpu.memory_space<vmem>>
      %gather3A_383 = tpu.vector_load_idx %gather3A_382[%add3A_183, %broadcast_in_dim3A_377] : memref<800x32xf32, #tpu.memory_space<vmem>>[vector<16xi32>, vector<16xi32>], vector<16xf32>,
      %swap3A_384 = arith.constant 0 : i32
      %swap3A_385 = arith.constant 13 : i32
      %swap3A_386 = arith.index_cast %swap3A_384 : i32 to index
      %swap3A_387 = arith.index_cast %scan3A_178 : i32 to index
      %swap3A_388 = arith.index_cast %swap3A_385 : i32 to index
      %swap3A_389 = arith.constant 0 : index
      %swap3A_390 = tpu.vector_load %arg7[%swap3A_386, %swap3A_387, %swap3A_388, %swap3A_389] {strides = array<i32>} : memref<2x50x32x16xf32, #tpu.memory_space<vmem>>, vector<16xf32>,
      tpu.vector_store %arg7[%swap3A_386, %swap3A_387, %swap3A_388, %swap3A_389], %gather3A_383 {strides = array<i32>} : memref<2x50x32x16xf32, #tpu.memory_space<vmem>>, vector<16xf32>,
      %broadcast_in_dim3A_391 = arith.constant 14 : i32
      %broadcast_in_dim3A_392 = vector.broadcast %broadcast_in_dim3A_391 : i32 to vector<16xi32>
      %gather3A_393 = arith.constant 0 : i32
      %gather3A_394 = arith.constant 0 : i32
      %gather3A_395 = arith.constant 0 : i32
      %gather3A_396 = tpu.memref_slice %arg6[%gather3A_393, %gather3A_394, %gather3A_395] : memref<2x800x32xf32, #tpu.memory_space<vmem>> -> memref<1x800x32xf32, #tpu.memory_space<vmem>>
      %gather3A_397 = tpu.memref_squeeze %gather3A_396 : memref<1x800x32xf32, #tpu.memory_space<vmem>> -> memref<800x32xf32, #tpu.memory_space<vmem>>
      %gather3A_398 = tpu.vector_load_idx %gather3A_397[%add3A_183, %broadcast_in_dim3A_392] : memref<800x32xf32, #tpu.memory_space<vmem>>[vector<16xi32>, vector<16xi32>], vector<16xf32>,
      %swap3A_399 = arith.constant 0 : i32
      %swap3A_400 = arith.constant 14 : i32
      %swap3A_401 = arith.index_cast %swap3A_399 : i32 to index
      %swap3A_402 = arith.index_cast %scan3A_178 : i32 to index
      %swap3A_403 = arith.index_cast %swap3A_400 : i32 to index
      %swap3A_404 = arith.constant 0 : index
      %swap3A_405 = tpu.vector_load %arg7[%swap3A_401, %swap3A_402, %swap3A_403, %swap3A_404] {strides = array<i32>} : memref<2x50x32x16xf32, #tpu.memory_space<vmem>>, vector<16xf32>,
      tpu.vector_store %arg7[%swap3A_401, %swap3A_402, %swap3A_403, %swap3A_404], %gather3A_398 {strides = array<i32>} : memref<2x50x32x16xf32, #tpu.memory_space<vmem>>, vector<16xf32>,
      %broadcast_in_dim3A_406 = arith.constant 15 : i32
      %broadcast_in_dim3A_407 = vector.broadcast %broadcast_in_dim3A_406 : i32 to vector<16xi32>
      %gather3A_408 = arith.constant 0 : i32
      %gather3A_409 = arith.constant 0 : i32
      %gather3A_410 = arith.constant 0 : i32
      %gather3A_411 = tpu.memref_slice %arg6[%gather3A_408, %gather3A_409, %gather3A_410] : memref<2x800x32xf32, #tpu.memory_space<vmem>> -> memref<1x800x32xf32, #tpu.memory_space<vmem>>
      %gather3A_412 = tpu.memref_squeeze %gather3A_411 : memref<1x800x32xf32, #tpu.memory_space<vmem>> -> memref<800x32xf32, #tpu.memory_space<vmem>>
      %gather3A_413 = tpu.vector_load_idx %gather3A_412[%add3A_183, %broadcast_in_dim3A_407] : memref<800x32xf32, #tpu.memory_space<vmem>>[vector<16xi32>, vector<16xi32>], vector<16xf32>,
      %swap3A_414 = arith.constant 0 : i32
      %swap3A_415 = arith.constant 15 : i32
      %swap3A_416 = arith.index_cast %swap3A_414 : i32 to index
      %swap3A_417 = arith.index_cast %scan3A_178 : i32 to index
      %swap3A_418 = arith.index_cast %swap3A_415 : i32 to index
      %swap3A_419 = arith.constant 0 : index
      %swap3A_420 = tpu.vector_load %arg7[%swap3A_416, %swap3A_417, %swap3A_418, %swap3A_419] {strides = array<i32>} : memref<2x50x32x16xf32, #tpu.memory_space<vmem>>, vector<16xf32>,
      tpu.vector_store %arg7[%swap3A_416, %swap3A_417, %swap3A_418, %swap3A_419], %gather3A_413 {strides = array<i32>} : memref<2x50x32x16xf32, #tpu.memory_space<vmem>>, vector<16xf32>,
      %broadcast_in_dim3A_421 = arith.constant 16 : i32
      %broadcast_in_dim3A_422 = vector.broadcast %broadcast_in_dim3A_421 : i32 to vector<16xi32>
      %gather3A_423 = arith.constant 0 : i32
      %gather3A_424 = arith.constant 0 : i32
      %gather3A_425 = arith.constant 0 : i32
      %gather3A_426 = tpu.memref_slice %arg6[%gather3A_423, %gather3A_424, %gather3A_425] : memref<2x800x32xf32, #tpu.memory_space<vmem>> -> memref<1x800x32xf32, #tpu.memory_space<vmem>>
      %gather3A_427 = tpu.memref_squeeze %gather3A_426 : memref<1x800x32xf32, #tpu.memory_space<vmem>> -> memref<800x32xf32, #tpu.memory_space<vmem>>
      %gather3A_428 = tpu.vector_load_idx %gather3A_427[%add3A_183, %broadcast_in_dim3A_422] : memref<800x32xf32, #tpu.memory_space<vmem>>[vector<16xi32>, vector<16xi32>], vector<16xf32>,
      %swap3A_429 = arith.constant 0 : i32
      %swap3A_430 = arith.constant 16 : i32
      %swap3A_431 = arith.index_cast %swap3A_429 : i32 to index
      %swap3A_432 = arith.index_cast %scan3A_178 : i32 to index
      %swap3A_433 = arith.index_cast %swap3A_430 : i32 to index
      %swap3A_434 = arith.constant 0 : index
      %swap3A_435 = tpu.vector_load %arg7[%swap3A_431, %swap3A_432, %swap3A_433, %swap3A_434] {strides = array<i32>} : memref<2x50x32x16xf32, #tpu.memory_space<vmem>>, vector<16xf32>,
      tpu.vector_store %arg7[%swap3A_431, %swap3A_432, %swap3A_433, %swap3A_434], %gather3A_428 {strides = array<i32>} : memref<2x50x32x16xf32, #tpu.memory_space<vmem>>, vector<16xf32>,
      %broadcast_in_dim3A_436 = arith.constant 17 : i32
      %broadcast_in_dim3A_437 = vector.broadcast %broadcast_in_dim3A_436 : i32 to vector<16xi32>
      %gather3A_438 = arith.constant 0 : i32
      %gather3A_439 = arith.constant 0 : i32
      %gather3A_440 = arith.constant 0 : i32
      %gather3A_441 = tpu.memref_slice %arg6[%gather3A_438, %gather3A_439, %gather3A_440] : memref<2x800x32xf32, #tpu.memory_space<vmem>> -> memref<1x800x32xf32, #tpu.memory_space<vmem>>
      %gather3A_442 = tpu.memref_squeeze %gather3A_441 : memref<1x800x32xf32, #tpu.memory_space<vmem>> -> memref<800x32xf32, #tpu.memory_space<vmem>>
      %gather3A_443 = tpu.vector_load_idx %gather3A_442[%add3A_183, %broadcast_in_dim3A_437] : memref<800x32xf32, #tpu.memory_space<vmem>>[vector<16xi32>, vector<16xi32>], vector<16xf32>,
      %swap3A_444 = arith.constant 0 : i32
      %swap3A_445 = arith.constant 17 : i32
      %swap3A_446 = arith.index_cast %swap3A_444 : i32 to index
      %swap3A_447 = arith.index_cast %scan3A_178 : i32 to index
      %swap3A_448 = arith.index_cast %swap3A_445 : i32 to index
      %swap3A_449 = arith.constant 0 : index
      %swap3A_450 = tpu.vector_load %arg7[%swap3A_446, %swap3A_447, %swap3A_448, %swap3A_449] {strides = array<i32>} : memref<2x50x32x16xf32, #tpu.memory_space<vmem>>, vector<16xf32>,
      tpu.vector_store %arg7[%swap3A_446, %swap3A_447, %swap3A_448, %swap3A_449], %gather3A_443 {strides = array<i32>} : memref<2x50x32x16xf32, #tpu.memory_space<vmem>>, vector<16xf32>,
      %broadcast_in_dim3A_451 = arith.constant 18 : i32
      %broadcast_in_dim3A_452 = vector.broadcast %broadcast_in_dim3A_451 : i32 to vector<16xi32>
      %gather3A_453 = arith.constant 0 : i32
      %gather3A_454 = arith.constant 0 : i32
      %gather3A_455 = arith.constant 0 : i32
      %gather3A_456 = tpu.memref_slice %arg6[%gather3A_453, %gather3A_454, %gather3A_455] : memref<2x800x32xf32, #tpu.memory_space<vmem>> -> memref<1x800x32xf32, #tpu.memory_space<vmem>>
      %gather3A_457 = tpu.memref_squeeze %gather3A_456 : memref<1x800x32xf32, #tpu.memory_space<vmem>> -> memref<800x32xf32, #tpu.memory_space<vmem>>
      %gather3A_458 = tpu.vector_load_idx %gather3A_457[%add3A_183, %broadcast_in_dim3A_452] : memref<800x32xf32, #tpu.memory_space<vmem>>[vector<16xi32>, vector<16xi32>], vector<16xf32>,
      %swap3A_459 = arith.constant 0 : i32
      %swap3A_460 = arith.constant 18 : i32
      %swap3A_461 = arith.index_cast %swap3A_459 : i32 to index
      %swap3A_462 = arith.index_cast %scan3A_178 : i32 to index
      %swap3A_463 = arith.index_cast %swap3A_460 : i32 to index
      %swap3A_464 = arith.constant 0 : index
      %swap3A_465 = tpu.vector_load %arg7[%swap3A_461, %swap3A_462, %swap3A_463, %swap3A_464] {strides = array<i32>} : memref<2x50x32x16xf32, #tpu.memory_space<vmem>>, vector<16xf32>,
      tpu.vector_store %arg7[%swap3A_461, %swap3A_462, %swap3A_463, %swap3A_464], %gather3A_458 {strides = array<i32>} : memref<2x50x32x16xf32, #tpu.memory_space<vmem>>, vector<16xf32>,
      %broadcast_in_dim3A_466 = arith.constant 19 : i32
      %broadcast_in_dim3A_467 = vector.broadcast %broadcast_in_dim3A_466 : i32 to vector<16xi32>
      %gather3A_468 = arith.constant 0 : i32
      %gather3A_469 = arith.constant 0 : i32
      %gather3A_470 = arith.constant 0 : i32
      %gather3A_471 = tpu.memref_slice %arg6[%gather3A_468, %gather3A_469, %gather3A_470] : memref<2x800x32xf32, #tpu.memory_space<vmem>> -> memref<1x800x32xf32, #tpu.memory_space<vmem>>
      %gather3A_472 = tpu.memref_squeeze %gather3A_471 : memref<1x800x32xf32, #tpu.memory_space<vmem>> -> memref<800x32xf32, #tpu.memory_space<vmem>>
      %gather3A_473 = tpu.vector_load_idx %gather3A_472[%add3A_183, %broadcast_in_dim3A_467] : memref<800x32xf32, #tpu.memory_space<vmem>>[vector<16xi32>, vector<16xi32>], vector<16xf32>,
      %swap3A_474 = arith.constant 0 : i32
      %swap3A_475 = arith.constant 19 : i32
      %swap3A_476 = arith.index_cast %swap3A_474 : i32 to index
      %swap3A_477 = arith.index_cast %scan3A_178 : i32 to index
      %swap3A_478 = arith.index_cast %swap3A_475 : i32 to index
      %swap3A_479 = arith.constant 0 : index
      %swap3A_480 = tpu.vector_load %arg7[%swap3A_476, %swap3A_477, %swap3A_478, %swap3A_479] {strides = array<i32>} : memref<2x50x32x16xf32, #tpu.memory_space<vmem>>, vector<16xf32>,
      tpu.vector_store %arg7[%swap3A_476, %swap3A_477, %swap3A_478, %swap3A_479], %gather3A_473 {strides = array<i32>} : memref<2x50x32x16xf32, #tpu.memory_space<vmem>>, vector<16xf32>,
      %broadcast_in_dim3A_481 = arith.constant 20 : i32
      %broadcast_in_dim3A_482 = vector.broadcast %broadcast_in_dim3A_481 : i32 to vector<16xi32>
      %gather3A_483 = arith.constant 0 : i32
      %gather3A_484 = arith.constant 0 : i32
      %gather3A_485 = arith.constant 0 : i32
      %gather3A_486 = tpu.memref_slice %arg6[%gather3A_483, %gather3A_484, %gather3A_485] : memref<2x800x32xf32, #tpu.memory_space<vmem>> -> memref<1x800x32xf32, #tpu.memory_space<vmem>>
      %gather3A_487 = tpu.memref_squeeze %gather3A_486 : memref<1x800x32xf32, #tpu.memory_space<vmem>> -> memref<800x32xf32, #tpu.memory_space<vmem>>
      %gather3A_488 = tpu.vector_load_idx %gather3A_487[%add3A_183, %broadcast_in_dim3A_482] : memref<800x32xf32, #tpu.memory_space<vmem>>[vector<16xi32>, vector<16xi32>], vector<16xf32>,
      %swap3A_489 = arith.constant 0 : i32
      %swap3A_490 = arith.constant 20 : i32
      %swap3A_491 = arith.index_cast %swap3A_489 : i32 to index
      %swap3A_492 = arith.index_cast %scan3A_178 : i32 to index
      %swap3A_493 = arith.index_cast %swap3A_490 : i32 to index
      %swap3A_494 = arith.constant 0 : index
      %swap3A_495 = tpu.vector_load %arg7[%swap3A_491, %swap3A_492, %swap3A_493, %swap3A_494] {strides = array<i32>} : memref<2x50x32x16xf32, #tpu.memory_space<vmem>>, vector<16xf32>,
      tpu.vector_store %arg7[%swap3A_491, %swap3A_492, %swap3A_493, %swap3A_494], %gather3A_488 {strides = array<i32>} : memref<2x50x32x16xf32, #tpu.memory_space<vmem>>, vector<16xf32>,
      %broadcast_in_dim3A_496 = arith.constant 21 : i32
      %broadcast_in_dim3A_497 = vector.broadcast %broadcast_in_dim3A_496 : i32 to vector<16xi32>
      %gather3A_498 = arith.constant 0 : i32
      %gather3A_499 = arith.constant 0 : i32
      %gather3A_500 = arith.constant 0 : i32
      %gather3A_501 = tpu.memref_slice %arg6[%gather3A_498, %gather3A_499, %gather3A_500] : memref<2x800x32xf32, #tpu.memory_space<vmem>> -> memref<1x800x32xf32, #tpu.memory_space<vmem>>
      %gather3A_502 = tpu.memref_squeeze %gather3A_501 : memref<1x800x32xf32, #tpu.memory_space<vmem>> -> memref<800x32xf32, #tpu.memory_space<vmem>>
      %gather3A_503 = tpu.vector_load_idx %gather3A_502[%add3A_183, %broadcast_in_dim3A_497] : memref<800x32xf32, #tpu.memory_space<vmem>>[vector<16xi32>, vector<16xi32>], vector<16xf32>,
      %swap3A_504 = arith.constant 0 : i32
      %swap3A_505 = arith.constant 21 : i32
      %swap3A_506 = arith.index_cast %swap3A_504 : i32 to index
      %swap3A_507 = arith.index_cast %scan3A_178 : i32 to index
      %swap3A_508 = arith.index_cast %swap3A_505 : i32 to index
      %swap3A_509 = arith.constant 0 : index
      %swap3A_510 = tpu.vector_load %arg7[%swap3A_506, %swap3A_507, %swap3A_508, %swap3A_509] {strides = array<i32>} : memref<2x50x32x16xf32, #tpu.memory_space<vmem>>, vector<16xf32>,
      tpu.vector_store %arg7[%swap3A_506, %swap3A_507, %swap3A_508, %swap3A_509], %gather3A_503 {strides = array<i32>} : memref<2x50x32x16xf32, #tpu.memory_space<vmem>>, vector<16xf32>,
      %broadcast_in_dim3A_511 = arith.constant 22 : i32
      %broadcast_in_dim3A_512 = vector.broadcast %broadcast_in_dim3A_511 : i32 to vector<16xi32>
      %gather3A_513 = arith.constant 0 : i32
      %gather3A_514 = arith.constant 0 : i32
      %gather3A_515 = arith.constant 0 : i32
      %gather3A_516 = tpu.memref_slice %arg6[%gather3A_513, %gather3A_514, %gather3A_515] : memref<2x800x32xf32, #tpu.memory_space<vmem>> -> memref<1x800x32xf32, #tpu.memory_space<vmem>>
      %gather3A_517 = tpu.memref_squeeze %gather3A_516 : memref<1x800x32xf32, #tpu.memory_space<vmem>> -> memref<800x32xf32, #tpu.memory_space<vmem>>
      %gather3A_518 = tpu.vector_load_idx %gather3A_517[%add3A_183, %broadcast_in_dim3A_512] : memref<800x32xf32, #tpu.memory_space<vmem>>[vector<16xi32>, vector<16xi32>], vector<16xf32>,
      %swap3A_519 = arith.constant 0 : i32
      %swap3A_520 = arith.constant 22 : i32
      %swap3A_521 = arith.index_cast %swap3A_519 : i32 to index
      %swap3A_522 = arith.index_cast %scan3A_178 : i32 to index
      %swap3A_523 = arith.index_cast %swap3A_520 : i32 to index
      %swap3A_524 = arith.constant 0 : index
      %swap3A_525 = tpu.vector_load %arg7[%swap3A_521, %swap3A_522, %swap3A_523, %swap3A_524] {strides = array<i32>} : memref<2x50x32x16xf32, #tpu.memory_space<vmem>>, vector<16xf32>,
      tpu.vector_store %arg7[%swap3A_521, %swap3A_522, %swap3A_523, %swap3A_524], %gather3A_518 {strides = array<i32>} : memref<2x50x32x16xf32, #tpu.memory_space<vmem>>, vector<16xf32>,
      %broadcast_in_dim3A_526 = arith.constant 23 : i32
      %broadcast_in_dim3A_527 = vector.broadcast %broadcast_in_dim3A_526 : i32 to vector<16xi32>
      %gather3A_528 = arith.constant 0 : i32
      %gather3A_529 = arith.constant 0 : i32
      %gather3A_530 = arith.constant 0 : i32
      %gather3A_531 = tpu.memref_slice %arg6[%gather3A_528, %gather3A_529, %gather3A_530] : memref<2x800x32xf32, #tpu.memory_space<vmem>> -> memref<1x800x32xf32, #tpu.memory_space<vmem>>
      %gather3A_532 = tpu.memref_squeeze %gather3A_531 : memref<1x800x32xf32, #tpu.memory_space<vmem>> -> memref<800x32xf32, #tpu.memory_space<vmem>>
      %gather3A_533 = tpu.vector_load_idx %gather3A_532[%add3A_183, %broadcast_in_dim3A_527] : memref<800x32xf32, #tpu.memory_space<vmem>>[vector<16xi32>, vector<16xi32>], vector<16xf32>,
      %swap3A_534 = arith.constant 0 : i32
      %swap3A_535 = arith.constant 23 : i32
      %swap3A_536 = arith.index_cast %swap3A_534 : i32 to index
      %swap3A_537 = arith.index_cast %scan3A_178 : i32 to index
      %swap3A_538 = arith.index_cast %swap3A_535 : i32 to index
      %swap3A_539 = arith.constant 0 : index
      %swap3A_540 = tpu.vector_load %arg7[%swap3A_536, %swap3A_537, %swap3A_538, %swap3A_539] {strides = array<i32>} : memref<2x50x32x16xf32, #tpu.memory_space<vmem>>, vector<16xf32>,
      tpu.vector_store %arg7[%swap3A_536, %swap3A_537, %swap3A_538, %swap3A_539], %gather3A_533 {strides = array<i32>} : memref<2x50x32x16xf32, #tpu.memory_space<vmem>>, vector<16xf32>,
      %broadcast_in_dim3A_541 = arith.constant 24 : i32
      %broadcast_in_dim3A_542 = vector.broadcast %broadcast_in_dim3A_541 : i32 to vector<16xi32>
      %gather3A_543 = arith.constant 0 : i32
      %gather3A_544 = arith.constant 0 : i32
      %gather3A_545 = arith.constant 0 : i32
      %gather3A_546 = tpu.memref_slice %arg6[%gather3A_543, %gather3A_544, %gather3A_545] : memref<2x800x32xf32, #tpu.memory_space<vmem>> -> memref<1x800x32xf32, #tpu.memory_space<vmem>>
      %gather3A_547 = tpu.memref_squeeze %gather3A_546 : memref<1x800x32xf32, #tpu.memory_space<vmem>> -> memref<800x32xf32, #tpu.memory_space<vmem>>
      %gather3A_548 = tpu.vector_load_idx %gather3A_547[%add3A_183, %broadcast_in_dim3A_542] : memref<800x32xf32, #tpu.memory_space<vmem>>[vector<16xi32>, vector<16xi32>], vector<16xf32>,
      %swap3A_549 = arith.constant 0 : i32
      %swap3A_550 = arith.constant 24 : i32
      %swap3A_551 = arith.index_cast %swap3A_549 : i32 to index
      %swap3A_552 = arith.index_cast %scan3A_178 : i32 to index
      %swap3A_553 = arith.index_cast %swap3A_550 : i32 to index
      %swap3A_554 = arith.constant 0 : index
      %swap3A_555 = tpu.vector_load %arg7[%swap3A_551, %swap3A_552, %swap3A_553, %swap3A_554] {strides = array<i32>} : memref<2x50x32x16xf32, #tpu.memory_space<vmem>>, vector<16xf32>,
      tpu.vector_store %arg7[%swap3A_551, %swap3A_552, %swap3A_553, %swap3A_554], %gather3A_548 {strides = array<i32>} : memref<2x50x32x16xf32, #tpu.memory_space<vmem>>, vector<16xf32>,
      %broadcast_in_dim3A_556 = arith.constant 25 : i32
      %broadcast_in_dim3A_557 = vector.broadcast %broadcast_in_dim3A_556 : i32 to vector<16xi32>
      %gather3A_558 = arith.constant 0 : i32
      %gather3A_559 = arith.constant 0 : i32
      %gather3A_560 = arith.constant 0 : i32
      %gather3A_561 = tpu.memref_slice %arg6[%gather3A_558, %gather3A_559, %gather3A_560] : memref<2x800x32xf32, #tpu.memory_space<vmem>> -> memref<1x800x32xf32, #tpu.memory_space<vmem>>
      %gather3A_562 = tpu.memref_squeeze %gather3A_561 : memref<1x800x32xf32, #tpu.memory_space<vmem>> -> memref<800x32xf32, #tpu.memory_space<vmem>>
      %gather3A_563 = tpu.vector_load_idx %gather3A_562[%add3A_183, %broadcast_in_dim3A_557] : memref<800x32xf32, #tpu.memory_space<vmem>>[vector<16xi32>, vector<16xi32>], vector<16xf32>,
      %swap3A_564 = arith.constant 0 : i32
      %swap3A_565 = arith.constant 25 : i32
      %swap3A_566 = arith.index_cast %swap3A_564 : i32 to index
      %swap3A_567 = arith.index_cast %scan3A_178 : i32 to index
      %swap3A_568 = arith.index_cast %swap3A_565 : i32 to index
      %swap3A_569 = arith.constant 0 : index
      %swap3A_570 = tpu.vector_load %arg7[%swap3A_566, %swap3A_567, %swap3A_568, %swap3A_569] {strides = array<i32>} : memref<2x50x32x16xf32, #tpu.memory_space<vmem>>, vector<16xf32>,
      tpu.vector_store %arg7[%swap3A_566, %swap3A_567, %swap3A_568, %swap3A_569], %gather3A_563 {strides = array<i32>} : memref<2x50x32x16xf32, #tpu.memory_space<vmem>>, vector<16xf32>,
      %broadcast_in_dim3A_571 = arith.constant 26 : i32
      %broadcast_in_dim3A_572 = vector.broadcast %broadcast_in_dim3A_571 : i32 to vector<16xi32>
      %gather3A_573 = arith.constant 0 : i32
      %gather3A_574 = arith.constant 0 : i32
      %gather3A_575 = arith.constant 0 : i32
      %gather3A_576 = tpu.memref_slice %arg6[%gather3A_573, %gather3A_574, %gather3A_575] : memref<2x800x32xf32, #tpu.memory_space<vmem>> -> memref<1x800x32xf32, #tpu.memory_space<vmem>>
      %gather3A_577 = tpu.memref_squeeze %gather3A_576 : memref<1x800x32xf32, #tpu.memory_space<vmem>> -> memref<800x32xf32, #tpu.memory_space<vmem>>
      %gather3A_578 = tpu.vector_load_idx %gather3A_577[%add3A_183, %broadcast_in_dim3A_572] : memref<800x32xf32, #tpu.memory_space<vmem>>[vector<16xi32>, vector<16xi32>], vector<16xf32>,
      %swap3A_579 = arith.constant 0 : i32
      %swap3A_580 = arith.constant 26 : i32
      %swap3A_581 = arith.index_cast %swap3A_579 : i32 to index
      %swap3A_582 = arith.index_cast %scan3A_178 : i32 to index
      %swap3A_583 = arith.index_cast %swap3A_580 : i32 to index
      %swap3A_584 = arith.constant 0 : index
      %swap3A_585 = tpu.vector_load %arg7[%swap3A_581, %swap3A_582, %swap3A_583, %swap3A_584] {strides = array<i32>} : memref<2x50x32x16xf32, #tpu.memory_space<vmem>>, vector<16xf32>,
      tpu.vector_store %arg7[%swap3A_581, %swap3A_582, %swap3A_583, %swap3A_584], %gather3A_578 {strides = array<i32>} : memref<2x50x32x16xf32, #tpu.memory_space<vmem>>, vector<16xf32>,
      %broadcast_in_dim3A_586 = arith.constant 27 : i32
      %broadcast_in_dim3A_587 = vector.broadcast %broadcast_in_dim3A_586 : i32 to vector<16xi32>
      %gather3A_588 = arith.constant 0 : i32
      %gather3A_589 = arith.constant 0 : i32
      %gather3A_590 = arith.constant 0 : i32
      %gather3A_591 = tpu.memref_slice %arg6[%gather3A_588, %gather3A_589, %gather3A_590] : memref<2x800x32xf32, #tpu.memory_space<vmem>> -> memref<1x800x32xf32, #tpu.memory_space<vmem>>
      %gather3A_592 = tpu.memref_squeeze %gather3A_591 : memref<1x800x32xf32, #tpu.memory_space<vmem>> -> memref<800x32xf32, #tpu.memory_space<vmem>>
      %gather3A_593 = tpu.vector_load_idx %gather3A_592[%add3A_183, %broadcast_in_dim3A_587] : memref<800x32xf32, #tpu.memory_space<vmem>>[vector<16xi32>, vector<16xi32>], vector<16xf32>,
      %swap3A_594 = arith.constant 0 : i32
      %swap3A_595 = arith.constant 27 : i32
      %swap3A_596 = arith.index_cast %swap3A_594 : i32 to index
      %swap3A_597 = arith.index_cast %scan3A_178 : i32 to index
      %swap3A_598 = arith.index_cast %swap3A_595 : i32 to index
      %swap3A_599 = arith.constant 0 : index
      %swap3A_600 = tpu.vector_load %arg7[%swap3A_596, %swap3A_597, %swap3A_598, %swap3A_599] {strides = array<i32>} : memref<2x50x32x16xf32, #tpu.memory_space<vmem>>, vector<16xf32>,
      tpu.vector_store %arg7[%swap3A_596, %swap3A_597, %swap3A_598, %swap3A_599], %gather3A_593 {strides = array<i32>} : memref<2x50x32x16xf32, #tpu.memory_space<vmem>>, vector<16xf32>,
      %broadcast_in_dim3A_601 = arith.constant 28 : i32
      %broadcast_in_dim3A_602 = vector.broadcast %broadcast_in_dim3A_601 : i32 to vector<16xi32>
      %gather3A_603 = arith.constant 0 : i32
      %gather3A_604 = arith.constant 0 : i32
      %gather3A_605 = arith.constant 0 : i32
      %gather3A_606 = tpu.memref_slice %arg6[%gather3A_603, %gather3A_604, %gather3A_605] : memref<2x800x32xf32, #tpu.memory_space<vmem>> -> memref<1x800x32xf32, #tpu.memory_space<vmem>>
      %gather3A_607 = tpu.memref_squeeze %gather3A_606 : memref<1x800x32xf32, #tpu.memory_space<vmem>> -> memref<800x32xf32, #tpu.memory_space<vmem>>
      %gather3A_608 = tpu.vector_load_idx %gather3A_607[%add3A_183, %broadcast_in_dim3A_602] : memref<800x32xf32, #tpu.memory_space<vmem>>[vector<16xi32>, vector<16xi32>], vector<16xf32>,
      %swap3A_609 = arith.constant 0 : i32
      %swap3A_610 = arith.constant 28 : i32
      %swap3A_611 = arith.index_cast %swap3A_609 : i32 to index
      %swap3A_612 = arith.index_cast %scan3A_178 : i32 to index
      %swap3A_613 = arith.index_cast %swap3A_610 : i32 to index
      %swap3A_614 = arith.constant 0 : index
      %swap3A_615 = tpu.vector_load %arg7[%swap3A_611, %swap3A_612, %swap3A_613, %swap3A_614] {strides = array<i32>} : memref<2x50x32x16xf32, #tpu.memory_space<vmem>>, vector<16xf32>,
      tpu.vector_store %arg7[%swap3A_611, %swap3A_612, %swap3A_613, %swap3A_614], %gather3A_608 {strides = array<i32>} : memref<2x50x32x16xf32, #tpu.memory_space<vmem>>, vector<16xf32>,
      %broadcast_in_dim3A_616 = arith.constant 29 : i32
      %broadcast_in_dim3A_617 = vector.broadcast %broadcast_in_dim3A_616 : i32 to vector<16xi32>
      %gather3A_618 = arith.constant 0 : i32
      %gather3A_619 = arith.constant 0 : i32
      %gather3A_620 = arith.constant 0 : i32
      %gather3A_621 = tpu.memref_slice %arg6[%gather3A_618, %gather3A_619, %gather3A_620] : memref<2x800x32xf32, #tpu.memory_space<vmem>> -> memref<1x800x32xf32, #tpu.memory_space<vmem>>
      %gather3A_622 = tpu.memref_squeeze %gather3A_621 : memref<1x800x32xf32, #tpu.memory_space<vmem>> -> memref<800x32xf32, #tpu.memory_space<vmem>>
      %gather3A_623 = tpu.vector_load_idx %gather3A_622[%add3A_183, %broadcast_in_dim3A_617] : memref<800x32xf32, #tpu.memory_space<vmem>>[vector<16xi32>, vector<16xi32>], vector<16xf32>,
      %swap3A_624 = arith.constant 0 : i32
      %swap3A_625 = arith.constant 29 : i32
      %swap3A_626 = arith.index_cast %swap3A_624 : i32 to index
      %swap3A_627 = arith.index_cast %scan3A_178 : i32 to index
      %swap3A_628 = arith.index_cast %swap3A_625 : i32 to index
      %swap3A_629 = arith.constant 0 : index
      %swap3A_630 = tpu.vector_load %arg7[%swap3A_626, %swap3A_627, %swap3A_628, %swap3A_629] {strides = array<i32>} : memref<2x50x32x16xf32, #tpu.memory_space<vmem>>, vector<16xf32>,
      tpu.vector_store %arg7[%swap3A_626, %swap3A_627, %swap3A_628, %swap3A_629], %gather3A_623 {strides = array<i32>} : memref<2x50x32x16xf32, #tpu.memory_space<vmem>>, vector<16xf32>,
      %broadcast_in_dim3A_631 = arith.constant 30 : i32
      %broadcast_in_dim3A_632 = vector.broadcast %broadcast_in_dim3A_631 : i32 to vector<16xi32>
      %gather3A_633 = arith.constant 0 : i32
      %gather3A_634 = arith.constant 0 : i32
      %gather3A_635 = arith.constant 0 : i32
      %gather3A_636 = tpu.memref_slice %arg6[%gather3A_633, %gather3A_634, %gather3A_635] : memref<2x800x32xf32, #tpu.memory_space<vmem>> -> memref<1x800x32xf32, #tpu.memory_space<vmem>>
      %gather3A_637 = tpu.memref_squeeze %gather3A_636 : memref<1x800x32xf32, #tpu.memory_space<vmem>> -> memref<800x32xf32, #tpu.memory_space<vmem>>
      %gather3A_638 = tpu.vector_load_idx %gather3A_637[%add3A_183, %broadcast_in_dim3A_632] : memref<800x32xf32, #tpu.memory_space<vmem>>[vector<16xi32>, vector<16xi32>], vector<16xf32>,
      %swap3A_639 = arith.constant 0 : i32
      %swap3A_640 = arith.constant 30 : i32
      %swap3A_641 = arith.index_cast %swap3A_639 : i32 to index
      %swap3A_642 = arith.index_cast %scan3A_178 : i32 to index
      %swap3A_643 = arith.index_cast %swap3A_640 : i32 to index
      %swap3A_644 = arith.constant 0 : index
      %swap3A_645 = tpu.vector_load %arg7[%swap3A_641, %swap3A_642, %swap3A_643, %swap3A_644] {strides = array<i32>} : memref<2x50x32x16xf32, #tpu.memory_space<vmem>>, vector<16xf32>,
      tpu.vector_store %arg7[%swap3A_641, %swap3A_642, %swap3A_643, %swap3A_644], %gather3A_638 {strides = array<i32>} : memref<2x50x32x16xf32, #tpu.memory_space<vmem>>, vector<16xf32>,
      %broadcast_in_dim3A_646 = arith.constant 31 : i32
      %broadcast_in_dim3A_647 = vector.broadcast %broadcast_in_dim3A_646 : i32 to vector<16xi32>
      %gather3A_648 = arith.constant 0 : i32
      %gather3A_649 = arith.constant 0 : i32
      %gather3A_650 = arith.constant 0 : i32
      %gather3A_651 = tpu.memref_slice %arg6[%gather3A_648, %gather3A_649, %gather3A_650] : memref<2x800x32xf32, #tpu.memory_space<vmem>> -> memref<1x800x32xf32, #tpu.memory_space<vmem>>
      %gather3A_652 = tpu.memref_squeeze %gather3A_651 : memref<1x800x32xf32, #tpu.memory_space<vmem>> -> memref<800x32xf32, #tpu.memory_space<vmem>>
      %gather3A_653 = tpu.vector_load_idx %gather3A_652[%add3A_183, %broadcast_in_dim3A_647] : memref<800x32xf32, #tpu.memory_space<vmem>>[vector<16xi32>, vector<16xi32>], vector<16xf32>,
      %swap3A_654 = arith.constant 0 : i32
      %swap3A_655 = arith.constant 31 : i32
      %swap3A_656 = arith.index_cast %swap3A_654 : i32 to index
      %swap3A_657 = arith.index_cast %scan3A_178 : i32 to index
      %swap3A_658 = arith.index_cast %swap3A_655 : i32 to index
      %swap3A_659 = arith.constant 0 : index
      %swap3A_660 = tpu.vector_load %arg7[%swap3A_656, %swap3A_657, %swap3A_658, %swap3A_659] {strides = array<i32>} : memref<2x50x32x16xf32, #tpu.memory_space<vmem>>, vector<16xf32>,
      tpu.vector_store %arg7[%swap3A_656, %swap3A_657, %swap3A_658, %swap3A_659], %gather3A_653 {strides = array<i32>} : memref<2x50x32x16xf32, #tpu.memory_space<vmem>>, vector<16xf32>,
    }
    %scan3A_36 = arith.constant 50 : i32
    %mul3A_37 = arith.constant 512 : i32
    %mul3A_38 = arith.muli %add3A, %mul3A_37 : i32
    %add3A_39 = arith.constant 0 : i32
    %add3A_40 = arith.addi %mul3A_38, %add3A_39 : i32
    %dma_start3A_41 = arith.constant 0 : i32
    %dma_start3A_42 = arith.constant 0 : i32
    %dma_start3A_43 = arith.constant 0 : i32
    %dma_start3A_44 = arith.constant 0 : i32
    %dma_start3A_45 = tpu.memref_slice %arg7[%dma_start3A_41, %dma_start3A_42, %dma_start3A_43, %dma_start3A_44] : memref<2x50x32x16xf32, #tpu.memory_space<vmem>> -> memref<1x50x32x16xf32, #tpu.memory_space<vmem>>
    %dma_start3A_46 = tpu.memref_squeeze %dma_start3A_45 : memref<1x50x32x16xf32, #tpu.memory_space<vmem>> -> memref<50x32x16xf32, #tpu.memory_space<vmem>>
    %dma_start3A_47 = arith.constant 0 : i32
    %dma_start3A_48 = arith.constant 0 : i32
    %dma_start3A_49 = tpu.memref_slice %arg4[%dma_start3A_47, %dma_start3A_48, %add3A_40] : memref<50x32x16384xf32, #tpu.memory_space<hbm>> -> memref<50x32x16xf32, #tpu.memory_space<hbm>>
    %dma_start3A_50 = arith.constant 0 : i32
    %dma_start3A_51 = arith.constant 0 : i32
    %dma_start3A_52 = tpu.memref_slice %arg4[%dma_start3A_50, %dma_start3A_51, %add3A_40] : memref<50x32x16384xf32, #tpu.memory_space<hbm>> -> memref<50x32x16xf32, #tpu.memory_space<hbm>>
    %dma_start3A_53 = arith.constant 0 : i32
    %dma_start3A_54 = arith.constant 0 : i32
    %dma_start3A_55 = arith.constant 0 : i32
    %dma_start3A_56 = tpu.memref_slice %arg7[%dma_start3A_41, %dma_start3A_53, %dma_start3A_54, %dma_start3A_55] : memref<2x50x32x16xf32, #tpu.memory_space<vmem>> -> memref<1x50x32x16xf32, #tpu.memory_space<vmem>>
    %dma_start3A_57 = tpu.memref_squeeze %dma_start3A_56 : memref<1x50x32x16xf32, #tpu.memory_space<vmem>> -> memref<50x32x16xf32, #tpu.memory_space<vmem>>
    tpu.enqueue_dma source(%dma_start3A_57 : memref<50x32x16xf32, #tpu.memory_space<vmem>>) target(%dma_start3A_52 : memref<50x32x16xf32, #tpu.memory_space<hbm>>) target_semaphore(%arg10 : memref<!tpu.dma_semaphore, #tpu.memory_space<semaphore_mem>>)
    %dma_start3A_58 = arith.constant 0 : i32
    %dma_start3A_59 = arith.constant 0 : i32
    %dma_start3A_60 = arith.constant 0 : i32
    %dma_start3A_61 = tpu.memref_slice %arg6[%dma_start3A_58, %dma_start3A_59, %dma_start3A_60] : memref<2x800x32xf32, #tpu.memory_space<vmem>> -> memref<1x800x32xf32, #tpu.memory_space<vmem>>
    %dma_start3A_62 = tpu.memref_squeeze %dma_start3A_61 : memref<1x800x32xf32, #tpu.memory_space<vmem>> -> memref<800x32xf32, #tpu.memory_space<vmem>>
    %dma_start3A_63 = arith.constant 1600 : i32
    %dma_start3A_64 = tpu.memref_slice %arg5[%dma_start3A_63] : memref<25600xi32, #tpu.memory_space<vmem>> -> memref<800xi32, #tpu.memory_space<vmem>>
    %dma_start3A_65 = arith.constant 0 : i32
    %dma_start3A_66 = arith.constant 0 : i32
    %dma_start3A_67 = tpu.memref_slice %arg3[%dma_start3A_65, %dma_start3A_66] : memref<1000000x32xf32, #tpu.memory_space<hbm>> -> memref<1000000x32xf32, #tpu.memory_space<hbm>>
    tpu.enqueue_indirect_dma source(%dma_start3A_67 : memref<1000000x32xf32, #tpu.memory_space<hbm>>) target(%dma_start3A_62 : memref<800x32xf32, #tpu.memory_space<vmem>>) offsets(%dma_start3A_64 : memref<800xi32, #tpu.memory_space<vmem>>) semaphore(%arg8 : memref<!tpu.dma_semaphore, #tpu.memory_space<semaphore_mem>>)
    %dma_wait3A_68 = arith.constant 1 : i32
    %dma_wait3A_69 = arith.constant 0 : i32
    %dma_wait3A_70 = arith.constant 0 : i32
    %dma_wait3A_71 = tpu.memref_slice %arg6[%dma_wait3A_68, %dma_wait3A_69, %dma_wait3A_70] : memref<2x800x32xf32, #tpu.memory_space<vmem>> -> memref<1x800x32xf32, #tpu.memory_space<vmem>>
    %dma_wait3A_72 = tpu.memref_squeeze %dma_wait3A_71 : memref<1x800x32xf32, #tpu.memory_space<vmem>> -> memref<800x32xf32, #tpu.memory_space<vmem>>
    %dma_wait3A_73 = arith.constant 0 : i32
    %dma_wait3A_74 = tpu.memref_slice %arg5[%dma_wait3A_73] : memref<25600xi32, #tpu.memory_space<vmem>> -> memref<800xi32, #tpu.memory_space<vmem>>
    %dma_wait3A_75 = arith.constant 0 : i32
    %dma_wait3A_76 = arith.constant 0 : i32
    %dma_wait3A_77 = tpu.memref_slice %arg3[%dma_wait3A_75, %dma_wait3A_76] : memref<1000000x32xf32, #tpu.memory_space<hbm>> -> memref<1000000x32xf32, #tpu.memory_space<hbm>>
    tpu.wait_indirect_dma semaphore(%arg9 : memref<!tpu.dma_semaphore, #tpu.memory_space<semaphore_mem>>) src(%dma_wait3A_77 : memref<1000000x32xf32, #tpu.memory_space<hbm>>) dst(%dma_wait3A_72 : memref<800x32xf32, #tpu.memory_space<vmem>>)
    %scan3A_78 = arith.constant 0 : i32
    %scan3A_79 = arith.constant 50 : i32
    %scan3A_80 = arith.addi %scan3A_78, %scan3A_79 : i32
    %scan3A_81 = arith.constant 1 : i32
    scf.for %scan3A_178 = %scan3A_78 to %scan3A_80 step %scan3A_81  : i32 {
      %iota3A = tpu.iota {dimensions = array<i32: 0>} : vector<16xi32>
      %mul3A_179 = arith.constant 50 : i32
      %mul3A_180 = vector.broadcast %mul3A_179 : i32 to vector<16xi32>
      %mul3A_181 = arith.muli %iota3A, %mul3A_180 : vector<16xi32>
      %add3A_182 = vector.broadcast %scan3A_178 : i32 to vector<16xi32>
      %add3A_183 = arith.addi %mul3A_181, %add3A_182 : vector<16xi32>
      %broadcast_in_dim3A = arith.constant 0 : i32
      %broadcast_in_dim3A_184 = vector.broadcast %broadcast_in_dim3A : i32 to vector<16xi32>
      %gather3A = arith.constant 1 : i32
      %gather3A_185 = arith.constant 0 : i32
      %gather3A_186 = arith.constant 0 : i32
      %gather3A_187 = tpu.memref_slice %arg6[%gather3A, %gather3A_185, %gather3A_186] : memref<2x800x32xf32, #tpu.memory_space<vmem>> -> memref<1x800x32xf32, #tpu.memory_space<vmem>>
      %gather3A_188 = tpu.memref_squeeze %gather3A_187 : memref<1x800x32xf32, #tpu.memory_space<vmem>> -> memref<800x32xf32, #tpu.memory_space<vmem>>
      %gather3A_189 = tpu.vector_load_idx %gather3A_188[%add3A_183, %broadcast_in_dim3A_184] : memref<800x32xf32, #tpu.memory_space<vmem>>[vector<16xi32>, vector<16xi32>], vector<16xf32>,
      %swap3A = arith.constant 1 : i32
      %swap3A_190 = arith.constant 0 : i32
      %swap3A_191 = arith.index_cast %swap3A : i32 to index
      %swap3A_192 = arith.index_cast %scan3A_178 : i32 to index
      %swap3A_193 = arith.index_cast %swap3A_190 : i32 to index
      %swap3A_194 = arith.constant 0 : index
      %swap3A_195 = tpu.vector_load %arg7[%swap3A_191, %swap3A_192, %swap3A_193, %swap3A_194] {strides = array<i32>} : memref<2x50x32x16xf32, #tpu.memory_space<vmem>>, vector<16xf32>,
      tpu.vector_store %arg7[%swap3A_191, %swap3A_192, %swap3A_193, %swap3A_194], %gather3A_189 {strides = array<i32>} : memref<2x50x32x16xf32, #tpu.memory_space<vmem>>, vector<16xf32>,
      %broadcast_in_dim3A_196 = arith.constant 1 : i32
      %broadcast_in_dim3A_197 = vector.broadcast %broadcast_in_dim3A_196 : i32 to vector<16xi32>
      %gather3A_198 = arith.constant 1 : i32
      %gather3A_199 = arith.constant 0 : i32
      %gather3A_200 = arith.constant 0 : i32
      %gather3A_201 = tpu.memref_slice %arg6[%gather3A_198, %gather3A_199, %gather3A_200] : memref<2x800x32xf32, #tpu.memory_space<vmem>> -> memref<1x800x32xf32, #tpu.memory_space<vmem>>
      %gather3A_202 = tpu.memref_squeeze %gather3A_201 : memref<1x800x32xf32, #tpu.memory_space<vmem>> -> memref<800x32xf32, #tpu.memory_space<vmem>>
      %gather3A_203 = tpu.vector_load_idx %gather3A_202[%add3A_183, %broadcast_in_dim3A_197] : memref<800x32xf32, #tpu.memory_space<vmem>>[vector<16xi32>, vector<16xi32>], vector<16xf32>,
      %swap3A_204 = arith.constant 1 : i32
      %swap3A_205 = arith.constant 1 : i32
      %swap3A_206 = arith.index_cast %swap3A_204 : i32 to index
      %swap3A_207 = arith.index_cast %scan3A_178 : i32 to index
      %swap3A_208 = arith.index_cast %swap3A_205 : i32 to index
      %swap3A_209 = arith.constant 0 : index
      %swap3A_210 = tpu.vector_load %arg7[%swap3A_206, %swap3A_207, %swap3A_208, %swap3A_209] {strides = array<i32>} : memref<2x50x32x16xf32, #tpu.memory_space<vmem>>, vector<16xf32>,
      tpu.vector_store %arg7[%swap3A_206, %swap3A_207, %swap3A_208, %swap3A_209], %gather3A_203 {strides = array<i32>} : memref<2x50x32x16xf32, #tpu.memory_space<vmem>>, vector<16xf32>,
      %broadcast_in_dim3A_211 = arith.constant 2 : i32
      %broadcast_in_dim3A_212 = vector.broadcast %broadcast_in_dim3A_211 : i32 to vector<16xi32>
      %gather3A_213 = arith.constant 1 : i32
      %gather3A_214 = arith.constant 0 : i32
      %gather3A_215 = arith.constant 0 : i32
      %gather3A_216 = tpu.memref_slice %arg6[%gather3A_213, %gather3A_214, %gather3A_215] : memref<2x800x32xf32, #tpu.memory_space<vmem>> -> memref<1x800x32xf32, #tpu.memory_space<vmem>>
      %gather3A_217 = tpu.memref_squeeze %gather3A_216 : memref<1x800x32xf32, #tpu.memory_space<vmem>> -> memref<800x32xf32, #tpu.memory_space<vmem>>
      %gather3A_218 = tpu.vector_load_idx %gather3A_217[%add3A_183, %broadcast_in_dim3A_212] : memref<800x32xf32, #tpu.memory_space<vmem>>[vector<16xi32>, vector<16xi32>], vector<16xf32>,
      %swap3A_219 = arith.constant 1 : i32
      %swap3A_220 = arith.constant 2 : i32
      %swap3A_221 = arith.index_cast %swap3A_219 : i32 to index
      %swap3A_222 = arith.index_cast %scan3A_178 : i32 to index
      %swap3A_223 = arith.index_cast %swap3A_220 : i32 to index
      %swap3A_224 = arith.constant 0 : index
      %swap3A_225 = tpu.vector_load %arg7[%swap3A_221, %swap3A_222, %swap3A_223, %swap3A_224] {strides = array<i32>} : memref<2x50x32x16xf32, #tpu.memory_space<vmem>>, vector<16xf32>,
      tpu.vector_store %arg7[%swap3A_221, %swap3A_222, %swap3A_223, %swap3A_224], %gather3A_218 {strides = array<i32>} : memref<2x50x32x16xf32, #tpu.memory_space<vmem>>, vector<16xf32>,
      %broadcast_in_dim3A_226 = arith.constant 3 : i32
      %broadcast_in_dim3A_227 = vector.broadcast %broadcast_in_dim3A_226 : i32 to vector<16xi32>
      %gather3A_228 = arith.constant 1 : i32
      %gather3A_229 = arith.constant 0 : i32
      %gather3A_230 = arith.constant 0 : i32
      %gather3A_231 = tpu.memref_slice %arg6[%gather3A_228, %gather3A_229, %gather3A_230] : memref<2x800x32xf32, #tpu.memory_space<vmem>> -> memref<1x800x32xf32, #tpu.memory_space<vmem>>
      %gather3A_232 = tpu.memref_squeeze %gather3A_231 : memref<1x800x32xf32, #tpu.memory_space<vmem>> -> memref<800x32xf32, #tpu.memory_space<vmem>>
      %gather3A_233 = tpu.vector_load_idx %gather3A_232[%add3A_183, %broadcast_in_dim3A_227] : memref<800x32xf32, #tpu.memory_space<vmem>>[vector<16xi32>, vector<16xi32>], vector<16xf32>,
      %swap3A_234 = arith.constant 1 : i32
      %swap3A_235 = arith.constant 3 : i32
      %swap3A_236 = arith.index_cast %swap3A_234 : i32 to index
      %swap3A_237 = arith.index_cast %scan3A_178 : i32 to index
      %swap3A_238 = arith.index_cast %swap3A_235 : i32 to index
      %swap3A_239 = arith.constant 0 : index
      %swap3A_240 = tpu.vector_load %arg7[%swap3A_236, %swap3A_237, %swap3A_238, %swap3A_239] {strides = array<i32>} : memref<2x50x32x16xf32, #tpu.memory_space<vmem>>, vector<16xf32>,
      tpu.vector_store %arg7[%swap3A_236, %swap3A_237, %swap3A_238, %swap3A_239], %gather3A_233 {strides = array<i32>} : memref<2x50x32x16xf32, #tpu.memory_space<vmem>>, vector<16xf32>,
      %broadcast_in_dim3A_241 = arith.constant 4 : i32
      %broadcast_in_dim3A_242 = vector.broadcast %broadcast_in_dim3A_241 : i32 to vector<16xi32>
      %gather3A_243 = arith.constant 1 : i32
      %gather3A_244 = arith.constant 0 : i32
      %gather3A_245 = arith.constant 0 : i32
      %gather3A_246 = tpu.memref_slice %arg6[%gather3A_243, %gather3A_244, %gather3A_245] : memref<2x800x32xf32, #tpu.memory_space<vmem>> -> memref<1x800x32xf32, #tpu.memory_space<vmem>>
      %gather3A_247 = tpu.memref_squeeze %gather3A_246 : memref<1x800x32xf32, #tpu.memory_space<vmem>> -> memref<800x32xf32, #tpu.memory_space<vmem>>
      %gather3A_248 = tpu.vector_load_idx %gather3A_247[%add3A_183, %broadcast_in_dim3A_242] : memref<800x32xf32, #tpu.memory_space<vmem>>[vector<16xi32>, vector<16xi32>], vector<16xf32>,
      %swap3A_249 = arith.constant 1 : i32
      %swap3A_250 = arith.constant 4 : i32
      %swap3A_251 = arith.index_cast %swap3A_249 : i32 to index
      %swap3A_252 = arith.index_cast %scan3A_178 : i32 to index
      %swap3A_253 = arith.index_cast %swap3A_250 : i32 to index
      %swap3A_254 = arith.constant 0 : index
      %swap3A_255 = tpu.vector_load %arg7[%swap3A_251, %swap3A_252, %swap3A_253, %swap3A_254] {strides = array<i32>} : memref<2x50x32x16xf32, #tpu.memory_space<vmem>>, vector<16xf32>,
      tpu.vector_store %arg7[%swap3A_251, %swap3A_252, %swap3A_253, %swap3A_254], %gather3A_248 {strides = array<i32>} : memref<2x50x32x16xf32, #tpu.memory_space<vmem>>, vector<16xf32>,
      %broadcast_in_dim3A_256 = arith.constant 5 : i32
      %broadcast_in_dim3A_257 = vector.broadcast %broadcast_in_dim3A_256 : i32 to vector<16xi32>
      %gather3A_258 = arith.constant 1 : i32
      %gather3A_259 = arith.constant 0 : i32
      %gather3A_260 = arith.constant 0 : i32
      %gather3A_261 = tpu.memref_slice %arg6[%gather3A_258, %gather3A_259, %gather3A_260] : memref<2x800x32xf32, #tpu.memory_space<vmem>> -> memref<1x800x32xf32, #tpu.memory_space<vmem>>
      %gather3A_262 = tpu.memref_squeeze %gather3A_261 : memref<1x800x32xf32, #tpu.memory_space<vmem>> -> memref<800x32xf32, #tpu.memory_space<vmem>>
      %gather3A_263 = tpu.vector_load_idx %gather3A_262[%add3A_183, %broadcast_in_dim3A_257] : memref<800x32xf32, #tpu.memory_space<vmem>>[vector<16xi32>, vector<16xi32>], vector<16xf32>,
      %swap3A_264 = arith.constant 1 : i32
      %swap3A_265 = arith.constant 5 : i32
      %swap3A_266 = arith.index_cast %swap3A_264 : i32 to index
      %swap3A_267 = arith.index_cast %scan3A_178 : i32 to index
      %swap3A_268 = arith.index_cast %swap3A_265 : i32 to index
      %swap3A_269 = arith.constant 0 : index
      %swap3A_270 = tpu.vector_load %arg7[%swap3A_266, %swap3A_267, %swap3A_268, %swap3A_269] {strides = array<i32>} : memref<2x50x32x16xf32, #tpu.memory_space<vmem>>, vector<16xf32>,
      tpu.vector_store %arg7[%swap3A_266, %swap3A_267, %swap3A_268, %swap3A_269], %gather3A_263 {strides = array<i32>} : memref<2x50x32x16xf32, #tpu.memory_space<vmem>>, vector<16xf32>,
      %broadcast_in_dim3A_271 = arith.constant 6 : i32
      %broadcast_in_dim3A_272 = vector.broadcast %broadcast_in_dim3A_271 : i32 to vector<16xi32>
      %gather3A_273 = arith.constant 1 : i32
      %gather3A_274 = arith.constant 0 : i32
      %gather3A_275 = arith.constant 0 : i32
      %gather3A_276 = tpu.memref_slice %arg6[%gather3A_273, %gather3A_274, %gather3A_275] : memref<2x800x32xf32, #tpu.memory_space<vmem>> -> memref<1x800x32xf32, #tpu.memory_space<vmem>>
      %gather3A_277 = tpu.memref_squeeze %gather3A_276 : memref<1x800x32xf32, #tpu.memory_space<vmem>> -> memref<800x32xf32, #tpu.memory_space<vmem>>
      %gather3A_278 = tpu.vector_load_idx %gather3A_277[%add3A_183, %broadcast_in_dim3A_272] : memref<800x32xf32, #tpu.memory_space<vmem>>[vector<16xi32>, vector<16xi32>], vector<16xf32>,
      %swap3A_279 = arith.constant 1 : i32
      %swap3A_280 = arith.constant 6 : i32
      %swap3A_281 = arith.index_cast %swap3A_279 : i32 to index
      %swap3A_282 = arith.index_cast %scan3A_178 : i32 to index
      %swap3A_283 = arith.index_cast %swap3A_280 : i32 to index
      %swap3A_284 = arith.constant 0 : index
      %swap3A_285 = tpu.vector_load %arg7[%swap3A_281, %swap3A_282, %swap3A_283, %swap3A_284] {strides = array<i32>} : memref<2x50x32x16xf32, #tpu.memory_space<vmem>>, vector<16xf32>,
      tpu.vector_store %arg7[%swap3A_281, %swap3A_282, %swap3A_283, %swap3A_284], %gather3A_278 {strides = array<i32>} : memref<2x50x32x16xf32, #tpu.memory_space<vmem>>, vector<16xf32>,
      %broadcast_in_dim3A_286 = arith.constant 7 : i32
      %broadcast_in_dim3A_287 = vector.broadcast %broadcast_in_dim3A_286 : i32 to vector<16xi32>
      %gather3A_288 = arith.constant 1 : i32
      %gather3A_289 = arith.constant 0 : i32
      %gather3A_290 = arith.constant 0 : i32
      %gather3A_291 = tpu.memref_slice %arg6[%gather3A_288, %gather3A_289, %gather3A_290] : memref<2x800x32xf32, #tpu.memory_space<vmem>> -> memref<1x800x32xf32, #tpu.memory_space<vmem>>
      %gather3A_292 = tpu.memref_squeeze %gather3A_291 : memref<1x800x32xf32, #tpu.memory_space<vmem>> -> memref<800x32xf32, #tpu.memory_space<vmem>>
      %gather3A_293 = tpu.vector_load_idx %gather3A_292[%add3A_183, %broadcast_in_dim3A_287] : memref<800x32xf32, #tpu.memory_space<vmem>>[vector<16xi32>, vector<16xi32>], vector<16xf32>,
      %swap3A_294 = arith.constant 1 : i32
      %swap3A_295 = arith.constant 7 : i32
      %swap3A_296 = arith.index_cast %swap3A_294 : i32 to index
      %swap3A_297 = arith.index_cast %scan3A_178 : i32 to index
      %swap3A_298 = arith.index_cast %swap3A_295 : i32 to index
      %swap3A_299 = arith.constant 0 : index
      %swap3A_300 = tpu.vector_load %arg7[%swap3A_296, %swap3A_297, %swap3A_298, %swap3A_299] {strides = array<i32>} : memref<2x50x32x16xf32, #tpu.memory_space<vmem>>, vector<16xf32>,
      tpu.vector_store %arg7[%swap3A_296, %swap3A_297, %swap3A_298, %swap3A_299], %gather3A_293 {strides = array<i32>} : memref<2x50x32x16xf32, #tpu.memory_space<vmem>>, vector<16xf32>,
      %broadcast_in_dim3A_301 = arith.constant 8 : i32
      %broadcast_in_dim3A_302 = vector.broadcast %broadcast_in_dim3A_301 : i32 to vector<16xi32>
      %gather3A_303 = arith.constant 1 : i32
      %gather3A_304 = arith.constant 0 : i32
      %gather3A_305 = arith.constant 0 : i32
      %gather3A_306 = tpu.memref_slice %arg6[%gather3A_303, %gather3A_304, %gather3A_305] : memref<2x800x32xf32, #tpu.memory_space<vmem>> -> memref<1x800x32xf32, #tpu.memory_space<vmem>>
      %gather3A_307 = tpu.memref_squeeze %gather3A_306 : memref<1x800x32xf32, #tpu.memory_space<vmem>> -> memref<800x32xf32, #tpu.memory_space<vmem>>
      %gather3A_308 = tpu.vector_load_idx %gather3A_307[%add3A_183, %broadcast_in_dim3A_302] : memref<800x32xf32, #tpu.memory_space<vmem>>[vector<16xi32>, vector<16xi32>], vector<16xf32>,
      %swap3A_309 = arith.constant 1 : i32
      %swap3A_310 = arith.constant 8 : i32
      %swap3A_311 = arith.index_cast %swap3A_309 : i32 to index
      %swap3A_312 = arith.index_cast %scan3A_178 : i32 to index
      %swap3A_313 = arith.index_cast %swap3A_310 : i32 to index
      %swap3A_314 = arith.constant 0 : index
      %swap3A_315 = tpu.vector_load %arg7[%swap3A_311, %swap3A_312, %swap3A_313, %swap3A_314] {strides = array<i32>} : memref<2x50x32x16xf32, #tpu.memory_space<vmem>>, vector<16xf32>,
      tpu.vector_store %arg7[%swap3A_311, %swap3A_312, %swap3A_313, %swap3A_314], %gather3A_308 {strides = array<i32>} : memref<2x50x32x16xf32, #tpu.memory_space<vmem>>, vector<16xf32>,
      %broadcast_in_dim3A_316 = arith.constant 9 : i32
      %broadcast_in_dim3A_317 = vector.broadcast %broadcast_in_dim3A_316 : i32 to vector<16xi32>
      %gather3A_318 = arith.constant 1 : i32
      %gather3A_319 = arith.constant 0 : i32
      %gather3A_320 = arith.constant 0 : i32
      %gather3A_321 = tpu.memref_slice %arg6[%gather3A_318, %gather3A_319, %gather3A_320] : memref<2x800x32xf32, #tpu.memory_space<vmem>> -> memref<1x800x32xf32, #tpu.memory_space<vmem>>
      %gather3A_322 = tpu.memref_squeeze %gather3A_321 : memref<1x800x32xf32, #tpu.memory_space<vmem>> -> memref<800x32xf32, #tpu.memory_space<vmem>>
      %gather3A_323 = tpu.vector_load_idx %gather3A_322[%add3A_183, %broadcast_in_dim3A_317] : memref<800x32xf32, #tpu.memory_space<vmem>>[vector<16xi32>, vector<16xi32>], vector<16xf32>,
      %swap3A_324 = arith.constant 1 : i32
      %swap3A_325 = arith.constant 9 : i32
      %swap3A_326 = arith.index_cast %swap3A_324 : i32 to index
      %swap3A_327 = arith.index_cast %scan3A_178 : i32 to index
      %swap3A_328 = arith.index_cast %swap3A_325 : i32 to index
      %swap3A_329 = arith.constant 0 : index
      %swap3A_330 = tpu.vector_load %arg7[%swap3A_326, %swap3A_327, %swap3A_328, %swap3A_329] {strides = array<i32>} : memref<2x50x32x16xf32, #tpu.memory_space<vmem>>, vector<16xf32>,
      tpu.vector_store %arg7[%swap3A_326, %swap3A_327, %swap3A_328, %swap3A_329], %gather3A_323 {strides = array<i32>} : memref<2x50x32x16xf32, #tpu.memory_space<vmem>>, vector<16xf32>,
      %broadcast_in_dim3A_331 = arith.constant 10 : i32
      %broadcast_in_dim3A_332 = vector.broadcast %broadcast_in_dim3A_331 : i32 to vector<16xi32>
      %gather3A_333 = arith.constant 1 : i32
      %gather3A_334 = arith.constant 0 : i32
      %gather3A_335 = arith.constant 0 : i32
      %gather3A_336 = tpu.memref_slice %arg6[%gather3A_333, %gather3A_334, %gather3A_335] : memref<2x800x32xf32, #tpu.memory_space<vmem>> -> memref<1x800x32xf32, #tpu.memory_space<vmem>>
      %gather3A_337 = tpu.memref_squeeze %gather3A_336 : memref<1x800x32xf32, #tpu.memory_space<vmem>> -> memref<800x32xf32, #tpu.memory_space<vmem>>
      %gather3A_338 = tpu.vector_load_idx %gather3A_337[%add3A_183, %broadcast_in_dim3A_332] : memref<800x32xf32, #tpu.memory_space<vmem>>[vector<16xi32>, vector<16xi32>], vector<16xf32>,
      %swap3A_339 = arith.constant 1 : i32
      %swap3A_340 = arith.constant 10 : i32
      %swap3A_341 = arith.index_cast %swap3A_339 : i32 to index
      %swap3A_342 = arith.index_cast %scan3A_178 : i32 to index
      %swap3A_343 = arith.index_cast %swap3A_340 : i32 to index
      %swap3A_344 = arith.constant 0 : index
      %swap3A_345 = tpu.vector_load %arg7[%swap3A_341, %swap3A_342, %swap3A_343, %swap3A_344] {strides = array<i32>} : memref<2x50x32x16xf32, #tpu.memory_space<vmem>>, vector<16xf32>,
      tpu.vector_store %arg7[%swap3A_341, %swap3A_342, %swap3A_343, %swap3A_344], %gather3A_338 {strides = array<i32>} : memref<2x50x32x16xf32, #tpu.memory_space<vmem>>, vector<16xf32>,
      %broadcast_in_dim3A_346 = arith.constant 11 : i32
      %broadcast_in_dim3A_347 = vector.broadcast %broadcast_in_dim3A_346 : i32 to vector<16xi32>
      %gather3A_348 = arith.constant 1 : i32
      %gather3A_349 = arith.constant 0 : i32
      %gather3A_350 = arith.constant 0 : i32
      %gather3A_351 = tpu.memref_slice %arg6[%gather3A_348, %gather3A_349, %gather3A_350] : memref<2x800x32xf32, #tpu.memory_space<vmem>> -> memref<1x800x32xf32, #tpu.memory_space<vmem>>
      %gather3A_352 = tpu.memref_squeeze %gather3A_351 : memref<1x800x32xf32, #tpu.memory_space<vmem>> -> memref<800x32xf32, #tpu.memory_space<vmem>>
      %gather3A_353 = tpu.vector_load_idx %gather3A_352[%add3A_183, %broadcast_in_dim3A_347] : memref<800x32xf32, #tpu.memory_space<vmem>>[vector<16xi32>, vector<16xi32>], vector<16xf32>,
      %swap3A_354 = arith.constant 1 : i32
      %swap3A_355 = arith.constant 11 : i32
      %swap3A_356 = arith.index_cast %swap3A_354 : i32 to index
      %swap3A_357 = arith.index_cast %scan3A_178 : i32 to index
      %swap3A_358 = arith.index_cast %swap3A_355 : i32 to index
      %swap3A_359 = arith.constant 0 : index
      %swap3A_360 = tpu.vector_load %arg7[%swap3A_356, %swap3A_357, %swap3A_358, %swap3A_359] {strides = array<i32>} : memref<2x50x32x16xf32, #tpu.memory_space<vmem>>, vector<16xf32>,
      tpu.vector_store %arg7[%swap3A_356, %swap3A_357, %swap3A_358, %swap3A_359], %gather3A_353 {strides = array<i32>} : memref<2x50x32x16xf32, #tpu.memory_space<vmem>>, vector<16xf32>,
      %broadcast_in_dim3A_361 = arith.constant 12 : i32
      %broadcast_in_dim3A_362 = vector.broadcast %broadcast_in_dim3A_361 : i32 to vector<16xi32>
      %gather3A_363 = arith.constant 1 : i32
      %gather3A_364 = arith.constant 0 : i32
      %gather3A_365 = arith.constant 0 : i32
      %gather3A_366 = tpu.memref_slice %arg6[%gather3A_363, %gather3A_364, %gather3A_365] : memref<2x800x32xf32, #tpu.memory_space<vmem>> -> memref<1x800x32xf32, #tpu.memory_space<vmem>>
      %gather3A_367 = tpu.memref_squeeze %gather3A_366 : memref<1x800x32xf32, #tpu.memory_space<vmem>> -> memref<800x32xf32, #tpu.memory_space<vmem>>
      %gather3A_368 = tpu.vector_load_idx %gather3A_367[%add3A_183, %broadcast_in_dim3A_362] : memref<800x32xf32, #tpu.memory_space<vmem>>[vector<16xi32>, vector<16xi32>], vector<16xf32>,
      %swap3A_369 = arith.constant 1 : i32
      %swap3A_370 = arith.constant 12 : i32
      %swap3A_371 = arith.index_cast %swap3A_369 : i32 to index
      %swap3A_372 = arith.index_cast %scan3A_178 : i32 to index
      %swap3A_373 = arith.index_cast %swap3A_370 : i32 to index
      %swap3A_374 = arith.constant 0 : index
      %swap3A_375 = tpu.vector_load %arg7[%swap3A_371, %swap3A_372, %swap3A_373, %swap3A_374] {strides = array<i32>} : memref<2x50x32x16xf32, #tpu.memory_space<vmem>>, vector<16xf32>,
      tpu.vector_store %arg7[%swap3A_371, %swap3A_372, %swap3A_373, %swap3A_374], %gather3A_368 {strides = array<i32>} : memref<2x50x32x16xf32, #tpu.memory_space<vmem>>, vector<16xf32>,
      %broadcast_in_dim3A_376 = arith.constant 13 : i32
      %broadcast_in_dim3A_377 = vector.broadcast %broadcast_in_dim3A_376 : i32 to vector<16xi32>
      %gather3A_378 = arith.constant 1 : i32
      %gather3A_379 = arith.constant 0 : i32
      %gather3A_380 = arith.constant 0 : i32
      %gather3A_381 = tpu.memref_slice %arg6[%gather3A_378, %gather3A_379, %gather3A_380] : memref<2x800x32xf32, #tpu.memory_space<vmem>> -> memref<1x800x32xf32, #tpu.memory_space<vmem>>
      %gather3A_382 = tpu.memref_squeeze %gather3A_381 : memref<1x800x32xf32, #tpu.memory_space<vmem>> -> memref<800x32xf32, #tpu.memory_space<vmem>>
      %gather3A_383 = tpu.vector_load_idx %gather3A_382[%add3A_183, %broadcast_in_dim3A_377] : memref<800x32xf32, #tpu.memory_space<vmem>>[vector<16xi32>, vector<16xi32>], vector<16xf32>,
      %swap3A_384 = arith.constant 1 : i32
      %swap3A_385 = arith.constant 13 : i32
      %swap3A_386 = arith.index_cast %swap3A_384 : i32 to index
      %swap3A_387 = arith.index_cast %scan3A_178 : i32 to index
      %swap3A_388 = arith.index_cast %swap3A_385 : i32 to index
      %swap3A_389 = arith.constant 0 : index
      %swap3A_390 = tpu.vector_load %arg7[%swap3A_386, %swap3A_387, %swap3A_388, %swap3A_389] {strides = array<i32>} : memref<2x50x32x16xf32, #tpu.memory_space<vmem>>, vector<16xf32>,
      tpu.vector_store %arg7[%swap3A_386, %swap3A_387, %swap3A_388, %swap3A_389], %gather3A_383 {strides = array<i32>} : memref<2x50x32x16xf32, #tpu.memory_space<vmem>>, vector<16xf32>,
      %broadcast_in_dim3A_391 = arith.constant 14 : i32
      %broadcast_in_dim3A_392 = vector.broadcast %broadcast_in_dim3A_391 : i32 to vector<16xi32>
      %gather3A_393 = arith.constant 1 : i32
      %gather3A_394 = arith.constant 0 : i32
      %gather3A_395 = arith.constant 0 : i32
      %gather3A_396 = tpu.memref_slice %arg6[%gather3A_393, %gather3A_394, %gather3A_395] : memref<2x800x32xf32, #tpu.memory_space<vmem>> -> memref<1x800x32xf32, #tpu.memory_space<vmem>>
      %gather3A_397 = tpu.memref_squeeze %gather3A_396 : memref<1x800x32xf32, #tpu.memory_space<vmem>> -> memref<800x32xf32, #tpu.memory_space<vmem>>
      %gather3A_398 = tpu.vector_load_idx %gather3A_397[%add3A_183, %broadcast_in_dim3A_392] : memref<800x32xf32, #tpu.memory_space<vmem>>[vector<16xi32>, vector<16xi32>], vector<16xf32>,
      %swap3A_399 = arith.constant 1 : i32
      %swap3A_400 = arith.constant 14 : i32
      %swap3A_401 = arith.index_cast %swap3A_399 : i32 to index
      %swap3A_402 = arith.index_cast %scan3A_178 : i32 to index
      %swap3A_403 = arith.index_cast %swap3A_400 : i32 to index
      %swap3A_404 = arith.constant 0 : index
      %swap3A_405 = tpu.vector_load %arg7[%swap3A_401, %swap3A_402, %swap3A_403, %swap3A_404] {strides = array<i32>} : memref<2x50x32x16xf32, #tpu.memory_space<vmem>>, vector<16xf32>,
      tpu.vector_store %arg7[%swap3A_401, %swap3A_402, %swap3A_403, %swap3A_404], %gather3A_398 {strides = array<i32>} : memref<2x50x32x16xf32, #tpu.memory_space<vmem>>, vector<16xf32>,
      %broadcast_in_dim3A_406 = arith.constant 15 : i32
      %broadcast_in_dim3A_407 = vector.broadcast %broadcast_in_dim3A_406 : i32 to vector<16xi32>
      %gather3A_408 = arith.constant 1 : i32
      %gather3A_409 = arith.constant 0 : i32
      %gather3A_410 = arith.constant 0 : i32
      %gather3A_411 = tpu.memref_slice %arg6[%gather3A_408, %gather3A_409, %gather3A_410] : memref<2x800x32xf32, #tpu.memory_space<vmem>> -> memref<1x800x32xf32, #tpu.memory_space<vmem>>
      %gather3A_412 = tpu.memref_squeeze %gather3A_411 : memref<1x800x32xf32, #tpu.memory_space<vmem>> -> memref<800x32xf32, #tpu.memory_space<vmem>>
      %gather3A_413 = tpu.vector_load_idx %gather3A_412[%add3A_183, %broadcast_in_dim3A_407] : memref<800x32xf32, #tpu.memory_space<vmem>>[vector<16xi32>, vector<16xi32>], vector<16xf32>,
      %swap3A_414 = arith.constant 1 : i32
      %swap3A_415 = arith.constant 15 : i32
      %swap3A_416 = arith.index_cast %swap3A_414 : i32 to index
      %swap3A_417 = arith.index_cast %scan3A_178 : i32 to index
      %swap3A_418 = arith.index_cast %swap3A_415 : i32 to index
      %swap3A_419 = arith.constant 0 : index
      %swap3A_420 = tpu.vector_load %arg7[%swap3A_416, %swap3A_417, %swap3A_418, %swap3A_419] {strides = array<i32>} : memref<2x50x32x16xf32, #tpu.memory_space<vmem>>, vector<16xf32>,
      tpu.vector_store %arg7[%swap3A_416, %swap3A_417, %swap3A_418, %swap3A_419], %gather3A_413 {strides = array<i32>} : memref<2x50x32x16xf32, #tpu.memory_space<vmem>>, vector<16xf32>,
      %broadcast_in_dim3A_421 = arith.constant 16 : i32
      %broadcast_in_dim3A_422 = vector.broadcast %broadcast_in_dim3A_421 : i32 to vector<16xi32>
      %gather3A_423 = arith.constant 1 : i32
      %gather3A_424 = arith.constant 0 : i32
      %gather3A_425 = arith.constant 0 : i32
      %gather3A_426 = tpu.memref_slice %arg6[%gather3A_423, %gather3A_424, %gather3A_425] : memref<2x800x32xf32, #tpu.memory_space<vmem>> -> memref<1x800x32xf32, #tpu.memory_space<vmem>>
      %gather3A_427 = tpu.memref_squeeze %gather3A_426 : memref<1x800x32xf32, #tpu.memory_space<vmem>> -> memref<800x32xf32, #tpu.memory_space<vmem>>
      %gather3A_428 = tpu.vector_load_idx %gather3A_427[%add3A_183, %broadcast_in_dim3A_422] : memref<800x32xf32, #tpu.memory_space<vmem>>[vector<16xi32>, vector<16xi32>], vector<16xf32>,
      %swap3A_429 = arith.constant 1 : i32
      %swap3A_430 = arith.constant 16 : i32
      %swap3A_431 = arith.index_cast %swap3A_429 : i32 to index
      %swap3A_432 = arith.index_cast %scan3A_178 : i32 to index
      %swap3A_433 = arith.index_cast %swap3A_430 : i32 to index
      %swap3A_434 = arith.constant 0 : index
      %swap3A_435 = tpu.vector_load %arg7[%swap3A_431, %swap3A_432, %swap3A_433, %swap3A_434] {strides = array<i32>} : memref<2x50x32x16xf32, #tpu.memory_space<vmem>>, vector<16xf32>,
      tpu.vector_store %arg7[%swap3A_431, %swap3A_432, %swap3A_433, %swap3A_434], %gather3A_428 {strides = array<i32>} : memref<2x50x32x16xf32, #tpu.memory_space<vmem>>, vector<16xf32>,
      %broadcast_in_dim3A_436 = arith.constant 17 : i32
      %broadcast_in_dim3A_437 = vector.broadcast %broadcast_in_dim3A_436 : i32 to vector<16xi32>
      %gather3A_438 = arith.constant 1 : i32
      %gather3A_439 = arith.constant 0 : i32
      %gather3A_440 = arith.constant 0 : i32
      %gather3A_441 = tpu.memref_slice %arg6[%gather3A_438, %gather3A_439, %gather3A_440] : memref<2x800x32xf32, #tpu.memory_space<vmem>> -> memref<1x800x32xf32, #tpu.memory_space<vmem>>
      %gather3A_442 = tpu.memref_squeeze %gather3A_441 : memref<1x800x32xf32, #tpu.memory_space<vmem>> -> memref<800x32xf32, #tpu.memory_space<vmem>>
      %gather3A_443 = tpu.vector_load_idx %gather3A_442[%add3A_183, %broadcast_in_dim3A_437] : memref<800x32xf32, #tpu.memory_space<vmem>>[vector<16xi32>, vector<16xi32>], vector<16xf32>,
      %swap3A_444 = arith.constant 1 : i32
      %swap3A_445 = arith.constant 17 : i32
      %swap3A_446 = arith.index_cast %swap3A_444 : i32 to index
      %swap3A_447 = arith.index_cast %scan3A_178 : i32 to index
      %swap3A_448 = arith.index_cast %swap3A_445 : i32 to index
      %swap3A_449 = arith.constant 0 : index
      %swap3A_450 = tpu.vector_load %arg7[%swap3A_446, %swap3A_447, %swap3A_448, %swap3A_449] {strides = array<i32>} : memref<2x50x32x16xf32, #tpu.memory_space<vmem>>, vector<16xf32>,
      tpu.vector_store %arg7[%swap3A_446, %swap3A_447, %swap3A_448, %swap3A_449], %gather3A_443 {strides = array<i32>} : memref<2x50x32x16xf32, #tpu.memory_space<vmem>>, vector<16xf32>,
      %broadcast_in_dim3A_451 = arith.constant 18 : i32
      %broadcast_in_dim3A_452 = vector.broadcast %broadcast_in_dim3A_451 : i32 to vector<16xi32>
      %gather3A_453 = arith.constant 1 : i32
      %gather3A_454 = arith.constant 0 : i32
      %gather3A_455 = arith.constant 0 : i32
      %gather3A_456 = tpu.memref_slice %arg6[%gather3A_453, %gather3A_454, %gather3A_455] : memref<2x800x32xf32, #tpu.memory_space<vmem>> -> memref<1x800x32xf32, #tpu.memory_space<vmem>>
      %gather3A_457 = tpu.memref_squeeze %gather3A_456 : memref<1x800x32xf32, #tpu.memory_space<vmem>> -> memref<800x32xf32, #tpu.memory_space<vmem>>
      %gather3A_458 = tpu.vector_load_idx %gather3A_457[%add3A_183, %broadcast_in_dim3A_452] : memref<800x32xf32, #tpu.memory_space<vmem>>[vector<16xi32>, vector<16xi32>], vector<16xf32>,
      %swap3A_459 = arith.constant 1 : i32
      %swap3A_460 = arith.constant 18 : i32
      %swap3A_461 = arith.index_cast %swap3A_459 : i32 to index
      %swap3A_462 = arith.index_cast %scan3A_178 : i32 to index
      %swap3A_463 = arith.index_cast %swap3A_460 : i32 to index
      %swap3A_464 = arith.constant 0 : index
      %swap3A_465 = tpu.vector_load %arg7[%swap3A_461, %swap3A_462, %swap3A_463, %swap3A_464] {strides = array<i32>} : memref<2x50x32x16xf32, #tpu.memory_space<vmem>>, vector<16xf32>,
      tpu.vector_store %arg7[%swap3A_461, %swap3A_462, %swap3A_463, %swap3A_464], %gather3A_458 {strides = array<i32>} : memref<2x50x32x16xf32, #tpu.memory_space<vmem>>, vector<16xf32>,
      %broadcast_in_dim3A_466 = arith.constant 19 : i32
      %broadcast_in_dim3A_467 = vector.broadcast %broadcast_in_dim3A_466 : i32 to vector<16xi32>
      %gather3A_468 = arith.constant 1 : i32
      %gather3A_469 = arith.constant 0 : i32
      %gather3A_470 = arith.constant 0 : i32
      %gather3A_471 = tpu.memref_slice %arg6[%gather3A_468, %gather3A_469, %gather3A_470] : memref<2x800x32xf32, #tpu.memory_space<vmem>> -> memref<1x800x32xf32, #tpu.memory_space<vmem>>
      %gather3A_472 = tpu.memref_squeeze %gather3A_471 : memref<1x800x32xf32, #tpu.memory_space<vmem>> -> memref<800x32xf32, #tpu.memory_space<vmem>>
      %gather3A_473 = tpu.vector_load_idx %gather3A_472[%add3A_183, %broadcast_in_dim3A_467] : memref<800x32xf32, #tpu.memory_space<vmem>>[vector<16xi32>, vector<16xi32>], vector<16xf32>,
      %swap3A_474 = arith.constant 1 : i32
      %swap3A_475 = arith.constant 19 : i32
      %swap3A_476 = arith.index_cast %swap3A_474 : i32 to index
      %swap3A_477 = arith.index_cast %scan3A_178 : i32 to index
      %swap3A_478 = arith.index_cast %swap3A_475 : i32 to index
      %swap3A_479 = arith.constant 0 : index
      %swap3A_480 = tpu.vector_load %arg7[%swap3A_476, %swap3A_477, %swap3A_478, %swap3A_479] {strides = array<i32>} : memref<2x50x32x16xf32, #tpu.memory_space<vmem>>, vector<16xf32>,
      tpu.vector_store %arg7[%swap3A_476, %swap3A_477, %swap3A_478, %swap3A_479], %gather3A_473 {strides = array<i32>} : memref<2x50x32x16xf32, #tpu.memory_space<vmem>>, vector<16xf32>,
      %broadcast_in_dim3A_481 = arith.constant 20 : i32
      %broadcast_in_dim3A_482 = vector.broadcast %broadcast_in_dim3A_481 : i32 to vector<16xi32>
      %gather3A_483 = arith.constant 1 : i32
      %gather3A_484 = arith.constant 0 : i32
      %gather3A_485 = arith.constant 0 : i32
      %gather3A_486 = tpu.memref_slice %arg6[%gather3A_483, %gather3A_484, %gather3A_485] : memref<2x800x32xf32, #tpu.memory_space<vmem>> -> memref<1x800x32xf32, #tpu.memory_space<vmem>>
      %gather3A_487 = tpu.memref_squeeze %gather3A_486 : memref<1x800x32xf32, #tpu.memory_space<vmem>> -> memref<800x32xf32, #tpu.memory_space<vmem>>
      %gather3A_488 = tpu.vector_load_idx %gather3A_487[%add3A_183, %broadcast_in_dim3A_482] : memref<800x32xf32, #tpu.memory_space<vmem>>[vector<16xi32>, vector<16xi32>], vector<16xf32>,
      %swap3A_489 = arith.constant 1 : i32
      %swap3A_490 = arith.constant 20 : i32
      %swap3A_491 = arith.index_cast %swap3A_489 : i32 to index
      %swap3A_492 = arith.index_cast %scan3A_178 : i32 to index
      %swap3A_493 = arith.index_cast %swap3A_490 : i32 to index
      %swap3A_494 = arith.constant 0 : index
      %swap3A_495 = tpu.vector_load %arg7[%swap3A_491, %swap3A_492, %swap3A_493, %swap3A_494] {strides = array<i32>} : memref<2x50x32x16xf32, #tpu.memory_space<vmem>>, vector<16xf32>,
      tpu.vector_store %arg7[%swap3A_491, %swap3A_492, %swap3A_493, %swap3A_494], %gather3A_488 {strides = array<i32>} : memref<2x50x32x16xf32, #tpu.memory_space<vmem>>, vector<16xf32>,
      %broadcast_in_dim3A_496 = arith.constant 21 : i32
      %broadcast_in_dim3A_497 = vector.broadcast %broadcast_in_dim3A_496 : i32 to vector<16xi32>
      %gather3A_498 = arith.constant 1 : i32
      %gather3A_499 = arith.constant 0 : i32
      %gather3A_500 = arith.constant 0 : i32
      %gather3A_501 = tpu.memref_slice %arg6[%gather3A_498, %gather3A_499, %gather3A_500] : memref<2x800x32xf32, #tpu.memory_space<vmem>> -> memref<1x800x32xf32, #tpu.memory_space<vmem>>
      %gather3A_502 = tpu.memref_squeeze %gather3A_501 : memref<1x800x32xf32, #tpu.memory_space<vmem>> -> memref<800x32xf32, #tpu.memory_space<vmem>>
      %gather3A_503 = tpu.vector_load_idx %gather3A_502[%add3A_183, %broadcast_in_dim3A_497] : memref<800x32xf32, #tpu.memory_space<vmem>>[vector<16xi32>, vector<16xi32>], vector<16xf32>,
      %swap3A_504 = arith.constant 1 : i32
      %swap3A_505 = arith.constant 21 : i32
      %swap3A_506 = arith.index_cast %swap3A_504 : i32 to index
      %swap3A_507 = arith.index_cast %scan3A_178 : i32 to index
      %swap3A_508 = arith.index_cast %swap3A_505 : i32 to index
      %swap3A_509 = arith.constant 0 : index
      %swap3A_510 = tpu.vector_load %arg7[%swap3A_506, %swap3A_507, %swap3A_508, %swap3A_509] {strides = array<i32>} : memref<2x50x32x16xf32, #tpu.memory_space<vmem>>, vector<16xf32>,
      tpu.vector_store %arg7[%swap3A_506, %swap3A_507, %swap3A_508, %swap3A_509], %gather3A_503 {strides = array<i32>} : memref<2x50x32x16xf32, #tpu.memory_space<vmem>>, vector<16xf32>,
      %broadcast_in_dim3A_511 = arith.constant 22 : i32
      %broadcast_in_dim3A_512 = vector.broadcast %broadcast_in_dim3A_511 : i32 to vector<16xi32>
      %gather3A_513 = arith.constant 1 : i32
      %gather3A_514 = arith.constant 0 : i32
      %gather3A_515 = arith.constant 0 : i32
      %gather3A_516 = tpu.memref_slice %arg6[%gather3A_513, %gather3A_514, %gather3A_515] : memref<2x800x32xf32, #tpu.memory_space<vmem>> -> memref<1x800x32xf32, #tpu.memory_space<vmem>>
      %gather3A_517 = tpu.memref_squeeze %gather3A_516 : memref<1x800x32xf32, #tpu.memory_space<vmem>> -> memref<800x32xf32, #tpu.memory_space<vmem>>
      %gather3A_518 = tpu.vector_load_idx %gather3A_517[%add3A_183, %broadcast_in_dim3A_512] : memref<800x32xf32, #tpu.memory_space<vmem>>[vector<16xi32>, vector<16xi32>], vector<16xf32>,
      %swap3A_519 = arith.constant 1 : i32
      %swap3A_520 = arith.constant 22 : i32
      %swap3A_521 = arith.index_cast %swap3A_519 : i32 to index
      %swap3A_522 = arith.index_cast %scan3A_178 : i32 to index
      %swap3A_523 = arith.index_cast %swap3A_520 : i32 to index
      %swap3A_524 = arith.constant 0 : index
      %swap3A_525 = tpu.vector_load %arg7[%swap3A_521, %swap3A_522, %swap3A_523, %swap3A_524] {strides = array<i32>} : memref<2x50x32x16xf32, #tpu.memory_space<vmem>>, vector<16xf32>,
      tpu.vector_store %arg7[%swap3A_521, %swap3A_522, %swap3A_523, %swap3A_524], %gather3A_518 {strides = array<i32>} : memref<2x50x32x16xf32, #tpu.memory_space<vmem>>, vector<16xf32>,
      %broadcast_in_dim3A_526 = arith.constant 23 : i32
      %broadcast_in_dim3A_527 = vector.broadcast %broadcast_in_dim3A_526 : i32 to vector<16xi32>
      %gather3A_528 = arith.constant 1 : i32
      %gather3A_529 = arith.constant 0 : i32
      %gather3A_530 = arith.constant 0 : i32
      %gather3A_531 = tpu.memref_slice %arg6[%gather3A_528, %gather3A_529, %gather3A_530] : memref<2x800x32xf32, #tpu.memory_space<vmem>> -> memref<1x800x32xf32, #tpu.memory_space<vmem>>
      %gather3A_532 = tpu.memref_squeeze %gather3A_531 : memref<1x800x32xf32, #tpu.memory_space<vmem>> -> memref<800x32xf32, #tpu.memory_space<vmem>>
      %gather3A_533 = tpu.vector_load_idx %gather3A_532[%add3A_183, %broadcast_in_dim3A_527] : memref<800x32xf32, #tpu.memory_space<vmem>>[vector<16xi32>, vector<16xi32>], vector<16xf32>,
      %swap3A_534 = arith.constant 1 : i32
      %swap3A_535 = arith.constant 23 : i32
      %swap3A_536 = arith.index_cast %swap3A_534 : i32 to index
      %swap3A_537 = arith.index_cast %scan3A_178 : i32 to index
      %swap3A_538 = arith.index_cast %swap3A_535 : i32 to index
      %swap3A_539 = arith.constant 0 : index
      %swap3A_540 = tpu.vector_load %arg7[%swap3A_536, %swap3A_537, %swap3A_538, %swap3A_539] {strides = array<i32>} : memref<2x50x32x16xf32, #tpu.memory_space<vmem>>, vector<16xf32>,
      tpu.vector_store %arg7[%swap3A_536, %swap3A_537, %swap3A_538, %swap3A_539], %gather3A_533 {strides = array<i32>} : memref<2x50x32x16xf32, #tpu.memory_space<vmem>>, vector<16xf32>,
      %broadcast_in_dim3A_541 = arith.constant 24 : i32
      %broadcast_in_dim3A_542 = vector.broadcast %broadcast_in_dim3A_541 : i32 to vector<16xi32>
      %gather3A_543 = arith.constant 1 : i32
      %gather3A_544 = arith.constant 0 : i32
      %gather3A_545 = arith.constant 0 : i32
      %gather3A_546 = tpu.memref_slice %arg6[%gather3A_543, %gather3A_544, %gather3A_545] : memref<2x800x32xf32, #tpu.memory_space<vmem>> -> memref<1x800x32xf32, #tpu.memory_space<vmem>>
      %gather3A_547 = tpu.memref_squeeze %gather3A_546 : memref<1x800x32xf32, #tpu.memory_space<vmem>> -> memref<800x32xf32, #tpu.memory_space<vmem>>
      %gather3A_548 = tpu.vector_load_idx %gather3A_547[%add3A_183, %broadcast_in_dim3A_542] : memref<800x32xf32, #tpu.memory_space<vmem>>[vector<16xi32>, vector<16xi32>], vector<16xf32>,
      %swap3A_549 = arith.constant 1 : i32
      %swap3A_550 = arith.constant 24 : i32
      %swap3A_551 = arith.index_cast %swap3A_549 : i32 to index
      %swap3A_552 = arith.index_cast %scan3A_178 : i32 to index
      %swap3A_553 = arith.index_cast %swap3A_550 : i32 to index
      %swap3A_554 = arith.constant 0 : index
      %swap3A_555 = tpu.vector_load %arg7[%swap3A_551, %swap3A_552, %swap3A_553, %swap3A_554] {strides = array<i32>} : memref<2x50x32x16xf32, #tpu.memory_space<vmem>>, vector<16xf32>,
      tpu.vector_store %arg7[%swap3A_551, %swap3A_552, %swap3A_553, %swap3A_554], %gather3A_548 {strides = array<i32>} : memref<2x50x32x16xf32, #tpu.memory_space<vmem>>, vector<16xf32>,
      %broadcast_in_dim3A_556 = arith.constant 25 : i32
      %broadcast_in_dim3A_557 = vector.broadcast %broadcast_in_dim3A_556 : i32 to vector<16xi32>
      %gather3A_558 = arith.constant 1 : i32
      %gather3A_559 = arith.constant 0 : i32
      %gather3A_560 = arith.constant 0 : i32
      %gather3A_561 = tpu.memref_slice %arg6[%gather3A_558, %gather3A_559, %gather3A_560] : memref<2x800x32xf32, #tpu.memory_space<vmem>> -> memref<1x800x32xf32, #tpu.memory_space<vmem>>
      %gather3A_562 = tpu.memref_squeeze %gather3A_561 : memref<1x800x32xf32, #tpu.memory_space<vmem>> -> memref<800x32xf32, #tpu.memory_space<vmem>>
      %gather3A_563 = tpu.vector_load_idx %gather3A_562[%add3A_183, %broadcast_in_dim3A_557] : memref<800x32xf32, #tpu.memory_space<vmem>>[vector<16xi32>, vector<16xi32>], vector<16xf32>,
      %swap3A_564 = arith.constant 1 : i32
      %swap3A_565 = arith.constant 25 : i32
      %swap3A_566 = arith.index_cast %swap3A_564 : i32 to index
      %swap3A_567 = arith.index_cast %scan3A_178 : i32 to index
      %swap3A_568 = arith.index_cast %swap3A_565 : i32 to index
      %swap3A_569 = arith.constant 0 : index
      %swap3A_570 = tpu.vector_load %arg7[%swap3A_566, %swap3A_567, %swap3A_568, %swap3A_569] {strides = array<i32>} : memref<2x50x32x16xf32, #tpu.memory_space<vmem>>, vector<16xf32>,
      tpu.vector_store %arg7[%swap3A_566, %swap3A_567, %swap3A_568, %swap3A_569], %gather3A_563 {strides = array<i32>} : memref<2x50x32x16xf32, #tpu.memory_space<vmem>>, vector<16xf32>,
      %broadcast_in_dim3A_571 = arith.constant 26 : i32
      %broadcast_in_dim3A_572 = vector.broadcast %broadcast_in_dim3A_571 : i32 to vector<16xi32>
      %gather3A_573 = arith.constant 1 : i32
      %gather3A_574 = arith.constant 0 : i32
      %gather3A_575 = arith.constant 0 : i32
      %gather3A_576 = tpu.memref_slice %arg6[%gather3A_573, %gather3A_574, %gather3A_575] : memref<2x800x32xf32, #tpu.memory_space<vmem>> -> memref<1x800x32xf32, #tpu.memory_space<vmem>>
      %gather3A_577 = tpu.memref_squeeze %gather3A_576 : memref<1x800x32xf32, #tpu.memory_space<vmem>> -> memref<800x32xf32, #tpu.memory_space<vmem>>
      %gather3A_578 = tpu.vector_load_idx %gather3A_577[%add3A_183, %broadcast_in_dim3A_572] : memref<800x32xf32, #tpu.memory_space<vmem>>[vector<16xi32>, vector<16xi32>], vector<16xf32>,
      %swap3A_579 = arith.constant 1 : i32
      %swap3A_580 = arith.constant 26 : i32
      %swap3A_581 = arith.index_cast %swap3A_579 : i32 to index
      %swap3A_582 = arith.index_cast %scan3A_178 : i32 to index
      %swap3A_583 = arith.index_cast %swap3A_580 : i32 to index
      %swap3A_584 = arith.constant 0 : index
      %swap3A_585 = tpu.vector_load %arg7[%swap3A_581, %swap3A_582, %swap3A_583, %swap3A_584] {strides = array<i32>} : memref<2x50x32x16xf32, #tpu.memory_space<vmem>>, vector<16xf32>,
      tpu.vector_store %arg7[%swap3A_581, %swap3A_582, %swap3A_583, %swap3A_584], %gather3A_578 {strides = array<i32>} : memref<2x50x32x16xf32, #tpu.memory_space<vmem>>, vector<16xf32>,
      %broadcast_in_dim3A_586 = arith.constant 27 : i32
      %broadcast_in_dim3A_587 = vector.broadcast %broadcast_in_dim3A_586 : i32 to vector<16xi32>
      %gather3A_588 = arith.constant 1 : i32
      %gather3A_589 = arith.constant 0 : i32
      %gather3A_590 = arith.constant 0 : i32
      %gather3A_591 = tpu.memref_slice %arg6[%gather3A_588, %gather3A_589, %gather3A_590] : memref<2x800x32xf32, #tpu.memory_space<vmem>> -> memref<1x800x32xf32, #tpu.memory_space<vmem>>
      %gather3A_592 = tpu.memref_squeeze %gather3A_591 : memref<1x800x32xf32, #tpu.memory_space<vmem>> -> memref<800x32xf32, #tpu.memory_space<vmem>>
      %gather3A_593 = tpu.vector_load_idx %gather3A_592[%add3A_183, %broadcast_in_dim3A_587] : memref<800x32xf32, #tpu.memory_space<vmem>>[vector<16xi32>, vector<16xi32>], vector<16xf32>,
      %swap3A_594 = arith.constant 1 : i32
      %swap3A_595 = arith.constant 27 : i32
      %swap3A_596 = arith.index_cast %swap3A_594 : i32 to index
      %swap3A_597 = arith.index_cast %scan3A_178 : i32 to index
      %swap3A_598 = arith.index_cast %swap3A_595 : i32 to index
      %swap3A_599 = arith.constant 0 : index
      %swap3A_600 = tpu.vector_load %arg7[%swap3A_596, %swap3A_597, %swap3A_598, %swap3A_599] {strides = array<i32>} : memref<2x50x32x16xf32, #tpu.memory_space<vmem>>, vector<16xf32>,
      tpu.vector_store %arg7[%swap3A_596, %swap3A_597, %swap3A_598, %swap3A_599], %gather3A_593 {strides = array<i32>} : memref<2x50x32x16xf32, #tpu.memory_space<vmem>>, vector<16xf32>,
      %broadcast_in_dim3A_601 = arith.constant 28 : i32
      %broadcast_in_dim3A_602 = vector.broadcast %broadcast_in_dim3A_601 : i32 to vector<16xi32>
      %gather3A_603 = arith.constant 1 : i32
      %gather3A_604 = arith.constant 0 : i32
      %gather3A_605 = arith.constant 0 : i32
      %gather3A_606 = tpu.memref_slice %arg6[%gather3A_603, %gather3A_604, %gather3A_605] : memref<2x800x32xf32, #tpu.memory_space<vmem>> -> memref<1x800x32xf32, #tpu.memory_space<vmem>>
      %gather3A_607 = tpu.memref_squeeze %gather3A_606 : memref<1x800x32xf32, #tpu.memory_space<vmem>> -> memref<800x32xf32, #tpu.memory_space<vmem>>
      %gather3A_608 = tpu.vector_load_idx %gather3A_607[%add3A_183, %broadcast_in_dim3A_602] : memref<800x32xf32, #tpu.memory_space<vmem>>[vector<16xi32>, vector<16xi32>], vector<16xf32>,
      %swap3A_609 = arith.constant 1 : i32
      %swap3A_610 = arith.constant 28 : i32
      %swap3A_611 = arith.index_cast %swap3A_609 : i32 to index
      %swap3A_612 = arith.index_cast %scan3A_178 : i32 to index
      %swap3A_613 = arith.index_cast %swap3A_610 : i32 to index
      %swap3A_614 = arith.constant 0 : index
      %swap3A_615 = tpu.vector_load %arg7[%swap3A_611, %swap3A_612, %swap3A_613, %swap3A_614] {strides = array<i32>} : memref<2x50x32x16xf32, #tpu.memory_space<vmem>>, vector<16xf32>,
      tpu.vector_store %arg7[%swap3A_611, %swap3A_612, %swap3A_613, %swap3A_614], %gather3A_608 {strides = array<i32>} : memref<2x50x32x16xf32, #tpu.memory_space<vmem>>, vector<16xf32>,
      %broadcast_in_dim3A_616 = arith.constant 29 : i32
      %broadcast_in_dim3A_617 = vector.broadcast %broadcast_in_dim3A_616 : i32 to vector<16xi32>
      %gather3A_618 = arith.constant 1 : i32
      %gather3A_619 = arith.constant 0 : i32
      %gather3A_620 = arith.constant 0 : i32
      %gather3A_621 = tpu.memref_slice %arg6[%gather3A_618, %gather3A_619, %gather3A_620] : memref<2x800x32xf32, #tpu.memory_space<vmem>> -> memref<1x800x32xf32, #tpu.memory_space<vmem>>
      %gather3A_622 = tpu.memref_squeeze %gather3A_621 : memref<1x800x32xf32, #tpu.memory_space<vmem>> -> memref<800x32xf32, #tpu.memory_space<vmem>>
      %gather3A_623 = tpu.vector_load_idx %gather3A_622[%add3A_183, %broadcast_in_dim3A_617] : memref<800x32xf32, #tpu.memory_space<vmem>>[vector<16xi32>, vector<16xi32>], vector<16xf32>,
      %swap3A_624 = arith.constant 1 : i32
      %swap3A_625 = arith.constant 29 : i32
      %swap3A_626 = arith.index_cast %swap3A_624 : i32 to index
      %swap3A_627 = arith.index_cast %scan3A_178 : i32 to index
      %swap3A_628 = arith.index_cast %swap3A_625 : i32 to index
      %swap3A_629 = arith.constant 0 : index
      %swap3A_630 = tpu.vector_load %arg7[%swap3A_626, %swap3A_627, %swap3A_628, %swap3A_629] {strides = array<i32>} : memref<2x50x32x16xf32, #tpu.memory_space<vmem>>, vector<16xf32>,
      tpu.vector_store %arg7[%swap3A_626, %swap3A_627, %swap3A_628, %swap3A_629], %gather3A_623 {strides = array<i32>} : memref<2x50x32x16xf32, #tpu.memory_space<vmem>>, vector<16xf32>,
      %broadcast_in_dim3A_631 = arith.constant 30 : i32
      %broadcast_in_dim3A_632 = vector.broadcast %broadcast_in_dim3A_631 : i32 to vector<16xi32>
      %gather3A_633 = arith.constant 1 : i32
      %gather3A_634 = arith.constant 0 : i32
      %gather3A_635 = arith.constant 0 : i32
      %gather3A_636 = tpu.memref_slice %arg6[%gather3A_633, %gather3A_634, %gather3A_635] : memref<2x800x32xf32, #tpu.memory_space<vmem>> -> memref<1x800x32xf32, #tpu.memory_space<vmem>>
      %gather3A_637 = tpu.memref_squeeze %gather3A_636 : memref<1x800x32xf32, #tpu.memory_space<vmem>> -> memref<800x32xf32, #tpu.memory_space<vmem>>
      %gather3A_638 = tpu.vector_load_idx %gather3A_637[%add3A_183, %broadcast_in_dim3A_632] : memref<800x32xf32, #tpu.memory_space<vmem>>[vector<16xi32>, vector<16xi32>], vector<16xf32>,
      %swap3A_639 = arith.constant 1 : i32
      %swap3A_640 = arith.constant 30 : i32
      %swap3A_641 = arith.index_cast %swap3A_639 : i32 to index
      %swap3A_642 = arith.index_cast %scan3A_178 : i32 to index
      %swap3A_643 = arith.index_cast %swap3A_640 : i32 to index
      %swap3A_644 = arith.constant 0 : index
      %swap3A_645 = tpu.vector_load %arg7[%swap3A_641, %swap3A_642, %swap3A_643, %swap3A_644] {strides = array<i32>} : memref<2x50x32x16xf32, #tpu.memory_space<vmem>>, vector<16xf32>,
      tpu.vector_store %arg7[%swap3A_641, %swap3A_642, %swap3A_643, %swap3A_644], %gather3A_638 {strides = array<i32>} : memref<2x50x32x16xf32, #tpu.memory_space<vmem>>, vector<16xf32>,
      %broadcast_in_dim3A_646 = arith.constant 31 : i32
      %broadcast_in_dim3A_647 = vector.broadcast %broadcast_in_dim3A_646 : i32 to vector<16xi32>
      %gather3A_648 = arith.constant 1 : i32
      %gather3A_649 = arith.constant 0 : i32
      %gather3A_650 = arith.constant 0 : i32
      %gather3A_651 = tpu.memref_slice %arg6[%gather3A_648, %gather3A_649, %gather3A_650] : memref<2x800x32xf32, #tpu.memory_space<vmem>> -> memref<1x800x32xf32, #tpu.memory_space<vmem>>
      %gather3A_652 = tpu.memref_squeeze %gather3A_651 : memref<1x800x32xf32, #tpu.memory_space<vmem>> -> memref<800x32xf32, #tpu.memory_space<vmem>>
      %gather3A_653 = tpu.vector_load_idx %gather3A_652[%add3A_183, %broadcast_in_dim3A_647] : memref<800x32xf32, #tpu.memory_space<vmem>>[vector<16xi32>, vector<16xi32>], vector<16xf32>,
      %swap3A_654 = arith.constant 1 : i32
      %swap3A_655 = arith.constant 31 : i32
      %swap3A_656 = arith.index_cast %swap3A_654 : i32 to index
      %swap3A_657 = arith.index_cast %scan3A_178 : i32 to index
      %swap3A_658 = arith.index_cast %swap3A_655 : i32 to index
      %swap3A_659 = arith.constant 0 : index
      %swap3A_660 = tpu.vector_load %arg7[%swap3A_656, %swap3A_657, %swap3A_658, %swap3A_659] {strides = array<i32>} : memref<2x50x32x16xf32, #tpu.memory_space<vmem>>, vector<16xf32>,
      tpu.vector_store %arg7[%swap3A_656, %swap3A_657, %swap3A_658, %swap3A_659], %gather3A_653 {strides = array<i32>} : memref<2x50x32x16xf32, #tpu.memory_space<vmem>>, vector<16xf32>,
    }
    %scan3A_82 = arith.constant 50 : i32
    %mul3A_83 = arith.constant 512 : i32
    %mul3A_84 = arith.muli %add3A, %mul3A_83 : i32
    %add3A_85 = arith.constant 16 : i32
    %add3A_86 = arith.addi %mul3A_84, %add3A_85 : i32
    %dma_start3A_87 = arith.constant 1 : i32
    %dma_start3A_88 = arith.constant 0 : i32
    %dma_start3A_89 = arith.constant 0 : i32
    %dma_start3A_90 = arith.constant 0 : i32
    %dma_start3A_91 = tpu.memref_slice %arg7[%dma_start3A_87, %dma_start3A_88, %dma_start3A_89, %dma_start3A_90] : memref<2x50x32x16xf32, #tpu.memory_space<vmem>> -> memref<1x50x32x16xf32, #tpu.memory_space<vmem>>
    %dma_start3A_92 = tpu.memref_squeeze %dma_start3A_91 : memref<1x50x32x16xf32, #tpu.memory_space<vmem>> -> memref<50x32x16xf32, #tpu.memory_space<vmem>>
    %dma_start3A_93 = arith.constant 0 : i32
    %dma_start3A_94 = arith.constant 0 : i32
    %dma_start3A_95 = tpu.memref_slice %arg4[%dma_start3A_93, %dma_start3A_94, %add3A_86] : memref<50x32x16384xf32, #tpu.memory_space<hbm>> -> memref<50x32x16xf32, #tpu.memory_space<hbm>>
    %dma_start3A_96 = arith.constant 0 : i32
    %dma_start3A_97 = arith.constant 0 : i32
    %dma_start3A_98 = tpu.memref_slice %arg4[%dma_start3A_96, %dma_start3A_97, %add3A_86] : memref<50x32x16384xf32, #tpu.memory_space<hbm>> -> memref<50x32x16xf32, #tpu.memory_space<hbm>>
    %dma_start3A_99 = arith.constant 0 : i32
    %dma_start3A_100 = arith.constant 0 : i32
    %dma_start3A_101 = arith.constant 0 : i32
    %dma_start3A_102 = tpu.memref_slice %arg7[%dma_start3A_87, %dma_start3A_99, %dma_start3A_100, %dma_start3A_101] : memref<2x50x32x16xf32, #tpu.memory_space<vmem>> -> memref<1x50x32x16xf32, #tpu.memory_space<vmem>>
    %dma_start3A_103 = tpu.memref_squeeze %dma_start3A_102 : memref<1x50x32x16xf32, #tpu.memory_space<vmem>> -> memref<50x32x16xf32, #tpu.memory_space<vmem>>
    tpu.enqueue_dma source(%dma_start3A_103 : memref<50x32x16xf32, #tpu.memory_space<vmem>>) target(%dma_start3A_98 : memref<50x32x16xf32, #tpu.memory_space<hbm>>) target_semaphore(%arg11 : memref<!tpu.dma_semaphore, #tpu.memory_space<semaphore_mem>>)
    %dma_start3A_104 = arith.constant 1 : i32
    %dma_start3A_105 = arith.constant 0 : i32
    %dma_start3A_106 = arith.constant 0 : i32
    %dma_start3A_107 = tpu.memref_slice %arg6[%dma_start3A_104, %dma_start3A_105, %dma_start3A_106] : memref<2x800x32xf32, #tpu.memory_space<vmem>> -> memref<1x800x32xf32, #tpu.memory_space<vmem>>
    %dma_start3A_108 = tpu.memref_squeeze %dma_start3A_107 : memref<1x800x32xf32, #tpu.memory_space<vmem>> -> memref<800x32xf32, #tpu.memory_space<vmem>>
    %dma_start3A_109 = arith.constant 2400 : i32
    %dma_start3A_110 = tpu.memref_slice %arg5[%dma_start3A_109] : memref<25600xi32, #tpu.memory_space<vmem>> -> memref<800xi32, #tpu.memory_space<vmem>>
    %dma_start3A_111 = arith.constant 0 : i32
    %dma_start3A_112 = arith.constant 0 : i32
    %dma_start3A_113 = tpu.memref_slice %arg3[%dma_start3A_111, %dma_start3A_112] : memref<1000000x32xf32, #tpu.memory_space<hbm>> -> memref<1000000x32xf32, #tpu.memory_space<hbm>>
    tpu.enqueue_indirect_dma source(%dma_start3A_113 : memref<1000000x32xf32, #tpu.memory_space<hbm>>) target(%dma_start3A_108 : memref<800x32xf32, #tpu.memory_space<vmem>>) offsets(%dma_start3A_110 : memref<800xi32, #tpu.memory_space<vmem>>) semaphore(%arg9 : memref<!tpu.dma_semaphore, #tpu.memory_space<semaphore_mem>>)
    %scan3A_114 = arith.constant 0 : i32
    %scan3A_115 = arith.constant 1 : i32
    %scan3A_116 = arith.constant 15 : i32
    %scan3A_117 = arith.addi %scan3A_115, %scan3A_116 : i32
    %scan3A_118 = arith.constant 1 : i32
    scf.for %scan3A_178 = %scan3A_115 to %scan3A_117 step %scan3A_118  : i32 {
      %mul3A_179 = arith.constant 2 : i32
      %mul3A_180 = arith.muli %scan3A_178, %mul3A_179 : i32
      %add3A_181 = arith.constant 0 : i32
      %add3A_182 = arith.addi %mul3A_180, %add3A_181 : i32
      %dma_wait3A_183 = arith.constant 0 : i32
      %dma_wait3A_184 = arith.constant 0 : i32
      %dma_wait3A_185 = arith.constant 0 : i32
      %dma_wait3A_186 = tpu.memref_slice %arg6[%dma_wait3A_183, %dma_wait3A_184, %dma_wait3A_185] : memref<2x800x32xf32, #tpu.memory_space<vmem>> -> memref<1x800x32xf32, #tpu.memory_space<vmem>>
      %dma_wait3A_187 = tpu.memref_squeeze %dma_wait3A_186 : memref<1x800x32xf32, #tpu.memory_space<vmem>> -> memref<800x32xf32, #tpu.memory_space<vmem>>
      %dma_wait3A_188 = arith.constant 0 : i32
      %dma_wait3A_189 = tpu.memref_slice %arg5[%dma_wait3A_188] : memref<25600xi32, #tpu.memory_space<vmem>> -> memref<800xi32, #tpu.memory_space<vmem>>
      %dma_wait3A_190 = arith.constant 0 : i32
      %dma_wait3A_191 = arith.constant 0 : i32
      %dma_wait3A_192 = tpu.memref_slice %arg3[%dma_wait3A_190, %dma_wait3A_191] : memref<1000000x32xf32, #tpu.memory_space<hbm>> -> memref<1000000x32xf32, #tpu.memory_space<hbm>>
      tpu.wait_indirect_dma semaphore(%arg8 : memref<!tpu.dma_semaphore, #tpu.memory_space<semaphore_mem>>) src(%dma_wait3A_192 : memref<1000000x32xf32, #tpu.memory_space<hbm>>) dst(%dma_wait3A_187 : memref<800x32xf32, #tpu.memory_space<vmem>>)
      %dma_wait3A_193 = arith.constant 0 : i32
      %dma_wait3A_194 = arith.constant 0 : i32
      %dma_wait3A_195 = arith.constant 0 : i32
      %dma_wait3A_196 = arith.constant 0 : i32
      %dma_wait3A_197 = tpu.memref_slice %arg7[%dma_wait3A_193, %dma_wait3A_194, %dma_wait3A_195, %dma_wait3A_196] : memref<2x50x32x16xf32, #tpu.memory_space<vmem>> -> memref<1x50x32x16xf32, #tpu.memory_space<vmem>>
      %dma_wait3A_198 = tpu.memref_squeeze %dma_wait3A_197 : memref<1x50x32x16xf32, #tpu.memory_space<vmem>> -> memref<50x32x16xf32, #tpu.memory_space<vmem>>
      %dma_wait3A_199 = arith.constant 0 : i32
      %dma_wait3A_200 = arith.constant 0 : i32
      %dma_wait3A_201 = arith.constant 0 : i32
      %dma_wait3A_202 = tpu.memref_slice %arg4[%dma_wait3A_199, %dma_wait3A_200, %dma_wait3A_201] : memref<50x32x16384xf32, #tpu.memory_space<hbm>> -> memref<50x32x16xf32, #tpu.memory_space<hbm>>
      %dma_wait3A_203 = arith.constant 0 : i32
      %dma_wait3A_204 = arith.constant 0 : i32
      %dma_wait3A_205 = arith.constant 0 : i32
      %dma_wait3A_206 = tpu.memref_slice %arg4[%dma_wait3A_203, %dma_wait3A_204, %dma_wait3A_205] : memref<50x32x16384xf32, #tpu.memory_space<hbm>> -> memref<50x32x16xf32, #tpu.memory_space<hbm>>
      %dma_wait3A_207 = arith.constant 0 : i32
      %dma_wait3A_208 = arith.constant 0 : i32
      %dma_wait3A_209 = arith.constant 0 : i32
      %dma_wait3A_210 = tpu.memref_slice %arg7[%dma_wait3A_193, %dma_wait3A_207, %dma_wait3A_208, %dma_wait3A_209] : memref<2x50x32x16xf32, #tpu.memory_space<vmem>> -> memref<1x50x32x16xf32, #tpu.memory_space<vmem>>
      %dma_wait3A_211 = tpu.memref_squeeze %dma_wait3A_210 : memref<1x50x32x16xf32, #tpu.memory_space<vmem>> -> memref<50x32x16xf32, #tpu.memory_space<vmem>>
      tpu.wait_dma2 semaphore(%arg10 : memref<!tpu.dma_semaphore, #tpu.memory_space<semaphore_mem>>) src(%dma_wait3A_211 : memref<50x32x16xf32, #tpu.memory_space<vmem>>) dst(%dma_wait3A_206 : memref<50x32x16xf32, #tpu.memory_space<hbm>>)
      %scan3A_212 = arith.constant 0 : i32
      %scan3A_213 = arith.constant 50 : i32
      %scan3A_214 = arith.addi %scan3A_212, %scan3A_213 : i32
      %scan3A_215 = arith.constant 1 : i32
      scf.for %scan3A_350 = %scan3A_212 to %scan3A_214 step %scan3A_215  : i32 {
        %iota3A = tpu.iota {dimensions = array<i32: 0>} : vector<16xi32>
        %mul3A_351 = arith.constant 50 : i32
        %mul3A_352 = vector.broadcast %mul3A_351 : i32 to vector<16xi32>
        %mul3A_353 = arith.muli %iota3A, %mul3A_352 : vector<16xi32>
        %add3A_354 = vector.broadcast %scan3A_350 : i32 to vector<16xi32>
        %add3A_355 = arith.addi %mul3A_353, %add3A_354 : vector<16xi32>
        %broadcast_in_dim3A = arith.constant 0 : i32
        %broadcast_in_dim3A_356 = vector.broadcast %broadcast_in_dim3A : i32 to vector<16xi32>
        %gather3A = arith.constant 0 : i32
        %gather3A_357 = arith.constant 0 : i32
        %gather3A_358 = arith.constant 0 : i32
        %gather3A_359 = tpu.memref_slice %arg6[%gather3A, %gather3A_357, %gather3A_358] : memref<2x800x32xf32, #tpu.memory_space<vmem>> -> memref<1x800x32xf32, #tpu.memory_space<vmem>>
        %gather3A_360 = tpu.memref_squeeze %gather3A_359 : memref<1x800x32xf32, #tpu.memory_space<vmem>> -> memref<800x32xf32, #tpu.memory_space<vmem>>
        %gather3A_361 = tpu.vector_load_idx %gather3A_360[%add3A_355, %broadcast_in_dim3A_356] : memref<800x32xf32, #tpu.memory_space<vmem>>[vector<16xi32>, vector<16xi32>], vector<16xf32>,
        %swap3A = arith.constant 0 : i32
        %swap3A_362 = arith.constant 0 : i32
        %swap3A_363 = arith.index_cast %swap3A : i32 to index
        %swap3A_364 = arith.index_cast %scan3A_350 : i32 to index
        %swap3A_365 = arith.index_cast %swap3A_362 : i32 to index
        %swap3A_366 = arith.constant 0 : index
        %swap3A_367 = tpu.vector_load %arg7[%swap3A_363, %swap3A_364, %swap3A_365, %swap3A_366] {strides = array<i32>} : memref<2x50x32x16xf32, #tpu.memory_space<vmem>>, vector<16xf32>,
        tpu.vector_store %arg7[%swap3A_363, %swap3A_364, %swap3A_365, %swap3A_366], %gather3A_361 {strides = array<i32>} : memref<2x50x32x16xf32, #tpu.memory_space<vmem>>, vector<16xf32>,
        %broadcast_in_dim3A_368 = arith.constant 1 : i32
        %broadcast_in_dim3A_369 = vector.broadcast %broadcast_in_dim3A_368 : i32 to vector<16xi32>
        %gather3A_370 = arith.constant 0 : i32
        %gather3A_371 = arith.constant 0 : i32
        %gather3A_372 = arith.constant 0 : i32
        %gather3A_373 = tpu.memref_slice %arg6[%gather3A_370, %gather3A_371, %gather3A_372] : memref<2x800x32xf32, #tpu.memory_space<vmem>> -> memref<1x800x32xf32, #tpu.memory_space<vmem>>
        %gather3A_374 = tpu.memref_squeeze %gather3A_373 : memref<1x800x32xf32, #tpu.memory_space<vmem>> -> memref<800x32xf32, #tpu.memory_space<vmem>>
        %gather3A_375 = tpu.vector_load_idx %gather3A_374[%add3A_355, %broadcast_in_dim3A_369] : memref<800x32xf32, #tpu.memory_space<vmem>>[vector<16xi32>, vector<16xi32>], vector<16xf32>,
        %swap3A_376 = arith.constant 0 : i32
        %swap3A_377 = arith.constant 1 : i32
        %swap3A_378 = arith.index_cast %swap3A_376 : i32 to index
        %swap3A_379 = arith.index_cast %scan3A_350 : i32 to index
        %swap3A_380 = arith.index_cast %swap3A_377 : i32 to index
        %swap3A_381 = arith.constant 0 : index
        %swap3A_382 = tpu.vector_load %arg7[%swap3A_378, %swap3A_379, %swap3A_380, %swap3A_381] {strides = array<i32>} : memref<2x50x32x16xf32, #tpu.memory_space<vmem>>, vector<16xf32>,
        tpu.vector_store %arg7[%swap3A_378, %swap3A_379, %swap3A_380, %swap3A_381], %gather3A_375 {strides = array<i32>} : memref<2x50x32x16xf32, #tpu.memory_space<vmem>>, vector<16xf32>,
        %broadcast_in_dim3A_383 = arith.constant 2 : i32
        %broadcast_in_dim3A_384 = vector.broadcast %broadcast_in_dim3A_383 : i32 to vector<16xi32>
        %gather3A_385 = arith.constant 0 : i32
        %gather3A_386 = arith.constant 0 : i32
        %gather3A_387 = arith.constant 0 : i32
        %gather3A_388 = tpu.memref_slice %arg6[%gather3A_385, %gather3A_386, %gather3A_387] : memref<2x800x32xf32, #tpu.memory_space<vmem>> -> memref<1x800x32xf32, #tpu.memory_space<vmem>>
        %gather3A_389 = tpu.memref_squeeze %gather3A_388 : memref<1x800x32xf32, #tpu.memory_space<vmem>> -> memref<800x32xf32, #tpu.memory_space<vmem>>
        %gather3A_390 = tpu.vector_load_idx %gather3A_389[%add3A_355, %broadcast_in_dim3A_384] : memref<800x32xf32, #tpu.memory_space<vmem>>[vector<16xi32>, vector<16xi32>], vector<16xf32>,
        %swap3A_391 = arith.constant 0 : i32
        %swap3A_392 = arith.constant 2 : i32
        %swap3A_393 = arith.index_cast %swap3A_391 : i32 to index
        %swap3A_394 = arith.index_cast %scan3A_350 : i32 to index
        %swap3A_395 = arith.index_cast %swap3A_392 : i32 to index
        %swap3A_396 = arith.constant 0 : index
        %swap3A_397 = tpu.vector_load %arg7[%swap3A_393, %swap3A_394, %swap3A_395, %swap3A_396] {strides = array<i32>} : memref<2x50x32x16xf32, #tpu.memory_space<vmem>>, vector<16xf32>,
        tpu.vector_store %arg7[%swap3A_393, %swap3A_394, %swap3A_395, %swap3A_396], %gather3A_390 {strides = array<i32>} : memref<2x50x32x16xf32, #tpu.memory_space<vmem>>, vector<16xf32>,
        %broadcast_in_dim3A_398 = arith.constant 3 : i32
        %broadcast_in_dim3A_399 = vector.broadcast %broadcast_in_dim3A_398 : i32 to vector<16xi32>
        %gather3A_400 = arith.constant 0 : i32
        %gather3A_401 = arith.constant 0 : i32
        %gather3A_402 = arith.constant 0 : i32
        %gather3A_403 = tpu.memref_slice %arg6[%gather3A_400, %gather3A_401, %gather3A_402] : memref<2x800x32xf32, #tpu.memory_space<vmem>> -> memref<1x800x32xf32, #tpu.memory_space<vmem>>
        %gather3A_404 = tpu.memref_squeeze %gather3A_403 : memref<1x800x32xf32, #tpu.memory_space<vmem>> -> memref<800x32xf32, #tpu.memory_space<vmem>>
        %gather3A_405 = tpu.vector_load_idx %gather3A_404[%add3A_355, %broadcast_in_dim3A_399] : memref<800x32xf32, #tpu.memory_space<vmem>>[vector<16xi32>, vector<16xi32>], vector<16xf32>,
        %swap3A_406 = arith.constant 0 : i32
        %swap3A_407 = arith.constant 3 : i32
        %swap3A_408 = arith.index_cast %swap3A_406 : i32 to index
        %swap3A_409 = arith.index_cast %scan3A_350 : i32 to index
        %swap3A_410 = arith.index_cast %swap3A_407 : i32 to index
        %swap3A_411 = arith.constant 0 : index
        %swap3A_412 = tpu.vector_load %arg7[%swap3A_408, %swap3A_409, %swap3A_410, %swap3A_411] {strides = array<i32>} : memref<2x50x32x16xf32, #tpu.memory_space<vmem>>, vector<16xf32>,
        tpu.vector_store %arg7[%swap3A_408, %swap3A_409, %swap3A_410, %swap3A_411], %gather3A_405 {strides = array<i32>} : memref<2x50x32x16xf32, #tpu.memory_space<vmem>>, vector<16xf32>,
        %broadcast_in_dim3A_413 = arith.constant 4 : i32
        %broadcast_in_dim3A_414 = vector.broadcast %broadcast_in_dim3A_413 : i32 to vector<16xi32>
        %gather3A_415 = arith.constant 0 : i32
        %gather3A_416 = arith.constant 0 : i32
        %gather3A_417 = arith.constant 0 : i32
        %gather3A_418 = tpu.memref_slice %arg6[%gather3A_415, %gather3A_416, %gather3A_417] : memref<2x800x32xf32, #tpu.memory_space<vmem>> -> memref<1x800x32xf32, #tpu.memory_space<vmem>>
        %gather3A_419 = tpu.memref_squeeze %gather3A_418 : memref<1x800x32xf32, #tpu.memory_space<vmem>> -> memref<800x32xf32, #tpu.memory_space<vmem>>
        %gather3A_420 = tpu.vector_load_idx %gather3A_419[%add3A_355, %broadcast_in_dim3A_414] : memref<800x32xf32, #tpu.memory_space<vmem>>[vector<16xi32>, vector<16xi32>], vector<16xf32>,
        %swap3A_421 = arith.constant 0 : i32
        %swap3A_422 = arith.constant 4 : i32
        %swap3A_423 = arith.index_cast %swap3A_421 : i32 to index
        %swap3A_424 = arith.index_cast %scan3A_350 : i32 to index
        %swap3A_425 = arith.index_cast %swap3A_422 : i32 to index
        %swap3A_426 = arith.constant 0 : index
        %swap3A_427 = tpu.vector_load %arg7[%swap3A_423, %swap3A_424, %swap3A_425, %swap3A_426] {strides = array<i32>} : memref<2x50x32x16xf32, #tpu.memory_space<vmem>>, vector<16xf32>,
        tpu.vector_store %arg7[%swap3A_423, %swap3A_424, %swap3A_425, %swap3A_426], %gather3A_420 {strides = array<i32>} : memref<2x50x32x16xf32, #tpu.memory_space<vmem>>, vector<16xf32>,
        %broadcast_in_dim3A_428 = arith.constant 5 : i32
        %broadcast_in_dim3A_429 = vector.broadcast %broadcast_in_dim3A_428 : i32 to vector<16xi32>
        %gather3A_430 = arith.constant 0 : i32
        %gather3A_431 = arith.constant 0 : i32
        %gather3A_432 = arith.constant 0 : i32
        %gather3A_433 = tpu.memref_slice %arg6[%gather3A_430, %gather3A_431, %gather3A_432] : memref<2x800x32xf32, #tpu.memory_space<vmem>> -> memref<1x800x32xf32, #tpu.memory_space<vmem>>
        %gather3A_434 = tpu.memref_squeeze %gather3A_433 : memref<1x800x32xf32, #tpu.memory_space<vmem>> -> memref<800x32xf32, #tpu.memory_space<vmem>>
        %gather3A_435 = tpu.vector_load_idx %gather3A_434[%add3A_355, %broadcast_in_dim3A_429] : memref<800x32xf32, #tpu.memory_space<vmem>>[vector<16xi32>, vector<16xi32>], vector<16xf32>,
        %swap3A_436 = arith.constant 0 : i32
        %swap3A_437 = arith.constant 5 : i32
        %swap3A_438 = arith.index_cast %swap3A_436 : i32 to index
        %swap3A_439 = arith.index_cast %scan3A_350 : i32 to index
        %swap3A_440 = arith.index_cast %swap3A_437 : i32 to index
        %swap3A_441 = arith.constant 0 : index
        %swap3A_442 = tpu.vector_load %arg7[%swap3A_438, %swap3A_439, %swap3A_440, %swap3A_441] {strides = array<i32>} : memref<2x50x32x16xf32, #tpu.memory_space<vmem>>, vector<16xf32>,
        tpu.vector_store %arg7[%swap3A_438, %swap3A_439, %swap3A_440, %swap3A_441], %gather3A_435 {strides = array<i32>} : memref<2x50x32x16xf32, #tpu.memory_space<vmem>>, vector<16xf32>,
        %broadcast_in_dim3A_443 = arith.constant 6 : i32
        %broadcast_in_dim3A_444 = vector.broadcast %broadcast_in_dim3A_443 : i32 to vector<16xi32>
        %gather3A_445 = arith.constant 0 : i32
        %gather3A_446 = arith.constant 0 : i32
        %gather3A_447 = arith.constant 0 : i32
        %gather3A_448 = tpu.memref_slice %arg6[%gather3A_445, %gather3A_446, %gather3A_447] : memref<2x800x32xf32, #tpu.memory_space<vmem>> -> memref<1x800x32xf32, #tpu.memory_space<vmem>>
        %gather3A_449 = tpu.memref_squeeze %gather3A_448 : memref<1x800x32xf32, #tpu.memory_space<vmem>> -> memref<800x32xf32, #tpu.memory_space<vmem>>
        %gather3A_450 = tpu.vector_load_idx %gather3A_449[%add3A_355, %broadcast_in_dim3A_444] : memref<800x32xf32, #tpu.memory_space<vmem>>[vector<16xi32>, vector<16xi32>], vector<16xf32>,
        %swap3A_451 = arith.constant 0 : i32
        %swap3A_452 = arith.constant 6 : i32
        %swap3A_453 = arith.index_cast %swap3A_451 : i32 to index
        %swap3A_454 = arith.index_cast %scan3A_350 : i32 to index
        %swap3A_455 = arith.index_cast %swap3A_452 : i32 to index
        %swap3A_456 = arith.constant 0 : index
        %swap3A_457 = tpu.vector_load %arg7[%swap3A_453, %swap3A_454, %swap3A_455, %swap3A_456] {strides = array<i32>} : memref<2x50x32x16xf32, #tpu.memory_space<vmem>>, vector<16xf32>,
        tpu.vector_store %arg7[%swap3A_453, %swap3A_454, %swap3A_455, %swap3A_456], %gather3A_450 {strides = array<i32>} : memref<2x50x32x16xf32, #tpu.memory_space<vmem>>, vector<16xf32>,
        %broadcast_in_dim3A_458 = arith.constant 7 : i32
        %broadcast_in_dim3A_459 = vector.broadcast %broadcast_in_dim3A_458 : i32 to vector<16xi32>
        %gather3A_460 = arith.constant 0 : i32
        %gather3A_461 = arith.constant 0 : i32
        %gather3A_462 = arith.constant 0 : i32
        %gather3A_463 = tpu.memref_slice %arg6[%gather3A_460, %gather3A_461, %gather3A_462] : memref<2x800x32xf32, #tpu.memory_space<vmem>> -> memref<1x800x32xf32, #tpu.memory_space<vmem>>
        %gather3A_464 = tpu.memref_squeeze %gather3A_463 : memref<1x800x32xf32, #tpu.memory_space<vmem>> -> memref<800x32xf32, #tpu.memory_space<vmem>>
        %gather3A_465 = tpu.vector_load_idx %gather3A_464[%add3A_355, %broadcast_in_dim3A_459] : memref<800x32xf32, #tpu.memory_space<vmem>>[vector<16xi32>, vector<16xi32>], vector<16xf32>,
        %swap3A_466 = arith.constant 0 : i32
        %swap3A_467 = arith.constant 7 : i32
        %swap3A_468 = arith.index_cast %swap3A_466 : i32 to index
        %swap3A_469 = arith.index_cast %scan3A_350 : i32 to index
        %swap3A_470 = arith.index_cast %swap3A_467 : i32 to index
        %swap3A_471 = arith.constant 0 : index
        %swap3A_472 = tpu.vector_load %arg7[%swap3A_468, %swap3A_469, %swap3A_470, %swap3A_471] {strides = array<i32>} : memref<2x50x32x16xf32, #tpu.memory_space<vmem>>, vector<16xf32>,
        tpu.vector_store %arg7[%swap3A_468, %swap3A_469, %swap3A_470, %swap3A_471], %gather3A_465 {strides = array<i32>} : memref<2x50x32x16xf32, #tpu.memory_space<vmem>>, vector<16xf32>,
        %broadcast_in_dim3A_473 = arith.constant 8 : i32
        %broadcast_in_dim3A_474 = vector.broadcast %broadcast_in_dim3A_473 : i32 to vector<16xi32>
        %gather3A_475 = arith.constant 0 : i32
        %gather3A_476 = arith.constant 0 : i32
        %gather3A_477 = arith.constant 0 : i32
        %gather3A_478 = tpu.memref_slice %arg6[%gather3A_475, %gather3A_476, %gather3A_477] : memref<2x800x32xf32, #tpu.memory_space<vmem>> -> memref<1x800x32xf32, #tpu.memory_space<vmem>>
        %gather3A_479 = tpu.memref_squeeze %gather3A_478 : memref<1x800x32xf32, #tpu.memory_space<vmem>> -> memref<800x32xf32, #tpu.memory_space<vmem>>
        %gather3A_480 = tpu.vector_load_idx %gather3A_479[%add3A_355, %broadcast_in_dim3A_474] : memref<800x32xf32, #tpu.memory_space<vmem>>[vector<16xi32>, vector<16xi32>], vector<16xf32>,
        %swap3A_481 = arith.constant 0 : i32
        %swap3A_482 = arith.constant 8 : i32
        %swap3A_483 = arith.index_cast %swap3A_481 : i32 to index
        %swap3A_484 = arith.index_cast %scan3A_350 : i32 to index
        %swap3A_485 = arith.index_cast %swap3A_482 : i32 to index
        %swap3A_486 = arith.constant 0 : index
        %swap3A_487 = tpu.vector_load %arg7[%swap3A_483, %swap3A_484, %swap3A_485, %swap3A_486] {strides = array<i32>} : memref<2x50x32x16xf32, #tpu.memory_space<vmem>>, vector<16xf32>,
        tpu.vector_store %arg7[%swap3A_483, %swap3A_484, %swap3A_485, %swap3A_486], %gather3A_480 {strides = array<i32>} : memref<2x50x32x16xf32, #tpu.memory_space<vmem>>, vector<16xf32>,
        %broadcast_in_dim3A_488 = arith.constant 9 : i32
        %broadcast_in_dim3A_489 = vector.broadcast %broadcast_in_dim3A_488 : i32 to vector<16xi32>
        %gather3A_490 = arith.constant 0 : i32
        %gather3A_491 = arith.constant 0 : i32
        %gather3A_492 = arith.constant 0 : i32
        %gather3A_493 = tpu.memref_slice %arg6[%gather3A_490, %gather3A_491, %gather3A_492] : memref<2x800x32xf32, #tpu.memory_space<vmem>> -> memref<1x800x32xf32, #tpu.memory_space<vmem>>
        %gather3A_494 = tpu.memref_squeeze %gather3A_493 : memref<1x800x32xf32, #tpu.memory_space<vmem>> -> memref<800x32xf32, #tpu.memory_space<vmem>>
        %gather3A_495 = tpu.vector_load_idx %gather3A_494[%add3A_355, %broadcast_in_dim3A_489] : memref<800x32xf32, #tpu.memory_space<vmem>>[vector<16xi32>, vector<16xi32>], vector<16xf32>,
        %swap3A_496 = arith.constant 0 : i32
        %swap3A_497 = arith.constant 9 : i32
        %swap3A_498 = arith.index_cast %swap3A_496 : i32 to index
        %swap3A_499 = arith.index_cast %scan3A_350 : i32 to index
        %swap3A_500 = arith.index_cast %swap3A_497 : i32 to index
        %swap3A_501 = arith.constant 0 : index
        %swap3A_502 = tpu.vector_load %arg7[%swap3A_498, %swap3A_499, %swap3A_500, %swap3A_501] {strides = array<i32>} : memref<2x50x32x16xf32, #tpu.memory_space<vmem>>, vector<16xf32>,
        tpu.vector_store %arg7[%swap3A_498, %swap3A_499, %swap3A_500, %swap3A_501], %gather3A_495 {strides = array<i32>} : memref<2x50x32x16xf32, #tpu.memory_space<vmem>>, vector<16xf32>,
        %broadcast_in_dim3A_503 = arith.constant 10 : i32
        %broadcast_in_dim3A_504 = vector.broadcast %broadcast_in_dim3A_503 : i32 to vector<16xi32>
        %gather3A_505 = arith.constant 0 : i32
        %gather3A_506 = arith.constant 0 : i32
        %gather3A_507 = arith.constant 0 : i32
        %gather3A_508 = tpu.memref_slice %arg6[%gather3A_505, %gather3A_506, %gather3A_507] : memref<2x800x32xf32, #tpu.memory_space<vmem>> -> memref<1x800x32xf32, #tpu.memory_space<vmem>>
        %gather3A_509 = tpu.memref_squeeze %gather3A_508 : memref<1x800x32xf32, #tpu.memory_space<vmem>> -> memref<800x32xf32, #tpu.memory_space<vmem>>
        %gather3A_510 = tpu.vector_load_idx %gather3A_509[%add3A_355, %broadcast_in_dim3A_504] : memref<800x32xf32, #tpu.memory_space<vmem>>[vector<16xi32>, vector<16xi32>], vector<16xf32>,
        %swap3A_511 = arith.constant 0 : i32
        %swap3A_512 = arith.constant 10 : i32
        %swap3A_513 = arith.index_cast %swap3A_511 : i32 to index
        %swap3A_514 = arith.index_cast %scan3A_350 : i32 to index
        %swap3A_515 = arith.index_cast %swap3A_512 : i32 to index
        %swap3A_516 = arith.constant 0 : index
        %swap3A_517 = tpu.vector_load %arg7[%swap3A_513, %swap3A_514, %swap3A_515, %swap3A_516] {strides = array<i32>} : memref<2x50x32x16xf32, #tpu.memory_space<vmem>>, vector<16xf32>,
        tpu.vector_store %arg7[%swap3A_513, %swap3A_514, %swap3A_515, %swap3A_516], %gather3A_510 {strides = array<i32>} : memref<2x50x32x16xf32, #tpu.memory_space<vmem>>, vector<16xf32>,
        %broadcast_in_dim3A_518 = arith.constant 11 : i32
        %broadcast_in_dim3A_519 = vector.broadcast %broadcast_in_dim3A_518 : i32 to vector<16xi32>
        %gather3A_520 = arith.constant 0 : i32
        %gather3A_521 = arith.constant 0 : i32
        %gather3A_522 = arith.constant 0 : i32
        %gather3A_523 = tpu.memref_slice %arg6[%gather3A_520, %gather3A_521, %gather3A_522] : memref<2x800x32xf32, #tpu.memory_space<vmem>> -> memref<1x800x32xf32, #tpu.memory_space<vmem>>
        %gather3A_524 = tpu.memref_squeeze %gather3A_523 : memref<1x800x32xf32, #tpu.memory_space<vmem>> -> memref<800x32xf32, #tpu.memory_space<vmem>>
        %gather3A_525 = tpu.vector_load_idx %gather3A_524[%add3A_355, %broadcast_in_dim3A_519] : memref<800x32xf32, #tpu.memory_space<vmem>>[vector<16xi32>, vector<16xi32>], vector<16xf32>,
        %swap3A_526 = arith.constant 0 : i32
        %swap3A_527 = arith.constant 11 : i32
        %swap3A_528 = arith.index_cast %swap3A_526 : i32 to index
        %swap3A_529 = arith.index_cast %scan3A_350 : i32 to index
        %swap3A_530 = arith.index_cast %swap3A_527 : i32 to index
        %swap3A_531 = arith.constant 0 : index
        %swap3A_532 = tpu.vector_load %arg7[%swap3A_528, %swap3A_529, %swap3A_530, %swap3A_531] {strides = array<i32>} : memref<2x50x32x16xf32, #tpu.memory_space<vmem>>, vector<16xf32>,
        tpu.vector_store %arg7[%swap3A_528, %swap3A_529, %swap3A_530, %swap3A_531], %gather3A_525 {strides = array<i32>} : memref<2x50x32x16xf32, #tpu.memory_space<vmem>>, vector<16xf32>,
        %broadcast_in_dim3A_533 = arith.constant 12 : i32
        %broadcast_in_dim3A_534 = vector.broadcast %broadcast_in_dim3A_533 : i32 to vector<16xi32>
        %gather3A_535 = arith.constant 0 : i32
        %gather3A_536 = arith.constant 0 : i32
        %gather3A_537 = arith.constant 0 : i32
        %gather3A_538 = tpu.memref_slice %arg6[%gather3A_535, %gather3A_536, %gather3A_537] : memref<2x800x32xf32, #tpu.memory_space<vmem>> -> memref<1x800x32xf32, #tpu.memory_space<vmem>>
        %gather3A_539 = tpu.memref_squeeze %gather3A_538 : memref<1x800x32xf32, #tpu.memory_space<vmem>> -> memref<800x32xf32, #tpu.memory_space<vmem>>
        %gather3A_540 = tpu.vector_load_idx %gather3A_539[%add3A_355, %broadcast_in_dim3A_534] : memref<800x32xf32, #tpu.memory_space<vmem>>[vector<16xi32>, vector<16xi32>], vector<16xf32>,
        %swap3A_541 = arith.constant 0 : i32
        %swap3A_542 = arith.constant 12 : i32
        %swap3A_543 = arith.index_cast %swap3A_541 : i32 to index
        %swap3A_544 = arith.index_cast %scan3A_350 : i32 to index
        %swap3A_545 = arith.index_cast %swap3A_542 : i32 to index
        %swap3A_546 = arith.constant 0 : index
        %swap3A_547 = tpu.vector_load %arg7[%swap3A_543, %swap3A_544, %swap3A_545, %swap3A_546] {strides = array<i32>} : memref<2x50x32x16xf32, #tpu.memory_space<vmem>>, vector<16xf32>,
        tpu.vector_store %arg7[%swap3A_543, %swap3A_544, %swap3A_545, %swap3A_546], %gather3A_540 {strides = array<i32>} : memref<2x50x32x16xf32, #tpu.memory_space<vmem>>, vector<16xf32>,
        %broadcast_in_dim3A_548 = arith.constant 13 : i32
        %broadcast_in_dim3A_549 = vector.broadcast %broadcast_in_dim3A_548 : i32 to vector<16xi32>
        %gather3A_550 = arith.constant 0 : i32
        %gather3A_551 = arith.constant 0 : i32
        %gather3A_552 = arith.constant 0 : i32
        %gather3A_553 = tpu.memref_slice %arg6[%gather3A_550, %gather3A_551, %gather3A_552] : memref<2x800x32xf32, #tpu.memory_space<vmem>> -> memref<1x800x32xf32, #tpu.memory_space<vmem>>
        %gather3A_554 = tpu.memref_squeeze %gather3A_553 : memref<1x800x32xf32, #tpu.memory_space<vmem>> -> memref<800x32xf32, #tpu.memory_space<vmem>>
        %gather3A_555 = tpu.vector_load_idx %gather3A_554[%add3A_355, %broadcast_in_dim3A_549] : memref<800x32xf32, #tpu.memory_space<vmem>>[vector<16xi32>, vector<16xi32>], vector<16xf32>,
        %swap3A_556 = arith.constant 0 : i32
        %swap3A_557 = arith.constant 13 : i32
        %swap3A_558 = arith.index_cast %swap3A_556 : i32 to index
        %swap3A_559 = arith.index_cast %scan3A_350 : i32 to index
        %swap3A_560 = arith.index_cast %swap3A_557 : i32 to index
        %swap3A_561 = arith.constant 0 : index
        %swap3A_562 = tpu.vector_load %arg7[%swap3A_558, %swap3A_559, %swap3A_560, %swap3A_561] {strides = array<i32>} : memref<2x50x32x16xf32, #tpu.memory_space<vmem>>, vector<16xf32>,
        tpu.vector_store %arg7[%swap3A_558, %swap3A_559, %swap3A_560, %swap3A_561], %gather3A_555 {strides = array<i32>} : memref<2x50x32x16xf32, #tpu.memory_space<vmem>>, vector<16xf32>,
        %broadcast_in_dim3A_563 = arith.constant 14 : i32
        %broadcast_in_dim3A_564 = vector.broadcast %broadcast_in_dim3A_563 : i32 to vector<16xi32>
        %gather3A_565 = arith.constant 0 : i32
        %gather3A_566 = arith.constant 0 : i32
        %gather3A_567 = arith.constant 0 : i32
        %gather3A_568 = tpu.memref_slice %arg6[%gather3A_565, %gather3A_566, %gather3A_567] : memref<2x800x32xf32, #tpu.memory_space<vmem>> -> memref<1x800x32xf32, #tpu.memory_space<vmem>>
        %gather3A_569 = tpu.memref_squeeze %gather3A_568 : memref<1x800x32xf32, #tpu.memory_space<vmem>> -> memref<800x32xf32, #tpu.memory_space<vmem>>
        %gather3A_570 = tpu.vector_load_idx %gather3A_569[%add3A_355, %broadcast_in_dim3A_564] : memref<800x32xf32, #tpu.memory_space<vmem>>[vector<16xi32>, vector<16xi32>], vector<16xf32>,
        %swap3A_571 = arith.constant 0 : i32
        %swap3A_572 = arith.constant 14 : i32
        %swap3A_573 = arith.index_cast %swap3A_571 : i32 to index
        %swap3A_574 = arith.index_cast %scan3A_350 : i32 to index
        %swap3A_575 = arith.index_cast %swap3A_572 : i32 to index
        %swap3A_576 = arith.constant 0 : index
        %swap3A_577 = tpu.vector_load %arg7[%swap3A_573, %swap3A_574, %swap3A_575, %swap3A_576] {strides = array<i32>} : memref<2x50x32x16xf32, #tpu.memory_space<vmem>>, vector<16xf32>,
        tpu.vector_store %arg7[%swap3A_573, %swap3A_574, %swap3A_575, %swap3A_576], %gather3A_570 {strides = array<i32>} : memref<2x50x32x16xf32, #tpu.memory_space<vmem>>, vector<16xf32>,
        %broadcast_in_dim3A_578 = arith.constant 15 : i32
        %broadcast_in_dim3A_579 = vector.broadcast %broadcast_in_dim3A_578 : i32 to vector<16xi32>
        %gather3A_580 = arith.constant 0 : i32
        %gather3A_581 = arith.constant 0 : i32
        %gather3A_582 = arith.constant 0 : i32
        %gather3A_583 = tpu.memref_slice %arg6[%gather3A_580, %gather3A_581, %gather3A_582] : memref<2x800x32xf32, #tpu.memory_space<vmem>> -> memref<1x800x32xf32, #tpu.memory_space<vmem>>
        %gather3A_584 = tpu.memref_squeeze %gather3A_583 : memref<1x800x32xf32, #tpu.memory_space<vmem>> -> memref<800x32xf32, #tpu.memory_space<vmem>>
        %gather3A_585 = tpu.vector_load_idx %gather3A_584[%add3A_355, %broadcast_in_dim3A_579] : memref<800x32xf32, #tpu.memory_space<vmem>>[vector<16xi32>, vector<16xi32>], vector<16xf32>,
        %swap3A_586 = arith.constant 0 : i32
        %swap3A_587 = arith.constant 15 : i32
        %swap3A_588 = arith.index_cast %swap3A_586 : i32 to index
        %swap3A_589 = arith.index_cast %scan3A_350 : i32 to index
        %swap3A_590 = arith.index_cast %swap3A_587 : i32 to index
        %swap3A_591 = arith.constant 0 : index
        %swap3A_592 = tpu.vector_load %arg7[%swap3A_588, %swap3A_589, %swap3A_590, %swap3A_591] {strides = array<i32>} : memref<2x50x32x16xf32, #tpu.memory_space<vmem>>, vector<16xf32>,
        tpu.vector_store %arg7[%swap3A_588, %swap3A_589, %swap3A_590, %swap3A_591], %gather3A_585 {strides = array<i32>} : memref<2x50x32x16xf32, #tpu.memory_space<vmem>>, vector<16xf32>,
        %broadcast_in_dim3A_593 = arith.constant 16 : i32
        %broadcast_in_dim3A_594 = vector.broadcast %broadcast_in_dim3A_593 : i32 to vector<16xi32>
        %gather3A_595 = arith.constant 0 : i32
        %gather3A_596 = arith.constant 0 : i32
        %gather3A_597 = arith.constant 0 : i32
        %gather3A_598 = tpu.memref_slice %arg6[%gather3A_595, %gather3A_596, %gather3A_597] : memref<2x800x32xf32, #tpu.memory_space<vmem>> -> memref<1x800x32xf32, #tpu.memory_space<vmem>>
        %gather3A_599 = tpu.memref_squeeze %gather3A_598 : memref<1x800x32xf32, #tpu.memory_space<vmem>> -> memref<800x32xf32, #tpu.memory_space<vmem>>
        %gather3A_600 = tpu.vector_load_idx %gather3A_599[%add3A_355, %broadcast_in_dim3A_594] : memref<800x32xf32, #tpu.memory_space<vmem>>[vector<16xi32>, vector<16xi32>], vector<16xf32>,
        %swap3A_601 = arith.constant 0 : i32
        %swap3A_602 = arith.constant 16 : i32
        %swap3A_603 = arith.index_cast %swap3A_601 : i32 to index
        %swap3A_604 = arith.index_cast %scan3A_350 : i32 to index
        %swap3A_605 = arith.index_cast %swap3A_602 : i32 to index
        %swap3A_606 = arith.constant 0 : index
        %swap3A_607 = tpu.vector_load %arg7[%swap3A_603, %swap3A_604, %swap3A_605, %swap3A_606] {strides = array<i32>} : memref<2x50x32x16xf32, #tpu.memory_space<vmem>>, vector<16xf32>,
        tpu.vector_store %arg7[%swap3A_603, %swap3A_604, %swap3A_605, %swap3A_606], %gather3A_600 {strides = array<i32>} : memref<2x50x32x16xf32, #tpu.memory_space<vmem>>, vector<16xf32>,
        %broadcast_in_dim3A_608 = arith.constant 17 : i32
        %broadcast_in_dim3A_609 = vector.broadcast %broadcast_in_dim3A_608 : i32 to vector<16xi32>
        %gather3A_610 = arith.constant 0 : i32
        %gather3A_611 = arith.constant 0 : i32
        %gather3A_612 = arith.constant 0 : i32
        %gather3A_613 = tpu.memref_slice %arg6[%gather3A_610, %gather3A_611, %gather3A_612] : memref<2x800x32xf32, #tpu.memory_space<vmem>> -> memref<1x800x32xf32, #tpu.memory_space<vmem>>
        %gather3A_614 = tpu.memref_squeeze %gather3A_613 : memref<1x800x32xf32, #tpu.memory_space<vmem>> -> memref<800x32xf32, #tpu.memory_space<vmem>>
        %gather3A_615 = tpu.vector_load_idx %gather3A_614[%add3A_355, %broadcast_in_dim3A_609] : memref<800x32xf32, #tpu.memory_space<vmem>>[vector<16xi32>, vector<16xi32>], vector<16xf32>,
        %swap3A_616 = arith.constant 0 : i32
        %swap3A_617 = arith.constant 17 : i32
        %swap3A_618 = arith.index_cast %swap3A_616 : i32 to index
        %swap3A_619 = arith.index_cast %scan3A_350 : i32 to index
        %swap3A_620 = arith.index_cast %swap3A_617 : i32 to index
        %swap3A_621 = arith.constant 0 : index
        %swap3A_622 = tpu.vector_load %arg7[%swap3A_618, %swap3A_619, %swap3A_620, %swap3A_621] {strides = array<i32>} : memref<2x50x32x16xf32, #tpu.memory_space<vmem>>, vector<16xf32>,
        tpu.vector_store %arg7[%swap3A_618, %swap3A_619, %swap3A_620, %swap3A_621], %gather3A_615 {strides = array<i32>} : memref<2x50x32x16xf32, #tpu.memory_space<vmem>>, vector<16xf32>,
        %broadcast_in_dim3A_623 = arith.constant 18 : i32
        %broadcast_in_dim3A_624 = vector.broadcast %broadcast_in_dim3A_623 : i32 to vector<16xi32>
        %gather3A_625 = arith.constant 0 : i32
        %gather3A_626 = arith.constant 0 : i32
        %gather3A_627 = arith.constant 0 : i32
        %gather3A_628 = tpu.memref_slice %arg6[%gather3A_625, %gather3A_626, %gather3A_627] : memref<2x800x32xf32, #tpu.memory_space<vmem>> -> memref<1x800x32xf32, #tpu.memory_space<vmem>>
        %gather3A_629 = tpu.memref_squeeze %gather3A_628 : memref<1x800x32xf32, #tpu.memory_space<vmem>> -> memref<800x32xf32, #tpu.memory_space<vmem>>
        %gather3A_630 = tpu.vector_load_idx %gather3A_629[%add3A_355, %broadcast_in_dim3A_624] : memref<800x32xf32, #tpu.memory_space<vmem>>[vector<16xi32>, vector<16xi32>], vector<16xf32>,
        %swap3A_631 = arith.constant 0 : i32
        %swap3A_632 = arith.constant 18 : i32
        %swap3A_633 = arith.index_cast %swap3A_631 : i32 to index
        %swap3A_634 = arith.index_cast %scan3A_350 : i32 to index
        %swap3A_635 = arith.index_cast %swap3A_632 : i32 to index
        %swap3A_636 = arith.constant 0 : index
        %swap3A_637 = tpu.vector_load %arg7[%swap3A_633, %swap3A_634, %swap3A_635, %swap3A_636] {strides = array<i32>} : memref<2x50x32x16xf32, #tpu.memory_space<vmem>>, vector<16xf32>,
        tpu.vector_store %arg7[%swap3A_633, %swap3A_634, %swap3A_635, %swap3A_636], %gather3A_630 {strides = array<i32>} : memref<2x50x32x16xf32, #tpu.memory_space<vmem>>, vector<16xf32>,
        %broadcast_in_dim3A_638 = arith.constant 19 : i32
        %broadcast_in_dim3A_639 = vector.broadcast %broadcast_in_dim3A_638 : i32 to vector<16xi32>
        %gather3A_640 = arith.constant 0 : i32
        %gather3A_641 = arith.constant 0 : i32
        %gather3A_642 = arith.constant 0 : i32
        %gather3A_643 = tpu.memref_slice %arg6[%gather3A_640, %gather3A_641, %gather3A_642] : memref<2x800x32xf32, #tpu.memory_space<vmem>> -> memref<1x800x32xf32, #tpu.memory_space<vmem>>
        %gather3A_644 = tpu.memref_squeeze %gather3A_643 : memref<1x800x32xf32, #tpu.memory_space<vmem>> -> memref<800x32xf32, #tpu.memory_space<vmem>>
        %gather3A_645 = tpu.vector_load_idx %gather3A_644[%add3A_355, %broadcast_in_dim3A_639] : memref<800x32xf32, #tpu.memory_space<vmem>>[vector<16xi32>, vector<16xi32>], vector<16xf32>,
        %swap3A_646 = arith.constant 0 : i32
        %swap3A_647 = arith.constant 19 : i32
        %swap3A_648 = arith.index_cast %swap3A_646 : i32 to index
        %swap3A_649 = arith.index_cast %scan3A_350 : i32 to index
        %swap3A_650 = arith.index_cast %swap3A_647 : i32 to index
        %swap3A_651 = arith.constant 0 : index
        %swap3A_652 = tpu.vector_load %arg7[%swap3A_648, %swap3A_649, %swap3A_650, %swap3A_651] {strides = array<i32>} : memref<2x50x32x16xf32, #tpu.memory_space<vmem>>, vector<16xf32>,
        tpu.vector_store %arg7[%swap3A_648, %swap3A_649, %swap3A_650, %swap3A_651], %gather3A_645 {strides = array<i32>} : memref<2x50x32x16xf32, #tpu.memory_space<vmem>>, vector<16xf32>,
        %broadcast_in_dim3A_653 = arith.constant 20 : i32
        %broadcast_in_dim3A_654 = vector.broadcast %broadcast_in_dim3A_653 : i32 to vector<16xi32>
        %gather3A_655 = arith.constant 0 : i32
        %gather3A_656 = arith.constant 0 : i32
        %gather3A_657 = arith.constant 0 : i32
        %gather3A_658 = tpu.memref_slice %arg6[%gather3A_655, %gather3A_656, %gather3A_657] : memref<2x800x32xf32, #tpu.memory_space<vmem>> -> memref<1x800x32xf32, #tpu.memory_space<vmem>>
        %gather3A_659 = tpu.memref_squeeze %gather3A_658 : memref<1x800x32xf32, #tpu.memory_space<vmem>> -> memref<800x32xf32, #tpu.memory_space<vmem>>
        %gather3A_660 = tpu.vector_load_idx %gather3A_659[%add3A_355, %broadcast_in_dim3A_654] : memref<800x32xf32, #tpu.memory_space<vmem>>[vector<16xi32>, vector<16xi32>], vector<16xf32>,
        %swap3A_661 = arith.constant 0 : i32
        %swap3A_662 = arith.constant 20 : i32
        %swap3A_663 = arith.index_cast %swap3A_661 : i32 to index
        %swap3A_664 = arith.index_cast %scan3A_350 : i32 to index
        %swap3A_665 = arith.index_cast %swap3A_662 : i32 to index
        %swap3A_666 = arith.constant 0 : index
        %swap3A_667 = tpu.vector_load %arg7[%swap3A_663, %swap3A_664, %swap3A_665, %swap3A_666] {strides = array<i32>} : memref<2x50x32x16xf32, #tpu.memory_space<vmem>>, vector<16xf32>,
        tpu.vector_store %arg7[%swap3A_663, %swap3A_664, %swap3A_665, %swap3A_666], %gather3A_660 {strides = array<i32>} : memref<2x50x32x16xf32, #tpu.memory_space<vmem>>, vector<16xf32>,
        %broadcast_in_dim3A_668 = arith.constant 21 : i32
        %broadcast_in_dim3A_669 = vector.broadcast %broadcast_in_dim3A_668 : i32 to vector<16xi32>
        %gather3A_670 = arith.constant 0 : i32
        %gather3A_671 = arith.constant 0 : i32
        %gather3A_672 = arith.constant 0 : i32
        %gather3A_673 = tpu.memref_slice %arg6[%gather3A_670, %gather3A_671, %gather3A_672] : memref<2x800x32xf32, #tpu.memory_space<vmem>> -> memref<1x800x32xf32, #tpu.memory_space<vmem>>
        %gather3A_674 = tpu.memref_squeeze %gather3A_673 : memref<1x800x32xf32, #tpu.memory_space<vmem>> -> memref<800x32xf32, #tpu.memory_space<vmem>>
        %gather3A_675 = tpu.vector_load_idx %gather3A_674[%add3A_355, %broadcast_in_dim3A_669] : memref<800x32xf32, #tpu.memory_space<vmem>>[vector<16xi32>, vector<16xi32>], vector<16xf32>,
        %swap3A_676 = arith.constant 0 : i32
        %swap3A_677 = arith.constant 21 : i32
        %swap3A_678 = arith.index_cast %swap3A_676 : i32 to index
        %swap3A_679 = arith.index_cast %scan3A_350 : i32 to index
        %swap3A_680 = arith.index_cast %swap3A_677 : i32 to index
        %swap3A_681 = arith.constant 0 : index
        %swap3A_682 = tpu.vector_load %arg7[%swap3A_678, %swap3A_679, %swap3A_680, %swap3A_681] {strides = array<i32>} : memref<2x50x32x16xf32, #tpu.memory_space<vmem>>, vector<16xf32>,
        tpu.vector_store %arg7[%swap3A_678, %swap3A_679, %swap3A_680, %swap3A_681], %gather3A_675 {strides = array<i32>} : memref<2x50x32x16xf32, #tpu.memory_space<vmem>>, vector<16xf32>,
        %broadcast_in_dim3A_683 = arith.constant 22 : i32
        %broadcast_in_dim3A_684 = vector.broadcast %broadcast_in_dim3A_683 : i32 to vector<16xi32>
        %gather3A_685 = arith.constant 0 : i32
        %gather3A_686 = arith.constant 0 : i32
        %gather3A_687 = arith.constant 0 : i32
        %gather3A_688 = tpu.memref_slice %arg6[%gather3A_685, %gather3A_686, %gather3A_687] : memref<2x800x32xf32, #tpu.memory_space<vmem>> -> memref<1x800x32xf32, #tpu.memory_space<vmem>>
        %gather3A_689 = tpu.memref_squeeze %gather3A_688 : memref<1x800x32xf32, #tpu.memory_space<vmem>> -> memref<800x32xf32, #tpu.memory_space<vmem>>
        %gather3A_690 = tpu.vector_load_idx %gather3A_689[%add3A_355, %broadcast_in_dim3A_684] : memref<800x32xf32, #tpu.memory_space<vmem>>[vector<16xi32>, vector<16xi32>], vector<16xf32>,
        %swap3A_691 = arith.constant 0 : i32
        %swap3A_692 = arith.constant 22 : i32
        %swap3A_693 = arith.index_cast %swap3A_691 : i32 to index
        %swap3A_694 = arith.index_cast %scan3A_350 : i32 to index
        %swap3A_695 = arith.index_cast %swap3A_692 : i32 to index
        %swap3A_696 = arith.constant 0 : index
        %swap3A_697 = tpu.vector_load %arg7[%swap3A_693, %swap3A_694, %swap3A_695, %swap3A_696] {strides = array<i32>} : memref<2x50x32x16xf32, #tpu.memory_space<vmem>>, vector<16xf32>,
        tpu.vector_store %arg7[%swap3A_693, %swap3A_694, %swap3A_695, %swap3A_696], %gather3A_690 {strides = array<i32>} : memref<2x50x32x16xf32, #tpu.memory_space<vmem>>, vector<16xf32>,
        %broadcast_in_dim3A_698 = arith.constant 23 : i32
        %broadcast_in_dim3A_699 = vector.broadcast %broadcast_in_dim3A_698 : i32 to vector<16xi32>
        %gather3A_700 = arith.constant 0 : i32
        %gather3A_701 = arith.constant 0 : i32
        %gather3A_702 = arith.constant 0 : i32
        %gather3A_703 = tpu.memref_slice %arg6[%gather3A_700, %gather3A_701, %gather3A_702] : memref<2x800x32xf32, #tpu.memory_space<vmem>> -> memref<1x800x32xf32, #tpu.memory_space<vmem>>
        %gather3A_704 = tpu.memref_squeeze %gather3A_703 : memref<1x800x32xf32, #tpu.memory_space<vmem>> -> memref<800x32xf32, #tpu.memory_space<vmem>>
        %gather3A_705 = tpu.vector_load_idx %gather3A_704[%add3A_355, %broadcast_in_dim3A_699] : memref<800x32xf32, #tpu.memory_space<vmem>>[vector<16xi32>, vector<16xi32>], vector<16xf32>,
        %swap3A_706 = arith.constant 0 : i32
        %swap3A_707 = arith.constant 23 : i32
        %swap3A_708 = arith.index_cast %swap3A_706 : i32 to index
        %swap3A_709 = arith.index_cast %scan3A_350 : i32 to index
        %swap3A_710 = arith.index_cast %swap3A_707 : i32 to index
        %swap3A_711 = arith.constant 0 : index
        %swap3A_712 = tpu.vector_load %arg7[%swap3A_708, %swap3A_709, %swap3A_710, %swap3A_711] {strides = array<i32>} : memref<2x50x32x16xf32, #tpu.memory_space<vmem>>, vector<16xf32>,
        tpu.vector_store %arg7[%swap3A_708, %swap3A_709, %swap3A_710, %swap3A_711], %gather3A_705 {strides = array<i32>} : memref<2x50x32x16xf32, #tpu.memory_space<vmem>>, vector<16xf32>,
        %broadcast_in_dim3A_713 = arith.constant 24 : i32
        %broadcast_in_dim3A_714 = vector.broadcast %broadcast_in_dim3A_713 : i32 to vector<16xi32>
        %gather3A_715 = arith.constant 0 : i32
        %gather3A_716 = arith.constant 0 : i32
        %gather3A_717 = arith.constant 0 : i32
        %gather3A_718 = tpu.memref_slice %arg6[%gather3A_715, %gather3A_716, %gather3A_717] : memref<2x800x32xf32, #tpu.memory_space<vmem>> -> memref<1x800x32xf32, #tpu.memory_space<vmem>>
        %gather3A_719 = tpu.memref_squeeze %gather3A_718 : memref<1x800x32xf32, #tpu.memory_space<vmem>> -> memref<800x32xf32, #tpu.memory_space<vmem>>
        %gather3A_720 = tpu.vector_load_idx %gather3A_719[%add3A_355, %broadcast_in_dim3A_714] : memref<800x32xf32, #tpu.memory_space<vmem>>[vector<16xi32>, vector<16xi32>], vector<16xf32>,
        %swap3A_721 = arith.constant 0 : i32
        %swap3A_722 = arith.constant 24 : i32
        %swap3A_723 = arith.index_cast %swap3A_721 : i32 to index
        %swap3A_724 = arith.index_cast %scan3A_350 : i32 to index
        %swap3A_725 = arith.index_cast %swap3A_722 : i32 to index
        %swap3A_726 = arith.constant 0 : index
        %swap3A_727 = tpu.vector_load %arg7[%swap3A_723, %swap3A_724, %swap3A_725, %swap3A_726] {strides = array<i32>} : memref<2x50x32x16xf32, #tpu.memory_space<vmem>>, vector<16xf32>,
        tpu.vector_store %arg7[%swap3A_723, %swap3A_724, %swap3A_725, %swap3A_726], %gather3A_720 {strides = array<i32>} : memref<2x50x32x16xf32, #tpu.memory_space<vmem>>, vector<16xf32>,
        %broadcast_in_dim3A_728 = arith.constant 25 : i32
        %broadcast_in_dim3A_729 = vector.broadcast %broadcast_in_dim3A_728 : i32 to vector<16xi32>
        %gather3A_730 = arith.constant 0 : i32
        %gather3A_731 = arith.constant 0 : i32
        %gather3A_732 = arith.constant 0 : i32
        %gather3A_733 = tpu.memref_slice %arg6[%gather3A_730, %gather3A_731, %gather3A_732] : memref<2x800x32xf32, #tpu.memory_space<vmem>> -> memref<1x800x32xf32, #tpu.memory_space<vmem>>
        %gather3A_734 = tpu.memref_squeeze %gather3A_733 : memref<1x800x32xf32, #tpu.memory_space<vmem>> -> memref<800x32xf32, #tpu.memory_space<vmem>>
        %gather3A_735 = tpu.vector_load_idx %gather3A_734[%add3A_355, %broadcast_in_dim3A_729] : memref<800x32xf32, #tpu.memory_space<vmem>>[vector<16xi32>, vector<16xi32>], vector<16xf32>,
        %swap3A_736 = arith.constant 0 : i32
        %swap3A_737 = arith.constant 25 : i32
        %swap3A_738 = arith.index_cast %swap3A_736 : i32 to index
        %swap3A_739 = arith.index_cast %scan3A_350 : i32 to index
        %swap3A_740 = arith.index_cast %swap3A_737 : i32 to index
        %swap3A_741 = arith.constant 0 : index
        %swap3A_742 = tpu.vector_load %arg7[%swap3A_738, %swap3A_739, %swap3A_740, %swap3A_741] {strides = array<i32>} : memref<2x50x32x16xf32, #tpu.memory_space<vmem>>, vector<16xf32>,
        tpu.vector_store %arg7[%swap3A_738, %swap3A_739, %swap3A_740, %swap3A_741], %gather3A_735 {strides = array<i32>} : memref<2x50x32x16xf32, #tpu.memory_space<vmem>>, vector<16xf32>,
        %broadcast_in_dim3A_743 = arith.constant 26 : i32
        %broadcast_in_dim3A_744 = vector.broadcast %broadcast_in_dim3A_743 : i32 to vector<16xi32>
        %gather3A_745 = arith.constant 0 : i32
        %gather3A_746 = arith.constant 0 : i32
        %gather3A_747 = arith.constant 0 : i32
        %gather3A_748 = tpu.memref_slice %arg6[%gather3A_745, %gather3A_746, %gather3A_747] : memref<2x800x32xf32, #tpu.memory_space<vmem>> -> memref<1x800x32xf32, #tpu.memory_space<vmem>>
        %gather3A_749 = tpu.memref_squeeze %gather3A_748 : memref<1x800x32xf32, #tpu.memory_space<vmem>> -> memref<800x32xf32, #tpu.memory_space<vmem>>
        %gather3A_750 = tpu.vector_load_idx %gather3A_749[%add3A_355, %broadcast_in_dim3A_744] : memref<800x32xf32, #tpu.memory_space<vmem>>[vector<16xi32>, vector<16xi32>], vector<16xf32>,
        %swap3A_751 = arith.constant 0 : i32
        %swap3A_752 = arith.constant 26 : i32
        %swap3A_753 = arith.index_cast %swap3A_751 : i32 to index
        %swap3A_754 = arith.index_cast %scan3A_350 : i32 to index
        %swap3A_755 = arith.index_cast %swap3A_752 : i32 to index
        %swap3A_756 = arith.constant 0 : index
        %swap3A_757 = tpu.vector_load %arg7[%swap3A_753, %swap3A_754, %swap3A_755, %swap3A_756] {strides = array<i32>} : memref<2x50x32x16xf32, #tpu.memory_space<vmem>>, vector<16xf32>,
        tpu.vector_store %arg7[%swap3A_753, %swap3A_754, %swap3A_755, %swap3A_756], %gather3A_750 {strides = array<i32>} : memref<2x50x32x16xf32, #tpu.memory_space<vmem>>, vector<16xf32>,
        %broadcast_in_dim3A_758 = arith.constant 27 : i32
        %broadcast_in_dim3A_759 = vector.broadcast %broadcast_in_dim3A_758 : i32 to vector<16xi32>
        %gather3A_760 = arith.constant 0 : i32
        %gather3A_761 = arith.constant 0 : i32
        %gather3A_762 = arith.constant 0 : i32
        %gather3A_763 = tpu.memref_slice %arg6[%gather3A_760, %gather3A_761, %gather3A_762] : memref<2x800x32xf32, #tpu.memory_space<vmem>> -> memref<1x800x32xf32, #tpu.memory_space<vmem>>
        %gather3A_764 = tpu.memref_squeeze %gather3A_763 : memref<1x800x32xf32, #tpu.memory_space<vmem>> -> memref<800x32xf32, #tpu.memory_space<vmem>>
        %gather3A_765 = tpu.vector_load_idx %gather3A_764[%add3A_355, %broadcast_in_dim3A_759] : memref<800x32xf32, #tpu.memory_space<vmem>>[vector<16xi32>, vector<16xi32>], vector<16xf32>,
        %swap3A_766 = arith.constant 0 : i32
        %swap3A_767 = arith.constant 27 : i32
        %swap3A_768 = arith.index_cast %swap3A_766 : i32 to index
        %swap3A_769 = arith.index_cast %scan3A_350 : i32 to index
        %swap3A_770 = arith.index_cast %swap3A_767 : i32 to index
        %swap3A_771 = arith.constant 0 : index
        %swap3A_772 = tpu.vector_load %arg7[%swap3A_768, %swap3A_769, %swap3A_770, %swap3A_771] {strides = array<i32>} : memref<2x50x32x16xf32, #tpu.memory_space<vmem>>, vector<16xf32>,
        tpu.vector_store %arg7[%swap3A_768, %swap3A_769, %swap3A_770, %swap3A_771], %gather3A_765 {strides = array<i32>} : memref<2x50x32x16xf32, #tpu.memory_space<vmem>>, vector<16xf32>,
        %broadcast_in_dim3A_773 = arith.constant 28 : i32
        %broadcast_in_dim3A_774 = vector.broadcast %broadcast_in_dim3A_773 : i32 to vector<16xi32>
        %gather3A_775 = arith.constant 0 : i32
        %gather3A_776 = arith.constant 0 : i32
        %gather3A_777 = arith.constant 0 : i32
        %gather3A_778 = tpu.memref_slice %arg6[%gather3A_775, %gather3A_776, %gather3A_777] : memref<2x800x32xf32, #tpu.memory_space<vmem>> -> memref<1x800x32xf32, #tpu.memory_space<vmem>>
        %gather3A_779 = tpu.memref_squeeze %gather3A_778 : memref<1x800x32xf32, #tpu.memory_space<vmem>> -> memref<800x32xf32, #tpu.memory_space<vmem>>
        %gather3A_780 = tpu.vector_load_idx %gather3A_779[%add3A_355, %broadcast_in_dim3A_774] : memref<800x32xf32, #tpu.memory_space<vmem>>[vector<16xi32>, vector<16xi32>], vector<16xf32>,
        %swap3A_781 = arith.constant 0 : i32
        %swap3A_782 = arith.constant 28 : i32
        %swap3A_783 = arith.index_cast %swap3A_781 : i32 to index
        %swap3A_784 = arith.index_cast %scan3A_350 : i32 to index
        %swap3A_785 = arith.index_cast %swap3A_782 : i32 to index
        %swap3A_786 = arith.constant 0 : index
        %swap3A_787 = tpu.vector_load %arg7[%swap3A_783, %swap3A_784, %swap3A_785, %swap3A_786] {strides = array<i32>} : memref<2x50x32x16xf32, #tpu.memory_space<vmem>>, vector<16xf32>,
        tpu.vector_store %arg7[%swap3A_783, %swap3A_784, %swap3A_785, %swap3A_786], %gather3A_780 {strides = array<i32>} : memref<2x50x32x16xf32, #tpu.memory_space<vmem>>, vector<16xf32>,
        %broadcast_in_dim3A_788 = arith.constant 29 : i32
        %broadcast_in_dim3A_789 = vector.broadcast %broadcast_in_dim3A_788 : i32 to vector<16xi32>
        %gather3A_790 = arith.constant 0 : i32
        %gather3A_791 = arith.constant 0 : i32
        %gather3A_792 = arith.constant 0 : i32
        %gather3A_793 = tpu.memref_slice %arg6[%gather3A_790, %gather3A_791, %gather3A_792] : memref<2x800x32xf32, #tpu.memory_space<vmem>> -> memref<1x800x32xf32, #tpu.memory_space<vmem>>
        %gather3A_794 = tpu.memref_squeeze %gather3A_793 : memref<1x800x32xf32, #tpu.memory_space<vmem>> -> memref<800x32xf32, #tpu.memory_space<vmem>>
        %gather3A_795 = tpu.vector_load_idx %gather3A_794[%add3A_355, %broadcast_in_dim3A_789] : memref<800x32xf32, #tpu.memory_space<vmem>>[vector<16xi32>, vector<16xi32>], vector<16xf32>,
        %swap3A_796 = arith.constant 0 : i32
        %swap3A_797 = arith.constant 29 : i32
        %swap3A_798 = arith.index_cast %swap3A_796 : i32 to index
        %swap3A_799 = arith.index_cast %scan3A_350 : i32 to index
        %swap3A_800 = arith.index_cast %swap3A_797 : i32 to index
        %swap3A_801 = arith.constant 0 : index
        %swap3A_802 = tpu.vector_load %arg7[%swap3A_798, %swap3A_799, %swap3A_800, %swap3A_801] {strides = array<i32>} : memref<2x50x32x16xf32, #tpu.memory_space<vmem>>, vector<16xf32>,
        tpu.vector_store %arg7[%swap3A_798, %swap3A_799, %swap3A_800, %swap3A_801], %gather3A_795 {strides = array<i32>} : memref<2x50x32x16xf32, #tpu.memory_space<vmem>>, vector<16xf32>,
        %broadcast_in_dim3A_803 = arith.constant 30 : i32
        %broadcast_in_dim3A_804 = vector.broadcast %broadcast_in_dim3A_803 : i32 to vector<16xi32>
        %gather3A_805 = arith.constant 0 : i32
        %gather3A_806 = arith.constant 0 : i32
        %gather3A_807 = arith.constant 0 : i32
        %gather3A_808 = tpu.memref_slice %arg6[%gather3A_805, %gather3A_806, %gather3A_807] : memref<2x800x32xf32, #tpu.memory_space<vmem>> -> memref<1x800x32xf32, #tpu.memory_space<vmem>>
        %gather3A_809 = tpu.memref_squeeze %gather3A_808 : memref<1x800x32xf32, #tpu.memory_space<vmem>> -> memref<800x32xf32, #tpu.memory_space<vmem>>
        %gather3A_810 = tpu.vector_load_idx %gather3A_809[%add3A_355, %broadcast_in_dim3A_804] : memref<800x32xf32, #tpu.memory_space<vmem>>[vector<16xi32>, vector<16xi32>], vector<16xf32>,
        %swap3A_811 = arith.constant 0 : i32
        %swap3A_812 = arith.constant 30 : i32
        %swap3A_813 = arith.index_cast %swap3A_811 : i32 to index
        %swap3A_814 = arith.index_cast %scan3A_350 : i32 to index
        %swap3A_815 = arith.index_cast %swap3A_812 : i32 to index
        %swap3A_816 = arith.constant 0 : index
        %swap3A_817 = tpu.vector_load %arg7[%swap3A_813, %swap3A_814, %swap3A_815, %swap3A_816] {strides = array<i32>} : memref<2x50x32x16xf32, #tpu.memory_space<vmem>>, vector<16xf32>,
        tpu.vector_store %arg7[%swap3A_813, %swap3A_814, %swap3A_815, %swap3A_816], %gather3A_810 {strides = array<i32>} : memref<2x50x32x16xf32, #tpu.memory_space<vmem>>, vector<16xf32>,
        %broadcast_in_dim3A_818 = arith.constant 31 : i32
        %broadcast_in_dim3A_819 = vector.broadcast %broadcast_in_dim3A_818 : i32 to vector<16xi32>
        %gather3A_820 = arith.constant 0 : i32
        %gather3A_821 = arith.constant 0 : i32
        %gather3A_822 = arith.constant 0 : i32
        %gather3A_823 = tpu.memref_slice %arg6[%gather3A_820, %gather3A_821, %gather3A_822] : memref<2x800x32xf32, #tpu.memory_space<vmem>> -> memref<1x800x32xf32, #tpu.memory_space<vmem>>
        %gather3A_824 = tpu.memref_squeeze %gather3A_823 : memref<1x800x32xf32, #tpu.memory_space<vmem>> -> memref<800x32xf32, #tpu.memory_space<vmem>>
        %gather3A_825 = tpu.vector_load_idx %gather3A_824[%add3A_355, %broadcast_in_dim3A_819] : memref<800x32xf32, #tpu.memory_space<vmem>>[vector<16xi32>, vector<16xi32>], vector<16xf32>,
        %swap3A_826 = arith.constant 0 : i32
        %swap3A_827 = arith.constant 31 : i32
        %swap3A_828 = arith.index_cast %swap3A_826 : i32 to index
        %swap3A_829 = arith.index_cast %scan3A_350 : i32 to index
        %swap3A_830 = arith.index_cast %swap3A_827 : i32 to index
        %swap3A_831 = arith.constant 0 : index
        %swap3A_832 = tpu.vector_load %arg7[%swap3A_828, %swap3A_829, %swap3A_830, %swap3A_831] {strides = array<i32>} : memref<2x50x32x16xf32, #tpu.memory_space<vmem>>, vector<16xf32>,
        tpu.vector_store %arg7[%swap3A_828, %swap3A_829, %swap3A_830, %swap3A_831], %gather3A_825 {strides = array<i32>} : memref<2x50x32x16xf32, #tpu.memory_space<vmem>>, vector<16xf32>,
      }
      %scan3A_216 = arith.constant 50 : i32
      %mul3A_217 = arith.constant 512 : i32
      %mul3A_218 = arith.muli %add3A, %mul3A_217 : i32
      %mul3A_219 = arith.constant 16 : i32
      %mul3A_220 = arith.muli %add3A_182, %mul3A_219 : i32
      %add3A_221 = arith.addi %mul3A_218, %mul3A_220 : i32
      %dma_start3A_222 = arith.constant 0 : i32
      %dma_start3A_223 = arith.constant 0 : i32
      %dma_start3A_224 = arith.constant 0 : i32
      %dma_start3A_225 = arith.constant 0 : i32
      %dma_start3A_226 = tpu.memref_slice %arg7[%dma_start3A_222, %dma_start3A_223, %dma_start3A_224, %dma_start3A_225] : memref<2x50x32x16xf32, #tpu.memory_space<vmem>> -> memref<1x50x32x16xf32, #tpu.memory_space<vmem>>
      %dma_start3A_227 = tpu.memref_squeeze %dma_start3A_226 : memref<1x50x32x16xf32, #tpu.memory_space<vmem>> -> memref<50x32x16xf32, #tpu.memory_space<vmem>>
      %dma_start3A_228 = arith.constant 0 : i32
      %dma_start3A_229 = arith.constant 0 : i32
      %dma_start3A_230 = tpu.memref_slice %arg4[%dma_start3A_228, %dma_start3A_229, %add3A_221] : memref<50x32x16384xf32, #tpu.memory_space<hbm>> -> memref<50x32x16xf32, #tpu.memory_space<hbm>>
      %dma_start3A_231 = arith.constant 0 : i32
      %dma_start3A_232 = arith.constant 0 : i32
      %dma_start3A_233 = tpu.memref_slice %arg4[%dma_start3A_231, %dma_start3A_232, %add3A_221] : memref<50x32x16384xf32, #tpu.memory_space<hbm>> -> memref<50x32x16xf32, #tpu.memory_space<hbm>>
      %dma_start3A_234 = arith.constant 0 : i32
      %dma_start3A_235 = arith.constant 0 : i32
      %dma_start3A_236 = arith.constant 0 : i32
      %dma_start3A_237 = tpu.memref_slice %arg7[%dma_start3A_222, %dma_start3A_234, %dma_start3A_235, %dma_start3A_236] : memref<2x50x32x16xf32, #tpu.memory_space<vmem>> -> memref<1x50x32x16xf32, #tpu.memory_space<vmem>>
      %dma_start3A_238 = tpu.memref_squeeze %dma_start3A_237 : memref<1x50x32x16xf32, #tpu.memory_space<vmem>> -> memref<50x32x16xf32, #tpu.memory_space<vmem>>
      tpu.enqueue_dma source(%dma_start3A_238 : memref<50x32x16xf32, #tpu.memory_space<vmem>>) target(%dma_start3A_233 : memref<50x32x16xf32, #tpu.memory_space<hbm>>) target_semaphore(%arg10 : memref<!tpu.dma_semaphore, #tpu.memory_space<semaphore_mem>>)
      %add3A_239 = arith.constant 2 : i32
      %add3A_240 = arith.addi %add3A_182, %add3A_239 : i32
      %jit3A = arith.constant 32 : i32
      %eq3A = arith.constant 0 : i32
      %eq3A_241 = arith.cmpi eq, %jit3A, %eq3A : i32
      %jit3A_242 = arith.constant 1 : i32
      %select_n3A = arith.select %eq3A_241, %jit3A_242, %jit3A : i32
      %rem3A = arith.remsi %add3A_240, %select_n3A : i32
      %ne3A = arith.constant 0 : i32
      %ne3A_243 = arith.cmpi ne, %rem3A, %ne3A : i32
      %lt3A = arith.constant 0 : i32
      %lt3A_244 = arith.cmpi slt, %rem3A, %lt3A : i32
      %lt3A_245 = arith.constant 0 : i32
      %lt3A_246 = arith.cmpi slt, %select_n3A, %lt3A_245 : i32
      %ne3A_247 = arith.xori %lt3A_244, %lt3A_246 : i1
      %and3A = arith.andi %ne3A_247, %ne3A_243 : i1
      %add3A_248 = arith.addi %rem3A, %select_n3A : i32
      %select_n3A_249 = arith.select %and3A, %add3A_248, %rem3A : i32
      %mul3A_250 = arith.constant 800 : i32
      %mul3A_251 = arith.muli %select_n3A_249, %mul3A_250 : i32
      %dma_start3A_252 = arith.constant 0 : i32
      %dma_start3A_253 = arith.constant 0 : i32
      %dma_start3A_254 = arith.constant 0 : i32
      %dma_start3A_255 = tpu.memref_slice %arg6[%dma_start3A_252, %dma_start3A_253, %dma_start3A_254] : memref<2x800x32xf32, #tpu.memory_space<vmem>> -> memref<1x800x32xf32, #tpu.memory_space<vmem>>
      %dma_start3A_256 = tpu.memref_squeeze %dma_start3A_255 : memref<1x800x32xf32, #tpu.memory_space<vmem>> -> memref<800x32xf32, #tpu.memory_space<vmem>>
      %dma_start3A_257 = tpu.memref_slice %arg5[%mul3A_251] : memref<25600xi32, #tpu.memory_space<vmem>> -> memref<800xi32, #tpu.memory_space<vmem>>
      %dma_start3A_258 = arith.constant 0 : i32
      %dma_start3A_259 = arith.constant 0 : i32
      %dma_start3A_260 = tpu.memref_slice %arg3[%dma_start3A_258, %dma_start3A_259] : memref<1000000x32xf32, #tpu.memory_space<hbm>> -> memref<1000000x32xf32, #tpu.memory_space<hbm>>
      tpu.enqueue_indirect_dma source(%dma_start3A_260 : memref<1000000x32xf32, #tpu.memory_space<hbm>>) target(%dma_start3A_256 : memref<800x32xf32, #tpu.memory_space<vmem>>) offsets(%dma_start3A_257 : memref<800xi32, #tpu.memory_space<vmem>>) semaphore(%arg8 : memref<!tpu.dma_semaphore, #tpu.memory_space<semaphore_mem>>)
      %mul3A_261 = arith.constant 2 : i32
      %mul3A_262 = arith.muli %scan3A_178, %mul3A_261 : i32
      %add3A_263 = arith.constant 1 : i32
      %add3A_264 = arith.addi %mul3A_262, %add3A_263 : i32
      %dma_wait3A_265 = arith.constant 1 : i32
      %dma_wait3A_266 = arith.constant 0 : i32
      %dma_wait3A_267 = arith.constant 0 : i32
      %dma_wait3A_268 = tpu.memref_slice %arg6[%dma_wait3A_265, %dma_wait3A_266, %dma_wait3A_267] : memref<2x800x32xf32, #tpu.memory_space<vmem>> -> memref<1x800x32xf32, #tpu.memory_space<vmem>>
      %dma_wait3A_269 = tpu.memref_squeeze %dma_wait3A_268 : memref<1x800x32xf32, #tpu.memory_space<vmem>> -> memref<800x32xf32, #tpu.memory_space<vmem>>
      %dma_wait3A_270 = arith.constant 0 : i32
      %dma_wait3A_271 = tpu.memref_slice %arg5[%dma_wait3A_270] : memref<25600xi32, #tpu.memory_space<vmem>> -> memref<800xi32, #tpu.memory_space<vmem>>
      %dma_wait3A_272 = arith.constant 0 : i32
      %dma_wait3A_273 = arith.constant 0 : i32
      %dma_wait3A_274 = tpu.memref_slice %arg3[%dma_wait3A_272, %dma_wait3A_273] : memref<1000000x32xf32, #tpu.memory_space<hbm>> -> memref<1000000x32xf32, #tpu.memory_space<hbm>>
      tpu.wait_indirect_dma semaphore(%arg9 : memref<!tpu.dma_semaphore, #tpu.memory_space<semaphore_mem>>) src(%dma_wait3A_274 : memref<1000000x32xf32, #tpu.memory_space<hbm>>) dst(%dma_wait3A_269 : memref<800x32xf32, #tpu.memory_space<vmem>>)
      %dma_wait3A_275 = arith.constant 1 : i32
      %dma_wait3A_276 = arith.constant 0 : i32
      %dma_wait3A_277 = arith.constant 0 : i32
      %dma_wait3A_278 = arith.constant 0 : i32
      %dma_wait3A_279 = tpu.memref_slice %arg7[%dma_wait3A_275, %dma_wait3A_276, %dma_wait3A_277, %dma_wait3A_278] : memref<2x50x32x16xf32, #tpu.memory_space<vmem>> -> memref<1x50x32x16xf32, #tpu.memory_space<vmem>>
      %dma_wait3A_280 = tpu.memref_squeeze %dma_wait3A_279 : memref<1x50x32x16xf32, #tpu.memory_space<vmem>> -> memref<50x32x16xf32, #tpu.memory_space<vmem>>
      %dma_wait3A_281 = arith.constant 0 : i32
      %dma_wait3A_282 = arith.constant 0 : i32
      %dma_wait3A_283 = arith.constant 0 : i32
      %dma_wait3A_284 = tpu.memref_slice %arg4[%dma_wait3A_281, %dma_wait3A_282, %dma_wait3A_283] : memref<50x32x16384xf32, #tpu.memory_space<hbm>> -> memref<50x32x16xf32, #tpu.memory_space<hbm>>
      %dma_wait3A_285 = arith.constant 0 : i32
      %dma_wait3A_286 = arith.constant 0 : i32
      %dma_wait3A_287 = arith.constant 0 : i32
      %dma_wait3A_288 = tpu.memref_slice %arg4[%dma_wait3A_285, %dma_wait3A_286, %dma_wait3A_287] : memref<50x32x16384xf32, #tpu.memory_space<hbm>> -> memref<50x32x16xf32, #tpu.memory_space<hbm>>
      %dma_wait3A_289 = arith.constant 0 : i32
      %dma_wait3A_290 = arith.constant 0 : i32
      %dma_wait3A_291 = arith.constant 0 : i32
      %dma_wait3A_292 = tpu.memref_slice %arg7[%dma_wait3A_275, %dma_wait3A_289, %dma_wait3A_290, %dma_wait3A_291] : memref<2x50x32x16xf32, #tpu.memory_space<vmem>> -> memref<1x50x32x16xf32, #tpu.memory_space<vmem>>
      %dma_wait3A_293 = tpu.memref_squeeze %dma_wait3A_292 : memref<1x50x32x16xf32, #tpu.memory_space<vmem>> -> memref<50x32x16xf32, #tpu.memory_space<vmem>>
      tpu.wait_dma2 semaphore(%arg11 : memref<!tpu.dma_semaphore, #tpu.memory_space<semaphore_mem>>) src(%dma_wait3A_293 : memref<50x32x16xf32, #tpu.memory_space<vmem>>) dst(%dma_wait3A_288 : memref<50x32x16xf32, #tpu.memory_space<hbm>>)
      %scan3A_294 = arith.constant 0 : i32
      %scan3A_295 = arith.constant 50 : i32
      %scan3A_296 = arith.addi %scan3A_294, %scan3A_295 : i32
      %scan3A_297 = arith.constant 1 : i32
      scf.for %scan3A_350 = %scan3A_294 to %scan3A_296 step %scan3A_297  : i32 {
        %iota3A = tpu.iota {dimensions = array<i32: 0>} : vector<16xi32>
        %mul3A_351 = arith.constant 50 : i32
        %mul3A_352 = vector.broadcast %mul3A_351 : i32 to vector<16xi32>
        %mul3A_353 = arith.muli %iota3A, %mul3A_352 : vector<16xi32>
        %add3A_354 = vector.broadcast %scan3A_350 : i32 to vector<16xi32>
        %add3A_355 = arith.addi %mul3A_353, %add3A_354 : vector<16xi32>
        %broadcast_in_dim3A = arith.constant 0 : i32
        %broadcast_in_dim3A_356 = vector.broadcast %broadcast_in_dim3A : i32 to vector<16xi32>
        %gather3A = arith.constant 1 : i32
        %gather3A_357 = arith.constant 0 : i32
        %gather3A_358 = arith.constant 0 : i32
        %gather3A_359 = tpu.memref_slice %arg6[%gather3A, %gather3A_357, %gather3A_358] : memref<2x800x32xf32, #tpu.memory_space<vmem>> -> memref<1x800x32xf32, #tpu.memory_space<vmem>>
        %gather3A_360 = tpu.memref_squeeze %gather3A_359 : memref<1x800x32xf32, #tpu.memory_space<vmem>> -> memref<800x32xf32, #tpu.memory_space<vmem>>
        %gather3A_361 = tpu.vector_load_idx %gather3A_360[%add3A_355, %broadcast_in_dim3A_356] : memref<800x32xf32, #tpu.memory_space<vmem>>[vector<16xi32>, vector<16xi32>], vector<16xf32>,
        %swap3A = arith.constant 1 : i32
        %swap3A_362 = arith.constant 0 : i32
        %swap3A_363 = arith.index_cast %swap3A : i32 to index
        %swap3A_364 = arith.index_cast %scan3A_350 : i32 to index
        %swap3A_365 = arith.index_cast %swap3A_362 : i32 to index
        %swap3A_366 = arith.constant 0 : index
        %swap3A_367 = tpu.vector_load %arg7[%swap3A_363, %swap3A_364, %swap3A_365, %swap3A_366] {strides = array<i32>} : memref<2x50x32x16xf32, #tpu.memory_space<vmem>>, vector<16xf32>,
        tpu.vector_store %arg7[%swap3A_363, %swap3A_364, %swap3A_365, %swap3A_366], %gather3A_361 {strides = array<i32>} : memref<2x50x32x16xf32, #tpu.memory_space<vmem>>, vector<16xf32>,
        %broadcast_in_dim3A_368 = arith.constant 1 : i32
        %broadcast_in_dim3A_369 = vector.broadcast %broadcast_in_dim3A_368 : i32 to vector<16xi32>
        %gather3A_370 = arith.constant 1 : i32
        %gather3A_371 = arith.constant 0 : i32
        %gather3A_372 = arith.constant 0 : i32
        %gather3A_373 = tpu.memref_slice %arg6[%gather3A_370, %gather3A_371, %gather3A_372] : memref<2x800x32xf32, #tpu.memory_space<vmem>> -> memref<1x800x32xf32, #tpu.memory_space<vmem>>
        %gather3A_374 = tpu.memref_squeeze %gather3A_373 : memref<1x800x32xf32, #tpu.memory_space<vmem>> -> memref<800x32xf32, #tpu.memory_space<vmem>>
        %gather3A_375 = tpu.vector_load_idx %gather3A_374[%add3A_355, %broadcast_in_dim3A_369] : memref<800x32xf32, #tpu.memory_space<vmem>>[vector<16xi32>, vector<16xi32>], vector<16xf32>,
        %swap3A_376 = arith.constant 1 : i32
        %swap3A_377 = arith.constant 1 : i32
        %swap3A_378 = arith.index_cast %swap3A_376 : i32 to index
        %swap3A_379 = arith.index_cast %scan3A_350 : i32 to index
        %swap3A_380 = arith.index_cast %swap3A_377 : i32 to index
        %swap3A_381 = arith.constant 0 : index
        %swap3A_382 = tpu.vector_load %arg7[%swap3A_378, %swap3A_379, %swap3A_380, %swap3A_381] {strides = array<i32>} : memref<2x50x32x16xf32, #tpu.memory_space<vmem>>, vector<16xf32>,
        tpu.vector_store %arg7[%swap3A_378, %swap3A_379, %swap3A_380, %swap3A_381], %gather3A_375 {strides = array<i32>} : memref<2x50x32x16xf32, #tpu.memory_space<vmem>>, vector<16xf32>,
        %broadcast_in_dim3A_383 = arith.constant 2 : i32
        %broadcast_in_dim3A_384 = vector.broadcast %broadcast_in_dim3A_383 : i32 to vector<16xi32>
        %gather3A_385 = arith.constant 1 : i32
        %gather3A_386 = arith.constant 0 : i32
        %gather3A_387 = arith.constant 0 : i32
        %gather3A_388 = tpu.memref_slice %arg6[%gather3A_385, %gather3A_386, %gather3A_387] : memref<2x800x32xf32, #tpu.memory_space<vmem>> -> memref<1x800x32xf32, #tpu.memory_space<vmem>>
        %gather3A_389 = tpu.memref_squeeze %gather3A_388 : memref<1x800x32xf32, #tpu.memory_space<vmem>> -> memref<800x32xf32, #tpu.memory_space<vmem>>
        %gather3A_390 = tpu.vector_load_idx %gather3A_389[%add3A_355, %broadcast_in_dim3A_384] : memref<800x32xf32, #tpu.memory_space<vmem>>[vector<16xi32>, vector<16xi32>], vector<16xf32>,
        %swap3A_391 = arith.constant 1 : i32
        %swap3A_392 = arith.constant 2 : i32
        %swap3A_393 = arith.index_cast %swap3A_391 : i32 to index
        %swap3A_394 = arith.index_cast %scan3A_350 : i32 to index
        %swap3A_395 = arith.index_cast %swap3A_392 : i32 to index
        %swap3A_396 = arith.constant 0 : index
        %swap3A_397 = tpu.vector_load %arg7[%swap3A_393, %swap3A_394, %swap3A_395, %swap3A_396] {strides = array<i32>} : memref<2x50x32x16xf32, #tpu.memory_space<vmem>>, vector<16xf32>,
        tpu.vector_store %arg7[%swap3A_393, %swap3A_394, %swap3A_395, %swap3A_396], %gather3A_390 {strides = array<i32>} : memref<2x50x32x16xf32, #tpu.memory_space<vmem>>, vector<16xf32>,
        %broadcast_in_dim3A_398 = arith.constant 3 : i32
        %broadcast_in_dim3A_399 = vector.broadcast %broadcast_in_dim3A_398 : i32 to vector<16xi32>
        %gather3A_400 = arith.constant 1 : i32
        %gather3A_401 = arith.constant 0 : i32
        %gather3A_402 = arith.constant 0 : i32
        %gather3A_403 = tpu.memref_slice %arg6[%gather3A_400, %gather3A_401, %gather3A_402] : memref<2x800x32xf32, #tpu.memory_space<vmem>> -> memref<1x800x32xf32, #tpu.memory_space<vmem>>
        %gather3A_404 = tpu.memref_squeeze %gather3A_403 : memref<1x800x32xf32, #tpu.memory_space<vmem>> -> memref<800x32xf32, #tpu.memory_space<vmem>>
        %gather3A_405 = tpu.vector_load_idx %gather3A_404[%add3A_355, %broadcast_in_dim3A_399] : memref<800x32xf32, #tpu.memory_space<vmem>>[vector<16xi32>, vector<16xi32>], vector<16xf32>,
        %swap3A_406 = arith.constant 1 : i32
        %swap3A_407 = arith.constant 3 : i32
        %swap3A_408 = arith.index_cast %swap3A_406 : i32 to index
        %swap3A_409 = arith.index_cast %scan3A_350 : i32 to index
        %swap3A_410 = arith.index_cast %swap3A_407 : i32 to index
        %swap3A_411 = arith.constant 0 : index
        %swap3A_412 = tpu.vector_load %arg7[%swap3A_408, %swap3A_409, %swap3A_410, %swap3A_411] {strides = array<i32>} : memref<2x50x32x16xf32, #tpu.memory_space<vmem>>, vector<16xf32>,
        tpu.vector_store %arg7[%swap3A_408, %swap3A_409, %swap3A_410, %swap3A_411], %gather3A_405 {strides = array<i32>} : memref<2x50x32x16xf32, #tpu.memory_space<vmem>>, vector<16xf32>,
        %broadcast_in_dim3A_413 = arith.constant 4 : i32
        %broadcast_in_dim3A_414 = vector.broadcast %broadcast_in_dim3A_413 : i32 to vector<16xi32>
        %gather3A_415 = arith.constant 1 : i32
        %gather3A_416 = arith.constant 0 : i32
        %gather3A_417 = arith.constant 0 : i32
        %gather3A_418 = tpu.memref_slice %arg6[%gather3A_415, %gather3A_416, %gather3A_417] : memref<2x800x32xf32, #tpu.memory_space<vmem>> -> memref<1x800x32xf32, #tpu.memory_space<vmem>>
        %gather3A_419 = tpu.memref_squeeze %gather3A_418 : memref<1x800x32xf32, #tpu.memory_space<vmem>> -> memref<800x32xf32, #tpu.memory_space<vmem>>
        %gather3A_420 = tpu.vector_load_idx %gather3A_419[%add3A_355, %broadcast_in_dim3A_414] : memref<800x32xf32, #tpu.memory_space<vmem>>[vector<16xi32>, vector<16xi32>], vector<16xf32>,
        %swap3A_421 = arith.constant 1 : i32
        %swap3A_422 = arith.constant 4 : i32
        %swap3A_423 = arith.index_cast %swap3A_421 : i32 to index
        %swap3A_424 = arith.index_cast %scan3A_350 : i32 to index
        %swap3A_425 = arith.index_cast %swap3A_422 : i32 to index
        %swap3A_426 = arith.constant 0 : index
        %swap3A_427 = tpu.vector_load %arg7[%swap3A_423, %swap3A_424, %swap3A_425, %swap3A_426] {strides = array<i32>} : memref<2x50x32x16xf32, #tpu.memory_space<vmem>>, vector<16xf32>,
        tpu.vector_store %arg7[%swap3A_423, %swap3A_424, %swap3A_425, %swap3A_426], %gather3A_420 {strides = array<i32>} : memref<2x50x32x16xf32, #tpu.memory_space<vmem>>, vector<16xf32>,
        %broadcast_in_dim3A_428 = arith.constant 5 : i32
        %broadcast_in_dim3A_429 = vector.broadcast %broadcast_in_dim3A_428 : i32 to vector<16xi32>
        %gather3A_430 = arith.constant 1 : i32
        %gather3A_431 = arith.constant 0 : i32
        %gather3A_432 = arith.constant 0 : i32
        %gather3A_433 = tpu.memref_slice %arg6[%gather3A_430, %gather3A_431, %gather3A_432] : memref<2x800x32xf32, #tpu.memory_space<vmem>> -> memref<1x800x32xf32, #tpu.memory_space<vmem>>
        %gather3A_434 = tpu.memref_squeeze %gather3A_433 : memref<1x800x32xf32, #tpu.memory_space<vmem>> -> memref<800x32xf32, #tpu.memory_space<vmem>>
        %gather3A_435 = tpu.vector_load_idx %gather3A_434[%add3A_355, %broadcast_in_dim3A_429] : memref<800x32xf32, #tpu.memory_space<vmem>>[vector<16xi32>, vector<16xi32>], vector<16xf32>,
        %swap3A_436 = arith.constant 1 : i32
        %swap3A_437 = arith.constant 5 : i32
        %swap3A_438 = arith.index_cast %swap3A_436 : i32 to index
        %swap3A_439 = arith.index_cast %scan3A_350 : i32 to index
        %swap3A_440 = arith.index_cast %swap3A_437 : i32 to index
        %swap3A_441 = arith.constant 0 : index
        %swap3A_442 = tpu.vector_load %arg7[%swap3A_438, %swap3A_439, %swap3A_440, %swap3A_441] {strides = array<i32>} : memref<2x50x32x16xf32, #tpu.memory_space<vmem>>, vector<16xf32>,
        tpu.vector_store %arg7[%swap3A_438, %swap3A_439, %swap3A_440, %swap3A_441], %gather3A_435 {strides = array<i32>} : memref<2x50x32x16xf32, #tpu.memory_space<vmem>>, vector<16xf32>,
        %broadcast_in_dim3A_443 = arith.constant 6 : i32
        %broadcast_in_dim3A_444 = vector.broadcast %broadcast_in_dim3A_443 : i32 to vector<16xi32>
        %gather3A_445 = arith.constant 1 : i32
        %gather3A_446 = arith.constant 0 : i32
        %gather3A_447 = arith.constant 0 : i32
        %gather3A_448 = tpu.memref_slice %arg6[%gather3A_445, %gather3A_446, %gather3A_447] : memref<2x800x32xf32, #tpu.memory_space<vmem>> -> memref<1x800x32xf32, #tpu.memory_space<vmem>>
        %gather3A_449 = tpu.memref_squeeze %gather3A_448 : memref<1x800x32xf32, #tpu.memory_space<vmem>> -> memref<800x32xf32, #tpu.memory_space<vmem>>
        %gather3A_450 = tpu.vector_load_idx %gather3A_449[%add3A_355, %broadcast_in_dim3A_444] : memref<800x32xf32, #tpu.memory_space<vmem>>[vector<16xi32>, vector<16xi32>], vector<16xf32>,
        %swap3A_451 = arith.constant 1 : i32
        %swap3A_452 = arith.constant 6 : i32
        %swap3A_453 = arith.index_cast %swap3A_451 : i32 to index
        %swap3A_454 = arith.index_cast %scan3A_350 : i32 to index
        %swap3A_455 = arith.index_cast %swap3A_452 : i32 to index
        %swap3A_456 = arith.constant 0 : index
        %swap3A_457 = tpu.vector_load %arg7[%swap3A_453, %swap3A_454, %swap3A_455, %swap3A_456] {strides = array<i32>} : memref<2x50x32x16xf32, #tpu.memory_space<vmem>>, vector<16xf32>,
        tpu.vector_store %arg7[%swap3A_453, %swap3A_454, %swap3A_455, %swap3A_456], %gather3A_450 {strides = array<i32>} : memref<2x50x32x16xf32, #tpu.memory_space<vmem>>, vector<16xf32>,
        %broadcast_in_dim3A_458 = arith.constant 7 : i32
        %broadcast_in_dim3A_459 = vector.broadcast %broadcast_in_dim3A_458 : i32 to vector<16xi32>
        %gather3A_460 = arith.constant 1 : i32
        %gather3A_461 = arith.constant 0 : i32
        %gather3A_462 = arith.constant 0 : i32
        %gather3A_463 = tpu.memref_slice %arg6[%gather3A_460, %gather3A_461, %gather3A_462] : memref<2x800x32xf32, #tpu.memory_space<vmem>> -> memref<1x800x32xf32, #tpu.memory_space<vmem>>
        %gather3A_464 = tpu.memref_squeeze %gather3A_463 : memref<1x800x32xf32, #tpu.memory_space<vmem>> -> memref<800x32xf32, #tpu.memory_space<vmem>>
        %gather3A_465 = tpu.vector_load_idx %gather3A_464[%add3A_355, %broadcast_in_dim3A_459] : memref<800x32xf32, #tpu.memory_space<vmem>>[vector<16xi32>, vector<16xi32>], vector<16xf32>,
        %swap3A_466 = arith.constant 1 : i32
        %swap3A_467 = arith.constant 7 : i32
        %swap3A_468 = arith.index_cast %swap3A_466 : i32 to index
        %swap3A_469 = arith.index_cast %scan3A_350 : i32 to index
        %swap3A_470 = arith.index_cast %swap3A_467 : i32 to index
        %swap3A_471 = arith.constant 0 : index
        %swap3A_472 = tpu.vector_load %arg7[%swap3A_468, %swap3A_469, %swap3A_470, %swap3A_471] {strides = array<i32>} : memref<2x50x32x16xf32, #tpu.memory_space<vmem>>, vector<16xf32>,
        tpu.vector_store %arg7[%swap3A_468, %swap3A_469, %swap3A_470, %swap3A_471], %gather3A_465 {strides = array<i32>} : memref<2x50x32x16xf32, #tpu.memory_space<vmem>>, vector<16xf32>,
        %broadcast_in_dim3A_473 = arith.constant 8 : i32
        %broadcast_in_dim3A_474 = vector.broadcast %broadcast_in_dim3A_473 : i32 to vector<16xi32>
        %gather3A_475 = arith.constant 1 : i32
        %gather3A_476 = arith.constant 0 : i32
        %gather3A_477 = arith.constant 0 : i32
        %gather3A_478 = tpu.memref_slice %arg6[%gather3A_475, %gather3A_476, %gather3A_477] : memref<2x800x32xf32, #tpu.memory_space<vmem>> -> memref<1x800x32xf32, #tpu.memory_space<vmem>>
        %gather3A_479 = tpu.memref_squeeze %gather3A_478 : memref<1x800x32xf32, #tpu.memory_space<vmem>> -> memref<800x32xf32, #tpu.memory_space<vmem>>
        %gather3A_480 = tpu.vector_load_idx %gather3A_479[%add3A_355, %broadcast_in_dim3A_474] : memref<800x32xf32, #tpu.memory_space<vmem>>[vector<16xi32>, vector<16xi32>], vector<16xf32>,
        %swap3A_481 = arith.constant 1 : i32
        %swap3A_482 = arith.constant 8 : i32
        %swap3A_483 = arith.index_cast %swap3A_481 : i32 to index
        %swap3A_484 = arith.index_cast %scan3A_350 : i32 to index
        %swap3A_485 = arith.index_cast %swap3A_482 : i32 to index
        %swap3A_486 = arith.constant 0 : index
        %swap3A_487 = tpu.vector_load %arg7[%swap3A_483, %swap3A_484, %swap3A_485, %swap3A_486] {strides = array<i32>} : memref<2x50x32x16xf32, #tpu.memory_space<vmem>>, vector<16xf32>,
        tpu.vector_store %arg7[%swap3A_483, %swap3A_484, %swap3A_485, %swap3A_486], %gather3A_480 {strides = array<i32>} : memref<2x50x32x16xf32, #tpu.memory_space<vmem>>, vector<16xf32>,
        %broadcast_in_dim3A_488 = arith.constant 9 : i32
        %broadcast_in_dim3A_489 = vector.broadcast %broadcast_in_dim3A_488 : i32 to vector<16xi32>
        %gather3A_490 = arith.constant 1 : i32
        %gather3A_491 = arith.constant 0 : i32
        %gather3A_492 = arith.constant 0 : i32
        %gather3A_493 = tpu.memref_slice %arg6[%gather3A_490, %gather3A_491, %gather3A_492] : memref<2x800x32xf32, #tpu.memory_space<vmem>> -> memref<1x800x32xf32, #tpu.memory_space<vmem>>
        %gather3A_494 = tpu.memref_squeeze %gather3A_493 : memref<1x800x32xf32, #tpu.memory_space<vmem>> -> memref<800x32xf32, #tpu.memory_space<vmem>>
        %gather3A_495 = tpu.vector_load_idx %gather3A_494[%add3A_355, %broadcast_in_dim3A_489] : memref<800x32xf32, #tpu.memory_space<vmem>>[vector<16xi32>, vector<16xi32>], vector<16xf32>,
        %swap3A_496 = arith.constant 1 : i32
        %swap3A_497 = arith.constant 9 : i32
        %swap3A_498 = arith.index_cast %swap3A_496 : i32 to index
        %swap3A_499 = arith.index_cast %scan3A_350 : i32 to index
        %swap3A_500 = arith.index_cast %swap3A_497 : i32 to index
        %swap3A_501 = arith.constant 0 : index
        %swap3A_502 = tpu.vector_load %arg7[%swap3A_498, %swap3A_499, %swap3A_500, %swap3A_501] {strides = array<i32>} : memref<2x50x32x16xf32, #tpu.memory_space<vmem>>, vector<16xf32>,
        tpu.vector_store %arg7[%swap3A_498, %swap3A_499, %swap3A_500, %swap3A_501], %gather3A_495 {strides = array<i32>} : memref<2x50x32x16xf32, #tpu.memory_space<vmem>>, vector<16xf32>,
        %broadcast_in_dim3A_503 = arith.constant 10 : i32
        %broadcast_in_dim3A_504 = vector.broadcast %broadcast_in_dim3A_503 : i32 to vector<16xi32>
        %gather3A_505 = arith.constant 1 : i32
        %gather3A_506 = arith.constant 0 : i32
        %gather3A_507 = arith.constant 0 : i32
        %gather3A_508 = tpu.memref_slice %arg6[%gather3A_505, %gather3A_506, %gather3A_507] : memref<2x800x32xf32, #tpu.memory_space<vmem>> -> memref<1x800x32xf32, #tpu.memory_space<vmem>>
        %gather3A_509 = tpu.memref_squeeze %gather3A_508 : memref<1x800x32xf32, #tpu.memory_space<vmem>> -> memref<800x32xf32, #tpu.memory_space<vmem>>
        %gather3A_510 = tpu.vector_load_idx %gather3A_509[%add3A_355, %broadcast_in_dim3A_504] : memref<800x32xf32, #tpu.memory_space<vmem>>[vector<16xi32>, vector<16xi32>], vector<16xf32>,
        %swap3A_511 = arith.constant 1 : i32
        %swap3A_512 = arith.constant 10 : i32
        %swap3A_513 = arith.index_cast %swap3A_511 : i32 to index
        %swap3A_514 = arith.index_cast %scan3A_350 : i32 to index
        %swap3A_515 = arith.index_cast %swap3A_512 : i32 to index
        %swap3A_516 = arith.constant 0 : index
        %swap3A_517 = tpu.vector_load %arg7[%swap3A_513, %swap3A_514, %swap3A_515, %swap3A_516] {strides = array<i32>} : memref<2x50x32x16xf32, #tpu.memory_space<vmem>>, vector<16xf32>,
        tpu.vector_store %arg7[%swap3A_513, %swap3A_514, %swap3A_515, %swap3A_516], %gather3A_510 {strides = array<i32>} : memref<2x50x32x16xf32, #tpu.memory_space<vmem>>, vector<16xf32>,
        %broadcast_in_dim3A_518 = arith.constant 11 : i32
        %broadcast_in_dim3A_519 = vector.broadcast %broadcast_in_dim3A_518 : i32 to vector<16xi32>
        %gather3A_520 = arith.constant 1 : i32
        %gather3A_521 = arith.constant 0 : i32
        %gather3A_522 = arith.constant 0 : i32
        %gather3A_523 = tpu.memref_slice %arg6[%gather3A_520, %gather3A_521, %gather3A_522] : memref<2x800x32xf32, #tpu.memory_space<vmem>> -> memref<1x800x32xf32, #tpu.memory_space<vmem>>
        %gather3A_524 = tpu.memref_squeeze %gather3A_523 : memref<1x800x32xf32, #tpu.memory_space<vmem>> -> memref<800x32xf32, #tpu.memory_space<vmem>>
        %gather3A_525 = tpu.vector_load_idx %gather3A_524[%add3A_355, %broadcast_in_dim3A_519] : memref<800x32xf32, #tpu.memory_space<vmem>>[vector<16xi32>, vector<16xi32>], vector<16xf32>,
        %swap3A_526 = arith.constant 1 : i32
        %swap3A_527 = arith.constant 11 : i32
        %swap3A_528 = arith.index_cast %swap3A_526 : i32 to index
        %swap3A_529 = arith.index_cast %scan3A_350 : i32 to index
        %swap3A_530 = arith.index_cast %swap3A_527 : i32 to index
        %swap3A_531 = arith.constant 0 : index
        %swap3A_532 = tpu.vector_load %arg7[%swap3A_528, %swap3A_529, %swap3A_530, %swap3A_531] {strides = array<i32>} : memref<2x50x32x16xf32, #tpu.memory_space<vmem>>, vector<16xf32>,
        tpu.vector_store %arg7[%swap3A_528, %swap3A_529, %swap3A_530, %swap3A_531], %gather3A_525 {strides = array<i32>} : memref<2x50x32x16xf32, #tpu.memory_space<vmem>>, vector<16xf32>,
        %broadcast_in_dim3A_533 = arith.constant 12 : i32
        %broadcast_in_dim3A_534 = vector.broadcast %broadcast_in_dim3A_533 : i32 to vector<16xi32>
        %gather3A_535 = arith.constant 1 : i32
        %gather3A_536 = arith.constant 0 : i32
        %gather3A_537 = arith.constant 0 : i32
        %gather3A_538 = tpu.memref_slice %arg6[%gather3A_535, %gather3A_536, %gather3A_537] : memref<2x800x32xf32, #tpu.memory_space<vmem>> -> memref<1x800x32xf32, #tpu.memory_space<vmem>>
        %gather3A_539 = tpu.memref_squeeze %gather3A_538 : memref<1x800x32xf32, #tpu.memory_space<vmem>> -> memref<800x32xf32, #tpu.memory_space<vmem>>
        %gather3A_540 = tpu.vector_load_idx %gather3A_539[%add3A_355, %broadcast_in_dim3A_534] : memref<800x32xf32, #tpu.memory_space<vmem>>[vector<16xi32>, vector<16xi32>], vector<16xf32>,
        %swap3A_541 = arith.constant 1 : i32
        %swap3A_542 = arith.constant 12 : i32
        %swap3A_543 = arith.index_cast %swap3A_541 : i32 to index
        %swap3A_544 = arith.index_cast %scan3A_350 : i32 to index
        %swap3A_545 = arith.index_cast %swap3A_542 : i32 to index
        %swap3A_546 = arith.constant 0 : index
        %swap3A_547 = tpu.vector_load %arg7[%swap3A_543, %swap3A_544, %swap3A_545, %swap3A_546] {strides = array<i32>} : memref<2x50x32x16xf32, #tpu.memory_space<vmem>>, vector<16xf32>,
        tpu.vector_store %arg7[%swap3A_543, %swap3A_544, %swap3A_545, %swap3A_546], %gather3A_540 {strides = array<i32>} : memref<2x50x32x16xf32, #tpu.memory_space<vmem>>, vector<16xf32>,
        %broadcast_in_dim3A_548 = arith.constant 13 : i32
        %broadcast_in_dim3A_549 = vector.broadcast %broadcast_in_dim3A_548 : i32 to vector<16xi32>
        %gather3A_550 = arith.constant 1 : i32
        %gather3A_551 = arith.constant 0 : i32
        %gather3A_552 = arith.constant 0 : i32
        %gather3A_553 = tpu.memref_slice %arg6[%gather3A_550, %gather3A_551, %gather3A_552] : memref<2x800x32xf32, #tpu.memory_space<vmem>> -> memref<1x800x32xf32, #tpu.memory_space<vmem>>
        %gather3A_554 = tpu.memref_squeeze %gather3A_553 : memref<1x800x32xf32, #tpu.memory_space<vmem>> -> memref<800x32xf32, #tpu.memory_space<vmem>>
        %gather3A_555 = tpu.vector_load_idx %gather3A_554[%add3A_355, %broadcast_in_dim3A_549] : memref<800x32xf32, #tpu.memory_space<vmem>>[vector<16xi32>, vector<16xi32>], vector<16xf32>,
        %swap3A_556 = arith.constant 1 : i32
        %swap3A_557 = arith.constant 13 : i32
        %swap3A_558 = arith.index_cast %swap3A_556 : i32 to index
        %swap3A_559 = arith.index_cast %scan3A_350 : i32 to index
        %swap3A_560 = arith.index_cast %swap3A_557 : i32 to index
        %swap3A_561 = arith.constant 0 : index
        %swap3A_562 = tpu.vector_load %arg7[%swap3A_558, %swap3A_559, %swap3A_560, %swap3A_561] {strides = array<i32>} : memref<2x50x32x16xf32, #tpu.memory_space<vmem>>, vector<16xf32>,
        tpu.vector_store %arg7[%swap3A_558, %swap3A_559, %swap3A_560, %swap3A_561], %gather3A_555 {strides = array<i32>} : memref<2x50x32x16xf32, #tpu.memory_space<vmem>>, vector<16xf32>,
        %broadcast_in_dim3A_563 = arith.constant 14 : i32
        %broadcast_in_dim3A_564 = vector.broadcast %broadcast_in_dim3A_563 : i32 to vector<16xi32>
        %gather3A_565 = arith.constant 1 : i32
        %gather3A_566 = arith.constant 0 : i32
        %gather3A_567 = arith.constant 0 : i32
        %gather3A_568 = tpu.memref_slice %arg6[%gather3A_565, %gather3A_566, %gather3A_567] : memref<2x800x32xf32, #tpu.memory_space<vmem>> -> memref<1x800x32xf32, #tpu.memory_space<vmem>>
        %gather3A_569 = tpu.memref_squeeze %gather3A_568 : memref<1x800x32xf32, #tpu.memory_space<vmem>> -> memref<800x32xf32, #tpu.memory_space<vmem>>
        %gather3A_570 = tpu.vector_load_idx %gather3A_569[%add3A_355, %broadcast_in_dim3A_564] : memref<800x32xf32, #tpu.memory_space<vmem>>[vector<16xi32>, vector<16xi32>], vector<16xf32>,
        %swap3A_571 = arith.constant 1 : i32
        %swap3A_572 = arith.constant 14 : i32
        %swap3A_573 = arith.index_cast %swap3A_571 : i32 to index
        %swap3A_574 = arith.index_cast %scan3A_350 : i32 to index
        %swap3A_575 = arith.index_cast %swap3A_572 : i32 to index
        %swap3A_576 = arith.constant 0 : index
        %swap3A_577 = tpu.vector_load %arg7[%swap3A_573, %swap3A_574, %swap3A_575, %swap3A_576] {strides = array<i32>} : memref<2x50x32x16xf32, #tpu.memory_space<vmem>>, vector<16xf32>,
        tpu.vector_store %arg7[%swap3A_573, %swap3A_574, %swap3A_575, %swap3A_576], %gather3A_570 {strides = array<i32>} : memref<2x50x32x16xf32, #tpu.memory_space<vmem>>, vector<16xf32>,
        %broadcast_in_dim3A_578 = arith.constant 15 : i32
        %broadcast_in_dim3A_579 = vector.broadcast %broadcast_in_dim3A_578 : i32 to vector<16xi32>
        %gather3A_580 = arith.constant 1 : i32
        %gather3A_581 = arith.constant 0 : i32
        %gather3A_582 = arith.constant 0 : i32
        %gather3A_583 = tpu.memref_slice %arg6[%gather3A_580, %gather3A_581, %gather3A_582] : memref<2x800x32xf32, #tpu.memory_space<vmem>> -> memref<1x800x32xf32, #tpu.memory_space<vmem>>
        %gather3A_584 = tpu.memref_squeeze %gather3A_583 : memref<1x800x32xf32, #tpu.memory_space<vmem>> -> memref<800x32xf32, #tpu.memory_space<vmem>>
        %gather3A_585 = tpu.vector_load_idx %gather3A_584[%add3A_355, %broadcast_in_dim3A_579] : memref<800x32xf32, #tpu.memory_space<vmem>>[vector<16xi32>, vector<16xi32>], vector<16xf32>,
        %swap3A_586 = arith.constant 1 : i32
        %swap3A_587 = arith.constant 15 : i32
        %swap3A_588 = arith.index_cast %swap3A_586 : i32 to index
        %swap3A_589 = arith.index_cast %scan3A_350 : i32 to index
        %swap3A_590 = arith.index_cast %swap3A_587 : i32 to index
        %swap3A_591 = arith.constant 0 : index
        %swap3A_592 = tpu.vector_load %arg7[%swap3A_588, %swap3A_589, %swap3A_590, %swap3A_591] {strides = array<i32>} : memref<2x50x32x16xf32, #tpu.memory_space<vmem>>, vector<16xf32>,
        tpu.vector_store %arg7[%swap3A_588, %swap3A_589, %swap3A_590, %swap3A_591], %gather3A_585 {strides = array<i32>} : memref<2x50x32x16xf32, #tpu.memory_space<vmem>>, vector<16xf32>,
        %broadcast_in_dim3A_593 = arith.constant 16 : i32
        %broadcast_in_dim3A_594 = vector.broadcast %broadcast_in_dim3A_593 : i32 to vector<16xi32>
        %gather3A_595 = arith.constant 1 : i32
        %gather3A_596 = arith.constant 0 : i32
        %gather3A_597 = arith.constant 0 : i32
        %gather3A_598 = tpu.memref_slice %arg6[%gather3A_595, %gather3A_596, %gather3A_597] : memref<2x800x32xf32, #tpu.memory_space<vmem>> -> memref<1x800x32xf32, #tpu.memory_space<vmem>>
        %gather3A_599 = tpu.memref_squeeze %gather3A_598 : memref<1x800x32xf32, #tpu.memory_space<vmem>> -> memref<800x32xf32, #tpu.memory_space<vmem>>
        %gather3A_600 = tpu.vector_load_idx %gather3A_599[%add3A_355, %broadcast_in_dim3A_594] : memref<800x32xf32, #tpu.memory_space<vmem>>[vector<16xi32>, vector<16xi32>], vector<16xf32>,
        %swap3A_601 = arith.constant 1 : i32
        %swap3A_602 = arith.constant 16 : i32
        %swap3A_603 = arith.index_cast %swap3A_601 : i32 to index
        %swap3A_604 = arith.index_cast %scan3A_350 : i32 to index
        %swap3A_605 = arith.index_cast %swap3A_602 : i32 to index
        %swap3A_606 = arith.constant 0 : index
        %swap3A_607 = tpu.vector_load %arg7[%swap3A_603, %swap3A_604, %swap3A_605, %swap3A_606] {strides = array<i32>} : memref<2x50x32x16xf32, #tpu.memory_space<vmem>>, vector<16xf32>,
        tpu.vector_store %arg7[%swap3A_603, %swap3A_604, %swap3A_605, %swap3A_606], %gather3A_600 {strides = array<i32>} : memref<2x50x32x16xf32, #tpu.memory_space<vmem>>, vector<16xf32>,
        %broadcast_in_dim3A_608 = arith.constant 17 : i32
        %broadcast_in_dim3A_609 = vector.broadcast %broadcast_in_dim3A_608 : i32 to vector<16xi32>
        %gather3A_610 = arith.constant 1 : i32
        %gather3A_611 = arith.constant 0 : i32
        %gather3A_612 = arith.constant 0 : i32
        %gather3A_613 = tpu.memref_slice %arg6[%gather3A_610, %gather3A_611, %gather3A_612] : memref<2x800x32xf32, #tpu.memory_space<vmem>> -> memref<1x800x32xf32, #tpu.memory_space<vmem>>
        %gather3A_614 = tpu.memref_squeeze %gather3A_613 : memref<1x800x32xf32, #tpu.memory_space<vmem>> -> memref<800x32xf32, #tpu.memory_space<vmem>>
        %gather3A_615 = tpu.vector_load_idx %gather3A_614[%add3A_355, %broadcast_in_dim3A_609] : memref<800x32xf32, #tpu.memory_space<vmem>>[vector<16xi32>, vector<16xi32>], vector<16xf32>,
        %swap3A_616 = arith.constant 1 : i32
        %swap3A_617 = arith.constant 17 : i32
        %swap3A_618 = arith.index_cast %swap3A_616 : i32 to index
        %swap3A_619 = arith.index_cast %scan3A_350 : i32 to index
        %swap3A_620 = arith.index_cast %swap3A_617 : i32 to index
        %swap3A_621 = arith.constant 0 : index
        %swap3A_622 = tpu.vector_load %arg7[%swap3A_618, %swap3A_619, %swap3A_620, %swap3A_621] {strides = array<i32>} : memref<2x50x32x16xf32, #tpu.memory_space<vmem>>, vector<16xf32>,
        tpu.vector_store %arg7[%swap3A_618, %swap3A_619, %swap3A_620, %swap3A_621], %gather3A_615 {strides = array<i32>} : memref<2x50x32x16xf32, #tpu.memory_space<vmem>>, vector<16xf32>,
        %broadcast_in_dim3A_623 = arith.constant 18 : i32
        %broadcast_in_dim3A_624 = vector.broadcast %broadcast_in_dim3A_623 : i32 to vector<16xi32>
        %gather3A_625 = arith.constant 1 : i32
        %gather3A_626 = arith.constant 0 : i32
        %gather3A_627 = arith.constant 0 : i32
        %gather3A_628 = tpu.memref_slice %arg6[%gather3A_625, %gather3A_626, %gather3A_627] : memref<2x800x32xf32, #tpu.memory_space<vmem>> -> memref<1x800x32xf32, #tpu.memory_space<vmem>>
        %gather3A_629 = tpu.memref_squeeze %gather3A_628 : memref<1x800x32xf32, #tpu.memory_space<vmem>> -> memref<800x32xf32, #tpu.memory_space<vmem>>
        %gather3A_630 = tpu.vector_load_idx %gather3A_629[%add3A_355, %broadcast_in_dim3A_624] : memref<800x32xf32, #tpu.memory_space<vmem>>[vector<16xi32>, vector<16xi32>], vector<16xf32>,
        %swap3A_631 = arith.constant 1 : i32
        %swap3A_632 = arith.constant 18 : i32
        %swap3A_633 = arith.index_cast %swap3A_631 : i32 to index
        %swap3A_634 = arith.index_cast %scan3A_350 : i32 to index
        %swap3A_635 = arith.index_cast %swap3A_632 : i32 to index
        %swap3A_636 = arith.constant 0 : index
        %swap3A_637 = tpu.vector_load %arg7[%swap3A_633, %swap3A_634, %swap3A_635, %swap3A_636] {strides = array<i32>} : memref<2x50x32x16xf32, #tpu.memory_space<vmem>>, vector<16xf32>,
        tpu.vector_store %arg7[%swap3A_633, %swap3A_634, %swap3A_635, %swap3A_636], %gather3A_630 {strides = array<i32>} : memref<2x50x32x16xf32, #tpu.memory_space<vmem>>, vector<16xf32>,
        %broadcast_in_dim3A_638 = arith.constant 19 : i32
        %broadcast_in_dim3A_639 = vector.broadcast %broadcast_in_dim3A_638 : i32 to vector<16xi32>
        %gather3A_640 = arith.constant 1 : i32
        %gather3A_641 = arith.constant 0 : i32
        %gather3A_642 = arith.constant 0 : i32
        %gather3A_643 = tpu.memref_slice %arg6[%gather3A_640, %gather3A_641, %gather3A_642] : memref<2x800x32xf32, #tpu.memory_space<vmem>> -> memref<1x800x32xf32, #tpu.memory_space<vmem>>
        %gather3A_644 = tpu.memref_squeeze %gather3A_643 : memref<1x800x32xf32, #tpu.memory_space<vmem>> -> memref<800x32xf32, #tpu.memory_space<vmem>>
        %gather3A_645 = tpu.vector_load_idx %gather3A_644[%add3A_355, %broadcast_in_dim3A_639] : memref<800x32xf32, #tpu.memory_space<vmem>>[vector<16xi32>, vector<16xi32>], vector<16xf32>,
        %swap3A_646 = arith.constant 1 : i32
        %swap3A_647 = arith.constant 19 : i32
        %swap3A_648 = arith.index_cast %swap3A_646 : i32 to index
        %swap3A_649 = arith.index_cast %scan3A_350 : i32 to index
        %swap3A_650 = arith.index_cast %swap3A_647 : i32 to index
        %swap3A_651 = arith.constant 0 : index
        %swap3A_652 = tpu.vector_load %arg7[%swap3A_648, %swap3A_649, %swap3A_650, %swap3A_651] {strides = array<i32>} : memref<2x50x32x16xf32, #tpu.memory_space<vmem>>, vector<16xf32>,
        tpu.vector_store %arg7[%swap3A_648, %swap3A_649, %swap3A_650, %swap3A_651], %gather3A_645 {strides = array<i32>} : memref<2x50x32x16xf32, #tpu.memory_space<vmem>>, vector<16xf32>,
        %broadcast_in_dim3A_653 = arith.constant 20 : i32
        %broadcast_in_dim3A_654 = vector.broadcast %broadcast_in_dim3A_653 : i32 to vector<16xi32>
        %gather3A_655 = arith.constant 1 : i32
        %gather3A_656 = arith.constant 0 : i32
        %gather3A_657 = arith.constant 0 : i32
        %gather3A_658 = tpu.memref_slice %arg6[%gather3A_655, %gather3A_656, %gather3A_657] : memref<2x800x32xf32, #tpu.memory_space<vmem>> -> memref<1x800x32xf32, #tpu.memory_space<vmem>>
        %gather3A_659 = tpu.memref_squeeze %gather3A_658 : memref<1x800x32xf32, #tpu.memory_space<vmem>> -> memref<800x32xf32, #tpu.memory_space<vmem>>
        %gather3A_660 = tpu.vector_load_idx %gather3A_659[%add3A_355, %broadcast_in_dim3A_654] : memref<800x32xf32, #tpu.memory_space<vmem>>[vector<16xi32>, vector<16xi32>], vector<16xf32>,
        %swap3A_661 = arith.constant 1 : i32
        %swap3A_662 = arith.constant 20 : i32
        %swap3A_663 = arith.index_cast %swap3A_661 : i32 to index
        %swap3A_664 = arith.index_cast %scan3A_350 : i32 to index
        %swap3A_665 = arith.index_cast %swap3A_662 : i32 to index
        %swap3A_666 = arith.constant 0 : index
        %swap3A_667 = tpu.vector_load %arg7[%swap3A_663, %swap3A_664, %swap3A_665, %swap3A_666] {strides = array<i32>} : memref<2x50x32x16xf32, #tpu.memory_space<vmem>>, vector<16xf32>,
        tpu.vector_store %arg7[%swap3A_663, %swap3A_664, %swap3A_665, %swap3A_666], %gather3A_660 {strides = array<i32>} : memref<2x50x32x16xf32, #tpu.memory_space<vmem>>, vector<16xf32>,
        %broadcast_in_dim3A_668 = arith.constant 21 : i32
        %broadcast_in_dim3A_669 = vector.broadcast %broadcast_in_dim3A_668 : i32 to vector<16xi32>
        %gather3A_670 = arith.constant 1 : i32
        %gather3A_671 = arith.constant 0 : i32
        %gather3A_672 = arith.constant 0 : i32
        %gather3A_673 = tpu.memref_slice %arg6[%gather3A_670, %gather3A_671, %gather3A_672] : memref<2x800x32xf32, #tpu.memory_space<vmem>> -> memref<1x800x32xf32, #tpu.memory_space<vmem>>
        %gather3A_674 = tpu.memref_squeeze %gather3A_673 : memref<1x800x32xf32, #tpu.memory_space<vmem>> -> memref<800x32xf32, #tpu.memory_space<vmem>>
        %gather3A_675 = tpu.vector_load_idx %gather3A_674[%add3A_355, %broadcast_in_dim3A_669] : memref<800x32xf32, #tpu.memory_space<vmem>>[vector<16xi32>, vector<16xi32>], vector<16xf32>,
        %swap3A_676 = arith.constant 1 : i32
        %swap3A_677 = arith.constant 21 : i32
        %swap3A_678 = arith.index_cast %swap3A_676 : i32 to index
        %swap3A_679 = arith.index_cast %scan3A_350 : i32 to index
        %swap3A_680 = arith.index_cast %swap3A_677 : i32 to index
        %swap3A_681 = arith.constant 0 : index
        %swap3A_682 = tpu.vector_load %arg7[%swap3A_678, %swap3A_679, %swap3A_680, %swap3A_681] {strides = array<i32>} : memref<2x50x32x16xf32, #tpu.memory_space<vmem>>, vector<16xf32>,
        tpu.vector_store %arg7[%swap3A_678, %swap3A_679, %swap3A_680, %swap3A_681], %gather3A_675 {strides = array<i32>} : memref<2x50x32x16xf32, #tpu.memory_space<vmem>>, vector<16xf32>,
        %broadcast_in_dim3A_683 = arith.constant 22 : i32
        %broadcast_in_dim3A_684 = vector.broadcast %broadcast_in_dim3A_683 : i32 to vector<16xi32>
        %gather3A_685 = arith.constant 1 : i32
        %gather3A_686 = arith.constant 0 : i32
        %gather3A_687 = arith.constant 0 : i32
        %gather3A_688 = tpu.memref_slice %arg6[%gather3A_685, %gather3A_686, %gather3A_687] : memref<2x800x32xf32, #tpu.memory_space<vmem>> -> memref<1x800x32xf32, #tpu.memory_space<vmem>>
        %gather3A_689 = tpu.memref_squeeze %gather3A_688 : memref<1x800x32xf32, #tpu.memory_space<vmem>> -> memref<800x32xf32, #tpu.memory_space<vmem>>
        %gather3A_690 = tpu.vector_load_idx %gather3A_689[%add3A_355, %broadcast_in_dim3A_684] : memref<800x32xf32, #tpu.memory_space<vmem>>[vector<16xi32>, vector<16xi32>], vector<16xf32>,
        %swap3A_691 = arith.constant 1 : i32
        %swap3A_692 = arith.constant 22 : i32
        %swap3A_693 = arith.index_cast %swap3A_691 : i32 to index
        %swap3A_694 = arith.index_cast %scan3A_350 : i32 to index
        %swap3A_695 = arith.index_cast %swap3A_692 : i32 to index
        %swap3A_696 = arith.constant 0 : index
        %swap3A_697 = tpu.vector_load %arg7[%swap3A_693, %swap3A_694, %swap3A_695, %swap3A_696] {strides = array<i32>} : memref<2x50x32x16xf32, #tpu.memory_space<vmem>>, vector<16xf32>,
        tpu.vector_store %arg7[%swap3A_693, %swap3A_694, %swap3A_695, %swap3A_696], %gather3A_690 {strides = array<i32>} : memref<2x50x32x16xf32, #tpu.memory_space<vmem>>, vector<16xf32>,
        %broadcast_in_dim3A_698 = arith.constant 23 : i32
        %broadcast_in_dim3A_699 = vector.broadcast %broadcast_in_dim3A_698 : i32 to vector<16xi32>
        %gather3A_700 = arith.constant 1 : i32
        %gather3A_701 = arith.constant 0 : i32
        %gather3A_702 = arith.constant 0 : i32
        %gather3A_703 = tpu.memref_slice %arg6[%gather3A_700, %gather3A_701, %gather3A_702] : memref<2x800x32xf32, #tpu.memory_space<vmem>> -> memref<1x800x32xf32, #tpu.memory_space<vmem>>
        %gather3A_704 = tpu.memref_squeeze %gather3A_703 : memref<1x800x32xf32, #tpu.memory_space<vmem>> -> memref<800x32xf32, #tpu.memory_space<vmem>>
        %gather3A_705 = tpu.vector_load_idx %gather3A_704[%add3A_355, %broadcast_in_dim3A_699] : memref<800x32xf32, #tpu.memory_space<vmem>>[vector<16xi32>, vector<16xi32>], vector<16xf32>,
        %swap3A_706 = arith.constant 1 : i32
        %swap3A_707 = arith.constant 23 : i32
        %swap3A_708 = arith.index_cast %swap3A_706 : i32 to index
        %swap3A_709 = arith.index_cast %scan3A_350 : i32 to index
        %swap3A_710 = arith.index_cast %swap3A_707 : i32 to index
        %swap3A_711 = arith.constant 0 : index
        %swap3A_712 = tpu.vector_load %arg7[%swap3A_708, %swap3A_709, %swap3A_710, %swap3A_711] {strides = array<i32>} : memref<2x50x32x16xf32, #tpu.memory_space<vmem>>, vector<16xf32>,
        tpu.vector_store %arg7[%swap3A_708, %swap3A_709, %swap3A_710, %swap3A_711], %gather3A_705 {strides = array<i32>} : memref<2x50x32x16xf32, #tpu.memory_space<vmem>>, vector<16xf32>,
        %broadcast_in_dim3A_713 = arith.constant 24 : i32
        %broadcast_in_dim3A_714 = vector.broadcast %broadcast_in_dim3A_713 : i32 to vector<16xi32>
        %gather3A_715 = arith.constant 1 : i32
        %gather3A_716 = arith.constant 0 : i32
        %gather3A_717 = arith.constant 0 : i32
        %gather3A_718 = tpu.memref_slice %arg6[%gather3A_715, %gather3A_716, %gather3A_717] : memref<2x800x32xf32, #tpu.memory_space<vmem>> -> memref<1x800x32xf32, #tpu.memory_space<vmem>>
        %gather3A_719 = tpu.memref_squeeze %gather3A_718 : memref<1x800x32xf32, #tpu.memory_space<vmem>> -> memref<800x32xf32, #tpu.memory_space<vmem>>
        %gather3A_720 = tpu.vector_load_idx %gather3A_719[%add3A_355, %broadcast_in_dim3A_714] : memref<800x32xf32, #tpu.memory_space<vmem>>[vector<16xi32>, vector<16xi32>], vector<16xf32>,
        %swap3A_721 = arith.constant 1 : i32
        %swap3A_722 = arith.constant 24 : i32
        %swap3A_723 = arith.index_cast %swap3A_721 : i32 to index
        %swap3A_724 = arith.index_cast %scan3A_350 : i32 to index
        %swap3A_725 = arith.index_cast %swap3A_722 : i32 to index
        %swap3A_726 = arith.constant 0 : index
        %swap3A_727 = tpu.vector_load %arg7[%swap3A_723, %swap3A_724, %swap3A_725, %swap3A_726] {strides = array<i32>} : memref<2x50x32x16xf32, #tpu.memory_space<vmem>>, vector<16xf32>,
        tpu.vector_store %arg7[%swap3A_723, %swap3A_724, %swap3A_725, %swap3A_726], %gather3A_720 {strides = array<i32>} : memref<2x50x32x16xf32, #tpu.memory_space<vmem>>, vector<16xf32>,
        %broadcast_in_dim3A_728 = arith.constant 25 : i32
        %broadcast_in_dim3A_729 = vector.broadcast %broadcast_in_dim3A_728 : i32 to vector<16xi32>
        %gather3A_730 = arith.constant 1 : i32
        %gather3A_731 = arith.constant 0 : i32
        %gather3A_732 = arith.constant 0 : i32
        %gather3A_733 = tpu.memref_slice %arg6[%gather3A_730, %gather3A_731, %gather3A_732] : memref<2x800x32xf32, #tpu.memory_space<vmem>> -> memref<1x800x32xf32, #tpu.memory_space<vmem>>
        %gather3A_734 = tpu.memref_squeeze %gather3A_733 : memref<1x800x32xf32, #tpu.memory_space<vmem>> -> memref<800x32xf32, #tpu.memory_space<vmem>>
        %gather3A_735 = tpu.vector_load_idx %gather3A_734[%add3A_355, %broadcast_in_dim3A_729] : memref<800x32xf32, #tpu.memory_space<vmem>>[vector<16xi32>, vector<16xi32>], vector<16xf32>,
        %swap3A_736 = arith.constant 1 : i32
        %swap3A_737 = arith.constant 25 : i32
        %swap3A_738 = arith.index_cast %swap3A_736 : i32 to index
        %swap3A_739 = arith.index_cast %scan3A_350 : i32 to index
        %swap3A_740 = arith.index_cast %swap3A_737 : i32 to index
        %swap3A_741 = arith.constant 0 : index
        %swap3A_742 = tpu.vector_load %arg7[%swap3A_738, %swap3A_739, %swap3A_740, %swap3A_741] {strides = array<i32>} : memref<2x50x32x16xf32, #tpu.memory_space<vmem>>, vector<16xf32>,
        tpu.vector_store %arg7[%swap3A_738, %swap3A_739, %swap3A_740, %swap3A_741], %gather3A_735 {strides = array<i32>} : memref<2x50x32x16xf32, #tpu.memory_space<vmem>>, vector<16xf32>,
        %broadcast_in_dim3A_743 = arith.constant 26 : i32
        %broadcast_in_dim3A_744 = vector.broadcast %broadcast_in_dim3A_743 : i32 to vector<16xi32>
        %gather3A_745 = arith.constant 1 : i32
        %gather3A_746 = arith.constant 0 : i32
        %gather3A_747 = arith.constant 0 : i32
        %gather3A_748 = tpu.memref_slice %arg6[%gather3A_745, %gather3A_746, %gather3A_747] : memref<2x800x32xf32, #tpu.memory_space<vmem>> -> memref<1x800x32xf32, #tpu.memory_space<vmem>>
        %gather3A_749 = tpu.memref_squeeze %gather3A_748 : memref<1x800x32xf32, #tpu.memory_space<vmem>> -> memref<800x32xf32, #tpu.memory_space<vmem>>
        %gather3A_750 = tpu.vector_load_idx %gather3A_749[%add3A_355, %broadcast_in_dim3A_744] : memref<800x32xf32, #tpu.memory_space<vmem>>[vector<16xi32>, vector<16xi32>], vector<16xf32>,
        %swap3A_751 = arith.constant 1 : i32
        %swap3A_752 = arith.constant 26 : i32
        %swap3A_753 = arith.index_cast %swap3A_751 : i32 to index
        %swap3A_754 = arith.index_cast %scan3A_350 : i32 to index
        %swap3A_755 = arith.index_cast %swap3A_752 : i32 to index
        %swap3A_756 = arith.constant 0 : index
        %swap3A_757 = tpu.vector_load %arg7[%swap3A_753, %swap3A_754, %swap3A_755, %swap3A_756] {strides = array<i32>} : memref<2x50x32x16xf32, #tpu.memory_space<vmem>>, vector<16xf32>,
        tpu.vector_store %arg7[%swap3A_753, %swap3A_754, %swap3A_755, %swap3A_756], %gather3A_750 {strides = array<i32>} : memref<2x50x32x16xf32, #tpu.memory_space<vmem>>, vector<16xf32>,
        %broadcast_in_dim3A_758 = arith.constant 27 : i32
        %broadcast_in_dim3A_759 = vector.broadcast %broadcast_in_dim3A_758 : i32 to vector<16xi32>
        %gather3A_760 = arith.constant 1 : i32
        %gather3A_761 = arith.constant 0 : i32
        %gather3A_762 = arith.constant 0 : i32
        %gather3A_763 = tpu.memref_slice %arg6[%gather3A_760, %gather3A_761, %gather3A_762] : memref<2x800x32xf32, #tpu.memory_space<vmem>> -> memref<1x800x32xf32, #tpu.memory_space<vmem>>
        %gather3A_764 = tpu.memref_squeeze %gather3A_763 : memref<1x800x32xf32, #tpu.memory_space<vmem>> -> memref<800x32xf32, #tpu.memory_space<vmem>>
        %gather3A_765 = tpu.vector_load_idx %gather3A_764[%add3A_355, %broadcast_in_dim3A_759] : memref<800x32xf32, #tpu.memory_space<vmem>>[vector<16xi32>, vector<16xi32>], vector<16xf32>,
        %swap3A_766 = arith.constant 1 : i32
        %swap3A_767 = arith.constant 27 : i32
        %swap3A_768 = arith.index_cast %swap3A_766 : i32 to index
        %swap3A_769 = arith.index_cast %scan3A_350 : i32 to index
        %swap3A_770 = arith.index_cast %swap3A_767 : i32 to index
        %swap3A_771 = arith.constant 0 : index
        %swap3A_772 = tpu.vector_load %arg7[%swap3A_768, %swap3A_769, %swap3A_770, %swap3A_771] {strides = array<i32>} : memref<2x50x32x16xf32, #tpu.memory_space<vmem>>, vector<16xf32>,
        tpu.vector_store %arg7[%swap3A_768, %swap3A_769, %swap3A_770, %swap3A_771], %gather3A_765 {strides = array<i32>} : memref<2x50x32x16xf32, #tpu.memory_space<vmem>>, vector<16xf32>,
        %broadcast_in_dim3A_773 = arith.constant 28 : i32
        %broadcast_in_dim3A_774 = vector.broadcast %broadcast_in_dim3A_773 : i32 to vector<16xi32>
        %gather3A_775 = arith.constant 1 : i32
        %gather3A_776 = arith.constant 0 : i32
        %gather3A_777 = arith.constant 0 : i32
        %gather3A_778 = tpu.memref_slice %arg6[%gather3A_775, %gather3A_776, %gather3A_777] : memref<2x800x32xf32, #tpu.memory_space<vmem>> -> memref<1x800x32xf32, #tpu.memory_space<vmem>>
        %gather3A_779 = tpu.memref_squeeze %gather3A_778 : memref<1x800x32xf32, #tpu.memory_space<vmem>> -> memref<800x32xf32, #tpu.memory_space<vmem>>
        %gather3A_780 = tpu.vector_load_idx %gather3A_779[%add3A_355, %broadcast_in_dim3A_774] : memref<800x32xf32, #tpu.memory_space<vmem>>[vector<16xi32>, vector<16xi32>], vector<16xf32>,
        %swap3A_781 = arith.constant 1 : i32
        %swap3A_782 = arith.constant 28 : i32
        %swap3A_783 = arith.index_cast %swap3A_781 : i32 to index
        %swap3A_784 = arith.index_cast %scan3A_350 : i32 to index
        %swap3A_785 = arith.index_cast %swap3A_782 : i32 to index
        %swap3A_786 = arith.constant 0 : index
        %swap3A_787 = tpu.vector_load %arg7[%swap3A_783, %swap3A_784, %swap3A_785, %swap3A_786] {strides = array<i32>} : memref<2x50x32x16xf32, #tpu.memory_space<vmem>>, vector<16xf32>,
        tpu.vector_store %arg7[%swap3A_783, %swap3A_784, %swap3A_785, %swap3A_786], %gather3A_780 {strides = array<i32>} : memref<2x50x32x16xf32, #tpu.memory_space<vmem>>, vector<16xf32>,
        %broadcast_in_dim3A_788 = arith.constant 29 : i32
        %broadcast_in_dim3A_789 = vector.broadcast %broadcast_in_dim3A_788 : i32 to vector<16xi32>
        %gather3A_790 = arith.constant 1 : i32
        %gather3A_791 = arith.constant 0 : i32
        %gather3A_792 = arith.constant 0 : i32
        %gather3A_793 = tpu.memref_slice %arg6[%gather3A_790, %gather3A_791, %gather3A_792] : memref<2x800x32xf32, #tpu.memory_space<vmem>> -> memref<1x800x32xf32, #tpu.memory_space<vmem>>
        %gather3A_794 = tpu.memref_squeeze %gather3A_793 : memref<1x800x32xf32, #tpu.memory_space<vmem>> -> memref<800x32xf32, #tpu.memory_space<vmem>>
        %gather3A_795 = tpu.vector_load_idx %gather3A_794[%add3A_355, %broadcast_in_dim3A_789] : memref<800x32xf32, #tpu.memory_space<vmem>>[vector<16xi32>, vector<16xi32>], vector<16xf32>,
        %swap3A_796 = arith.constant 1 : i32
        %swap3A_797 = arith.constant 29 : i32
        %swap3A_798 = arith.index_cast %swap3A_796 : i32 to index
        %swap3A_799 = arith.index_cast %scan3A_350 : i32 to index
        %swap3A_800 = arith.index_cast %swap3A_797 : i32 to index
        %swap3A_801 = arith.constant 0 : index
        %swap3A_802 = tpu.vector_load %arg7[%swap3A_798, %swap3A_799, %swap3A_800, %swap3A_801] {strides = array<i32>} : memref<2x50x32x16xf32, #tpu.memory_space<vmem>>, vector<16xf32>,
        tpu.vector_store %arg7[%swap3A_798, %swap3A_799, %swap3A_800, %swap3A_801], %gather3A_795 {strides = array<i32>} : memref<2x50x32x16xf32, #tpu.memory_space<vmem>>, vector<16xf32>,
        %broadcast_in_dim3A_803 = arith.constant 30 : i32
        %broadcast_in_dim3A_804 = vector.broadcast %broadcast_in_dim3A_803 : i32 to vector<16xi32>
        %gather3A_805 = arith.constant 1 : i32
        %gather3A_806 = arith.constant 0 : i32
        %gather3A_807 = arith.constant 0 : i32
        %gather3A_808 = tpu.memref_slice %arg6[%gather3A_805, %gather3A_806, %gather3A_807] : memref<2x800x32xf32, #tpu.memory_space<vmem>> -> memref<1x800x32xf32, #tpu.memory_space<vmem>>
        %gather3A_809 = tpu.memref_squeeze %gather3A_808 : memref<1x800x32xf32, #tpu.memory_space<vmem>> -> memref<800x32xf32, #tpu.memory_space<vmem>>
        %gather3A_810 = tpu.vector_load_idx %gather3A_809[%add3A_355, %broadcast_in_dim3A_804] : memref<800x32xf32, #tpu.memory_space<vmem>>[vector<16xi32>, vector<16xi32>], vector<16xf32>,
        %swap3A_811 = arith.constant 1 : i32
        %swap3A_812 = arith.constant 30 : i32
        %swap3A_813 = arith.index_cast %swap3A_811 : i32 to index
        %swap3A_814 = arith.index_cast %scan3A_350 : i32 to index
        %swap3A_815 = arith.index_cast %swap3A_812 : i32 to index
        %swap3A_816 = arith.constant 0 : index
        %swap3A_817 = tpu.vector_load %arg7[%swap3A_813, %swap3A_814, %swap3A_815, %swap3A_816] {strides = array<i32>} : memref<2x50x32x16xf32, #tpu.memory_space<vmem>>, vector<16xf32>,
        tpu.vector_store %arg7[%swap3A_813, %swap3A_814, %swap3A_815, %swap3A_816], %gather3A_810 {strides = array<i32>} : memref<2x50x32x16xf32, #tpu.memory_space<vmem>>, vector<16xf32>,
        %broadcast_in_dim3A_818 = arith.constant 31 : i32
        %broadcast_in_dim3A_819 = vector.broadcast %broadcast_in_dim3A_818 : i32 to vector<16xi32>
        %gather3A_820 = arith.constant 1 : i32
        %gather3A_821 = arith.constant 0 : i32
        %gather3A_822 = arith.constant 0 : i32
        %gather3A_823 = tpu.memref_slice %arg6[%gather3A_820, %gather3A_821, %gather3A_822] : memref<2x800x32xf32, #tpu.memory_space<vmem>> -> memref<1x800x32xf32, #tpu.memory_space<vmem>>
        %gather3A_824 = tpu.memref_squeeze %gather3A_823 : memref<1x800x32xf32, #tpu.memory_space<vmem>> -> memref<800x32xf32, #tpu.memory_space<vmem>>
        %gather3A_825 = tpu.vector_load_idx %gather3A_824[%add3A_355, %broadcast_in_dim3A_819] : memref<800x32xf32, #tpu.memory_space<vmem>>[vector<16xi32>, vector<16xi32>], vector<16xf32>,
        %swap3A_826 = arith.constant 1 : i32
        %swap3A_827 = arith.constant 31 : i32
        %swap3A_828 = arith.index_cast %swap3A_826 : i32 to index
        %swap3A_829 = arith.index_cast %scan3A_350 : i32 to index
        %swap3A_830 = arith.index_cast %swap3A_827 : i32 to index
        %swap3A_831 = arith.constant 0 : index
        %swap3A_832 = tpu.vector_load %arg7[%swap3A_828, %swap3A_829, %swap3A_830, %swap3A_831] {strides = array<i32>} : memref<2x50x32x16xf32, #tpu.memory_space<vmem>>, vector<16xf32>,
        tpu.vector_store %arg7[%swap3A_828, %swap3A_829, %swap3A_830, %swap3A_831], %gather3A_825 {strides = array<i32>} : memref<2x50x32x16xf32, #tpu.memory_space<vmem>>, vector<16xf32>,
      }
      %scan3A_298 = arith.constant 50 : i32
      %mul3A_299 = arith.constant 512 : i32
      %mul3A_300 = arith.muli %add3A, %mul3A_299 : i32
      %mul3A_301 = arith.constant 16 : i32
      %mul3A_302 = arith.muli %add3A_264, %mul3A_301 : i32
      %add3A_303 = arith.addi %mul3A_300, %mul3A_302 : i32
      %dma_start3A_304 = arith.constant 1 : i32
      %dma_start3A_305 = arith.constant 0 : i32
      %dma_start3A_306 = arith.constant 0 : i32
      %dma_start3A_307 = arith.constant 0 : i32
      %dma_start3A_308 = tpu.memref_slice %arg7[%dma_start3A_304, %dma_start3A_305, %dma_start3A_306, %dma_start3A_307] : memref<2x50x32x16xf32, #tpu.memory_space<vmem>> -> memref<1x50x32x16xf32, #tpu.memory_space<vmem>>
      %dma_start3A_309 = tpu.memref_squeeze %dma_start3A_308 : memref<1x50x32x16xf32, #tpu.memory_space<vmem>> -> memref<50x32x16xf32, #tpu.memory_space<vmem>>
      %dma_start3A_310 = arith.constant 0 : i32
      %dma_start3A_311 = arith.constant 0 : i32
      %dma_start3A_312 = tpu.memref_slice %arg4[%dma_start3A_310, %dma_start3A_311, %add3A_303] : memref<50x32x16384xf32, #tpu.memory_space<hbm>> -> memref<50x32x16xf32, #tpu.memory_space<hbm>>
      %dma_start3A_313 = arith.constant 0 : i32
      %dma_start3A_314 = arith.constant 0 : i32
      %dma_start3A_315 = tpu.memref_slice %arg4[%dma_start3A_313, %dma_start3A_314, %add3A_303] : memref<50x32x16384xf32, #tpu.memory_space<hbm>> -> memref<50x32x16xf32, #tpu.memory_space<hbm>>
      %dma_start3A_316 = arith.constant 0 : i32
      %dma_start3A_317 = arith.constant 0 : i32
      %dma_start3A_318 = arith.constant 0 : i32
      %dma_start3A_319 = tpu.memref_slice %arg7[%dma_start3A_304, %dma_start3A_316, %dma_start3A_317, %dma_start3A_318] : memref<2x50x32x16xf32, #tpu.memory_space<vmem>> -> memref<1x50x32x16xf32, #tpu.memory_space<vmem>>
      %dma_start3A_320 = tpu.memref_squeeze %dma_start3A_319 : memref<1x50x32x16xf32, #tpu.memory_space<vmem>> -> memref<50x32x16xf32, #tpu.memory_space<vmem>>
      tpu.enqueue_dma source(%dma_start3A_320 : memref<50x32x16xf32, #tpu.memory_space<vmem>>) target(%dma_start3A_315 : memref<50x32x16xf32, #tpu.memory_space<hbm>>) target_semaphore(%arg11 : memref<!tpu.dma_semaphore, #tpu.memory_space<semaphore_mem>>)
      %add3A_321 = arith.constant 2 : i32
      %add3A_322 = arith.addi %add3A_264, %add3A_321 : i32
      %jit3A_323 = arith.constant 32 : i32
      %eq3A_324 = arith.constant 0 : i32
      %eq3A_325 = arith.cmpi eq, %jit3A_323, %eq3A_324 : i32
      %jit3A_326 = arith.constant 1 : i32
      %select_n3A_327 = arith.select %eq3A_325, %jit3A_326, %jit3A_323 : i32
      %rem3A_328 = arith.remsi %add3A_322, %select_n3A_327 : i32
      %ne3A_329 = arith.constant 0 : i32
      %ne3A_330 = arith.cmpi ne, %rem3A_328, %ne3A_329 : i32
      %lt3A_331 = arith.constant 0 : i32
      %lt3A_332 = arith.cmpi slt, %rem3A_328, %lt3A_331 : i32
      %lt3A_333 = arith.constant 0 : i32
      %lt3A_334 = arith.cmpi slt, %select_n3A_327, %lt3A_333 : i32
      %ne3A_335 = arith.xori %lt3A_332, %lt3A_334 : i1
      %and3A_336 = arith.andi %ne3A_335, %ne3A_330 : i1
      %add3A_337 = arith.addi %rem3A_328, %select_n3A_327 : i32
      %select_n3A_338 = arith.select %and3A_336, %add3A_337, %rem3A_328 : i32
      %mul3A_339 = arith.constant 800 : i32
      %mul3A_340 = arith.muli %select_n3A_338, %mul3A_339 : i32
      %dma_start3A_341 = arith.constant 1 : i32
      %dma_start3A_342 = arith.constant 0 : i32
      %dma_start3A_343 = arith.constant 0 : i32
      %dma_start3A_344 = tpu.memref_slice %arg6[%dma_start3A_341, %dma_start3A_342, %dma_start3A_343] : memref<2x800x32xf32, #tpu.memory_space<vmem>> -> memref<1x800x32xf32, #tpu.memory_space<vmem>>
      %dma_start3A_345 = tpu.memref_squeeze %dma_start3A_344 : memref<1x800x32xf32, #tpu.memory_space<vmem>> -> memref<800x32xf32, #tpu.memory_space<vmem>>
      %dma_start3A_346 = tpu.memref_slice %arg5[%mul3A_340] : memref<25600xi32, #tpu.memory_space<vmem>> -> memref<800xi32, #tpu.memory_space<vmem>>
      %dma_start3A_347 = arith.constant 0 : i32
      %dma_start3A_348 = arith.constant 0 : i32
      %dma_start3A_349 = tpu.memref_slice %arg3[%dma_start3A_347, %dma_start3A_348] : memref<1000000x32xf32, #tpu.memory_space<hbm>> -> memref<1000000x32xf32, #tpu.memory_space<hbm>>
      tpu.enqueue_indirect_dma source(%dma_start3A_349 : memref<1000000x32xf32, #tpu.memory_space<hbm>>) target(%dma_start3A_345 : memref<800x32xf32, #tpu.memory_space<vmem>>) offsets(%dma_start3A_346 : memref<800xi32, #tpu.memory_space<vmem>>) semaphore(%arg9 : memref<!tpu.dma_semaphore, #tpu.memory_space<semaphore_mem>>)
    }
    %scan3A_119 = arith.constant 15 : i32
    %dma_wait3A_120 = arith.constant 0 : i32
    %dma_wait3A_121 = arith.constant 0 : i32
    %dma_wait3A_122 = arith.constant 0 : i32
    %dma_wait3A_123 = tpu.memref_slice %arg6[%dma_wait3A_120, %dma_wait3A_121, %dma_wait3A_122] : memref<2x800x32xf32, #tpu.memory_space<vmem>> -> memref<1x800x32xf32, #tpu.memory_space<vmem>>
    %dma_wait3A_124 = tpu.memref_squeeze %dma_wait3A_123 : memref<1x800x32xf32, #tpu.memory_space<vmem>> -> memref<800x32xf32, #tpu.memory_space<vmem>>
    %dma_wait3A_125 = arith.constant 0 : i32
    %dma_wait3A_126 = tpu.memref_slice %arg5[%dma_wait3A_125] : memref<25600xi32, #tpu.memory_space<vmem>> -> memref<800xi32, #tpu.memory_space<vmem>>
    %dma_wait3A_127 = arith.constant 0 : i32
    %dma_wait3A_128 = arith.constant 0 : i32
    %dma_wait3A_129 = tpu.memref_slice %arg3[%dma_wait3A_127, %dma_wait3A_128] : memref<1000000x32xf32, #tpu.memory_space<hbm>> -> memref<1000000x32xf32, #tpu.memory_space<hbm>>
    tpu.wait_indirect_dma semaphore(%arg8 : memref<!tpu.dma_semaphore, #tpu.memory_space<semaphore_mem>>) src(%dma_wait3A_129 : memref<1000000x32xf32, #tpu.memory_space<hbm>>) dst(%dma_wait3A_124 : memref<800x32xf32, #tpu.memory_space<vmem>>)
    %dma_wait3A_130 = arith.constant 0 : i32
    %dma_wait3A_131 = arith.constant 0 : i32
    %dma_wait3A_132 = arith.constant 0 : i32
    %dma_wait3A_133 = arith.constant 0 : i32
    %dma_wait3A_134 = tpu.memref_slice %arg7[%dma_wait3A_130, %dma_wait3A_131, %dma_wait3A_132, %dma_wait3A_133] : memref<2x50x32x16xf32, #tpu.memory_space<vmem>> -> memref<1x50x32x16xf32, #tpu.memory_space<vmem>>
    %dma_wait3A_135 = tpu.memref_squeeze %dma_wait3A_134 : memref<1x50x32x16xf32, #tpu.memory_space<vmem>> -> memref<50x32x16xf32, #tpu.memory_space<vmem>>
    %dma_wait3A_136 = arith.constant 0 : i32
    %dma_wait3A_137 = arith.constant 0 : i32
    %dma_wait3A_138 = arith.constant 0 : i32
    %dma_wait3A_139 = tpu.memref_slice %arg4[%dma_wait3A_136, %dma_wait3A_137, %dma_wait3A_138] : memref<50x32x16384xf32, #tpu.memory_space<hbm>> -> memref<50x32x16xf32, #tpu.memory_space<hbm>>
    %dma_wait3A_140 = arith.constant 0 : i32
    %dma_wait3A_141 = arith.constant 0 : i32
    %dma_wait3A_142 = arith.constant 0 : i32
    %dma_wait3A_143 = tpu.memref_slice %arg4[%dma_wait3A_140, %dma_wait3A_141, %dma_wait3A_142] : memref<50x32x16384xf32, #tpu.memory_space<hbm>> -> memref<50x32x16xf32, #tpu.memory_space<hbm>>
    %dma_wait3A_144 = arith.constant 0 : i32
    %dma_wait3A_145 = arith.constant 0 : i32
    %dma_wait3A_146 = arith.constant 0 : i32
    %dma_wait3A_147 = tpu.memref_slice %arg7[%dma_wait3A_130, %dma_wait3A_144, %dma_wait3A_145, %dma_wait3A_146] : memref<2x50x32x16xf32, #tpu.memory_space<vmem>> -> memref<1x50x32x16xf32, #tpu.memory_space<vmem>>
    %dma_wait3A_148 = tpu.memref_squeeze %dma_wait3A_147 : memref<1x50x32x16xf32, #tpu.memory_space<vmem>> -> memref<50x32x16xf32, #tpu.memory_space<vmem>>
    tpu.wait_dma2 semaphore(%arg10 : memref<!tpu.dma_semaphore, #tpu.memory_space<semaphore_mem>>) src(%dma_wait3A_148 : memref<50x32x16xf32, #tpu.memory_space<vmem>>) dst(%dma_wait3A_143 : memref<50x32x16xf32, #tpu.memory_space<hbm>>)
    %dma_wait3A_149 = arith.constant 1 : i32
    %dma_wait3A_150 = arith.constant 0 : i32
    %dma_wait3A_151 = arith.constant 0 : i32
    %dma_wait3A_152 = tpu.memref_slice %arg6[%dma_wait3A_149, %dma_wait3A_150, %dma_wait3A_151] : memref<2x800x32xf32, #tpu.memory_space<vmem>> -> memref<1x800x32xf32, #tpu.memory_space<vmem>>
    %dma_wait3A_153 = tpu.memref_squeeze %dma_wait3A_152 : memref<1x800x32xf32, #tpu.memory_space<vmem>> -> memref<800x32xf32, #tpu.memory_space<vmem>>
    %dma_wait3A_154 = arith.constant 0 : i32
    %dma_wait3A_155 = tpu.memref_slice %arg5[%dma_wait3A_154] : memref<25600xi32, #tpu.memory_space<vmem>> -> memref<800xi32, #tpu.memory_space<vmem>>
    %dma_wait3A_156 = arith.constant 0 : i32
    %dma_wait3A_157 = arith.constant 0 : i32
    %dma_wait3A_158 = tpu.memref_slice %arg3[%dma_wait3A_156, %dma_wait3A_157] : memref<1000000x32xf32, #tpu.memory_space<hbm>> -> memref<1000000x32xf32, #tpu.memory_space<hbm>>
    tpu.wait_indirect_dma semaphore(%arg9 : memref<!tpu.dma_semaphore, #tpu.memory_space<semaphore_mem>>) src(%dma_wait3A_158 : memref<1000000x32xf32, #tpu.memory_space<hbm>>) dst(%dma_wait3A_153 : memref<800x32xf32, #tpu.memory_space<vmem>>)
    %dma_wait3A_159 = arith.constant 1 : i32
    %dma_wait3A_160 = arith.constant 0 : i32
    %dma_wait3A_161 = arith.constant 0 : i32
    %dma_wait3A_162 = arith.constant 0 : i32
    %dma_wait3A_163 = tpu.memref_slice %arg7[%dma_wait3A_159, %dma_wait3A_160, %dma_wait3A_161, %dma_wait3A_162] : memref<2x50x32x16xf32, #tpu.memory_space<vmem>> -> memref<1x50x32x16xf32, #tpu.memory_space<vmem>>
    %dma_wait3A_164 = tpu.memref_squeeze %dma_wait3A_163 : memref<1x50x32x16xf32, #tpu.memory_space<vmem>> -> memref<50x32x16xf32, #tpu.memory_space<vmem>>
    %dma_wait3A_165 = arith.constant 0 : i32
    %dma_wait3A_166 = arith.constant 0 : i32
    %dma_wait3A_167 = arith.constant 0 : i32
    %dma_wait3A_168 = tpu.memref_slice %arg4[%dma_wait3A_165, %dma_wait3A_166, %dma_wait3A_167] : memref<50x32x16384xf32, #tpu.memory_space<hbm>> -> memref<50x32x16xf32, #tpu.memory_space<hbm>>
    %dma_wait3A_169 = arith.constant 0 : i32
    %dma_wait3A_170 = arith.constant 0 : i32
    %dma_wait3A_171 = arith.constant 0 : i32
    %dma_wait3A_172 = tpu.memref_slice %arg4[%dma_wait3A_169, %dma_wait3A_170, %dma_wait3A_171] : memref<50x32x16384xf32, #tpu.memory_space<hbm>> -> memref<50x32x16xf32, #tpu.memory_space<hbm>>
    %dma_wait3A_173 = arith.constant 0 : i32
    %dma_wait3A_174 = arith.constant 0 : i32
    %dma_wait3A_175 = arith.constant 0 : i32
    %dma_wait3A_176 = tpu.memref_slice %arg7[%dma_wait3A_159, %dma_wait3A_173, %dma_wait3A_174, %dma_wait3A_175] : memref<2x50x32x16xf32, #tpu.memory_space<vmem>> -> memref<1x50x32x16xf32, #tpu.memory_space<vmem>>
    %dma_wait3A_177 = tpu.memref_squeeze %dma_wait3A_176 : memref<1x50x32x16xf32, #tpu.memory_space<vmem>> -> memref<50x32x16xf32, #tpu.memory_space<vmem>>
    tpu.wait_dma2 semaphore(%arg11 : memref<!tpu.dma_semaphore, #tpu.memory_space<semaphore_mem>>) src(%dma_wait3A_177 : memref<50x32x16xf32, #tpu.memory_space<vmem>>) dst(%dma_wait3A_172 : memref<50x32x16xf32, #tpu.memory_space<hbm>>)
    return
  }
}

</mosaic_0001>

<sc_bundles>
// kernel: kernel.3.cloned.1.call-start
scs
__scs_entry_jumppad:
0x0: {  	(pc) =	sbr.rel $0x88, $3  }
0x1: {  	(tag) =	ssettag $0x0;
	lr =	simm.s32 $0x1  }
0x2: {  	[smem:$0x3F9F] =	sst lr;
	_ =	strace $0xD0000000  }
0x3: {  	_ = 	snop  }
0x4: {  	_ = 	snop  }
0x5: {  	_ = 	snop  }
0x6: {  	_ = 	snop  }
0x7: {  	_ = 	snop  }
__scs_overlays_trampoline_lowered:
0x8: {  	[smem:$0x3FAE] =	sst s0  }
0x9: {  	[smem:$0x3FAF] =	sst s1  }
0xa: {  	[smem:$0x3FB0] =	sst s2  }
0xb: {  	[smem:$0x3FB1] =	sst s3  }
0xc: {  	[smem:$0x3FB2] =	sst s4  }
0xd: {  	[smem:$0x3FB3] =	sst s5  }
0xe: {  	[smem:$0x3FB4] =	sst s6  }
0xf: {  	[smem:$0x3FB5] =	sst s7  }
0x10: {  	[smem:$0x3FB6] =	sst s8  }
0x11: {  	[smem:$0x3FB7] =	sst s9;
	s0 =	simm.s32 @!p0 $0x0  }
0x12: {  	s1 =	sld [smem:$0x3F9D];
	s0 =	simm.s32 @p0 $0x1  }
0x13: {  	[smem:$0x3FB8] =	sst s0;
	s0 =	simm.s32 @!p1 $0x0  }
0x14: {  	s2 =	sld [smem:$0x3F9C];
	s0 =	simm.s32 @p1 $0x1  }
0x15: {  	[smem:$0x3FB9] =	sst s0;
	s0 =	simm.s32 @!p2 $0x0  }
0x16: {  	s3 =	sld [smem:$0x3FDB];
	s0 =	simm.s32 @p2 $0x1  }
0x17: {  	s4 =	simm.s32 $0x1BF5;
	[smem:$0x3FBB] =	sst s0  }
0x18: {  	s0 =	sld [smem:$0x3F9E];
	_ =	swait.ge [sflag:s4], $0x0  }
0x19: {  	s7 =	sld [smem:$0x3F9F]  }
0x1a: {  	s8 =	sadd.s32 $0xFFFFE003, lr  }
0x1b: {  	s9 =	sadd.s32 $0xFFFFFEF7, lr;
	s5 =	simm.s32 $0xFFFFFFFF;
	p2 =	slt.u32 s8, $0xFFFFF086  }
0x1c: {  	p1 =	slt.u32 s9, $0xF7A;
	s5 =	simm.s32 @!p2 $0x0  }
0x1d: {  	s5 =	simm.s32 @p1 $0x1;
	p0 =	seq.s32 s7, s2  }
0x1e: {  	s7 =	smul.u32 @!p0 $0xF7A, s2;
	p2 =	seq.s32 @!p0 s5, $0x0  }
0x1f: {  	s9 =	smul.u32 $0xF7A, s1;
	s8 =	simm.s32 @!p0 $0x1BF5;
	p2 =	por !p2, p0  }
0x20: {  	[sflag:s8] =	ssyncset.s32 @!p0 $0xFFFFF086;
	s6 =	sadd.s32 @!p0 s3, s7;
	s7 =	simm.s32 @!p0 $0x108  }
0x21: {  	s3 =	sadd.s32 s3, s9;
	s6 =	sadd.s32 @!p0 $0x88, s6;
	s7 =	simm.s32 @p2 $0x1082  }
0x22: {  	[simem:s7], [sflag:s8] =	dma.local @!p0 [hbm:s6], $0xF7A  }
0x23: {  	s9 =	sor.u32 $0xD0000000, s2;
	s6 =	simm.s32 $0x108;
	_ =	swait.ge @!p0 [sflag:s8], $0x0  }
0x24: {  	s3 =	sadd.s32 $0x88, s3;
	s6 =	simm.s32 @!p1 $0x1082;
	[sflag:s4] =	ssyncset.s32 $0xFFFFF086  }
0x25: {  	[simem:s6], [sflag:s4] =	dma.local [hbm:s3], $0xF7A  }
0x26: {  	[smem:$0x3F9F] =	sst s1;
	(tag) =	ssettag s2;
	_ =	strace s9  }
0x27: {  	s1 =	sld [smem:$0x3FAF]  }
0x28: {  	s2 =	sld [smem:$0x3FB0]  }
0x29: {  	s4 =	sld [smem:$0x3FB2]  }
0x2a: {  	p0 =	seq.s32 s5, $0x0;
	s5 =	sld [smem:$0x3FB3]  }
0x2b: {  	s6 =	sld [smem:$0x3FB4]  }
0x2c: {  	s7 =	sld [smem:$0x3FB5]  }
0x2d: {  	s3 =	simm.s32 $0x108;
	s8 =	sld [smem:$0x3FB6]  }
0x2e: {  	s3 =	simm.s32 @!p0 $0x1082;
	s9 =	sld [smem:$0x3FB7]  }
0x2f: {  	lr =	sadd.s32 s0, s3;
	s0 =	sld [smem:$0x3FAE]  }
0x30: {  	s3 =	sld [smem:$0x3FB1]  }
0x31: {  	[smem:$0x3FBA] =	sst s10  }
0x32: {  	s10 =	sld [smem:$0x3FB8];
	_ =	sdelay $0x3  }
0x33: {  	p0 =	seq.s32 s10, $0x1;
	s10 =	sld [smem:$0x3FBA];
	_ =	sdelay $0x3  }
0x34: {  	[smem:$0x3FBA] =	sst s10  }
0x35: {  	s10 =	sld [smem:$0x3FB9];
	_ =	sdelay $0x3  }
0x36: {  	p1 =	seq.s32 s10, $0x1;
	s10 =	sld [smem:$0x3FBA];
	_ =	sdelay $0x3  }
0x37: {  	[smem:$0x3FBA] =	sst s10  }
0x38: {  	s10 =	sld [smem:$0x3FBB]  }
0x39: {  	_ = 	snop;
	(pc) =	sbr.ind lr, $3  }
0x3a: {  	_ = 	snop  }
0x3b: {  	_ = 	snop  }
0x3c: {  	p2 =	seq.s32 s10, $0x1;
	s10 =	sld [smem:$0x3FBA]  }
0x3d: {  	_ =	shalt  }
0x3e: {  	_ =	shalt  }
0x3f: {  	_ =	shalt  }
0x40: {  	_ =	shalt  }
0x41: {  	_ =	shalt  }
0x42: {  	_ =	shalt  }
0x43: {  	_ =	shalt  }
0x44: {  	_ =	shalt  }
0x45: {  	_ =	shalt  }
0x46: {  	_ =	shalt  }
0x47: {  	_ =	shalt  }
0x48: {  	_ =	shalt  }
0x49: {  	_ =	shalt  }
0x4a: {  	_ =	shalt  }
0x4b: {  	_ =	shalt  }
0x4c: {  	_ =	shalt  }
0x4d: {  	_ =	shalt  }
0x4e: {  	_ =	shalt  }
0x4f: {  	_ =	shalt  }
0x50: {  	_ =	shalt  }
0x51: {  	_ =	shalt  }
0x52: {  	_ =	shalt  }
0x53: {  	_ =	shalt  }
0x54: {  	_ =	shalt  }
0x55: {  	_ =	shalt  }
0x56: {  	_ =	shalt  }
0x57: {  	_ =	shalt  }
0x58: {  	_ =	shalt  }
0x59: {  	_ =	shalt  }
0x5a: {  	_ =	shalt  }
0x5b: {  	_ =	shalt  }
0x5c: {  	_ =	shalt  }
0x5d: {  	_ =	shalt  }
0x5e: {  	_ =	shalt  }
0x5f: {  	_ =	shalt  }
0x60: {  	_ =	shalt  }
0x61: {  	_ =	shalt  }
0x62: {  	_ =	shalt  }
0x63: {  	_ =	shalt  }
0x64: {  	_ =	shalt  }
0x65: {  	_ =	shalt  }
0x66: {  	_ =	shalt  }
0x67: {  	_ =	shalt  }
0x68: {  	_ =	shalt  }
0x69: {  	_ =	shalt  }
0x6a: {  	_ =	shalt  }
0x6b: {  	_ =	shalt  }
0x6c: {  	_ =	shalt  }
0x6d: {  	_ =	shalt  }
0x6e: {  	_ =	shalt  }
0x6f: {  	_ =	shalt  }
0x70: {  	_ =	shalt  }
0x71: {  	_ =	shalt  }
0x72: {  	_ =	shalt  }
0x73: {  	_ =	shalt  }
0x74: {  	_ =	shalt  }
0x75: {  	_ =	shalt  }
0x76: {  	_ =	shalt  }
0x77: {  	_ =	shalt  }
0x78: {  	_ =	shalt  }
0x79: {  	_ =	shalt  }
0x7a: {  	_ =	shalt  }
0x7b: {  	_ =	shalt  }
0x7c: {  	_ =	shalt  }
0x7d: {  	_ =	shalt  }
0x7e: {  	_ =	shalt  }
0x7f: {  	_ =	shalt  }
0x80: {  	_ =	shalt  }
0x81: {  	_ =	shalt  }
0x82: {  	_ =	shalt  }
0x83: {  	_ =	shalt  }
0x84: {  	_ =	shalt  }
0x85: {  	_ =	shalt  }
0x86: {  	_ =	shalt  }
0x87: {  	_ =	shalt  }
.Lfunc_end0:
.L_simem_size_0:
called_computation_lowered:
.L_overlay_start_0:
0x88: {  	s2 =	sld [smem:$0x3FD9]  }
0x89: {  	s3 =	sld [smem:$0x3FFE];
	_ =	sdelay $0x1  }
0x8a: {  	s1 =	srdreg.scid  }
0x8b: {  	s0 =	sand.u32 $0x1, s1  }
0x8c: {  	s17 =	sshll.u32 s0, $0xA;
	s2 =	sadd.s32 s3, s2  }
0x8d: {  	s2 =	sadd.s32 s2, s17  }
0x8e: {  	[smem:$0x3FC6] =	sst s2  }
0x8f: {  	_ = 	snop  }
0x90: {  	s2 =	sld [smem:$0x3FD0];
	(tm) =	ssettm $0x1  }
0x91: {  	s18 =	sld [smem:$0x3FFB];
	_ =	sdelay $0x3  }
0x92: {  	_ =	strace s18  }
0x93: {  	s3 =	sld [smem:$0x3FFC];
	_ =	sdelay $0x3  }
0x94: {  	_ =	strace s3  }
0x95: {  	s3 =	sld [smem:$0x3FFD];
	_ =	sdelay $0x3  }
0x96: {  	_ =	strace s3  }
0x97: {  	_ =	strace $0x8FFFFFFF  }
0x98: {  	s19 =	sld [smem:$0x3FDB];
	_ =	sdelay $0x1  }
0x99: {  	s4 =	simm.s32 $_scs_section_size  }
0x9a: {  	s5 =	simm.s32 $_size__tile_overlayer_lowered;
	s6 =	simm.s32 $_tile_overlayer_lowered  }
0x9b: {  	s22 =	simm.s32 $0x1BFF;
	s21 =	sshll.u32 s6, $0x1;
	s3 =	sadd.s32 s4, s19  }
0x9c: {  	s7 =	simm.s32 $0x0;
	s20 =	sshll.u32 s5, $0x1;
	s5 =	sadd.s32 s21, s3  }
0x9d: {  	[timem:s7], [sflag:s22] =	dma.local [hbm:s5], s20  }
0x9e: {  	_ =	swait.ge [sflag:s22], s20  }
0x9f: {  	s4 =	ssub.s32 $0x0, s20;
	[sflag:s22] =	ssyncset.done $0x0  }
0xa0: {  	[sflag:s22] =	ssyncadd.s32 s4;
	_ =	sdelay $0x1  }
0xa1: {  	s23 =	simm.s32 $0x1B8B  }
0xa2: {  	_ =	swait.ge [sflag:s23], $0x1  }
0xa3: {  	[sflag:s23] =	ssyncset.done $0x0  }
0xa4: {  	s25 =	simm.s32 $0x1B8E;
	s24 =	sld [smem:$0x3FFE];
	[sflag:s23] =	ssyncadd.s32 $0xFFFFFFFF  }
0xa5: {  	s26 =	simm.s32 $execute0_lowered;
	[smem:$0x3FD2] =	sst s25  }
0xa6: {  	s5 =	sshll.u32 s26, $0x1;
	_ =	strace $0x80000046;
	[dreg:$0x1] =	wrdreg $0xFFFFFFFF  }
0xa7: {  	s28 =	simm.s32 $_size_execute0_lowered;
	s3 =	sadd.s32 s3, s5;
	[dreg:$0x0] =	wrdreg $0x0  }
0xa8: {  	s5 =	sshll.u32 s28, $0x1;
	[dreg:$0x2] =	wrdreg s3  }
0xa9: {  	[dreg:$0x3] =	wrdreg s5  }
0xaa: {  	[dreg:$0x4] =	wrdreg $0xC0  }
0xab: {  	_ =	task [dreg:s7], $0x5FFFF  }
0xac: {  	[dreg:$0x1] =	wrdreg $0xFFFFFFFF  }
0xad: {  	[dreg:$0x0] =	wrdreg $0x60  }
0xae: {  	[dreg:$0x2] =	wrdreg s2  }
0xaf: {  	[dreg:$0x3] =	wrdreg s24  }
0xb0: {  	[dreg:$0x4] =	wrdreg $0x9  }
0xb1: {  	_ =	task.clear_ibuf [dreg:s7], $0x5FFFF;
	_ =	strace $0x90000046  }
0xb2: {  	s29 =	simm.s32 $0x9;
	_ =	strace $0x80000048  }
0xb3: {  	_ =	swait.ge [sflag:s29], $0x1  }
0xb4: {  	[sflag:s29] =	ssyncadd.s32 $0xFFFFFFFF  }
0xb5: {  	_ =	strace $0x90000048  }
0xb6: {  	_ =	sfence  }
0xb7: {  	s30 =	sld [smem:$0x0];
	_ =	sdelay $0x2  }
0xb8: {  	s31 =	sshll.u32 s1, $0xD;
	s1 =	sshrl.u32 s1, $0x2  }
0xb9: {  	s3 =	sand.u32 $0x4000, s31;
	s1 =	sadd.s32 s1, s30  }
0xba: {  	s0 =	sor.u32 s3, s0;
	s1 =	sshll.u32 s1, $0x11  }
0xbb: {  	s0 =	sor.u32 s1, s0  }
0xbc: {  	s0 =	sadd.s32 $0x8F2B, s0  }
0xbd: {  	[sflag:s0] =	ssyncadd.remote.s32 $0x1  }
0xbe: {  	_ =	sfence.sel $0xFFFF  }
0xbf: {  	[dreg:$0x0] =	wrdreg $0xFFFFFFFF;
	(pc) =	sbr.abs _section_cstart, $3  }
0xc0: {  	[dreg:$0x1] =	wrdreg $0xFFFFFFFF  }
0xc1: {  	_ =	task.clear_ibuf [dreg:s7], $0x2FFFF;
	_ =	strace $0x9FFFFFFF  }
0xc2: {  	(tm) =	ssettm $0x7FFFFFFF  }
0xc3: {  	_ =	shalt  }
tec
execute0_lowered:
.L_overlay_start_1:
0x0: {  	(tag) =	ssettag $0x1  }
0x1: {  	s0 =	rddreg [dreg:$0x0]  }
0x2: {  	s4 =	rddreg [dreg:$0x1];
	s2 =	simm.s32 $0x0;
	s3 =	srdreg.scid  }
0x3: {  	s1 =	stileid.u32;
	s11 =	simm.s32 $0x320;
	s12 =	simm.s32 $0x6400  }
0x4: {  	s13 =	simm.s32 $0xC800;
	s14 =	simm.s32 $0x1;
	s15 =	simm.s32 $0x10  }
0x5: {  	s16 =	simm.s32 $0x4000;
	s17 =	simm.s32 $0x12C00;
	s18 =	simm.s32 $0x640  }
0x6: {  	s19 =	simm.s32 $0x2;
	s20 =	simm.s32 $0x19000;
	s21 =	simm.s32 $0x960  }
0x7: {  	s22 =	simm.s32 $0x3;
	s23 =	simm.s32 $0x4;
	s24 =	simm.s32 $0x0  }
0x8: {  	[smem:$0x7FF] =	sst s2;
	s5 =	sand.u32 $0x1, s3;
	s31 =	sshll.u32 s1, $0x1  }
0x9: {  	s3 =	sadd.s32 $0xF42A00, s4;
	s4 =	sadd.s32 $0x600, s4;
	s7 =	sor.u32 s5, s31  }
0xa: {  	_ =	strace $0x80000047;
	s5 =	ssub.s32 $0x2, s5;
	s6 =	smul.u32 $0xC80, s7  }
0xb: {  	s8 =	sshrl.u32 s5, $0x1;
	s9 =	sshll.u32 s7, $0x6;
	s7 =	sshll.u32 s7, $0x9  }
0xc: {  	v0 =	vlaneseq.u32;
	s10 =	ssub.s32 s5, s8;
	s5 =	sadd.s32 s0, s6;
	s6 =	sadd.s32 s4, s9  }
0xd: {  	v0 =	vmul.u32 $0x640, v0;
	s9 =	smax.u32 s10, $0x1;
	s10 =	simm.s32 $0x5;
	s8 =	sadd.s32 $0x2, s6  }
.LBB2_1:
0xe: {  	[tilespmem:s2], [sflag:$0x5] =	stream.linear.gather [hbm4b:s5+s2], $0x6400, $0x38;
	[tilespmem:$0x1F400] =	vst v63  }
0xf: {  	_ =	swait.ge [sflag:s10], $0x6400  }
0x10: {  	[sflag:s10] =	ssyncset.done $0x0  }
0x11: {  	v1 =	vmov s2;
	[sflag:s10] =	ssyncadd.s32 $0xFFFF9C00  }
0x12: {  	v1 =	vshll.u32 v1, $0x5;
	[tilespmem:s12], [sflag:$0x1] =	stream.indirect.gather [hbm4b:s3+s11], $0x20, s2, s11, $0xb8;
	[tilespmem:$0x1F400] =	vst v63  }
0x13: {  	v1 =	vadd.s32 v0, v1  }
0x14: {  	[tilespmem:s13], [sflag:$0x2] =	stream.indirect.gather [hbm4b:s3+s11], $0x20, s11, s11, $0xb8;
	[tilespmem:$0x1F400] =	vst v63  }
0x15: {  	_ =	swait.ge [sflag:s14], $0x6400  }
0x16: {  	[sflag:s14] =	ssyncset.done $0x0  }
0x17: {  	[sflag:s14] =	ssyncadd.s32 $0xFFFF9C00  }
0x18: {  	v2 =	vld.idx.msk [tilespmem:v1+s12+$0x0], $0xffff  }
0x19: {  	v3 =	vor.u32 $0x1, v1;
	_ =	sdelay $0x2  }
0x1a: {  	s25 =	simm.s32 $0x12D00  }
0x1b: {  	[tilespmem:s25+$0xFFFFFF00] =	vst v2  }
0x1c: {  	v2 =	vld.idx.msk [tilespmem:v3+s12+$0x0], $0xffff  }
0x1d: {  	v3 =	vor.u32 $0x2, v1;
	_ =	sdelay $0x3  }
0x1e: {  	[tilespmem:s25+$0xFFFFFF10] =	vst v2  }
0x1f: {  	v2 =	vld.idx.msk [tilespmem:v3+s12+$0x0], $0xffff  }
0x20: {  	v3 =	vor.u32 $0x3, v1;
	_ =	sdelay $0x3  }
0x21: {  	[tilespmem:s25+$0xFFFFFF20] =	vst v2  }
0x22: {  	v2 =	vld.idx.msk [tilespmem:v3+s12+$0x0], $0xffff  }
0x23: {  	v3 =	vor.u32 $0x4, v1;
	_ =	sdelay $0x3  }
0x24: {  	[tilespmem:s25+$0xFFFFFF30] =	vst v2  }
0x25: {  	v2 =	vld.idx.msk [tilespmem:v3+s12+$0x0], $0xffff  }
0x26: {  	v3 =	vor.u32 $0x5, v1;
	_ =	sdelay $0x3  }
0x27: {  	[tilespmem:s25+$0xFFFFFF40] =	vst v2  }
0x28: {  	v2 =	vld.idx.msk [tilespmem:v3+s12+$0x0], $0xffff  }
0x29: {  	v3 =	vor.u32 $0x6, v1;
	_ =	sdelay $0x3  }
0x2a: {  	[tilespmem:s25+$0xFFFFFF50] =	vst v2  }
0x2b: {  	v2 =	vld.idx.msk [tilespmem:v3+s12+$0x0], $0xffff  }
0x2c: {  	v3 =	vor.u32 $0x7, v1;
	_ =	sdelay $0x3  }
0x2d: {  	[tilespmem:s25+$0xFFFFFF60] =	vst v2  }
0x2e: {  	v2 =	vld.idx.msk [tilespmem:v3+s12+$0x0], $0xffff  }
0x2f: {  	v3 =	vor.u32 $0x8, v1;
	_ =	sdelay $0x3  }
0x30: {  	[tilespmem:s25+$0xFFFFFF70] =	vst v2  }
0x31: {  	v2 =	vld.idx.msk [tilespmem:v3+s12+$0x0], $0xffff  }
0x32: {  	v3 =	vor.u32 $0x9, v1;
	_ =	sdelay $0x3  }
0x33: {  	[tilespmem:s25+$0xFFFFFF80] =	vst v2  }
0x34: {  	v2 =	vld.idx.msk [tilespmem:v3+s12+$0x0], $0xffff  }
0x35: {  	v3 =	vor.u32 $0xA, v1;
	_ =	sdelay $0x3  }
0x36: {  	[tilespmem:s25+$0xFFFFFF90] =	vst v2  }
0x37: {  	v2 =	vld.idx.msk [tilespmem:v3+s12+$0x0], $0xffff  }
0x38: {  	v3 =	vor.u32 $0xB, v1;
	_ =	sdelay $0x3  }
0x39: {  	[tilespmem:s25+$0xFFFFFFA0] =	vst v2  }
0x3a: {  	v2 =	vld.idx.msk [tilespmem:v3+s12+$0x0], $0xffff  }
0x3b: {  	v3 =	vor.u32 $0xC, v1;
	_ =	sdelay $0x3  }
0x3c: {  	[tilespmem:s25+$0xFFFFFFB0] =	vst v2  }
0x3d: {  	v2 =	vld.idx.msk [tilespmem:v3+s12+$0x0], $0xffff  }
0x3e: {  	v3 =	vor.u32 $0xD, v1;
	_ =	sdelay $0x3  }
0x3f: {  	[tilespmem:s25+$0xFFFFFFC0] =	vst v2  }
0x40: {  	v2 =	vld.idx.msk [tilespmem:v3+s12+$0x0], $0xffff  }
0x41: {  	v3 =	vor.u32 $0xE, v1;
	_ =	sdelay $0x3  }
0x42: {  	[tilespmem:s25+$0xFFFFFFD0] =	vst v2  }
0x43: {  	v2 =	vld.idx.msk [tilespmem:v3+s12+$0x0], $0xffff  }
0x44: {  	v3 =	vor.u32 $0xF, v1;
	_ =	sdelay $0x3  }
0x45: {  	[tilespmem:s25+$0xFFFFFFE0] =	vst v2  }
0x46: {  	v2 =	vld.idx.msk [tilespmem:v3+s12+$0x0], $0xffff  }
0x47: {  	v3 =	vor.u32 $0x10, v1;
	_ =	sdelay $0x3  }
0x48: {  	[tilespmem:s25+$0xFFFFFFF0] =	vst v2  }
0x49: {  	v2 =	vld.idx.msk [tilespmem:v3+s12+$0x0], $0xffff  }
0x4a: {  	v3 =	vor.u32 $0x11, v1;
	_ =	sdelay $0x3  }
0x4b: {  	[tilespmem:s25+$0x0] =	vst v2  }
0x4c: {  	v2 =	vld.idx.msk [tilespmem:v3+s12+$0x0], $0xffff  }
0x4d: {  	v3 =	vor.u32 $0x12, v1;
	_ =	sdelay $0x3  }
0x4e: {  	[tilespmem:s25+$0x10] =	vst v2  }
0x4f: {  	v2 =	vld.idx.msk [tilespmem:v3+s12+$0x0], $0xffff  }
0x50: {  	v3 =	vor.u32 $0x13, v1;
	_ =	sdelay $0x3  }
0x51: {  	[tilespmem:s25+$0x20] =	vst v2  }
0x52: {  	v2 =	vld.idx.msk [tilespmem:v3+s12+$0x0], $0xffff  }
0x53: {  	v3 =	vor.u32 $0x14, v1;
	_ =	sdelay $0x3  }
0x54: {  	[tilespmem:s25+$0x30] =	vst v2  }
0x55: {  	v2 =	vld.idx.msk [tilespmem:v3+s12+$0x0], $0xffff  }
0x56: {  	v3 =	vor.u32 $0x15, v1;
	_ =	sdelay $0x3  }
0x57: {  	[tilespmem:s25+$0x40] =	vst v2  }
0x58: {  	v2 =	vld.idx.msk [tilespmem:v3+s12+$0x0], $0xffff  }
0x59: {  	v3 =	vor.u32 $0x16, v1;
	_ =	sdelay $0x3  }
0x5a: {  	[tilespmem:s25+$0x50] =	vst v2  }
0x5b: {  	v2 =	vld.idx.msk [tilespmem:v3+s12+$0x0], $0xffff  }
0x5c: {  	v3 =	vor.u32 $0x17, v1;
	_ =	sdelay $0x3  }
0x5d: {  	[tilespmem:s25+$0x60] =	vst v2  }
0x5e: {  	v2 =	vld.idx.msk [tilespmem:v3+s12+$0x0], $0xffff  }
0x5f: {  	v3 =	vor.u32 $0x18, v1;
	_ =	sdelay $0x3  }
0x60: {  	[tilespmem:s25+$0x70] =	vst v2  }
0x61: {  	v2 =	vld.idx.msk [tilespmem:v3+s12+$0x0], $0xffff  }
0x62: {  	v3 =	vor.u32 $0x19, v1;
	_ =	sdelay $0x3  }
0x63: {  	[tilespmem:s25+$0x80] =	vst v2  }
0x64: {  	v2 =	vld.idx.msk [tilespmem:v3+s12+$0x0], $0xffff  }
0x65: {  	v3 =	vor.u32 $0x1A, v1;
	_ =	sdelay $0x3  }
0x66: {  	[tilespmem:s25+$0x90] =	vst v2  }
0x67: {  	v2 =	vld.idx.msk [tilespmem:v3+s12+$0x0], $0xffff  }
0x68: {  	v3 =	vor.u32 $0x1B, v1;
	_ =	sdelay $0x3  }
0x69: {  	[tilespmem:s25+$0xA0] =	vst v2  }
0x6a: {  	v2 =	vld.idx.msk [tilespmem:v3+s12+$0x0], $0xffff  }
0x6b: {  	v3 =	vor.u32 $0x1C, v1;
	_ =	sdelay $0x3  }
0x6c: {  	[tilespmem:s25+$0xB0] =	vst v2  }
0x6d: {  	v2 =	vld.idx.msk [tilespmem:v3+s12+$0x0], $0xffff  }
0x6e: {  	v3 =	vor.u32 $0x1D, v1;
	_ =	sdelay $0x3  }
0x6f: {  	[tilespmem:s25+$0xC0] =	vst v2  }
0x70: {  	v2 =	vld.idx.msk [tilespmem:v3+s12+$0x0], $0xffff  }
0x71: {  	v3 =	vor.u32 $0x1E, v1;
	_ =	sdelay $0x3  }
0x72: {  	[tilespmem:s25+$0xD0] =	vst v2  }
0x73: {  	v2 =	vld.idx.msk [tilespmem:v3+s12+$0x0], $0xffff  }
0x74: {  	v3 =	vor.u32 $0x1F, v1;
	_ =	sdelay $0x3  }
0x75: {  	s0 =	simm.s32 $0x1;
	[tilespmem:s25+$0xE0] =	vst v2  }
0x76: {  	v1 =	vmov s0;
	s0 =	simm.s32 $0x2;
	v2 =	vld.idx.msk [tilespmem:v3+s12+$0x0], $0xffff  }
.LBB2_2:
0x77: {  	p0 =	sne.s32 s0, $0x31;
	v1 =	vshll.u32 v1, $0x5  }
0x78: {  	v1 =	vadd.s32 v0, v1;
	_ =	sdelay $0x3  }
0x79: {  	[tilespmem:s25+$0xF0] =	vst v2  }
0x7a: {  	v2 =	vld.idx.msk [tilespmem:v1+s12+$0x0], $0xffff;
	_ =	sdelay $0x1  }
0x7b: {  	v3 =	vor.u32 $0x1, v1;
	_ =	sdelay $0x2  }
0x7c: {  	s25 =	sadd.s32 $0x200, s25  }
0x7d: {  	[tilespmem:s25+$0xFFFFFF00] =	vst v2  }
0x7e: {  	v2 =	vld.idx.msk [tilespmem:v3+s12+$0x0], $0xffff;
	_ =	sdelay $0x1  }
0x7f: {  	v3 =	vor.u32 $0x2, v1;
	_ =	sdelay $0x3  }
0x80: {  	[tilespmem:s25+$0xFFFFFF10] =	vst v2  }
0x81: {  	v2 =	vld.idx.msk [tilespmem:v3+s12+$0x0], $0xffff;
	_ =	sdelay $0x1  }
0x82: {  	v3 =	vor.u32 $0x3, v1;
	_ =	sdelay $0x3  }
0x83: {  	[tilespmem:s25+$0xFFFFFF20] =	vst v2  }
0x84: {  	v2 =	vld.idx.msk [tilespmem:v3+s12+$0x0], $0xffff;
	_ =	sdelay $0x1  }
0x85: {  	v3 =	vor.u32 $0x4, v1;
	_ =	sdelay $0x3  }
0x86: {  	[tilespmem:s25+$0xFFFFFF30] =	vst v2  }
0x87: {  	v2 =	vld.idx.msk [tilespmem:v3+s12+$0x0], $0xffff;
	_ =	sdelay $0x1  }
0x88: {  	v3 =	vor.u32 $0x5, v1;
	_ =	sdelay $0x3  }
0x89: {  	[tilespmem:s25+$0xFFFFFF40] =	vst v2  }
0x8a: {  	v2 =	vld.idx.msk [tilespmem:v3+s12+$0x0], $0xffff;
	_ =	sdelay $0x1  }
0x8b: {  	v3 =	vor.u32 $0x6, v1;
	_ =	sdelay $0x3  }
0x8c: {  	[tilespmem:s25+$0xFFFFFF50] =	vst v2  }
0x8d: {  	v2 =	vld.idx.msk [tilespmem:v3+s12+$0x0], $0xffff;
	_ =	sdelay $0x1  }
0x8e: {  	v3 =	vor.u32 $0x7, v1;
	_ =	sdelay $0x3  }
0x8f: {  	[tilespmem:s25+$0xFFFFFF60] =	vst v2  }
0x90: {  	v2 =	vld.idx.msk [tilespmem:v3+s12+$0x0], $0xffff;
	_ =	sdelay $0x1  }
0x91: {  	v3 =	vor.u32 $0x8, v1;
	_ =	sdelay $0x3  }
0x92: {  	[tilespmem:s25+$0xFFFFFF70] =	vst v2  }
0x93: {  	v2 =	vld.idx.msk [tilespmem:v3+s12+$0x0], $0xffff;
	_ =	sdelay $0x1  }
0x94: {  	v3 =	vor.u32 $0x9, v1;
	_ =	sdelay $0x3  }
0x95: {  	[tilespmem:s25+$0xFFFFFF80] =	vst v2  }
0x96: {  	v2 =	vld.idx.msk [tilespmem:v3+s12+$0x0], $0xffff;
	_ =	sdelay $0x1  }
0x97: {  	v3 =	vor.u32 $0xA, v1;
	_ =	sdelay $0x3  }
0x98: {  	[tilespmem:s25+$0xFFFFFF90] =	vst v2  }
0x99: {  	v2 =	vld.idx.msk [tilespmem:v3+s12+$0x0], $0xffff;
	_ =	sdelay $0x1  }
0x9a: {  	v3 =	vor.u32 $0xB, v1;
	_ =	sdelay $0x3  }
0x9b: {  	[tilespmem:s25+$0xFFFFFFA0] =	vst v2  }
0x9c: {  	v2 =	vld.idx.msk [tilespmem:v3+s12+$0x0], $0xffff;
	_ =	sdelay $0x1  }
0x9d: {  	v3 =	vor.u32 $0xC, v1;
	_ =	sdelay $0x3  }
0x9e: {  	[tilespmem:s25+$0xFFFFFFB0] =	vst v2  }
0x9f: {  	v2 =	vld.idx.msk [tilespmem:v3+s12+$0x0], $0xffff;
	_ =	sdelay $0x1  }
0xa0: {  	v3 =	vor.u32 $0xD, v1;
	_ =	sdelay $0x3  }
0xa1: {  	[tilespmem:s25+$0xFFFFFFC0] =	vst v2  }
0xa2: {  	v2 =	vld.idx.msk [tilespmem:v3+s12+$0x0], $0xffff;
	_ =	sdelay $0x1  }
0xa3: {  	v3 =	vor.u32 $0xE, v1;
	_ =	sdelay $0x3  }
0xa4: {  	[tilespmem:s25+$0xFFFFFFD0] =	vst v2  }
0xa5: {  	v2 =	vld.idx.msk [tilespmem:v3+s12+$0x0], $0xffff;
	_ =	sdelay $0x1  }
0xa6: {  	v3 =	vor.u32 $0xF, v1;
	_ =	sdelay $0x3  }
0xa7: {  	[tilespmem:s25+$0xFFFFFFE0] =	vst v2  }
0xa8: {  	v2 =	vld.idx.msk [tilespmem:v3+s12+$0x0], $0xffff;
	_ =	sdelay $0x1  }
0xa9: {  	v3 =	vor.u32 $0x10, v1;
	_ =	sdelay $0x3  }
0xaa: {  	[tilespmem:s25+$0xFFFFFFF0] =	vst v2  }
0xab: {  	v2 =	vld.idx.msk [tilespmem:v3+s12+$0x0], $0xffff;
	_ =	sdelay $0x1  }
0xac: {  	v3 =	vor.u32 $0x11, v1;
	_ =	sdelay $0x3  }
0xad: {  	[tilespmem:s25+$0x0] =	vst v2  }
0xae: {  	v2 =	vld.idx.msk [tilespmem:v3+s12+$0x0], $0xffff;
	_ =	sdelay $0x1  }
0xaf: {  	v3 =	vor.u32 $0x12, v1;
	_ =	sdelay $0x3  }
0xb0: {  	[tilespmem:s25+$0x10] =	vst v2  }
0xb1: {  	v2 =	vld.idx.msk [tilespmem:v3+s12+$0x0], $0xffff;
	_ =	sdelay $0x1  }
0xb2: {  	v3 =	vor.u32 $0x13, v1;
	_ =	sdelay $0x3  }
0xb3: {  	[tilespmem:s25+$0x20] =	vst v2  }
0xb4: {  	v2 =	vld.idx.msk [tilespmem:v3+s12+$0x0], $0xffff;
	_ =	sdelay $0x1  }
0xb5: {  	v3 =	vor.u32 $0x14, v1;
	_ =	sdelay $0x3  }
0xb6: {  	[tilespmem:s25+$0x30] =	vst v2  }
0xb7: {  	v2 =	vld.idx.msk [tilespmem:v3+s12+$0x0], $0xffff;
	_ =	sdelay $0x1  }
0xb8: {  	v3 =	vor.u32 $0x15, v1;
	_ =	sdelay $0x3  }
0xb9: {  	[tilespmem:s25+$0x40] =	vst v2  }
0xba: {  	v2 =	vld.idx.msk [tilespmem:v3+s12+$0x0], $0xffff;
	_ =	sdelay $0x1  }
0xbb: {  	v3 =	vor.u32 $0x16, v1;
	_ =	sdelay $0x3  }
0xbc: {  	[tilespmem:s25+$0x50] =	vst v2  }
0xbd: {  	v2 =	vld.idx.msk [tilespmem:v3+s12+$0x0], $0xffff;
	_ =	sdelay $0x1  }
0xbe: {  	v3 =	vor.u32 $0x17, v1;
	_ =	sdelay $0x3  }
0xbf: {  	[tilespmem:s25+$0x60] =	vst v2  }
0xc0: {  	v2 =	vld.idx.msk [tilespmem:v3+s12+$0x0], $0xffff;
	_ =	sdelay $0x1  }
0xc1: {  	v3 =	vor.u32 $0x18, v1;
	_ =	sdelay $0x3  }
0xc2: {  	[tilespmem:s25+$0x70] =	vst v2  }
0xc3: {  	v2 =	vld.idx.msk [tilespmem:v3+s12+$0x0], $0xffff;
	_ =	sdelay $0x1  }
0xc4: {  	v3 =	vor.u32 $0x19, v1;
	_ =	sdelay $0x3  }
0xc5: {  	[tilespmem:s25+$0x80] =	vst v2  }
0xc6: {  	v2 =	vld.idx.msk [tilespmem:v3+s12+$0x0], $0xffff;
	_ =	sdelay $0x1  }
0xc7: {  	v3 =	vor.u32 $0x1A, v1;
	_ =	sdelay $0x3  }
0xc8: {  	[tilespmem:s25+$0x90] =	vst v2  }
0xc9: {  	v2 =	vld.idx.msk [tilespmem:v3+s12+$0x0], $0xffff;
	_ =	sdelay $0x1  }
0xca: {  	v3 =	vor.u32 $0x1B, v1;
	_ =	sdelay $0x3  }
0xcb: {  	[tilespmem:s25+$0xA0] =	vst v2  }
0xcc: {  	v2 =	vld.idx.msk [tilespmem:v3+s12+$0x0], $0xffff;
	_ =	sdelay $0x1  }
0xcd: {  	v3 =	vor.u32 $0x1C, v1;
	_ =	sdelay $0x3  }
0xce: {  	[tilespmem:s25+$0xB0] =	vst v2  }
0xcf: {  	v2 =	vld.idx.msk [tilespmem:v3+s12+$0x0], $0xffff;
	_ =	sdelay $0x1  }
0xd0: {  	v3 =	vor.u32 $0x1D, v1;
	_ =	sdelay $0x3  }
0xd1: {  	[tilespmem:s25+$0xC0] =	vst v2  }
0xd2: {  	v2 =	vld.idx.msk [tilespmem:v3+s12+$0x0], $0xffff;
	_ =	sdelay $0x1  }
0xd3: {  	v3 =	vor.u32 $0x1E, v1;
	_ =	sdelay $0x3  }
0xd4: {  	[tilespmem:s25+$0xD0] =	vst v2  }
0xd5: {  	v2 =	vld.idx.msk [tilespmem:v3+s12+$0x0], $0xffff;
	_ =	sdelay $0x1  }
0xd6: {  	v3 =	vor.u32 $0x1F, v1  }
.Ltmp0:
0xd7: {  	(pc) =	sbr.rel @p0 .LBB2_2-.Ltmp0, $3  }
0xd8: {  	_ =	sdelay $0x1  }
0xd9: {  	[tilespmem:s25+$0xE0] =	vst v2  }
0xda: {  	v1 =	vmov s0;
	s0 =	sadd.s32 $0x1, s0;
	v2 =	vld.idx.msk [tilespmem:v3+s12+$0x0], $0xffff  }
0xdb: {  	v1 =	vshll.u32 v1, $0x5  }
0xdc: {  	v1 =	vadd.s32 v0, v1;
	_ =	sdelay $0x3  }
0xdd: {  	[tilespmem:s25+$0xF0] =	vst v2  }
0xde: {  	v2 =	vld.idx.msk [tilespmem:v1+s12+$0x0], $0xffff  }
0xdf: {  	v3 =	vor.u32 $0x1, v1;
	_ =	sdelay $0x2  }
0xe0: {  	s0 =	sadd.s32 $0x200, s25  }
0xe1: {  	[tilespmem:s0+$0xFFFFFF00] =	vst v2  }
0xe2: {  	v2 =	vld.idx.msk [tilespmem:v3+s12+$0x0], $0xffff  }
0xe3: {  	v3 =	vor.u32 $0x2, v1;
	_ =	sdelay $0x3  }
0xe4: {  	[tilespmem:s0+$0xFFFFFF10] =	vst v2  }
0xe5: {  	v2 =	vld.idx.msk [tilespmem:v3+s12+$0x0], $0xffff  }
0xe6: {  	v3 =	vor.u32 $0x3, v1;
	_ =	sdelay $0x3  }
0xe7: {  	[tilespmem:s0+$0xFFFFFF20] =	vst v2  }
0xe8: {  	v2 =	vld.idx.msk [tilespmem:v3+s12+$0x0], $0xffff  }
0xe9: {  	v3 =	vor.u32 $0x4, v1;
	_ =	sdelay $0x3  }
0xea: {  	[tilespmem:s0+$0xFFFFFF30] =	vst v2  }
0xeb: {  	v2 =	vld.idx.msk [tilespmem:v3+s12+$0x0], $0xffff  }
0xec: {  	v3 =	vor.u32 $0x5, v1;
	_ =	sdelay $0x3  }
0xed: {  	[tilespmem:s0+$0xFFFFFF40] =	vst v2  }
0xee: {  	v2 =	vld.idx.msk [tilespmem:v3+s12+$0x0], $0xffff  }
0xef: {  	v3 =	vor.u32 $0x6, v1;
	_ =	sdelay $0x3  }
0xf0: {  	[tilespmem:s0+$0xFFFFFF50] =	vst v2  }
0xf1: {  	v2 =	vld.idx.msk [tilespmem:v3+s12+$0x0], $0xffff  }
0xf2: {  	v3 =	vor.u32 $0x7, v1;
	_ =	sdelay $0x3  }
0xf3: {  	[tilespmem:s0+$0xFFFFFF60] =	vst v2  }
0xf4: {  	v2 =	vld.idx.msk [tilespmem:v3+s12+$0x0], $0xffff  }
0xf5: {  	v3 =	vor.u32 $0x8, v1;
	_ =	sdelay $0x3  }
0xf6: {  	[tilespmem:s0+$0xFFFFFF70] =	vst v2  }
0xf7: {  	v2 =	vld.idx.msk [tilespmem:v3+s12+$0x0], $0xffff  }
0xf8: {  	v3 =	vor.u32 $0x9, v1;
	_ =	sdelay $0x3  }
0xf9: {  	[tilespmem:s0+$0xFFFFFF80] =	vst v2  }
0xfa: {  	v2 =	vld.idx.msk [tilespmem:v3+s12+$0x0], $0xffff  }
0xfb: {  	v3 =	vor.u32 $0xA, v1;
	_ =	sdelay $0x3  }
0xfc: {  	[tilespmem:s0+$0xFFFFFF90] =	vst v2  }
0xfd: {  	v2 =	vld.idx.msk [tilespmem:v3+s12+$0x0], $0xffff  }
0xfe: {  	v3 =	vor.u32 $0xB, v1;
	_ =	sdelay $0x3  }
0xff: {  	[tilespmem:s0+$0xFFFFFFA0] =	vst v2  }
0x100: {  	v2 =	vld.idx.msk [tilespmem:v3+s12+$0x0], $0xffff  }
0x101: {  	v3 =	vor.u32 $0xC, v1;
	_ =	sdelay $0x3  }
0x102: {  	[tilespmem:s0+$0xFFFFFFB0] =	vst v2  }
0x103: {  	v2 =	vld.idx.msk [tilespmem:v3+s12+$0x0], $0xffff  }
0x104: {  	v3 =	vor.u32 $0xD, v1;
	_ =	sdelay $0x3  }
0x105: {  	[tilespmem:s0+$0xFFFFFFC0] =	vst v2  }
0x106: {  	v2 =	vld.idx.msk [tilespmem:v3+s12+$0x0], $0xffff  }
0x107: {  	v3 =	vor.u32 $0xE, v1;
	_ =	sdelay $0x3  }
0x108: {  	[tilespmem:s0+$0xFFFFFFD0] =	vst v2  }
0x109: {  	v2 =	vld.idx.msk [tilespmem:v3+s12+$0x0], $0xffff  }
0x10a: {  	v3 =	vor.u32 $0xF, v1;
	_ =	sdelay $0x3  }
0x10b: {  	[tilespmem:s0+$0xFFFFFFE0] =	vst v2  }
0x10c: {  	v2 =	vld.idx.msk [tilespmem:v3+s12+$0x0], $0xffff  }
0x10d: {  	v3 =	vor.u32 $0x10, v1;
	_ =	sdelay $0x3  }
0x10e: {  	[tilespmem:s0+$0xFFFFFFF0] =	vst v2  }
0x10f: {  	v2 =	vld.idx.msk [tilespmem:v3+s12+$0x0], $0xffff  }
0x110: {  	v3 =	vor.u32 $0x11, v1;
	_ =	sdelay $0x3  }
0x111: {  	[tilespmem:s0+$0x0] =	vst v2  }
0x112: {  	v2 =	vld.idx.msk [tilespmem:v3+s12+$0x0], $0xffff  }
0x113: {  	v3 =	vor.u32 $0x12, v1;
	_ =	sdelay $0x3  }
0x114: {  	[tilespmem:s0+$0x10] =	vst v2  }
0x115: {  	v2 =	vld.idx.msk [tilespmem:v3+s12+$0x0], $0xffff  }
0x116: {  	v3 =	vor.u32 $0x13, v1;
	_ =	sdelay $0x3  }
0x117: {  	[tilespmem:s0+$0x20] =	vst v2  }
0x118: {  	v2 =	vld.idx.msk [tilespmem:v3+s12+$0x0], $0xffff  }
0x119: {  	v3 =	vor.u32 $0x14, v1;
	_ =	sdelay $0x3  }
0x11a: {  	[tilespmem:s0+$0x30] =	vst v2  }
0x11b: {  	v2 =	vld.idx.msk [tilespmem:v3+s12+$0x0], $0xffff  }
0x11c: {  	v3 =	vor.u32 $0x15, v1;
	_ =	sdelay $0x3  }
0x11d: {  	[tilespmem:s0+$0x40] =	vst v2  }
0x11e: {  	v2 =	vld.idx.msk [tilespmem:v3+s12+$0x0], $0xffff  }
0x11f: {  	v3 =	vor.u32 $0x16, v1;
	_ =	sdelay $0x3  }
0x120: {  	[tilespmem:s0+$0x50] =	vst v2  }
0x121: {  	v2 =	vld.idx.msk [tilespmem:v3+s12+$0x0], $0xffff  }
0x122: {  	v3 =	vor.u32 $0x17, v1;
	_ =	sdelay $0x3  }
0x123: {  	[tilespmem:s0+$0x60] =	vst v2  }
0x124: {  	v2 =	vld.idx.msk [tilespmem:v3+s12+$0x0], $0xffff  }
0x125: {  	v3 =	vor.u32 $0x18, v1;
	_ =	sdelay $0x3  }
0x126: {  	[tilespmem:s0+$0x70] =	vst v2  }
0x127: {  	v2 =	vld.idx.msk [tilespmem:v3+s12+$0x0], $0xffff  }
0x128: {  	v3 =	vor.u32 $0x19, v1;
	_ =	sdelay $0x3  }
0x129: {  	[tilespmem:s0+$0x80] =	vst v2  }
0x12a: {  	v2 =	vld.idx.msk [tilespmem:v3+s12+$0x0], $0xffff  }
0x12b: {  	v3 =	vor.u32 $0x1A, v1;
	_ =	sdelay $0x3  }
0x12c: {  	[tilespmem:s0+$0x90] =	vst v2  }
0x12d: {  	v2 =	vld.idx.msk [tilespmem:v3+s12+$0x0], $0xffff  }
0x12e: {  	v3 =	vor.u32 $0x1B, v1;
	_ =	sdelay $0x3  }
0x12f: {  	[tilespmem:s0+$0xA0] =	vst v2  }
0x130: {  	v2 =	vld.idx.msk [tilespmem:v3+s12+$0x0], $0xffff  }
0x131: {  	v3 =	vor.u32 $0x1C, v1;
	_ =	sdelay $0x3  }
0x132: {  	[tilespmem:s0+$0xB0] =	vst v2  }
0x133: {  	v2 =	vld.idx.msk [tilespmem:v3+s12+$0x0], $0xffff  }
0x134: {  	v3 =	vor.u32 $0x1D, v1;
	_ =	sdelay $0x3  }
0x135: {  	[tilespmem:s0+$0xC0] =	vst v2  }
0x136: {  	v2 =	vld.idx.msk [tilespmem:v3+s12+$0x0], $0xffff  }
0x137: {  	v3 =	vor.u32 $0x1E, v1;
	_ =	sdelay $0x3  }
0x138: {  	[tilespmem:s0+$0xD0] =	vst v2  }
0x139: {  	v2 =	vld.idx.msk [tilespmem:v3+s12+$0x0], $0xffff  }
0x13a: {  	v1 =	vor.u32 $0x1F, v1;
	_ =	sdelay $0x3  }
0x13b: {  	[tilespmem:s0+$0xE0] =	vst v2  }
0x13c: {  	v1 =	vld.idx.msk [tilespmem:v1+s12+$0x0], $0xffff;
	_ =	sdelay $0x3  }
0x13d: {  	s31 =	simm.s32 $0x0  }
0x13e: {  	[tilespmem:s0+$0xF0] =	vst v1;
	v1 =	vmov s31  }
0x13f: {  	[hbm4b:s6+s15] =	stream.strided.scatter [tilespmem:s17], [sflag:$0x3], $0x6400, s16, s15, $0x38;
	v1 =	vshll.u32 v1, $0x5;
	[tilespmem:$0x1F400] =	vst v63  }
0x140: {  	v1 =	vadd.s32 v0, v1  }
0x141: {  	[tilespmem:s12], [sflag:$0x1] =	stream.indirect.gather [hbm4b:s3+s11], $0x20, s18, s11, $0xb8;
	[tilespmem:$0x1F400] =	vst v63  }
0x142: {  	_ =	swait.ge [sflag:s19], $0x6400  }
0x143: {  	[sflag:s19] =	ssyncset.done $0x0  }
0x144: {  	[sflag:s19] =	ssyncadd.s32 $0xFFFF9C00  }
0x145: {  	v2 =	vld.idx.msk [tilespmem:v1+s13+$0x0], $0xffff  }
0x146: {  	v3 =	vor.u32 $0x1, v1;
	_ =	sdelay $0x2  }
0x147: {  	s25 =	simm.s32 $0x0  }
0x148: {  	[tilespmem:s25+$0x19000] =	vst v2  }
0x149: {  	v2 =	vld.idx.msk [tilespmem:v3+s13+$0x0], $0xffff  }
0x14a: {  	v3 =	vor.u32 $0x2, v1;
	_ =	sdelay $0x3  }
0x14b: {  	[tilespmem:s25+$0x19010] =	vst v2  }
0x14c: {  	v2 =	vld.idx.msk [tilespmem:v3+s13+$0x0], $0xffff  }
0x14d: {  	v3 =	vor.u32 $0x3, v1;
	_ =	sdelay $0x3  }
0x14e: {  	[tilespmem:s25+$0x19020] =	vst v2  }
0x14f: {  	v2 =	vld.idx.msk [tilespmem:v3+s13+$0x0], $0xffff  }
0x150: {  	v3 =	vor.u32 $0x4, v1;
	_ =	sdelay $0x3  }
0x151: {  	[tilespmem:s25+$0x19030] =	vst v2  }
0x152: {  	v2 =	vld.idx.msk [tilespmem:v3+s13+$0x0], $0xffff  }
0x153: {  	v3 =	vor.u32 $0x5, v1;
	_ =	sdelay $0x3  }
0x154: {  	[tilespmem:s25+$0x19040] =	vst v2  }
0x155: {  	v2 =	vld.idx.msk [tilespmem:v3+s13+$0x0], $0xffff  }
0x156: {  	v3 =	vor.u32 $0x6, v1;
	_ =	sdelay $0x3  }
0x157: {  	[tilespmem:s25+$0x19050] =	vst v2  }
0x158: {  	v2 =	vld.idx.msk [tilespmem:v3+s13+$0x0], $0xffff  }
0x159: {  	v3 =	vor.u32 $0x7, v1;
	_ =	sdelay $0x3  }
0x15a: {  	[tilespmem:s25+$0x19060] =	vst v2  }
0x15b: {  	v2 =	vld.idx.msk [tilespmem:v3+s13+$0x0], $0xffff  }
0x15c: {  	v3 =	vor.u32 $0x8, v1;
	_ =	sdelay $0x3  }
0x15d: {  	[tilespmem:s25+$0x19070] =	vst v2  }
0x15e: {  	v2 =	vld.idx.msk [tilespmem:v3+s13+$0x0], $0xffff  }
0x15f: {  	v3 =	vor.u32 $0x9, v1;
	_ =	sdelay $0x3  }
0x160: {  	[tilespmem:s25+$0x19080] =	vst v2  }
0x161: {  	v2 =	vld.idx.msk [tilespmem:v3+s13+$0x0], $0xffff  }
0x162: {  	v3 =	vor.u32 $0xA, v1;
	_ =	sdelay $0x3  }
0x163: {  	[tilespmem:s25+$0x19090] =	vst v2  }
0x164: {  	v2 =	vld.idx.msk [tilespmem:v3+s13+$0x0], $0xffff  }
0x165: {  	v3 =	vor.u32 $0xB, v1;
	_ =	sdelay $0x3  }
0x166: {  	[tilespmem:s25+$0x190A0] =	vst v2  }
0x167: {  	v2 =	vld.idx.msk [tilespmem:v3+s13+$0x0], $0xffff  }
0x168: {  	v3 =	vor.u32 $0xC, v1;
	_ =	sdelay $0x3  }
0x169: {  	[tilespmem:s25+$0x190B0] =	vst v2  }
0x16a: {  	v2 =	vld.idx.msk [tilespmem:v3+s13+$0x0], $0xffff  }
0x16b: {  	v3 =	vor.u32 $0xD, v1;
	_ =	sdelay $0x3  }
0x16c: {  	[tilespmem:s25+$0x190C0] =	vst v2  }
0x16d: {  	v2 =	vld.idx.msk [tilespmem:v3+s13+$0x0], $0xffff  }
0x16e: {  	v3 =	vor.u32 $0xE, v1;
	_ =	sdelay $0x3  }
0x16f: {  	[tilespmem:s25+$0x190D0] =	vst v2  }
0x170: {  	v2 =	vld.idx.msk [tilespmem:v3+s13+$0x0], $0xffff  }
0x171: {  	v3 =	vor.u32 $0xF, v1;
	_ =	sdelay $0x3  }
0x172: {  	[tilespmem:s25+$0x190E0] =	vst v2  }
0x173: {  	v2 =	vld.idx.msk [tilespmem:v3+s13+$0x0], $0xffff  }
0x174: {  	v3 =	vor.u32 $0x10, v1;
	_ =	sdelay $0x3  }
0x175: {  	[tilespmem:s25+$0x190F0] =	vst v2  }
0x176: {  	v2 =	vld.idx.msk [tilespmem:v3+s13+$0x0], $0xffff  }
0x177: {  	v3 =	vor.u32 $0x11, v1;
	_ =	sdelay $0x3  }
0x178: {  	[tilespmem:s25+$0x19100] =	vst v2  }
0x179: {  	v2 =	vld.idx.msk [tilespmem:v3+s13+$0x0], $0xffff  }
0x17a: {  	v3 =	vor.u32 $0x12, v1;
	_ =	sdelay $0x3  }
0x17b: {  	[tilespmem:s25+$0x19110] =	vst v2  }
0x17c: {  	v2 =	vld.idx.msk [tilespmem:v3+s13+$0x0], $0xffff  }
0x17d: {  	v3 =	vor.u32 $0x13, v1;
	_ =	sdelay $0x3  }
0x17e: {  	[tilespmem:s25+$0x19120] =	vst v2  }
0x17f: {  	v2 =	vld.idx.msk [tilespmem:v3+s13+$0x0], $0xffff  }
0x180: {  	v3 =	vor.u32 $0x14, v1;
	_ =	sdelay $0x3  }
0x181: {  	[tilespmem:s25+$0x19130] =	vst v2  }
0x182: {  	v2 =	vld.idx.msk [tilespmem:v3+s13+$0x0], $0xffff  }
0x183: {  	v3 =	vor.u32 $0x15, v1;
	_ =	sdelay $0x3  }
0x184: {  	[tilespmem:s25+$0x19140] =	vst v2  }
0x185: {  	v2 =	vld.idx.msk [tilespmem:v3+s13+$0x0], $0xffff  }
0x186: {  	v3 =	vor.u32 $0x16, v1;
	_ =	sdelay $0x3  }
0x187: {  	[tilespmem:s25+$0x19150] =	vst v2  }
0x188: {  	v2 =	vld.idx.msk [tilespmem:v3+s13+$0x0], $0xffff  }
0x189: {  	v3 =	vor.u32 $0x17, v1;
	_ =	sdelay $0x3  }
0x18a: {  	[tilespmem:s25+$0x19160] =	vst v2  }
0x18b: {  	v2 =	vld.idx.msk [tilespmem:v3+s13+$0x0], $0xffff  }
0x18c: {  	v3 =	vor.u32 $0x18, v1;
	_ =	sdelay $0x3  }
0x18d: {  	[tilespmem:s25+$0x19170] =	vst v2  }
0x18e: {  	v2 =	vld.idx.msk [tilespmem:v3+s13+$0x0], $0xffff  }
0x18f: {  	v3 =	vor.u32 $0x19, v1;
	_ =	sdelay $0x3  }
0x190: {  	[tilespmem:s25+$0x19180] =	vst v2  }
0x191: {  	v2 =	vld.idx.msk [tilespmem:v3+s13+$0x0], $0xffff  }
0x192: {  	v3 =	vor.u32 $0x1A, v1;
	_ =	sdelay $0x3  }
0x193: {  	[tilespmem:s25+$0x19190] =	vst v2  }
0x194: {  	v2 =	vld.idx.msk [tilespmem:v3+s13+$0x0], $0xffff  }
0x195: {  	v3 =	vor.u32 $0x1B, v1;
	_ =	sdelay $0x3  }
0x196: {  	[tilespmem:s25+$0x191A0] =	vst v2  }
0x197: {  	v2 =	vld.idx.msk [tilespmem:v3+s13+$0x0], $0xffff  }
0x198: {  	v3 =	vor.u32 $0x1C, v1;
	_ =	sdelay $0x3  }
0x199: {  	[tilespmem:s25+$0x191B0] =	vst v2  }
0x19a: {  	v2 =	vld.idx.msk [tilespmem:v3+s13+$0x0], $0xffff  }
0x19b: {  	v3 =	vor.u32 $0x1D, v1;
	_ =	sdelay $0x3  }
0x19c: {  	[tilespmem:s25+$0x191C0] =	vst v2  }
0x19d: {  	v2 =	vld.idx.msk [tilespmem:v3+s13+$0x0], $0xffff  }
0x19e: {  	v3 =	vor.u32 $0x1E, v1;
	_ =	sdelay $0x3  }
0x19f: {  	[tilespmem:s25+$0x191D0] =	vst v2  }
0x1a0: {  	v2 =	vld.idx.msk [tilespmem:v3+s13+$0x0], $0xffff  }
0x1a1: {  	v3 =	vor.u32 $0x1F, v1;
	_ =	sdelay $0x3  }
0x1a2: {  	s28 =	simm.s32 $0x1;
	[tilespmem:s25+$0x191E0] =	vst v2  }
0x1a3: {  	s26 =	simm.s32 $0x800;
	s29 =	simm.s32 $0x1000;
	v1 =	vmov s28;
	v2 =	vld.idx.msk [tilespmem:v3+s13+$0x0], $0xffff  }
.LBB2_4:
0x1a4: {  	p0 =	sne.s32 s29, $0x18800;
	v1 =	vshll.u32 v1, $0x5  }
0x1a5: {  	v1 =	vadd.s32 v0, v1;
	_ =	sdelay $0x3  }
0x1a6: {  	[tilespmem:s25+$0x191F0] =	vst v2  }
0x1a7: {  	v2 =	vld.idx.msk [tilespmem:v1+s13+$0x0], $0xffff;
	_ =	sdelay $0x1  }
0x1a8: {  	v3 =	vor.u32 $0x1, v1;
	_ =	sdelay $0x2  }
0x1a9: {  	s25 =	sshra.s32 s26, $0x2;
	s26 =	smov.u32 s29  }
0x1aa: {  	[tilespmem:s25+$0x19000] =	vst v2  }
0x1ab: {  	v2 =	vld.idx.msk [tilespmem:v3+s13+$0x0], $0xffff;
	_ =	sdelay $0x1  }
0x1ac: {  	v3 =	vor.u32 $0x2, v1;
	_ =	sdelay $0x3  }
0x1ad: {  	[tilespmem:s25+$0x19010] =	vst v2  }
0x1ae: {  	v2 =	vld.idx.msk [tilespmem:v3+s13+$0x0], $0xffff;
	_ =	sdelay $0x1  }
0x1af: {  	v3 =	vor.u32 $0x3, v1;
	_ =	sdelay $0x3  }
0x1b0: {  	[tilespmem:s25+$0x19020] =	vst v2  }
0x1b1: {  	v2 =	vld.idx.msk [tilespmem:v3+s13+$0x0], $0xffff;
	_ =	sdelay $0x1  }
0x1b2: {  	v3 =	vor.u32 $0x4, v1;
	_ =	sdelay $0x3  }
0x1b3: {  	[tilespmem:s25+$0x19030] =	vst v2  }
0x1b4: {  	v2 =	vld.idx.msk [tilespmem:v3+s13+$0x0], $0xffff;
	_ =	sdelay $0x1  }
0x1b5: {  	v3 =	vor.u32 $0x5, v1;
	_ =	sdelay $0x3  }
0x1b6: {  	[tilespmem:s25+$0x19040] =	vst v2  }
0x1b7: {  	v2 =	vld.idx.msk [tilespmem:v3+s13+$0x0], $0xffff;
	_ =	sdelay $0x1  }
0x1b8: {  	v3 =	vor.u32 $0x6, v1;
	_ =	sdelay $0x3  }
0x1b9: {  	[tilespmem:s25+$0x19050] =	vst v2  }
0x1ba: {  	v2 =	vld.idx.msk [tilespmem:v3+s13+$0x0], $0xffff;
	_ =	sdelay $0x1  }
0x1bb: {  	v3 =	vor.u32 $0x7, v1;
	_ =	sdelay $0x3  }
0x1bc: {  	[tilespmem:s25+$0x19060] =	vst v2  }
0x1bd: {  	v2 =	vld.idx.msk [tilespmem:v3+s13+$0x0], $0xffff;
	_ =	sdelay $0x1  }
0x1be: {  	v3 =	vor.u32 $0x8, v1;
	_ =	sdelay $0x3  }
0x1bf: {  	[tilespmem:s25+$0x19070] =	vst v2  }
0x1c0: {  	v2 =	vld.idx.msk [tilespmem:v3+s13+$0x0], $0xffff;
	_ =	sdelay $0x1  }
0x1c1: {  	v3 =	vor.u32 $0x9, v1;
	_ =	sdelay $0x3  }
0x1c2: {  	[tilespmem:s25+$0x19080] =	vst v2  }
0x1c3: {  	v2 =	vld.idx.msk [tilespmem:v3+s13+$0x0], $0xffff;
	_ =	sdelay $0x1  }
0x1c4: {  	v3 =	vor.u32 $0xA, v1;
	_ =	sdelay $0x3  }
0x1c5: {  	[tilespmem:s25+$0x19090] =	vst v2  }
0x1c6: {  	v2 =	vld.idx.msk [tilespmem:v3+s13+$0x0], $0xffff;
	_ =	sdelay $0x1  }
0x1c7: {  	v3 =	vor.u32 $0xB, v1;
	_ =	sdelay $0x3  }
0x1c8: {  	[tilespmem:s25+$0x190A0] =	vst v2  }
0x1c9: {  	v2 =	vld.idx.msk [tilespmem:v3+s13+$0x0], $0xffff;
	_ =	sdelay $0x1  }
0x1ca: {  	v3 =	vor.u32 $0xC, v1;
	_ =	sdelay $0x3  }
0x1cb: {  	[tilespmem:s25+$0x190B0] =	vst v2  }
0x1cc: {  	v2 =	vld.idx.msk [tilespmem:v3+s13+$0x0], $0xffff;
	_ =	sdelay $0x1  }
0x1cd: {  	v3 =	vor.u32 $0xD, v1;
	_ =	sdelay $0x3  }
0x1ce: {  	[tilespmem:s25+$0x190C0] =	vst v2  }
0x1cf: {  	v2 =	vld.idx.msk [tilespmem:v3+s13+$0x0], $0xffff;
	_ =	sdelay $0x1  }
0x1d0: {  	v3 =	vor.u32 $0xE, v1;
	_ =	sdelay $0x3  }
0x1d1: {  	[tilespmem:s25+$0x190D0] =	vst v2  }
0x1d2: {  	v2 =	vld.idx.msk [tilespmem:v3+s13+$0x0], $0xffff;
	_ =	sdelay $0x1  }
0x1d3: {  	v3 =	vor.u32 $0xF, v1;
	_ =	sdelay $0x3  }
0x1d4: {  	[tilespmem:s25+$0x190E0] =	vst v2  }
0x1d5: {  	v2 =	vld.idx.msk [tilespmem:v3+s13+$0x0], $0xffff;
	_ =	sdelay $0x1  }
0x1d6: {  	v3 =	vor.u32 $0x10, v1;
	_ =	sdelay $0x3  }
0x1d7: {  	[tilespmem:s25+$0x190F0] =	vst v2  }
0x1d8: {  	v2 =	vld.idx.msk [tilespmem:v3+s13+$0x0], $0xffff;
	_ =	sdelay $0x1  }
0x1d9: {  	v3 =	vor.u32 $0x11, v1;
	_ =	sdelay $0x3  }
0x1da: {  	[tilespmem:s25+$0x19100] =	vst v2  }
0x1db: {  	v2 =	vld.idx.msk [tilespmem:v3+s13+$0x0], $0xffff;
	_ =	sdelay $0x1  }
0x1dc: {  	v3 =	vor.u32 $0x12, v1;
	_ =	sdelay $0x3  }
0x1dd: {  	[tilespmem:s25+$0x19110] =	vst v2  }
0x1de: {  	v2 =	vld.idx.msk [tilespmem:v3+s13+$0x0], $0xffff;
	_ =	sdelay $0x1  }
0x1df: {  	v3 =	vor.u32 $0x13, v1;
	_ =	sdelay $0x3  }
0x1e0: {  	[tilespmem:s25+$0x19120] =	vst v2  }
0x1e1: {  	v2 =	vld.idx.msk [tilespmem:v3+s13+$0x0], $0xffff;
	_ =	sdelay $0x1  }
0x1e2: {  	v3 =	vor.u32 $0x14, v1;
	_ =	sdelay $0x3  }
0x1e3: {  	[tilespmem:s25+$0x19130] =	vst v2  }
0x1e4: {  	v2 =	vld.idx.msk [tilespmem:v3+s13+$0x0], $0xffff;
	_ =	sdelay $0x1  }
0x1e5: {  	v3 =	vor.u32 $0x15, v1;
	_ =	sdelay $0x3  }
0x1e6: {  	[tilespmem:s25+$0x19140] =	vst v2  }
0x1e7: {  	v2 =	vld.idx.msk [tilespmem:v3+s13+$0x0], $0xffff;
	_ =	sdelay $0x1  }
0x1e8: {  	v3 =	vor.u32 $0x16, v1;
	_ =	sdelay $0x3  }
0x1e9: {  	[tilespmem:s25+$0x19150] =	vst v2  }
0x1ea: {  	v2 =	vld.idx.msk [tilespmem:v3+s13+$0x0], $0xffff;
	_ =	sdelay $0x1  }
0x1eb: {  	v3 =	vor.u32 $0x17, v1;
	_ =	sdelay $0x3  }
0x1ec: {  	[tilespmem:s25+$0x19160] =	vst v2  }
0x1ed: {  	v2 =	vld.idx.msk [tilespmem:v3+s13+$0x0], $0xffff;
	_ =	sdelay $0x1  }
0x1ee: {  	v3 =	vor.u32 $0x18, v1;
	_ =	sdelay $0x3  }
0x1ef: {  	[tilespmem:s25+$0x19170] =	vst v2  }
0x1f0: {  	v2 =	vld.idx.msk [tilespmem:v3+s13+$0x0], $0xffff;
	_ =	sdelay $0x1  }
0x1f1: {  	v3 =	vor.u32 $0x19, v1;
	_ =	sdelay $0x3  }
0x1f2: {  	[tilespmem:s25+$0x19180] =	vst v2  }
0x1f3: {  	v2 =	vld.idx.msk [tilespmem:v3+s13+$0x0], $0xffff;
	_ =	sdelay $0x1  }
0x1f4: {  	v3 =	vor.u32 $0x1A, v1;
	_ =	sdelay $0x3  }
0x1f5: {  	[tilespmem:s25+$0x19190] =	vst v2  }
0x1f6: {  	v2 =	vld.idx.msk [tilespmem:v3+s13+$0x0], $0xffff;
	_ =	sdelay $0x1  }
0x1f7: {  	v3 =	vor.u32 $0x1B, v1;
	_ =	sdelay $0x3  }
0x1f8: {  	[tilespmem:s25+$0x191A0] =	vst v2  }
0x1f9: {  	v2 =	vld.idx.msk [tilespmem:v3+s13+$0x0], $0xffff;
	_ =	sdelay $0x1  }
0x1fa: {  	v3 =	vor.u32 $0x1C, v1;
	_ =	sdelay $0x3  }
0x1fb: {  	[tilespmem:s25+$0x191B0] =	vst v2  }
0x1fc: {  	v2 =	vld.idx.msk [tilespmem:v3+s13+$0x0], $0xffff;
	_ =	sdelay $0x1  }
0x1fd: {  	v3 =	vor.u32 $0x1D, v1;
	_ =	sdelay $0x3  }
0x1fe: {  	[tilespmem:s25+$0x191C0] =	vst v2  }
0x1ff: {  	v2 =	vld.idx.msk [tilespmem:v3+s13+$0x0], $0xffff;
	_ =	sdelay $0x1  }
0x200: {  	v3 =	vor.u32 $0x1E, v1;
	_ =	sdelay $0x3  }
0x201: {  	[tilespmem:s25+$0x191D0] =	vst v2  }
0x202: {  	v2 =	vld.idx.msk [tilespmem:v3+s13+$0x0], $0xffff;
	_ =	sdelay $0x1  }
0x203: {  	v3 =	vor.u32 $0x1F, v1  }
.Ltmp1:
0x204: {  	(pc) =	sbr.rel @p0 .LBB2_4-.Ltmp1, $3  }
0x205: {  	_ =	sdelay $0x1  }
0x206: {  	s28 =	sadd.s32 $0x1, s28;
	[tilespmem:s25+$0x191E0] =	vst v2  }
0x207: {  	s29 =	sadd.s32 $0x800, s29;
	v1 =	vmov s28;
	v2 =	vld.idx.msk [tilespmem:v3+s13+$0x0], $0xffff  }
0x208: {  	v1 =	vshll.u32 v1, $0x5  }
0x209: {  	v1 =	vadd.s32 v0, v1;
	_ =	sdelay $0x3  }
0x20a: {  	[tilespmem:s25+$0x191F0] =	vst v2  }
0x20b: {  	v2 =	vld.idx.msk [tilespmem:v1+s13+$0x0], $0xffff  }
0x20c: {  	v3 =	vor.u32 $0x1, v1;
	_ =	sdelay $0x2  }
0x20d: {  	s0 =	sshra.s32 s26, $0x2  }
0x20e: {  	[tilespmem:s0+$0x19000] =	vst v2  }
0x20f: {  	v2 =	vld.idx.msk [tilespmem:v3+s13+$0x0], $0xffff  }
0x210: {  	v3 =	vor.u32 $0x2, v1;
	_ =	sdelay $0x3  }
0x211: {  	[tilespmem:s0+$0x19010] =	vst v2  }
0x212: {  	v2 =	vld.idx.msk [tilespmem:v3+s13+$0x0], $0xffff  }
0x213: {  	v3 =	vor.u32 $0x3, v1;
	_ =	sdelay $0x3  }
0x214: {  	[tilespmem:s0+$0x19020] =	vst v2  }
0x215: {  	v2 =	vld.idx.msk [tilespmem:v3+s13+$0x0], $0xffff  }
0x216: {  	v3 =	vor.u32 $0x4, v1;
	_ =	sdelay $0x3  }
0x217: {  	[tilespmem:s0+$0x19030] =	vst v2  }
0x218: {  	v2 =	vld.idx.msk [tilespmem:v3+s13+$0x0], $0xffff  }
0x219: {  	v3 =	vor.u32 $0x5, v1;
	_ =	sdelay $0x3  }
0x21a: {  	[tilespmem:s0+$0x19040] =	vst v2  }
0x21b: {  	v2 =	vld.idx.msk [tilespmem:v3+s13+$0x0], $0xffff  }
0x21c: {  	v3 =	vor.u32 $0x6, v1;
	_ =	sdelay $0x3  }
0x21d: {  	[tilespmem:s0+$0x19050] =	vst v2  }
0x21e: {  	v2 =	vld.idx.msk [tilespmem:v3+s13+$0x0], $0xffff  }
0x21f: {  	v3 =	vor.u32 $0x7, v1;
	_ =	sdelay $0x3  }
0x220: {  	[tilespmem:s0+$0x19060] =	vst v2  }
0x221: {  	v2 =	vld.idx.msk [tilespmem:v3+s13+$0x0], $0xffff  }
0x222: {  	v3 =	vor.u32 $0x8, v1;
	_ =	sdelay $0x3  }
0x223: {  	[tilespmem:s0+$0x19070] =	vst v2  }
0x224: {  	v2 =	vld.idx.msk [tilespmem:v3+s13+$0x0], $0xffff  }
0x225: {  	v3 =	vor.u32 $0x9, v1;
	_ =	sdelay $0x3  }
0x226: {  	[tilespmem:s0+$0x19080] =	vst v2  }
0x227: {  	v2 =	vld.idx.msk [tilespmem:v3+s13+$0x0], $0xffff  }
0x228: {  	v3 =	vor.u32 $0xA, v1;
	_ =	sdelay $0x3  }
0x229: {  	[tilespmem:s0+$0x19090] =	vst v2  }
0x22a: {  	v2 =	vld.idx.msk [tilespmem:v3+s13+$0x0], $0xffff  }
0x22b: {  	v3 =	vor.u32 $0xB, v1;
	_ =	sdelay $0x3  }
0x22c: {  	[tilespmem:s0+$0x190A0] =	vst v2  }
0x22d: {  	v2 =	vld.idx.msk [tilespmem:v3+s13+$0x0], $0xffff  }
0x22e: {  	v3 =	vor.u32 $0xC, v1;
	_ =	sdelay $0x3  }
0x22f: {  	[tilespmem:s0+$0x190B0] =	vst v2  }
0x230: {  	v2 =	vld.idx.msk [tilespmem:v3+s13+$0x0], $0xffff  }
0x231: {  	v3 =	vor.u32 $0xD, v1;
	_ =	sdelay $0x3  }
0x232: {  	[tilespmem:s0+$0x190C0] =	vst v2  }
0x233: {  	v2 =	vld.idx.msk [tilespmem:v3+s13+$0x0], $0xffff  }
0x234: {  	v3 =	vor.u32 $0xE, v1;
	_ =	sdelay $0x3  }
0x235: {  	[tilespmem:s0+$0x190D0] =	vst v2  }
0x236: {  	v2 =	vld.idx.msk [tilespmem:v3+s13+$0x0], $0xffff  }
0x237: {  	v3 =	vor.u32 $0xF, v1;
	_ =	sdelay $0x3  }
0x238: {  	[tilespmem:s0+$0x190E0] =	vst v2  }
0x239: {  	v2 =	vld.idx.msk [tilespmem:v3+s13+$0x0], $0xffff  }
0x23a: {  	v3 =	vor.u32 $0x10, v1;
	_ =	sdelay $0x3  }
0x23b: {  	[tilespmem:s0+$0x190F0] =	vst v2  }
0x23c: {  	v2 =	vld.idx.msk [tilespmem:v3+s13+$0x0], $0xffff  }
0x23d: {  	v3 =	vor.u32 $0x11, v1;
	_ =	sdelay $0x3  }
0x23e: {  	[tilespmem:s0+$0x19100] =	vst v2  }
0x23f: {  	v2 =	vld.idx.msk [tilespmem:v3+s13+$0x0], $0xffff  }
0x240: {  	v3 =	vor.u32 $0x12, v1;
	_ =	sdelay $0x3  }
0x241: {  	[tilespmem:s0+$0x19110] =	vst v2  }
0x242: {  	v2 =	vld.idx.msk [tilespmem:v3+s13+$0x0], $0xffff  }
0x243: {  	v3 =	vor.u32 $0x13, v1;
	_ =	sdelay $0x3  }
0x244: {  	[tilespmem:s0+$0x19120] =	vst v2  }
0x245: {  	v2 =	vld.idx.msk [tilespmem:v3+s13+$0x0], $0xffff  }
0x246: {  	v3 =	vor.u32 $0x14, v1;
	_ =	sdelay $0x3  }
0x247: {  	[tilespmem:s0+$0x19130] =	vst v2  }
0x248: {  	v2 =	vld.idx.msk [tilespmem:v3+s13+$0x0], $0xffff  }
0x249: {  	v3 =	vor.u32 $0x15, v1;
	_ =	sdelay $0x3  }
0x24a: {  	[tilespmem:s0+$0x19140] =	vst v2  }
0x24b: {  	v2 =	vld.idx.msk [tilespmem:v3+s13+$0x0], $0xffff  }
0x24c: {  	v3 =	vor.u32 $0x16, v1;
	_ =	sdelay $0x3  }
0x24d: {  	[tilespmem:s0+$0x19150] =	vst v2  }
0x24e: {  	v2 =	vld.idx.msk [tilespmem:v3+s13+$0x0], $0xffff  }
0x24f: {  	v3 =	vor.u32 $0x17, v1;
	_ =	sdelay $0x3  }
0x250: {  	[tilespmem:s0+$0x19160] =	vst v2  }
0x251: {  	v2 =	vld.idx.msk [tilespmem:v3+s13+$0x0], $0xffff  }
0x252: {  	v3 =	vor.u32 $0x18, v1;
	_ =	sdelay $0x3  }
0x253: {  	[tilespmem:s0+$0x19170] =	vst v2  }
0x254: {  	v2 =	vld.idx.msk [tilespmem:v3+s13+$0x0], $0xffff  }
0x255: {  	v3 =	vor.u32 $0x19, v1;
	_ =	sdelay $0x3  }
0x256: {  	[tilespmem:s0+$0x19180] =	vst v2  }
0x257: {  	v2 =	vld.idx.msk [tilespmem:v3+s13+$0x0], $0xffff  }
0x258: {  	v3 =	vor.u32 $0x1A, v1;
	_ =	sdelay $0x3  }
0x259: {  	[tilespmem:s0+$0x19190] =	vst v2  }
0x25a: {  	v2 =	vld.idx.msk [tilespmem:v3+s13+$0x0], $0xffff  }
0x25b: {  	v3 =	vor.u32 $0x1B, v1;
	_ =	sdelay $0x3  }
0x25c: {  	[tilespmem:s0+$0x191A0] =	vst v2  }
0x25d: {  	v2 =	vld.idx.msk [tilespmem:v3+s13+$0x0], $0xffff  }
0x25e: {  	v3 =	vor.u32 $0x1C, v1;
	_ =	sdelay $0x3  }
0x25f: {  	[tilespmem:s0+$0x191B0] =	vst v2  }
0x260: {  	v2 =	vld.idx.msk [tilespmem:v3+s13+$0x0], $0xffff  }
0x261: {  	v3 =	vor.u32 $0x1D, v1;
	_ =	sdelay $0x3  }
0x262: {  	[tilespmem:s0+$0x191C0] =	vst v2  }
0x263: {  	v2 =	vld.idx.msk [tilespmem:v3+s13+$0x0], $0xffff  }
0x264: {  	v3 =	vor.u32 $0x1E, v1;
	_ =	sdelay $0x3  }
0x265: {  	[tilespmem:s0+$0x191D0] =	vst v2  }
0x266: {  	v2 =	vld.idx.msk [tilespmem:v3+s13+$0x0], $0xffff  }
0x267: {  	v1 =	vor.u32 $0x1F, v1;
	_ =	sdelay $0x3  }
0x268: {  	[tilespmem:s0+$0x191E0] =	vst v2  }
0x269: {  	v1 =	vld.idx.msk [tilespmem:v1+s13+$0x0], $0xffff;
	_ =	sdelay $0x4  }
0x26a: {  	[tilespmem:s0+$0x191F0] =	vst v1  }
0x26b: {  	[hbm4b:s8+s15] =	stream.strided.scatter [tilespmem:s20], [sflag:$0x4], $0x6400, s16, s15, $0x38;
	[tilespmem:$0x1F400] =	vst v63  }
0x26c: {  	s25 =	simm.s32 $0x1  }
0x26d: {  	[tilespmem:s13], [sflag:$0x2] =	stream.indirect.gather [hbm4b:s3+s11], $0x20, s21, s11, $0xb8;
	[tilespmem:$0x1F400] =	vst v63  }
.LBB2_6:
0x26e: {  	s0 =	simm.s32 $0x0  }
0x26f: {  	v1 =	vmov s0  }
0x270: {  	_ =	swait.ge [sflag:s14], $0x6400;
	v1 =	vshll.u32 v1, $0x5  }
0x271: {  	[sflag:s14] =	ssyncset.done $0x0;
	v1 =	vadd.s32 v0, v1  }
0x272: {  	[sflag:s14] =	ssyncadd.s32 $0xFFFF9C00  }
0x273: {  	_ =	swait.ge [sflag:s22], $0x6400  }
0x274: {  	[sflag:s22] =	ssyncset.done $0x0  }
0x275: {  	[sflag:s22] =	ssyncadd.s32 $0xFFFF9C00  }
0x276: {  	v2 =	vld.idx.msk [tilespmem:v1+s12+$0x0], $0xffff  }
0x277: {  	v3 =	vor.u32 $0x1, v1;
	_ =	sdelay $0x2  }
0x278: {  	s26 =	simm.s32 $0x12D00  }
0x279: {  	[tilespmem:s26+$0xFFFFFF00] =	vst v2  }
0x27a: {  	v2 =	vld.idx.msk [tilespmem:v3+s12+$0x0], $0xffff  }
0x27b: {  	v3 =	vor.u32 $0x2, v1;
	_ =	sdelay $0x3  }
0x27c: {  	[tilespmem:s26+$0xFFFFFF10] =	vst v2  }
0x27d: {  	v2 =	vld.idx.msk [tilespmem:v3+s12+$0x0], $0xffff  }
0x27e: {  	v3 =	vor.u32 $0x3, v1;
	_ =	sdelay $0x3  }
0x27f: {  	[tilespmem:s26+$0xFFFFFF20] =	vst v2  }
0x280: {  	v2 =	vld.idx.msk [tilespmem:v3+s12+$0x0], $0xffff  }
0x281: {  	v3 =	vor.u32 $0x4, v1;
	_ =	sdelay $0x3  }
0x282: {  	[tilespmem:s26+$0xFFFFFF30] =	vst v2  }
0x283: {  	v2 =	vld.idx.msk [tilespmem:v3+s12+$0x0], $0xffff  }
0x284: {  	v3 =	vor.u32 $0x5, v1;
	_ =	sdelay $0x3  }
0x285: {  	[tilespmem:s26+$0xFFFFFF40] =	vst v2  }
0x286: {  	v2 =	vld.idx.msk [tilespmem:v3+s12+$0x0], $0xffff  }
0x287: {  	v3 =	vor.u32 $0x6, v1;
	_ =	sdelay $0x3  }
0x288: {  	[tilespmem:s26+$0xFFFFFF50] =	vst v2  }
0x289: {  	v2 =	vld.idx.msk [tilespmem:v3+s12+$0x0], $0xffff  }
0x28a: {  	v3 =	vor.u32 $0x7, v1;
	_ =	sdelay $0x3  }
0x28b: {  	[tilespmem:s26+$0xFFFFFF60] =	vst v2  }
0x28c: {  	v2 =	vld.idx.msk [tilespmem:v3+s12+$0x0], $0xffff  }
0x28d: {  	v3 =	vor.u32 $0x8, v1;
	_ =	sdelay $0x3  }
0x28e: {  	[tilespmem:s26+$0xFFFFFF70] =	vst v2  }
0x28f: {  	v2 =	vld.idx.msk [tilespmem:v3+s12+$0x0], $0xffff  }
0x290: {  	v3 =	vor.u32 $0x9, v1;
	_ =	sdelay $0x3  }
0x291: {  	[tilespmem:s26+$0xFFFFFF80] =	vst v2  }
0x292: {  	v2 =	vld.idx.msk [tilespmem:v3+s12+$0x0], $0xffff  }
0x293: {  	v3 =	vor.u32 $0xA, v1;
	_ =	sdelay $0x3  }
0x294: {  	[tilespmem:s26+$0xFFFFFF90] =	vst v2  }
0x295: {  	v2 =	vld.idx.msk [tilespmem:v3+s12+$0x0], $0xffff  }
0x296: {  	v3 =	vor.u32 $0xB, v1;
	_ =	sdelay $0x3  }
0x297: {  	[tilespmem:s26+$0xFFFFFFA0] =	vst v2  }
0x298: {  	v2 =	vld.idx.msk [tilespmem:v3+s12+$0x0], $0xffff  }
0x299: {  	v3 =	vor.u32 $0xC, v1;
	_ =	sdelay $0x3  }
0x29a: {  	[tilespmem:s26+$0xFFFFFFB0] =	vst v2  }
0x29b: {  	v2 =	vld.idx.msk [tilespmem:v3+s12+$0x0], $0xffff  }
0x29c: {  	v3 =	vor.u32 $0xD, v1;
	_ =	sdelay $0x3  }
0x29d: {  	[tilespmem:s26+$0xFFFFFFC0] =	vst v2  }
0x29e: {  	v2 =	vld.idx.msk [tilespmem:v3+s12+$0x0], $0xffff  }
0x29f: {  	v3 =	vor.u32 $0xE, v1;
	_ =	sdelay $0x3  }
0x2a0: {  	[tilespmem:s26+$0xFFFFFFD0] =	vst v2  }
0x2a1: {  	v2 =	vld.idx.msk [tilespmem:v3+s12+$0x0], $0xffff  }
0x2a2: {  	v3 =	vor.u32 $0xF, v1;
	_ =	sdelay $0x3  }
0x2a3: {  	[tilespmem:s26+$0xFFFFFFE0] =	vst v2  }
0x2a4: {  	v2 =	vld.idx.msk [tilespmem:v3+s12+$0x0], $0xffff  }
0x2a5: {  	v3 =	vor.u32 $0x10, v1;
	_ =	sdelay $0x3  }
0x2a6: {  	[tilespmem:s26+$0xFFFFFFF0] =	vst v2  }
0x2a7: {  	v2 =	vld.idx.msk [tilespmem:v3+s12+$0x0], $0xffff  }
0x2a8: {  	v3 =	vor.u32 $0x11, v1;
	_ =	sdelay $0x3  }
0x2a9: {  	[tilespmem:s26+$0x0] =	vst v2  }
0x2aa: {  	v2 =	vld.idx.msk [tilespmem:v3+s12+$0x0], $0xffff  }
0x2ab: {  	v3 =	vor.u32 $0x12, v1;
	_ =	sdelay $0x3  }
0x2ac: {  	[tilespmem:s26+$0x10] =	vst v2  }
0x2ad: {  	v2 =	vld.idx.msk [tilespmem:v3+s12+$0x0], $0xffff  }
0x2ae: {  	v3 =	vor.u32 $0x13, v1;
	_ =	sdelay $0x3  }
0x2af: {  	[tilespmem:s26+$0x20] =	vst v2  }
0x2b0: {  	v2 =	vld.idx.msk [tilespmem:v3+s12+$0x0], $0xffff  }
0x2b1: {  	v3 =	vor.u32 $0x14, v1;
	_ =	sdelay $0x3  }
0x2b2: {  	[tilespmem:s26+$0x30] =	vst v2  }
0x2b3: {  	v2 =	vld.idx.msk [tilespmem:v3+s12+$0x0], $0xffff  }
0x2b4: {  	v3 =	vor.u32 $0x15, v1;
	_ =	sdelay $0x3  }
0x2b5: {  	[tilespmem:s26+$0x40] =	vst v2  }
0x2b6: {  	v2 =	vld.idx.msk [tilespmem:v3+s12+$0x0], $0xffff  }
0x2b7: {  	v3 =	vor.u32 $0x16, v1;
	_ =	sdelay $0x3  }
0x2b8: {  	[tilespmem:s26+$0x50] =	vst v2  }
0x2b9: {  	v2 =	vld.idx.msk [tilespmem:v3+s12+$0x0], $0xffff  }
0x2ba: {  	v3 =	vor.u32 $0x17, v1;
	_ =	sdelay $0x3  }
0x2bb: {  	[tilespmem:s26+$0x60] =	vst v2  }
0x2bc: {  	v2 =	vld.idx.msk [tilespmem:v3+s12+$0x0], $0xffff  }
0x2bd: {  	v3 =	vor.u32 $0x18, v1;
	_ =	sdelay $0x3  }
0x2be: {  	[tilespmem:s26+$0x70] =	vst v2  }
0x2bf: {  	v2 =	vld.idx.msk [tilespmem:v3+s12+$0x0], $0xffff  }
0x2c0: {  	v3 =	vor.u32 $0x19, v1;
	_ =	sdelay $0x3  }
0x2c1: {  	[tilespmem:s26+$0x80] =	vst v2  }
0x2c2: {  	v2 =	vld.idx.msk [tilespmem:v3+s12+$0x0], $0xffff  }
0x2c3: {  	v3 =	vor.u32 $0x1A, v1;
	_ =	sdelay $0x3  }
0x2c4: {  	[tilespmem:s26+$0x90] =	vst v2  }
0x2c5: {  	v2 =	vld.idx.msk [tilespmem:v3+s12+$0x0], $0xffff  }
0x2c6: {  	v3 =	vor.u32 $0x1B, v1;
	_ =	sdelay $0x3  }
0x2c7: {  	[tilespmem:s26+$0xA0] =	vst v2  }
0x2c8: {  	v2 =	vld.idx.msk [tilespmem:v3+s12+$0x0], $0xffff  }
0x2c9: {  	v3 =	vor.u32 $0x1C, v1;
	_ =	sdelay $0x3  }
0x2ca: {  	[tilespmem:s26+$0xB0] =	vst v2  }
0x2cb: {  	v2 =	vld.idx.msk [tilespmem:v3+s12+$0x0], $0xffff  }
0x2cc: {  	v3 =	vor.u32 $0x1D, v1;
	_ =	sdelay $0x3  }
0x2cd: {  	[tilespmem:s26+$0xC0] =	vst v2  }
0x2ce: {  	v2 =	vld.idx.msk [tilespmem:v3+s12+$0x0], $0xffff  }
0x2cf: {  	v3 =	vor.u32 $0x1E, v1;
	_ =	sdelay $0x3  }
0x2d0: {  	[tilespmem:s26+$0xD0] =	vst v2  }
0x2d1: {  	v2 =	vld.idx.msk [tilespmem:v3+s12+$0x0], $0xffff  }
0x2d2: {  	v3 =	vor.u32 $0x1F, v1;
	_ =	sdelay $0x3  }
0x2d3: {  	s31 =	simm.s32 $0x1;
	[tilespmem:s26+$0xE0] =	vst v2  }
0x2d4: {  	s0 =	simm.s32 $0x2;
	v1 =	vmov s31;
	v2 =	vld.idx.msk [tilespmem:v3+s12+$0x0], $0xffff  }
.LBB2_7:
0x2d5: {  	p0 =	sne.s32 s0, $0x31;
	v1 =	vshll.u32 v1, $0x5  }
0x2d6: {  	v1 =	vadd.s32 v0, v1;
	_ =	sdelay $0x3  }
0x2d7: {  	[tilespmem:s26+$0xF0] =	vst v2  }
0x2d8: {  	v2 =	vld.idx.msk [tilespmem:v1+s12+$0x0], $0xffff;
	_ =	sdelay $0x1  }
0x2d9: {  	v3 =	vor.u32 $0x1, v1;
	_ =	sdelay $0x2  }
0x2da: {  	s26 =	sadd.s32 $0x200, s26  }
0x2db: {  	[tilespmem:s26+$0xFFFFFF00] =	vst v2  }
0x2dc: {  	v2 =	vld.idx.msk [tilespmem:v3+s12+$0x0], $0xffff;
	_ =	sdelay $0x1  }
0x2dd: {  	v3 =	vor.u32 $0x2, v1;
	_ =	sdelay $0x3  }
0x2de: {  	[tilespmem:s26+$0xFFFFFF10] =	vst v2  }
0x2df: {  	v2 =	vld.idx.msk [tilespmem:v3+s12+$0x0], $0xffff;
	_ =	sdelay $0x1  }
0x2e0: {  	v3 =	vor.u32 $0x3, v1;
	_ =	sdelay $0x3  }
0x2e1: {  	[tilespmem:s26+$0xFFFFFF20] =	vst v2  }
0x2e2: {  	v2 =	vld.idx.msk [tilespmem:v3+s12+$0x0], $0xffff;
	_ =	sdelay $0x1  }
0x2e3: {  	v3 =	vor.u32 $0x4, v1;
	_ =	sdelay $0x3  }
0x2e4: {  	[tilespmem:s26+$0xFFFFFF30] =	vst v2  }
0x2e5: {  	v2 =	vld.idx.msk [tilespmem:v3+s12+$0x0], $0xffff;
	_ =	sdelay $0x1  }
0x2e6: {  	v3 =	vor.u32 $0x5, v1;
	_ =	sdelay $0x3  }
0x2e7: {  	[tilespmem:s26+$0xFFFFFF40] =	vst v2  }
0x2e8: {  	v2 =	vld.idx.msk [tilespmem:v3+s12+$0x0], $0xffff;
	_ =	sdelay $0x1  }
0x2e9: {  	v3 =	vor.u32 $0x6, v1;
	_ =	sdelay $0x3  }
0x2ea: {  	[tilespmem:s26+$0xFFFFFF50] =	vst v2  }
0x2eb: {  	v2 =	vld.idx.msk [tilespmem:v3+s12+$0x0], $0xffff;
	_ =	sdelay $0x1  }
0x2ec: {  	v3 =	vor.u32 $0x7, v1;
	_ =	sdelay $0x3  }
0x2ed: {  	[tilespmem:s26+$0xFFFFFF60] =	vst v2  }
0x2ee: {  	v2 =	vld.idx.msk [tilespmem:v3+s12+$0x0], $0xffff;
	_ =	sdelay $0x1  }
0x2ef: {  	v3 =	vor.u32 $0x8, v1;
	_ =	sdelay $0x3  }
0x2f0: {  	[tilespmem:s26+$0xFFFFFF70] =	vst v2  }
0x2f1: {  	v2 =	vld.idx.msk [tilespmem:v3+s12+$0x0], $0xffff;
	_ =	sdelay $0x1  }
0x2f2: {  	v3 =	vor.u32 $0x9, v1;
	_ =	sdelay $0x3  }
0x2f3: {  	[tilespmem:s26+$0xFFFFFF80] =	vst v2  }
0x2f4: {  	v2 =	vld.idx.msk [tilespmem:v3+s12+$0x0], $0xffff;
	_ =	sdelay $0x1  }
0x2f5: {  	v3 =	vor.u32 $0xA, v1;
	_ =	sdelay $0x3  }
0x2f6: {  	[tilespmem:s26+$0xFFFFFF90] =	vst v2  }
0x2f7: {  	v2 =	vld.idx.msk [tilespmem:v3+s12+$0x0], $0xffff;
	_ =	sdelay $0x1  }
0x2f8: {  	v3 =	vor.u32 $0xB, v1;
	_ =	sdelay $0x3  }
0x2f9: {  	[tilespmem:s26+$0xFFFFFFA0] =	vst v2  }
0x2fa: {  	v2 =	vld.idx.msk [tilespmem:v3+s12+$0x0], $0xffff;
	_ =	sdelay $0x1  }
0x2fb: {  	v3 =	vor.u32 $0xC, v1;
	_ =	sdelay $0x3  }
0x2fc: {  	[tilespmem:s26+$0xFFFFFFB0] =	vst v2  }
0x2fd: {  	v2 =	vld.idx.msk [tilespmem:v3+s12+$0x0], $0xffff;
	_ =	sdelay $0x1  }
0x2fe: {  	v3 =	vor.u32 $0xD, v1;
	_ =	sdelay $0x3  }
0x2ff: {  	[tilespmem:s26+$0xFFFFFFC0] =	vst v2  }
0x300: {  	v2 =	vld.idx.msk [tilespmem:v3+s12+$0x0], $0xffff;
	_ =	sdelay $0x1  }
0x301: {  	v3 =	vor.u32 $0xE, v1;
	_ =	sdelay $0x3  }
0x302: {  	[tilespmem:s26+$0xFFFFFFD0] =	vst v2  }
0x303: {  	v2 =	vld.idx.msk [tilespmem:v3+s12+$0x0], $0xffff;
	_ =	sdelay $0x1  }
0x304: {  	v3 =	vor.u32 $0xF, v1;
	_ =	sdelay $0x3  }
0x305: {  	[tilespmem:s26+$0xFFFFFFE0] =	vst v2  }
0x306: {  	v2 =	vld.idx.msk [tilespmem:v3+s12+$0x0], $0xffff;
	_ =	sdelay $0x1  }
0x307: {  	v3 =	vor.u32 $0x10, v1;
	_ =	sdelay $0x3  }
0x308: {  	[tilespmem:s26+$0xFFFFFFF0] =	vst v2  }
0x309: {  	v2 =	vld.idx.msk [tilespmem:v3+s12+$0x0], $0xffff;
	_ =	sdelay $0x1  }
0x30a: {  	v3 =	vor.u32 $0x11, v1;
	_ =	sdelay $0x3  }
0x30b: {  	[tilespmem:s26+$0x0] =	vst v2  }
0x30c: {  	v2 =	vld.idx.msk [tilespmem:v3+s12+$0x0], $0xffff;
	_ =	sdelay $0x1  }
0x30d: {  	v3 =	vor.u32 $0x12, v1;
	_ =	sdelay $0x3  }
0x30e: {  	[tilespmem:s26+$0x10] =	vst v2  }
0x30f: {  	v2 =	vld.idx.msk [tilespmem:v3+s12+$0x0], $0xffff;
	_ =	sdelay $0x1  }
0x310: {  	v3 =	vor.u32 $0x13, v1;
	_ =	sdelay $0x3  }
0x311: {  	[tilespmem:s26+$0x20] =	vst v2  }
0x312: {  	v2 =	vld.idx.msk [tilespmem:v3+s12+$0x0], $0xffff;
	_ =	sdelay $0x1  }
0x313: {  	v3 =	vor.u32 $0x14, v1;
	_ =	sdelay $0x3  }
0x314: {  	[tilespmem:s26+$0x30] =	vst v2  }
0x315: {  	v2 =	vld.idx.msk [tilespmem:v3+s12+$0x0], $0xffff;
	_ =	sdelay $0x1  }
0x316: {  	v3 =	vor.u32 $0x15, v1;
	_ =	sdelay $0x3  }
0x317: {  	[tilespmem:s26+$0x40] =	vst v2  }
0x318: {  	v2 =	vld.idx.msk [tilespmem:v3+s12+$0x0], $0xffff;
	_ =	sdelay $0x1  }
0x319: {  	v3 =	vor.u32 $0x16, v1;
	_ =	sdelay $0x3  }
0x31a: {  	[tilespmem:s26+$0x50] =	vst v2  }
0x31b: {  	v2 =	vld.idx.msk [tilespmem:v3+s12+$0x0], $0xffff;
	_ =	sdelay $0x1  }
0x31c: {  	v3 =	vor.u32 $0x17, v1;
	_ =	sdelay $0x3  }
0x31d: {  	[tilespmem:s26+$0x60] =	vst v2  }
0x31e: {  	v2 =	vld.idx.msk [tilespmem:v3+s12+$0x0], $0xffff;
	_ =	sdelay $0x1  }
0x31f: {  	v3 =	vor.u32 $0x18, v1;
	_ =	sdelay $0x3  }
0x320: {  	[tilespmem:s26+$0x70] =	vst v2  }
0x321: {  	v2 =	vld.idx.msk [tilespmem:v3+s12+$0x0], $0xffff;
	_ =	sdelay $0x1  }
0x322: {  	v3 =	vor.u32 $0x19, v1;
	_ =	sdelay $0x3  }
0x323: {  	[tilespmem:s26+$0x80] =	vst v2  }
0x324: {  	v2 =	vld.idx.msk [tilespmem:v3+s12+$0x0], $0xffff;
	_ =	sdelay $0x1  }
0x325: {  	v3 =	vor.u32 $0x1A, v1;
	_ =	sdelay $0x3  }
0x326: {  	[tilespmem:s26+$0x90] =	vst v2  }
0x327: {  	v2 =	vld.idx.msk [tilespmem:v3+s12+$0x0], $0xffff;
	_ =	sdelay $0x1  }
0x328: {  	v3 =	vor.u32 $0x1B, v1;
	_ =	sdelay $0x3  }
0x329: {  	[tilespmem:s26+$0xA0] =	vst v2  }
0x32a: {  	v2 =	vld.idx.msk [tilespmem:v3+s12+$0x0], $0xffff;
	_ =	sdelay $0x1  }
0x32b: {  	v3 =	vor.u32 $0x1C, v1;
	_ =	sdelay $0x3  }
0x32c: {  	[tilespmem:s26+$0xB0] =	vst v2  }
0x32d: {  	v2 =	vld.idx.msk [tilespmem:v3+s12+$0x0], $0xffff;
	_ =	sdelay $0x1  }
0x32e: {  	v3 =	vor.u32 $0x1D, v1;
	_ =	sdelay $0x3  }
0x32f: {  	[tilespmem:s26+$0xC0] =	vst v2  }
0x330: {  	v2 =	vld.idx.msk [tilespmem:v3+s12+$0x0], $0xffff;
	_ =	sdelay $0x1  }
0x331: {  	v3 =	vor.u32 $0x1E, v1;
	_ =	sdelay $0x3  }
0x332: {  	[tilespmem:s26+$0xD0] =	vst v2  }
0x333: {  	v2 =	vld.idx.msk [tilespmem:v3+s12+$0x0], $0xffff;
	_ =	sdelay $0x1  }
0x334: {  	v3 =	vor.u32 $0x1F, v1  }
.Ltmp2:
0x335: {  	(pc) =	sbr.rel @p0 .LBB2_7-.Ltmp2, $3  }
0x336: {  	_ =	sdelay $0x1  }
0x337: {  	[tilespmem:s26+$0xE0] =	vst v2  }
0x338: {  	v1 =	vmov s0;
	s0 =	sadd.s32 $0x1, s0;
	v2 =	vld.idx.msk [tilespmem:v3+s12+$0x0], $0xffff  }
0x339: {  	v1 =	vshll.u32 v1, $0x5  }
0x33a: {  	v1 =	vadd.s32 v0, v1;
	_ =	sdelay $0x3  }
0x33b: {  	[tilespmem:s26+$0xF0] =	vst v2  }
0x33c: {  	v2 =	vld.idx.msk [tilespmem:v1+s12+$0x0], $0xffff  }
0x33d: {  	v3 =	vor.u32 $0x1, v1;
	_ =	sdelay $0x2  }
0x33e: {  	s0 =	sadd.s32 $0x200, s26  }
0x33f: {  	[tilespmem:s0+$0xFFFFFF00] =	vst v2  }
0x340: {  	v2 =	vld.idx.msk [tilespmem:v3+s12+$0x0], $0xffff  }
0x341: {  	v3 =	vor.u32 $0x2, v1;
	_ =	sdelay $0x3  }
0x342: {  	[tilespmem:s0+$0xFFFFFF10] =	vst v2  }
0x343: {  	v2 =	vld.idx.msk [tilespmem:v3+s12+$0x0], $0xffff  }
0x344: {  	v3 =	vor.u32 $0x3, v1;
	_ =	sdelay $0x3  }
0x345: {  	[tilespmem:s0+$0xFFFFFF20] =	vst v2  }
0x346: {  	v2 =	vld.idx.msk [tilespmem:v3+s12+$0x0], $0xffff  }
0x347: {  	v3 =	vor.u32 $0x4, v1;
	_ =	sdelay $0x3  }
0x348: {  	[tilespmem:s0+$0xFFFFFF30] =	vst v2  }
0x349: {  	v2 =	vld.idx.msk [tilespmem:v3+s12+$0x0], $0xffff  }
0x34a: {  	v3 =	vor.u32 $0x5, v1;
	_ =	sdelay $0x3  }
0x34b: {  	[tilespmem:s0+$0xFFFFFF40] =	vst v2  }
0x34c: {  	v2 =	vld.idx.msk [tilespmem:v3+s12+$0x0], $0xffff  }
0x34d: {  	v3 =	vor.u32 $0x6, v1;
	_ =	sdelay $0x3  }
0x34e: {  	[tilespmem:s0+$0xFFFFFF50] =	vst v2  }
0x34f: {  	v2 =	vld.idx.msk [tilespmem:v3+s12+$0x0], $0xffff  }
0x350: {  	v3 =	vor.u32 $0x7, v1;
	_ =	sdelay $0x3  }
0x351: {  	[tilespmem:s0+$0xFFFFFF60] =	vst v2  }
0x352: {  	v2 =	vld.idx.msk [tilespmem:v3+s12+$0x0], $0xffff  }
0x353: {  	v3 =	vor.u32 $0x8, v1;
	_ =	sdelay $0x3  }
0x354: {  	[tilespmem:s0+$0xFFFFFF70] =	vst v2  }
0x355: {  	v2 =	vld.idx.msk [tilespmem:v3+s12+$0x0], $0xffff  }
0x356: {  	v3 =	vor.u32 $0x9, v1;
	_ =	sdelay $0x3  }
0x357: {  	[tilespmem:s0+$0xFFFFFF80] =	vst v2  }
0x358: {  	v2 =	vld.idx.msk [tilespmem:v3+s12+$0x0], $0xffff  }
0x359: {  	v3 =	vor.u32 $0xA, v1;
	_ =	sdelay $0x3  }
0x35a: {  	[tilespmem:s0+$0xFFFFFF90] =	vst v2  }
0x35b: {  	v2 =	vld.idx.msk [tilespmem:v3+s12+$0x0], $0xffff  }
0x35c: {  	v3 =	vor.u32 $0xB, v1;
	_ =	sdelay $0x3  }
0x35d: {  	[tilespmem:s0+$0xFFFFFFA0] =	vst v2  }
0x35e: {  	v2 =	vld.idx.msk [tilespmem:v3+s12+$0x0], $0xffff  }
0x35f: {  	v3 =	vor.u32 $0xC, v1;
	_ =	sdelay $0x3  }
0x360: {  	[tilespmem:s0+$0xFFFFFFB0] =	vst v2  }
0x361: {  	v2 =	vld.idx.msk [tilespmem:v3+s12+$0x0], $0xffff  }
0x362: {  	v3 =	vor.u32 $0xD, v1;
	_ =	sdelay $0x3  }
0x363: {  	[tilespmem:s0+$0xFFFFFFC0] =	vst v2  }
0x364: {  	v2 =	vld.idx.msk [tilespmem:v3+s12+$0x0], $0xffff  }
0x365: {  	v3 =	vor.u32 $0xE, v1;
	_ =	sdelay $0x3  }
0x366: {  	[tilespmem:s0+$0xFFFFFFD0] =	vst v2  }
0x367: {  	v2 =	vld.idx.msk [tilespmem:v3+s12+$0x0], $0xffff  }
0x368: {  	v3 =	vor.u32 $0xF, v1;
	_ =	sdelay $0x3  }
0x369: {  	[tilespmem:s0+$0xFFFFFFE0] =	vst v2  }
0x36a: {  	v2 =	vld.idx.msk [tilespmem:v3+s12+$0x0], $0xffff  }
0x36b: {  	v3 =	vor.u32 $0x10, v1;
	_ =	sdelay $0x3  }
0x36c: {  	[tilespmem:s0+$0xFFFFFFF0] =	vst v2  }
0x36d: {  	v2 =	vld.idx.msk [tilespmem:v3+s12+$0x0], $0xffff  }
0x36e: {  	v3 =	vor.u32 $0x11, v1;
	_ =	sdelay $0x3  }
0x36f: {  	[tilespmem:s0+$0x0] =	vst v2  }
0x370: {  	v2 =	vld.idx.msk [tilespmem:v3+s12+$0x0], $0xffff  }
0x371: {  	v3 =	vor.u32 $0x12, v1;
	_ =	sdelay $0x3  }
0x372: {  	[tilespmem:s0+$0x10] =	vst v2  }
0x373: {  	v2 =	vld.idx.msk [tilespmem:v3+s12+$0x0], $0xffff  }
0x374: {  	v3 =	vor.u32 $0x13, v1;
	_ =	sdelay $0x3  }
0x375: {  	[tilespmem:s0+$0x20] =	vst v2  }
0x376: {  	v2 =	vld.idx.msk [tilespmem:v3+s12+$0x0], $0xffff  }
0x377: {  	v3 =	vor.u32 $0x14, v1;
	_ =	sdelay $0x3  }
0x378: {  	[tilespmem:s0+$0x30] =	vst v2  }
0x379: {  	v2 =	vld.idx.msk [tilespmem:v3+s12+$0x0], $0xffff  }
0x37a: {  	v3 =	vor.u32 $0x15, v1;
	_ =	sdelay $0x3  }
0x37b: {  	[tilespmem:s0+$0x40] =	vst v2  }
0x37c: {  	v2 =	vld.idx.msk [tilespmem:v3+s12+$0x0], $0xffff  }
0x37d: {  	v3 =	vor.u32 $0x16, v1;
	_ =	sdelay $0x3  }
0x37e: {  	[tilespmem:s0+$0x50] =	vst v2  }
0x37f: {  	v2 =	vld.idx.msk [tilespmem:v3+s12+$0x0], $0xffff  }
0x380: {  	v3 =	vor.u32 $0x17, v1;
	_ =	sdelay $0x3  }
0x381: {  	[tilespmem:s0+$0x60] =	vst v2  }
0x382: {  	v2 =	vld.idx.msk [tilespmem:v3+s12+$0x0], $0xffff  }
0x383: {  	v3 =	vor.u32 $0x18, v1;
	_ =	sdelay $0x3  }
0x384: {  	[tilespmem:s0+$0x70] =	vst v2  }
0x385: {  	v2 =	vld.idx.msk [tilespmem:v3+s12+$0x0], $0xffff  }
0x386: {  	v3 =	vor.u32 $0x19, v1;
	_ =	sdelay $0x3  }
0x387: {  	[tilespmem:s0+$0x80] =	vst v2  }
0x388: {  	v2 =	vld.idx.msk [tilespmem:v3+s12+$0x0], $0xffff  }
0x389: {  	v3 =	vor.u32 $0x1A, v1;
	_ =	sdelay $0x3  }
0x38a: {  	[tilespmem:s0+$0x90] =	vst v2  }
0x38b: {  	v2 =	vld.idx.msk [tilespmem:v3+s12+$0x0], $0xffff  }
0x38c: {  	v3 =	vor.u32 $0x1B, v1;
	_ =	sdelay $0x3  }
0x38d: {  	[tilespmem:s0+$0xA0] =	vst v2  }
0x38e: {  	v2 =	vld.idx.msk [tilespmem:v3+s12+$0x0], $0xffff  }
0x38f: {  	v3 =	vor.u32 $0x1C, v1;
	_ =	sdelay $0x3  }
0x390: {  	[tilespmem:s0+$0xB0] =	vst v2  }
0x391: {  	v2 =	vld.idx.msk [tilespmem:v3+s12+$0x0], $0xffff  }
0x392: {  	v3 =	vor.u32 $0x1D, v1;
	_ =	sdelay $0x3  }
0x393: {  	[tilespmem:s0+$0xC0] =	vst v2  }
0x394: {  	v2 =	vld.idx.msk [tilespmem:v3+s12+$0x0], $0xffff  }
0x395: {  	v3 =	vor.u32 $0x1E, v1;
	_ =	sdelay $0x3  }
0x396: {  	[tilespmem:s0+$0xD0] =	vst v2  }
0x397: {  	v2 =	vld.idx.msk [tilespmem:v3+s12+$0x0], $0xffff  }
0x398: {  	v1 =	vor.u32 $0x1F, v1;
	_ =	sdelay $0x3  }
0x399: {  	[tilespmem:s0+$0xE0] =	vst v2  }
0x39a: {  	v1 =	vld.idx.msk [tilespmem:v1+s12+$0x0], $0xffff;
	_ =	sdelay $0x1  }
0x39b: {  	s28 =	sshll.u32 s25, $0x5;
	s26 =	sshll.u32 s25, $0x1  }
0x39c: {  	s28 =	sor.u32 s7, s28;
	s29 =	sadd.s32 $0x2, s26  }
0x39d: {  	s28 =	sshrl.u32 s28, $0x3;
	s29 =	sand.u32 $0x1E, s29  }
0x39e: {  	s29 =	smul.u32 $0xC80, s29;
	[tilespmem:s0+$0xF0] =	vst v1;
	s0 =	sadd.s32 s4, s28  }
0x39f: {  	[hbm4b:s0+s15] =	stream.strided.scatter [tilespmem:s17], [sflag:$0x3], $0x6400, s16, s15, $0x38;
	[tilespmem:$0x1F400] =	vst v63  }
0x3a0: {  	s0 =	sshrl.u32 s29, $0x2;
	s29 =	simm.s32 $0x0  }
0x3a1: {  	v1 =	vmov s29;
	[tilespmem:s12], [sflag:$0x1] =	stream.indirect.gather [hbm4b:s3+s11], $0x20, s0, s11, $0xb8;
	[tilespmem:$0x1F400] =	vst v63  }
0x3a2: {  	v1 =	vshll.u32 v1, $0x5;
	_ =	swait.ge [sflag:s19], $0x6400  }
0x3a3: {  	v1 =	vadd.s32 v0, v1;
	[sflag:s19] =	ssyncset.done $0x0  }
0x3a4: {  	[sflag:s19] =	ssyncadd.s32 $0xFFFF9C00  }
0x3a5: {  	_ =	swait.ge [sflag:s23], $0x6400  }
0x3a6: {  	[sflag:s23] =	ssyncset.done $0x0  }
0x3a7: {  	[sflag:s23] =	ssyncadd.s32 $0xFFFF9C00  }
0x3a8: {  	v2 =	vld.idx.msk [tilespmem:v1+s13+$0x0], $0xffff  }
0x3a9: {  	v3 =	vor.u32 $0x1, v1;
	_ =	sdelay $0x2  }
0x3aa: {  	s29 =	simm.s32 $0x0  }
0x3ab: {  	[tilespmem:s29+$0x19000] =	vst v2  }
0x3ac: {  	v2 =	vld.idx.msk [tilespmem:v3+s13+$0x0], $0xffff  }
0x3ad: {  	v3 =	vor.u32 $0x2, v1;
	_ =	sdelay $0x3  }
0x3ae: {  	[tilespmem:s29+$0x19010] =	vst v2  }
0x3af: {  	v2 =	vld.idx.msk [tilespmem:v3+s13+$0x0], $0xffff  }
0x3b0: {  	v3 =	vor.u32 $0x3, v1;
	_ =	sdelay $0x3  }
0x3b1: {  	[tilespmem:s29+$0x19020] =	vst v2  }
0x3b2: {  	v2 =	vld.idx.msk [tilespmem:v3+s13+$0x0], $0xffff  }
0x3b3: {  	v3 =	vor.u32 $0x4, v1;
	_ =	sdelay $0x3  }
0x3b4: {  	[tilespmem:s29+$0x19030] =	vst v2  }
0x3b5: {  	v2 =	vld.idx.msk [tilespmem:v3+s13+$0x0], $0xffff  }
0x3b6: {  	v3 =	vor.u32 $0x5, v1;
	_ =	sdelay $0x3  }
0x3b7: {  	[tilespmem:s29+$0x19040] =	vst v2  }
0x3b8: {  	v2 =	vld.idx.msk [tilespmem:v3+s13+$0x0], $0xffff  }
0x3b9: {  	v3 =	vor.u32 $0x6, v1;
	_ =	sdelay $0x3  }
0x3ba: {  	[tilespmem:s29+$0x19050] =	vst v2  }
0x3bb: {  	v2 =	vld.idx.msk [tilespmem:v3+s13+$0x0], $0xffff  }
0x3bc: {  	v3 =	vor.u32 $0x7, v1;
	_ =	sdelay $0x3  }
0x3bd: {  	[tilespmem:s29+$0x19060] =	vst v2  }
0x3be: {  	v2 =	vld.idx.msk [tilespmem:v3+s13+$0x0], $0xffff  }
0x3bf: {  	v3 =	vor.u32 $0x8, v1;
	_ =	sdelay $0x3  }
0x3c0: {  	[tilespmem:s29+$0x19070] =	vst v2  }
0x3c1: {  	v2 =	vld.idx.msk [tilespmem:v3+s13+$0x0], $0xffff  }
0x3c2: {  	v3 =	vor.u32 $0x9, v1;
	_ =	sdelay $0x3  }
0x3c3: {  	[tilespmem:s29+$0x19080] =	vst v2  }
0x3c4: {  	v2 =	vld.idx.msk [tilespmem:v3+s13+$0x0], $0xffff  }
0x3c5: {  	v3 =	vor.u32 $0xA, v1;
	_ =	sdelay $0x3  }
0x3c6: {  	[tilespmem:s29+$0x19090] =	vst v2  }
0x3c7: {  	v2 =	vld.idx.msk [tilespmem:v3+s13+$0x0], $0xffff  }
0x3c8: {  	v3 =	vor.u32 $0xB, v1;
	_ =	sdelay $0x3  }
0x3c9: {  	[tilespmem:s29+$0x190A0] =	vst v2  }
0x3ca: {  	v2 =	vld.idx.msk [tilespmem:v3+s13+$0x0], $0xffff  }
0x3cb: {  	v3 =	vor.u32 $0xC, v1;
	_ =	sdelay $0x3  }
0x3cc: {  	[tilespmem:s29+$0x190B0] =	vst v2  }
0x3cd: {  	v2 =	vld.idx.msk [tilespmem:v3+s13+$0x0], $0xffff  }
0x3ce: {  	v3 =	vor.u32 $0xD, v1;
	_ =	sdelay $0x3  }
0x3cf: {  	[tilespmem:s29+$0x190C0] =	vst v2  }
0x3d0: {  	v2 =	vld.idx.msk [tilespmem:v3+s13+$0x0], $0xffff  }
0x3d1: {  	v3 =	vor.u32 $0xE, v1;
	_ =	sdelay $0x3  }
0x3d2: {  	[tilespmem:s29+$0x190D0] =	vst v2  }
0x3d3: {  	v2 =	vld.idx.msk [tilespmem:v3+s13+$0x0], $0xffff  }
0x3d4: {  	v3 =	vor.u32 $0xF, v1;
	_ =	sdelay $0x3  }
0x3d5: {  	[tilespmem:s29+$0x190E0] =	vst v2  }
0x3d6: {  	v2 =	vld.idx.msk [tilespmem:v3+s13+$0x0], $0xffff  }
0x3d7: {  	v3 =	vor.u32 $0x10, v1;
	_ =	sdelay $0x3  }
0x3d8: {  	[tilespmem:s29+$0x190F0] =	vst v2  }
0x3d9: {  	v2 =	vld.idx.msk [tilespmem:v3+s13+$0x0], $0xffff  }
0x3da: {  	v3 =	vor.u32 $0x11, v1;
	_ =	sdelay $0x3  }
0x3db: {  	[tilespmem:s29+$0x19100] =	vst v2  }
0x3dc: {  	v2 =	vld.idx.msk [tilespmem:v3+s13+$0x0], $0xffff  }
0x3dd: {  	v3 =	vor.u32 $0x12, v1;
	_ =	sdelay $0x3  }
0x3de: {  	[tilespmem:s29+$0x19110] =	vst v2  }
0x3df: {  	v2 =	vld.idx.msk [tilespmem:v3+s13+$0x0], $0xffff  }
0x3e0: {  	v3 =	vor.u32 $0x13, v1;
	_ =	sdelay $0x3  }
0x3e1: {  	[tilespmem:s29+$0x19120] =	vst v2  }
0x3e2: {  	v2 =	vld.idx.msk [tilespmem:v3+s13+$0x0], $0xffff  }
0x3e3: {  	v3 =	vor.u32 $0x14, v1;
	_ =	sdelay $0x3  }
0x3e4: {  	[tilespmem:s29+$0x19130] =	vst v2  }
0x3e5: {  	v2 =	vld.idx.msk [tilespmem:v3+s13+$0x0], $0xffff  }
0x3e6: {  	v3 =	vor.u32 $0x15, v1;
	_ =	sdelay $0x3  }
0x3e7: {  	[tilespmem:s29+$0x19140] =	vst v2  }
0x3e8: {  	v2 =	vld.idx.msk [tilespmem:v3+s13+$0x0], $0xffff  }
0x3e9: {  	v3 =	vor.u32 $0x16, v1;
	_ =	sdelay $0x3  }
0x3ea: {  	[tilespmem:s29+$0x19150] =	vst v2  }
0x3eb: {  	v2 =	vld.idx.msk [tilespmem:v3+s13+$0x0], $0xffff  }
0x3ec: {  	v3 =	vor.u32 $0x17, v1;
	_ =	sdelay $0x3  }
0x3ed: {  	[tilespmem:s29+$0x19160] =	vst v2  }
0x3ee: {  	v2 =	vld.idx.msk [tilespmem:v3+s13+$0x0], $0xffff  }
0x3ef: {  	v3 =	vor.u32 $0x18, v1;
	_ =	sdelay $0x3  }
0x3f0: {  	[tilespmem:s29+$0x19170] =	vst v2  }
0x3f1: {  	v2 =	vld.idx.msk [tilespmem:v3+s13+$0x0], $0xffff  }
0x3f2: {  	v3 =	vor.u32 $0x19, v1;
	_ =	sdelay $0x3  }
0x3f3: {  	[tilespmem:s29+$0x19180] =	vst v2  }
0x3f4: {  	v2 =	vld.idx.msk [tilespmem:v3+s13+$0x0], $0xffff  }
0x3f5: {  	v3 =	vor.u32 $0x1A, v1;
	_ =	sdelay $0x3  }
0x3f6: {  	[tilespmem:s29+$0x19190] =	vst v2  }
0x3f7: {  	v2 =	vld.idx.msk [tilespmem:v3+s13+$0x0], $0xffff  }
0x3f8: {  	v3 =	vor.u32 $0x1B, v1;
	_ =	sdelay $0x3  }
0x3f9: {  	[tilespmem:s29+$0x191A0] =	vst v2  }
0x3fa: {  	v2 =	vld.idx.msk [tilespmem:v3+s13+$0x0], $0xffff  }
0x3fb: {  	v3 =	vor.u32 $0x1C, v1;
	_ =	sdelay $0x3  }
0x3fc: {  	[tilespmem:s29+$0x191B0] =	vst v2  }
0x3fd: {  	v2 =	vld.idx.msk [tilespmem:v3+s13+$0x0], $0xffff  }
0x3fe: {  	v3 =	vor.u32 $0x1D, v1;
	_ =	sdelay $0x3  }
0x3ff: {  	[tilespmem:s29+$0x191C0] =	vst v2  }
0x400: {  	v2 =	vld.idx.msk [tilespmem:v3+s13+$0x0], $0xffff  }
0x401: {  	v3 =	vor.u32 $0x1E, v1;
	_ =	sdelay $0x3  }
0x402: {  	[tilespmem:s29+$0x191D0] =	vst v2  }
0x403: {  	v2 =	vld.idx.msk [tilespmem:v3+s13+$0x0], $0xffff  }
0x404: {  	v3 =	vor.u32 $0x1F, v1;
	_ =	sdelay $0x3  }
0x405: {  	s31 =	simm.s32 $0x1;
	[tilespmem:s29+$0x191E0] =	vst v2  }
0x406: {  	s30 =	simm.s32 $0x800;
	s0 =	simm.s32 $0x1000;
	v1 =	vmov s31;
	v2 =	vld.idx.msk [tilespmem:v3+s13+$0x0], $0xffff  }
.LBB2_9:
0x407: {  	p0 =	sne.s32 s0, $0x18800;
	v1 =	vshll.u32 v1, $0x5  }
0x408: {  	v1 =	vadd.s32 v0, v1;
	_ =	sdelay $0x3  }
0x409: {  	[tilespmem:s29+$0x191F0] =	vst v2  }
0x40a: {  	v2 =	vld.idx.msk [tilespmem:v1+s13+$0x0], $0xffff;
	_ =	sdelay $0x1  }
0x40b: {  	v3 =	vor.u32 $0x1, v1;
	_ =	sdelay $0x2  }
0x40c: {  	s29 =	sshra.s32 s30, $0x2;
	s30 =	smov.u32 s0  }
0x40d: {  	[tilespmem:s29+$0x19000] =	vst v2  }
0x40e: {  	v2 =	vld.idx.msk [tilespmem:v3+s13+$0x0], $0xffff;
	_ =	sdelay $0x1  }
0x40f: {  	v3 =	vor.u32 $0x2, v1;
	_ =	sdelay $0x3  }
0x410: {  	[tilespmem:s29+$0x19010] =	vst v2  }
0x411: {  	v2 =	vld.idx.msk [tilespmem:v3+s13+$0x0], $0xffff;
	_ =	sdelay $0x1  }
0x412: {  	v3 =	vor.u32 $0x3, v1;
	_ =	sdelay $0x3  }
0x413: {  	[tilespmem:s29+$0x19020] =	vst v2  }
0x414: {  	v2 =	vld.idx.msk [tilespmem:v3+s13+$0x0], $0xffff;
	_ =	sdelay $0x1  }
0x415: {  	v3 =	vor.u32 $0x4, v1;
	_ =	sdelay $0x3  }
0x416: {  	[tilespmem:s29+$0x19030] =	vst v2  }
0x417: {  	v2 =	vld.idx.msk [tilespmem:v3+s13+$0x0], $0xffff;
	_ =	sdelay $0x1  }
0x418: {  	v3 =	vor.u32 $0x5, v1;
	_ =	sdelay $0x3  }
0x419: {  	[tilespmem:s29+$0x19040] =	vst v2  }
0x41a: {  	v2 =	vld.idx.msk [tilespmem:v3+s13+$0x0], $0xffff;
	_ =	sdelay $0x1  }
0x41b: {  	v3 =	vor.u32 $0x6, v1;
	_ =	sdelay $0x3  }
0x41c: {  	[tilespmem:s29+$0x19050] =	vst v2  }
0x41d: {  	v2 =	vld.idx.msk [tilespmem:v3+s13+$0x0], $0xffff;
	_ =	sdelay $0x1  }
0x41e: {  	v3 =	vor.u32 $0x7, v1;
	_ =	sdelay $0x3  }
0x41f: {  	[tilespmem:s29+$0x19060] =	vst v2  }
0x420: {  	v2 =	vld.idx.msk [tilespmem:v3+s13+$0x0], $0xffff;
	_ =	sdelay $0x1  }
0x421: {  	v3 =	vor.u32 $0x8, v1;
	_ =	sdelay $0x3  }
0x422: {  	[tilespmem:s29+$0x19070] =	vst v2  }
0x423: {  	v2 =	vld.idx.msk [tilespmem:v3+s13+$0x0], $0xffff;
	_ =	sdelay $0x1  }
0x424: {  	v3 =	vor.u32 $0x9, v1;
	_ =	sdelay $0x3  }
0x425: {  	[tilespmem:s29+$0x19080] =	vst v2  }
0x426: {  	v2 =	vld.idx.msk [tilespmem:v3+s13+$0x0], $0xffff;
	_ =	sdelay $0x1  }
0x427: {  	v3 =	vor.u32 $0xA, v1;
	_ =	sdelay $0x3  }
0x428: {  	[tilespmem:s29+$0x19090] =	vst v2  }
0x429: {  	v2 =	vld.idx.msk [tilespmem:v3+s13+$0x0], $0xffff;
	_ =	sdelay $0x1  }
0x42a: {  	v3 =	vor.u32 $0xB, v1;
	_ =	sdelay $0x3  }
0x42b: {  	[tilespmem:s29+$0x190A0] =	vst v2  }
0x42c: {  	v2 =	vld.idx.msk [tilespmem:v3+s13+$0x0], $0xffff;
	_ =	sdelay $0x1  }
0x42d: {  	v3 =	vor.u32 $0xC, v1;
	_ =	sdelay $0x3  }
0x42e: {  	[tilespmem:s29+$0x190B0] =	vst v2  }
0x42f: {  	v2 =	vld.idx.msk [tilespmem:v3+s13+$0x0], $0xffff;
	_ =	sdelay $0x1  }
0x430: {  	v3 =	vor.u32 $0xD, v1;
	_ =	sdelay $0x3  }
0x431: {  	[tilespmem:s29+$0x190C0] =	vst v2  }
0x432: {  	v2 =	vld.idx.msk [tilespmem:v3+s13+$0x0], $0xffff;
	_ =	sdelay $0x1  }
0x433: {  	v3 =	vor.u32 $0xE, v1;
	_ =	sdelay $0x3  }
0x434: {  	[tilespmem:s29+$0x190D0] =	vst v2  }
0x435: {  	v2 =	vld.idx.msk [tilespmem:v3+s13+$0x0], $0xffff;
	_ =	sdelay $0x1  }
0x436: {  	v3 =	vor.u32 $0xF, v1;
	_ =	sdelay $0x3  }
0x437: {  	[tilespmem:s29+$0x190E0] =	vst v2  }
0x438: {  	v2 =	vld.idx.msk [tilespmem:v3+s13+$0x0], $0xffff;
	_ =	sdelay $0x1  }
0x439: {  	v3 =	vor.u32 $0x10, v1;
	_ =	sdelay $0x3  }
0x43a: {  	[tilespmem:s29+$0x190F0] =	vst v2  }
0x43b: {  	v2 =	vld.idx.msk [tilespmem:v3+s13+$0x0], $0xffff;
	_ =	sdelay $0x1  }
0x43c: {  	v3 =	vor.u32 $0x11, v1;
	_ =	sdelay $0x3  }
0x43d: {  	[tilespmem:s29+$0x19100] =	vst v2  }
0x43e: {  	v2 =	vld.idx.msk [tilespmem:v3+s13+$0x0], $0xffff;
	_ =	sdelay $0x1  }
0x43f: {  	v3 =	vor.u32 $0x12, v1;
	_ =	sdelay $0x3  }
0x440: {  	[tilespmem:s29+$0x19110] =	vst v2  }
0x441: {  	v2 =	vld.idx.msk [tilespmem:v3+s13+$0x0], $0xffff;
	_ =	sdelay $0x1  }
0x442: {  	v3 =	vor.u32 $0x13, v1;
	_ =	sdelay $0x3  }
0x443: {  	[tilespmem:s29+$0x19120] =	vst v2  }
0x444: {  	v2 =	vld.idx.msk [tilespmem:v3+s13+$0x0], $0xffff;
	_ =	sdelay $0x1  }
0x445: {  	v3 =	vor.u32 $0x14, v1;
	_ =	sdelay $0x3  }
0x446: {  	[tilespmem:s29+$0x19130] =	vst v2  }
0x447: {  	v2 =	vld.idx.msk [tilespmem:v3+s13+$0x0], $0xffff;
	_ =	sdelay $0x1  }
0x448: {  	v3 =	vor.u32 $0x15, v1;
	_ =	sdelay $0x3  }
0x449: {  	[tilespmem:s29+$0x19140] =	vst v2  }
0x44a: {  	v2 =	vld.idx.msk [tilespmem:v3+s13+$0x0], $0xffff;
	_ =	sdelay $0x1  }
0x44b: {  	v3 =	vor.u32 $0x16, v1;
	_ =	sdelay $0x3  }
0x44c: {  	[tilespmem:s29+$0x19150] =	vst v2  }
0x44d: {  	v2 =	vld.idx.msk [tilespmem:v3+s13+$0x0], $0xffff;
	_ =	sdelay $0x1  }
0x44e: {  	v3 =	vor.u32 $0x17, v1;
	_ =	sdelay $0x3  }
0x44f: {  	[tilespmem:s29+$0x19160] =	vst v2  }
0x450: {  	v2 =	vld.idx.msk [tilespmem:v3+s13+$0x0], $0xffff;
	_ =	sdelay $0x1  }
0x451: {  	v3 =	vor.u32 $0x18, v1;
	_ =	sdelay $0x3  }
0x452: {  	[tilespmem:s29+$0x19170] =	vst v2  }
0x453: {  	v2 =	vld.idx.msk [tilespmem:v3+s13+$0x0], $0xffff;
	_ =	sdelay $0x1  }
0x454: {  	v3 =	vor.u32 $0x19, v1;
	_ =	sdelay $0x3  }
0x455: {  	[tilespmem:s29+$0x19180] =	vst v2  }
0x456: {  	v2 =	vld.idx.msk [tilespmem:v3+s13+$0x0], $0xffff;
	_ =	sdelay $0x1  }
0x457: {  	v3 =	vor.u32 $0x1A, v1;
	_ =	sdelay $0x3  }
0x458: {  	[tilespmem:s29+$0x19190] =	vst v2  }
0x459: {  	v2 =	vld.idx.msk [tilespmem:v3+s13+$0x0], $0xffff;
	_ =	sdelay $0x1  }
0x45a: {  	v3 =	vor.u32 $0x1B, v1;
	_ =	sdelay $0x3  }
0x45b: {  	[tilespmem:s29+$0x191A0] =	vst v2  }
0x45c: {  	v2 =	vld.idx.msk [tilespmem:v3+s13+$0x0], $0xffff;
	_ =	sdelay $0x1  }
0x45d: {  	v3 =	vor.u32 $0x1C, v1;
	_ =	sdelay $0x3  }
0x45e: {  	[tilespmem:s29+$0x191B0] =	vst v2  }
0x45f: {  	v2 =	vld.idx.msk [tilespmem:v3+s13+$0x0], $0xffff;
	_ =	sdelay $0x1  }
0x460: {  	v3 =	vor.u32 $0x1D, v1;
	_ =	sdelay $0x3  }
0x461: {  	[tilespmem:s29+$0x191C0] =	vst v2  }
0x462: {  	v2 =	vld.idx.msk [tilespmem:v3+s13+$0x0], $0xffff;
	_ =	sdelay $0x1  }
0x463: {  	v3 =	vor.u32 $0x1E, v1;
	_ =	sdelay $0x3  }
0x464: {  	[tilespmem:s29+$0x191D0] =	vst v2  }
0x465: {  	v2 =	vld.idx.msk [tilespmem:v3+s13+$0x0], $0xffff;
	_ =	sdelay $0x1  }
0x466: {  	v3 =	vor.u32 $0x1F, v1  }
.Ltmp3:
0x467: {  	(pc) =	sbr.rel @p0 .LBB2_9-.Ltmp3, $3  }
0x468: {  	_ =	sdelay $0x1  }
0x469: {  	s31 =	sadd.s32 $0x1, s31;
	[tilespmem:s29+$0x191E0] =	vst v2  }
0x46a: {  	s0 =	sadd.s32 $0x800, s0;
	v1 =	vmov s31;
	v2 =	vld.idx.msk [tilespmem:v3+s13+$0x0], $0xffff  }
0x46b: {  	v1 =	vshll.u32 v1, $0x5  }
0x46c: {  	v1 =	vadd.s32 v0, v1;
	_ =	sdelay $0x3  }
0x46d: {  	[tilespmem:s29+$0x191F0] =	vst v2  }
0x46e: {  	v2 =	vld.idx.msk [tilespmem:v1+s13+$0x0], $0xffff  }
0x46f: {  	v3 =	vor.u32 $0x1, v1;
	_ =	sdelay $0x2  }
0x470: {  	s0 =	sshra.s32 s30, $0x2  }
0x471: {  	[tilespmem:s0+$0x19000] =	vst v2  }
0x472: {  	v2 =	vld.idx.msk [tilespmem:v3+s13+$0x0], $0xffff  }
0x473: {  	v3 =	vor.u32 $0x2, v1;
	_ =	sdelay $0x3  }
0x474: {  	[tilespmem:s0+$0x19010] =	vst v2  }
0x475: {  	v2 =	vld.idx.msk [tilespmem:v3+s13+$0x0], $0xffff  }
0x476: {  	v3 =	vor.u32 $0x3, v1;
	_ =	sdelay $0x3  }
0x477: {  	[tilespmem:s0+$0x19020] =	vst v2  }
0x478: {  	v2 =	vld.idx.msk [tilespmem:v3+s13+$0x0], $0xffff  }
0x479: {  	v3 =	vor.u32 $0x4, v1;
	_ =	sdelay $0x3  }
0x47a: {  	[tilespmem:s0+$0x19030] =	vst v2  }
0x47b: {  	v2 =	vld.idx.msk [tilespmem:v3+s13+$0x0], $0xffff  }
0x47c: {  	v3 =	vor.u32 $0x5, v1;
	_ =	sdelay $0x3  }
0x47d: {  	[tilespmem:s0+$0x19040] =	vst v2  }
0x47e: {  	v2 =	vld.idx.msk [tilespmem:v3+s13+$0x0], $0xffff  }
0x47f: {  	v3 =	vor.u32 $0x6, v1;
	_ =	sdelay $0x3  }
0x480: {  	[tilespmem:s0+$0x19050] =	vst v2  }
0x481: {  	v2 =	vld.idx.msk [tilespmem:v3+s13+$0x0], $0xffff  }
0x482: {  	v3 =	vor.u32 $0x7, v1;
	_ =	sdelay $0x3  }
0x483: {  	[tilespmem:s0+$0x19060] =	vst v2  }
0x484: {  	v2 =	vld.idx.msk [tilespmem:v3+s13+$0x0], $0xffff  }
0x485: {  	v3 =	vor.u32 $0x8, v1;
	_ =	sdelay $0x3  }
0x486: {  	[tilespmem:s0+$0x19070] =	vst v2  }
0x487: {  	v2 =	vld.idx.msk [tilespmem:v3+s13+$0x0], $0xffff  }
0x488: {  	v3 =	vor.u32 $0x9, v1;
	_ =	sdelay $0x3  }
0x489: {  	[tilespmem:s0+$0x19080] =	vst v2  }
0x48a: {  	v2 =	vld.idx.msk [tilespmem:v3+s13+$0x0], $0xffff  }
0x48b: {  	v3 =	vor.u32 $0xA, v1;
	_ =	sdelay $0x3  }
0x48c: {  	[tilespmem:s0+$0x19090] =	vst v2  }
0x48d: {  	v2 =	vld.idx.msk [tilespmem:v3+s13+$0x0], $0xffff  }
0x48e: {  	v3 =	vor.u32 $0xB, v1;
	_ =	sdelay $0x3  }
0x48f: {  	[tilespmem:s0+$0x190A0] =	vst v2  }
0x490: {  	v2 =	vld.idx.msk [tilespmem:v3+s13+$0x0], $0xffff  }
0x491: {  	v3 =	vor.u32 $0xC, v1;
	_ =	sdelay $0x3  }
0x492: {  	[tilespmem:s0+$0x190B0] =	vst v2  }
0x493: {  	v2 =	vld.idx.msk [tilespmem:v3+s13+$0x0], $0xffff  }
0x494: {  	v3 =	vor.u32 $0xD, v1;
	_ =	sdelay $0x3  }
0x495: {  	[tilespmem:s0+$0x190C0] =	vst v2  }
0x496: {  	v2 =	vld.idx.msk [tilespmem:v3+s13+$0x0], $0xffff  }
0x497: {  	v3 =	vor.u32 $0xE, v1;
	_ =	sdelay $0x3  }
0x498: {  	[tilespmem:s0+$0x190D0] =	vst v2  }
0x499: {  	v2 =	vld.idx.msk [tilespmem:v3+s13+$0x0], $0xffff  }
0x49a: {  	v3 =	vor.u32 $0xF, v1;
	_ =	sdelay $0x3  }
0x49b: {  	[tilespmem:s0+$0x190E0] =	vst v2  }
0x49c: {  	v2 =	vld.idx.msk [tilespmem:v3+s13+$0x0], $0xffff  }
0x49d: {  	v3 =	vor.u32 $0x10, v1;
	_ =	sdelay $0x3  }
0x49e: {  	[tilespmem:s0+$0x190F0] =	vst v2  }
0x49f: {  	v2 =	vld.idx.msk [tilespmem:v3+s13+$0x0], $0xffff  }
0x4a0: {  	v3 =	vor.u32 $0x11, v1;
	_ =	sdelay $0x3  }
0x4a1: {  	[tilespmem:s0+$0x19100] =	vst v2  }
0x4a2: {  	v2 =	vld.idx.msk [tilespmem:v3+s13+$0x0], $0xffff  }
0x4a3: {  	v3 =	vor.u32 $0x12, v1;
	_ =	sdelay $0x3  }
0x4a4: {  	[tilespmem:s0+$0x19110] =	vst v2  }
0x4a5: {  	v2 =	vld.idx.msk [tilespmem:v3+s13+$0x0], $0xffff  }
0x4a6: {  	v3 =	vor.u32 $0x13, v1;
	_ =	sdelay $0x3  }
0x4a7: {  	[tilespmem:s0+$0x19120] =	vst v2  }
0x4a8: {  	v2 =	vld.idx.msk [tilespmem:v3+s13+$0x0], $0xffff  }
0x4a9: {  	v3 =	vor.u32 $0x14, v1;
	_ =	sdelay $0x3  }
0x4aa: {  	[tilespmem:s0+$0x19130] =	vst v2  }
0x4ab: {  	v2 =	vld.idx.msk [tilespmem:v3+s13+$0x0], $0xffff  }
0x4ac: {  	v3 =	vor.u32 $0x15, v1;
	_ =	sdelay $0x3  }
0x4ad: {  	[tilespmem:s0+$0x19140] =	vst v2  }
0x4ae: {  	v2 =	vld.idx.msk [tilespmem:v3+s13+$0x0], $0xffff  }
0x4af: {  	v3 =	vor.u32 $0x16, v1;
	_ =	sdelay $0x3  }
0x4b0: {  	[tilespmem:s0+$0x19150] =	vst v2  }
0x4b1: {  	v2 =	vld.idx.msk [tilespmem:v3+s13+$0x0], $0xffff  }
0x4b2: {  	v3 =	vor.u32 $0x17, v1;
	_ =	sdelay $0x3  }
0x4b3: {  	[tilespmem:s0+$0x19160] =	vst v2  }
0x4b4: {  	v2 =	vld.idx.msk [tilespmem:v3+s13+$0x0], $0xffff  }
0x4b5: {  	v3 =	vor.u32 $0x18, v1;
	_ =	sdelay $0x3  }
0x4b6: {  	[tilespmem:s0+$0x19170] =	vst v2  }
0x4b7: {  	v2 =	vld.idx.msk [tilespmem:v3+s13+$0x0], $0xffff  }
0x4b8: {  	v3 =	vor.u32 $0x19, v1;
	_ =	sdelay $0x3  }
0x4b9: {  	[tilespmem:s0+$0x19180] =	vst v2  }
0x4ba: {  	v2 =	vld.idx.msk [tilespmem:v3+s13+$0x0], $0xffff  }
0x4bb: {  	v3 =	vor.u32 $0x1A, v1;
	_ =	sdelay $0x3  }
0x4bc: {  	[tilespmem:s0+$0x19190] =	vst v2  }
0x4bd: {  	v2 =	vld.idx.msk [tilespmem:v3+s13+$0x0], $0xffff  }
0x4be: {  	v3 =	vor.u32 $0x1B, v1;
	_ =	sdelay $0x3  }
0x4bf: {  	[tilespmem:s0+$0x191A0] =	vst v2  }
0x4c0: {  	v2 =	vld.idx.msk [tilespmem:v3+s13+$0x0], $0xffff  }
0x4c1: {  	v3 =	vor.u32 $0x1C, v1;
	_ =	sdelay $0x3  }
0x4c2: {  	[tilespmem:s0+$0x191B0] =	vst v2  }
0x4c3: {  	v2 =	vld.idx.msk [tilespmem:v3+s13+$0x0], $0xffff  }
0x4c4: {  	v3 =	vor.u32 $0x1D, v1;
	_ =	sdelay $0x3  }
0x4c5: {  	[tilespmem:s0+$0x191C0] =	vst v2  }
0x4c6: {  	v2 =	vld.idx.msk [tilespmem:v3+s13+$0x0], $0xffff  }
0x4c7: {  	v3 =	vor.u32 $0x1E, v1;
	_ =	sdelay $0x3  }
0x4c8: {  	[tilespmem:s0+$0x191D0] =	vst v2  }
0x4c9: {  	v2 =	vld.idx.msk [tilespmem:v3+s13+$0x0], $0xffff  }
0x4ca: {  	v1 =	vor.u32 $0x1F, v1;
	_ =	sdelay $0x3  }
0x4cb: {  	[tilespmem:s0+$0x191E0] =	vst v2  }
0x4cc: {  	v1 =	vld.idx.msk [tilespmem:v1+s13+$0x0], $0xffff;
	_ =	sdelay $0x1  }
0x4cd: {  	s25 =	sadd.s32 $0x1, s25  }
0x4ce: {  	s26 =	sadd.s32 $0x3, s26;
	p0 =	sne.s32 s25, $0x10  }
.Ltmp4:
0x4cf: {  	s28 =	sadd.s32 s28, s4;
	s26 =	sand.u32 $0x1F, s26;
	(pc) =	sbr.rel @p0 .LBB2_6-.Ltmp4, $4  }
0x4d0: {  	s30 =	sadd.s32 $0x2, s28;
	s26 =	smul.u32 $0xC80, s26;
	[tilespmem:s0+$0x191F0] =	vst v1  }
0x4d1: {  	[hbm4b:s30+s15] =	stream.strided.scatter [tilespmem:s20], [sflag:$0x4], $0x6400, s16, s15, $0x38;
	[tilespmem:$0x1F400] =	vst v63  }
0x4d2: {  	s31 =	sshrl.u32 s26, $0x2  }
0x4d3: {  	[tilespmem:s13], [sflag:$0x2] =	stream.indirect.gather [hbm4b:s3+s11], $0x20, s31, s11, $0xb8;
	[tilespmem:$0x1F400] =	vst v63  }
0x4d4: {  	_ =	swait.ge [sflag:s14], $0x6400  }
0x4d5: {  	[sflag:s14] =	ssyncset.done $0x0  }
0x4d6: {  	[sflag:s14] =	ssyncadd.s32 $0xFFFF9C00  }
0x4d7: {  	_ =	swait.ge [sflag:s22], $0x6400  }
0x4d8: {  	[sflag:s22] =	ssyncset.done $0x0  }
0x4d9: {  	s24 =	sadd.s32 $0x1, s24;
	[sflag:s22] =	ssyncadd.s32 $0xFFFF9C00  }
0x4da: {  	p0 =	sne.s32 s24, s9;
	_ =	swait.ge [sflag:s19], $0x6400  }
.Ltmp5:
0x4db: {  	[sflag:s19] =	ssyncset.done $0x0;
	(pc) =	sbr.rel @p0 .LBB2_1-.Ltmp5, $4  }
0x4dc: {  	[sflag:s19] =	ssyncadd.s32 $0xFFFF9C00  }
0x4dd: {  	_ =	swait.ge [sflag:s23], $0x6400  }
0x4de: {  	[sflag:s23] =	ssyncset.done $0x0  }
0x4df: {  	[sflag:s23] =	ssyncadd.s32 $0xFFFF9C00  }
0x4e0: {  	_ =	sfence.sel $0x180000  }
0x4e1: {  	[bflag:$0x0] =	sbarrier.arrive $0xFFFF  }
0x4e2: {  	_ =	strace $0x90000047  }
0x4e3: {  	[bflag:$0x2] =	sbarrier.arrive $0xFFFF  }
0x4e4: {  	p0 =	sne.s32 s1, $0x0;
	s0 =	rddreg [dreg:$0x2]  }
0x4e5: {  	s0 =	sadd.s32 @!p0 $0x100000, s0  }
0x4e6: {  	[sflag:s0] =	ssyncadd.tile.s32 @!p0 $0x1;
	_ =	shalt  }
.Lfunc_end2:
_tile_overlayer_lowered:
.L_overlay_start_2:
0x4e7: {  	(tag) =	ssettag $0x2  }
0x4e8: {  	s0 =	rddreg [dreg:$0x0];
	s2 =	stileid.u32  }
0x4e9: {  	s1 =	rddreg [dreg:$0x1];
	p0 =	sne.s32 s2, $0x0  }
0x4ea: {  	s3 =	rddreg [dreg:$0x2];
	[bflag:$0x3] =	sbarrier.arrive $0xFFFF;
	s2 =	simm.s32 @!p0 $0x1C05  }
0x4eb: {  	[timem:s3], [sflag:s2] =	dma.local @!p0 [hbm:s0], s1  }
0x4ec: {  	s0 =	simm.s32 @!p0 $0x5  }
0x4ed: {  	_ =	swait.ge @!p0 [sflag:s0], s1  }
0x4ee: {  	s1 =	ssub.s32 @!p0 $0x0, s1;
	[sflag:s0] =	ssyncset.done @!p0 $0x0  }
0x4ef: {  	[sflag:s0] =	ssyncadd.s32 @!p0 s1  }
0x4f0: {  	[bflag:$0x3] =	sbarrier.arrive $0xFFFF  }
0x4f1: {  	_ =	shalt  }

</sc_bundles>
